<compile_context>
chip_gen: v7x
topology: tpu7x:2x2x1
jax: 0.10.2.dev20260603
libtpu: 0.0.44.dev20260713+nightly
codegen_flags: <defaults>
</compile_context>

<pallas_src>
import functools

import jax
import jax.numpy as jnp
from jax import lax
from jax.experimental import pallas as pl
from jax.experimental.pallas import tpu as pltpu
from jax.experimental.pallas import tpu_sc as plsc

_EMBED_DIM = 32
_BATCH = 16384
_LANES = 16
_PASS = 256


def _gather_body(b_per_w,
                 user_hbm, item_hbm, uidx_hbm, iidx_hbm,
                 uout_hbm, iout_hbm,
                 uidx_v, iidx_v, urows_v, irows_v, sem_u, sem_i):
    sid = lax.axis_index("s")
    wid = sid * 2 + lax.axis_index("c")
    base = wid * b_per_w
    pltpu.sync_copy(uidx_hbm.at[pl.ds(base, b_per_w)], uidx_v)
    pltpu.sync_copy(iidx_hbm.at[pl.ds(base, b_per_w)], iidx_v)

    ngroups = _PASS // _LANES

    def enqueue(p, g):
        src_off = p * _PASS + g * _LANES
        dst_off = g * _LANES
        uvec = uidx_v[pl.ds(src_off, _LANES)]
        ivec = iidx_v[pl.ds(src_off, _LANES)]
        for j in range(_LANES):
            pltpu.async_copy(user_hbm.at[pl.ds(uvec[j], 1)],
                             urows_v.at[pl.ds(dst_off + j, 1)], sem_u)
            pltpu.async_copy(item_hbm.at[pl.ds(ivec[j], 1)],
                             irows_v.at[pl.ds(dst_off + j, 1)], sem_i)

    def drain(g):
        pltpu.make_async_copy(
            user_hbm.at[pl.ds(0, _LANES)],
            urows_v.at[pl.ds(g * _LANES, _LANES)], sem_u).wait()
        pltpu.make_async_copy(
            item_hbm.at[pl.ds(0, _LANES)],
            irows_v.at[pl.ds(g * _LANES, _LANES)], sem_i).wait()

    for p in range(b_per_w // _PASS):
        enqueue(p, 0)
        enqueue(p, 1)

        def step(g, _):
            enqueue(p, g)
            drain(g - 2)
            return 0

        lax.fori_loop(2, ngroups, step, 0)
        drain(ngroups - 2)
        drain(ngroups - 1)
        pltpu.sync_copy(urows_v, uout_hbm.at[pl.ds(base + p * _PASS, _PASS)])
        pltpu.sync_copy(irows_v, iout_hbm.at[pl.ds(base + p * _PASS, _PASS)])


def kernel(user_table, item_table, user_idx, item_idx):
    info = plsc.get_sparse_core_info()
    nw = info.num_cores * info.num_subcores
    b_per_w = _BATCH // nw

    mesh = plsc.VectorSubcoreMesh(core_axis_name="c", subcore_axis_name="s")
    out_type = (
        jax.ShapeDtypeStruct((_BATCH, _EMBED_DIM), jnp.float32),
        jax.ShapeDtypeStruct((_BATCH, _EMBED_DIM), jnp.float32),
    )
    scratch = [
        pltpu.VMEM((b_per_w,), jnp.int32),
        pltpu.VMEM((b_per_w,), jnp.int32),
        pltpu.VMEM((_PASS, _EMBED_DIM), jnp.float32),
        pltpu.VMEM((_PASS, _EMBED_DIM), jnp.float32),
        pltpu.SemaphoreType.DMA,
        pltpu.SemaphoreType.DMA,
    ]
    body = functools.partial(_gather_body, b_per_w)
    run = pl.kernel(body, mesh=mesh, out_type=out_type,
                    scratch_types=scratch)
    return run(user_table, item_table,
               user_idx.astype(jnp.int32), item_idx.astype(jnp.int32))

# --- scband reference (transcript-rebuilt; emitter-appended) ---
"""Pipeline reference for scband-idxembedding-54511724921055 (READ-ONLY COPY).

The authoritative reference and input builder live on the scoring server;
editing this copy changes nothing except your own understanding.
"""

import jax, jax.numpy as jnp
import numpy as np

NUM_USERS = 1000000
NUM_ITEMS = 1000000
EMBED_DIM = 32
BATCH = 16384

def setup_inputs(seed: int = 0) -> dict:
    key = jax.random.key(seed)
    k1, k2, k3, k4 = jax.random.split(key, 4)
    user_idx = jax.random.randint(k1, (BATCH,), 0, NUM_USERS, dtype=jnp.int64) if jax.config.jax_enable_x64 else jax.random.randint(k1, (BATCH,), 0, NUM_USERS).astype(jnp.int32)
    item_idx = jax.random.randint(k2, (BATCH,), 0, NUM_ITEMS).astype(user_idx.dtype)
    # Learned parameters: tables have vocab+1 rows (last row is padding_idx),
    # initialized normal(mean=0, std=0.01) as in the torch module.
    user_table = jax.random.normal(k3, (NUM_USERS + 1, EMBED_DIM), dtype=jnp.float32) * 0.01
    item_table = jax.random.normal(k4, (NUM_ITEMS + 1, EMBED_DIM), dtype=jnp.float32) * 0.01
    return {"user_table": user_table, "item_table": item_table, "user_idx": user_idx, "item_idx": item_idx}

def reference(user_table, item_table, user_idx, item_idx):
    # IDXEmbedding.forward: two independent embedding lookups.
    user_emb_slice = jnp.take(user_table, user_idx, axis=0)
    item_emb_slice = jnp.take(item_table, item_idx, axis=0)
    return (user_emb_slice, item_emb_slice)

if __name__ == "__main__":
    import jax
    _d = setup_inputs()
    print(jax.jit(kernel)(*tuple(_d.values())))

</pallas_src>

<mosaic_0001>
#map = affine_map<(d0, d1) -> (0, 0)>
#map1 = affine_map<(d0, d1) -> (0)>
module attributes {stable_mosaic.version = 14 : i64} {
  func.func @_gather_body(%arg0: i32, %arg1: i32, %arg2: memref<1000001x32xf32, #tpu.memory_space<hbm>>, %arg3: memref<1000001x32xf32, #tpu.memory_space<hbm>>, %arg4: memref<16384xi32, #tpu.memory_space<hbm>>, %arg5: memref<16384xi32, #tpu.memory_space<hbm>>, %arg6: memref<16384x32xf32, #tpu.memory_space<hbm>>, %arg7: memref<16384x32xf32, #tpu.memory_space<hbm>>, %arg8: memref<512xi32, #tpu.memory_space<vmem>>, %arg9: memref<512xi32, #tpu.memory_space<vmem>>, %arg10: memref<256x32xf32, #tpu.memory_space<vmem>>, %arg11: memref<256x32xf32, #tpu.memory_space<vmem>>, %arg12: memref<!tpu.dma_semaphore, #tpu.memory_space<semaphore_mem>>, %arg13: memref<!tpu.dma_semaphore, #tpu.memory_space<semaphore_mem>>) attributes {dimension_semantics = [#tpu.dimension_semantics<core_parallel>, #tpu.dimension_semantics<subcore_parallel>], iteration_bounds = array<i64: 2, 16>, scalar_prefetch = 0 : i64, scratch_operands = 6 : i64, tpu.core_type = #tpu.core_type<sc_vector_subcore>, window_params = [{transform_indices = #map}, {transform_indices = #map}, {transform_indices = #map1}, {transform_indices = #map1}, {transform_indices = #map}, {transform_indices = #map}]} {
    %mul3A = arith.constant 2 : i32
    %mul3A_0 = arith.muli %arg1, %mul3A : i32
    %add3A = arith.addi %mul3A_0, %arg0 : i32
    %mul3A_1 = arith.constant 512 : i32
    %mul3A_2 = arith.muli %add3A, %mul3A_1 : i32
    "tpu.region"() ({
      %run_scoped3A = tpu.sem_alloc : memref<!tpu.dma_semaphore, #tpu.memory_space<semaphore_mem>>
      %dma_start3A_1675 = tpu.memref_slice %arg4[%mul3A_2] : memref<16384xi32, #tpu.memory_space<hbm>> -> memref<512xi32, #tpu.memory_space<hbm>>
      %dma_start3A_1676 = tpu.memref_slice %arg4[%mul3A_2] : memref<16384xi32, #tpu.memory_space<hbm>> -> memref<512xi32, #tpu.memory_space<hbm>>
      tpu.enqueue_dma source(%dma_start3A_1676 : memref<512xi32, #tpu.memory_space<hbm>>) target(%arg8 : memref<512xi32, #tpu.memory_space<vmem>>) target_semaphore(%run_scoped3A : memref<!tpu.dma_semaphore, #tpu.memory_space<semaphore_mem>>)
      %dma_wait3A_1677 = tpu.memref_slice %arg4[%mul3A_2] : memref<16384xi32, #tpu.memory_space<hbm>> -> memref<512xi32, #tpu.memory_space<hbm>>
      %dma_wait3A_1678 = tpu.memref_slice %arg4[%mul3A_2] : memref<16384xi32, #tpu.memory_space<hbm>> -> memref<512xi32, #tpu.memory_space<hbm>>
      tpu.wait_dma2 semaphore(%run_scoped3A : memref<!tpu.dma_semaphore, #tpu.memory_space<semaphore_mem>>) src(%dma_wait3A_1678 : memref<512xi32, #tpu.memory_space<hbm>>) dst(%arg8 : memref<512xi32, #tpu.memory_space<vmem>>)
      tpu.yield
    }) : () -> ()
    "tpu.region"() ({
      %run_scoped3A = tpu.sem_alloc : memref<!tpu.dma_semaphore, #tpu.memory_space<semaphore_mem>>
      %dma_start3A_1675 = tpu.memref_slice %arg5[%mul3A_2] : memref<16384xi32, #tpu.memory_space<hbm>> -> memref<512xi32, #tpu.memory_space<hbm>>
      %dma_start3A_1676 = tpu.memref_slice %arg5[%mul3A_2] : memref<16384xi32, #tpu.memory_space<hbm>> -> memref<512xi32, #tpu.memory_space<hbm>>
      tpu.enqueue_dma source(%dma_start3A_1676 : memref<512xi32, #tpu.memory_space<hbm>>) target(%arg9 : memref<512xi32, #tpu.memory_space<vmem>>) target_semaphore(%run_scoped3A : memref<!tpu.dma_semaphore, #tpu.memory_space<semaphore_mem>>)
      %dma_wait3A_1677 = tpu.memref_slice %arg5[%mul3A_2] : memref<16384xi32, #tpu.memory_space<hbm>> -> memref<512xi32, #tpu.memory_space<hbm>>
      %dma_wait3A_1678 = tpu.memref_slice %arg5[%mul3A_2] : memref<16384xi32, #tpu.memory_space<hbm>> -> memref<512xi32, #tpu.memory_space<hbm>>
      tpu.wait_dma2 semaphore(%run_scoped3A : memref<!tpu.dma_semaphore, #tpu.memory_space<semaphore_mem>>) src(%dma_wait3A_1678 : memref<512xi32, #tpu.memory_space<hbm>>) dst(%arg9 : memref<512xi32, #tpu.memory_space<vmem>>)
      tpu.yield
    }) : () -> ()
    %get3A = arith.constant 0 : index
    %get3A_3 = tpu.vector_load %arg8[%get3A] {strides = array<i32>} : memref<512xi32, #tpu.memory_space<vmem>>, vector<16xi32>,
    %get3A_4 = vector.shape_cast %get3A_3 : vector<16xi32> to vector<16xi32>
    %get3A_5 = arith.constant 0 : index
    %get3A_6 = tpu.vector_load %arg9[%get3A_5] {strides = array<i32>} : memref<512xi32, #tpu.memory_space<vmem>>, vector<16xi32>,
    %get3A_7 = vector.shape_cast %get3A_6 : vector<16xi32> to vector<16xi32>
    %slice3A = vector.extract_strided_slice %get3A_4 {offsets = [0], sizes = [1], strides = [1]} : vector<16xi32> to vector<1xi32>
    %squeeze3A = vector.extract %slice3A[0] : i32 from vector<1xi32>
    %dma_start3A = arith.constant 0 : i32
    %dma_start3A_8 = arith.constant 0 : i32
    %dma_start3A_9 = tpu.memref_slice %arg10[%dma_start3A, %dma_start3A_8] : memref<256x32xf32, #tpu.memory_space<vmem>> -> memref<1x32xf32, #tpu.memory_space<vmem>>
    %dma_start3A_10 = arith.constant 0 : i32
    %dma_start3A_11 = tpu.memref_slice %arg2[%squeeze3A, %dma_start3A_10] : memref<1000001x32xf32, #tpu.memory_space<hbm>> -> memref<1x32xf32, #tpu.memory_space<hbm>>
    %dma_start3A_12 = arith.constant 0 : i32
    %dma_start3A_13 = arith.constant 0 : i32
    %dma_start3A_14 = tpu.memref_slice %arg10[%dma_start3A_12, %dma_start3A_13] : memref<256x32xf32, #tpu.memory_space<vmem>> -> memref<1x32xf32, #tpu.memory_space<vmem>>
    %dma_start3A_15 = arith.constant 0 : i32
    %dma_start3A_16 = tpu.memref_slice %arg2[%squeeze3A, %dma_start3A_15] : memref<1000001x32xf32, #tpu.memory_space<hbm>> -> memref<1x32xf32, #tpu.memory_space<hbm>>
    tpu.enqueue_dma source(%dma_start3A_16 : memref<1x32xf32, #tpu.memory_space<hbm>>) target(%dma_start3A_14 : memref<1x32xf32, #tpu.memory_space<vmem>>) target_semaphore(%arg12 : memref<!tpu.dma_semaphore, #tpu.memory_space<semaphore_mem>>)
    %slice3A_17 = vector.extract_strided_slice %get3A_7 {offsets = [0], sizes = [1], strides = [1]} : vector<16xi32> to vector<1xi32>
    %squeeze3A_18 = vector.extract %slice3A_17[0] : i32 from vector<1xi32>
    %dma_start3A_19 = arith.constant 0 : i32
    %dma_start3A_20 = arith.constant 0 : i32
    %dma_start3A_21 = tpu.memref_slice %arg11[%dma_start3A_19, %dma_start3A_20] : memref<256x32xf32, #tpu.memory_space<vmem>> -> memref<1x32xf32, #tpu.memory_space<vmem>>
    %dma_start3A_22 = arith.constant 0 : i32
    %dma_start3A_23 = tpu.memref_slice %arg3[%squeeze3A_18, %dma_start3A_22] : memref<1000001x32xf32, #tpu.memory_space<hbm>> -> memref<1x32xf32, #tpu.memory_space<hbm>>
    %dma_start3A_24 = arith.constant 0 : i32
    %dma_start3A_25 = arith.constant 0 : i32
    %dma_start3A_26 = tpu.memref_slice %arg11[%dma_start3A_24, %dma_start3A_25] : memref<256x32xf32, #tpu.memory_space<vmem>> -> memref<1x32xf32, #tpu.memory_space<vmem>>
    %dma_start3A_27 = arith.constant 0 : i32
    %dma_start3A_28 = tpu.memref_slice %arg3[%squeeze3A_18, %dma_start3A_27] : memref<1000001x32xf32, #tpu.memory_space<hbm>> -> memref<1x32xf32, #tpu.memory_space<hbm>>
    tpu.enqueue_dma source(%dma_start3A_28 : memref<1x32xf32, #tpu.memory_space<hbm>>) target(%dma_start3A_26 : memref<1x32xf32, #tpu.memory_space<vmem>>) target_semaphore(%arg13 : memref<!tpu.dma_semaphore, #tpu.memory_space<semaphore_mem>>)
    %slice3A_29 = vector.extract_strided_slice %get3A_4 {offsets = [1], sizes = [1], strides = [1]} : vector<16xi32> to vector<1xi32>
    %squeeze3A_30 = vector.extract %slice3A_29[0] : i32 from vector<1xi32>
    %dma_start3A_31 = arith.constant 1 : i32
    %dma_start3A_32 = arith.constant 0 : i32
    %dma_start3A_33 = tpu.memref_slice %arg10[%dma_start3A_31, %dma_start3A_32] : memref<256x32xf32, #tpu.memory_space<vmem>> -> memref<1x32xf32, #tpu.memory_space<vmem>>
    %dma_start3A_34 = arith.constant 0 : i32
    %dma_start3A_35 = tpu.memref_slice %arg2[%squeeze3A_30, %dma_start3A_34] : memref<1000001x32xf32, #tpu.memory_space<hbm>> -> memref<1x32xf32, #tpu.memory_space<hbm>>
    %dma_start3A_36 = arith.constant 1 : i32
    %dma_start3A_37 = arith.constant 0 : i32
    %dma_start3A_38 = tpu.memref_slice %arg10[%dma_start3A_36, %dma_start3A_37] : memref<256x32xf32, #tpu.memory_space<vmem>> -> memref<1x32xf32, #tpu.memory_space<vmem>>
    %dma_start3A_39 = arith.constant 0 : i32
    %dma_start3A_40 = tpu.memref_slice %arg2[%squeeze3A_30, %dma_start3A_39] : memref<1000001x32xf32, #tpu.memory_space<hbm>> -> memref<1x32xf32, #tpu.memory_space<hbm>>
    tpu.enqueue_dma source(%dma_start3A_40 : memref<1x32xf32, #tpu.memory_space<hbm>>) target(%dma_start3A_38 : memref<1x32xf32, #tpu.memory_space<vmem>>) target_semaphore(%arg12 : memref<!tpu.dma_semaphore, #tpu.memory_space<semaphore_mem>>)
    %slice3A_41 = vector.extract_strided_slice %get3A_7 {offsets = [1], sizes = [1], strides = [1]} : vector<16xi32> to vector<1xi32>
    %squeeze3A_42 = vector.extract %slice3A_41[0] : i32 from vector<1xi32>
    %dma_start3A_43 = arith.constant 1 : i32
    %dma_start3A_44 = arith.constant 0 : i32
    %dma_start3A_45 = tpu.memref_slice %arg11[%dma_start3A_43, %dma_start3A_44] : memref<256x32xf32, #tpu.memory_space<vmem>> -> memref<1x32xf32, #tpu.memory_space<vmem>>
    %dma_start3A_46 = arith.constant 0 : i32
    %dma_start3A_47 = tpu.memref_slice %arg3[%squeeze3A_42, %dma_start3A_46] : memref<1000001x32xf32, #tpu.memory_space<hbm>> -> memref<1x32xf32, #tpu.memory_space<hbm>>
    %dma_start3A_48 = arith.constant 1 : i32
    %dma_start3A_49 = arith.constant 0 : i32
    %dma_start3A_50 = tpu.memref_slice %arg11[%dma_start3A_48, %dma_start3A_49] : memref<256x32xf32, #tpu.memory_space<vmem>> -> memref<1x32xf32, #tpu.memory_space<vmem>>
    %dma_start3A_51 = arith.constant 0 : i32
    %dma_start3A_52 = tpu.memref_slice %arg3[%squeeze3A_42, %dma_start3A_51] : memref<1000001x32xf32, #tpu.memory_space<hbm>> -> memref<1x32xf32, #tpu.memory_space<hbm>>
    tpu.enqueue_dma source(%dma_start3A_52 : memref<1x32xf32, #tpu.memory_space<hbm>>) target(%dma_start3A_50 : memref<1x32xf32, #tpu.memory_space<vmem>>) target_semaphore(%arg13 : memref<!tpu.dma_semaphore, #tpu.memory_space<semaphore_mem>>)
    %slice3A_53 = vector.extract_strided_slice %get3A_4 {offsets = [2], sizes = [1], strides = [1]} : vector<16xi32> to vector<1xi32>
    %squeeze3A_54 = vector.extract %slice3A_53[0] : i32 from vector<1xi32>
    %dma_start3A_55 = arith.constant 2 : i32
    %dma_start3A_56 = arith.constant 0 : i32
    %dma_start3A_57 = tpu.memref_slice %arg10[%dma_start3A_55, %dma_start3A_56] : memref<256x32xf32, #tpu.memory_space<vmem>> -> memref<1x32xf32, #tpu.memory_space<vmem>>
    %dma_start3A_58 = arith.constant 0 : i32
    %dma_start3A_59 = tpu.memref_slice %arg2[%squeeze3A_54, %dma_start3A_58] : memref<1000001x32xf32, #tpu.memory_space<hbm>> -> memref<1x32xf32, #tpu.memory_space<hbm>>
    %dma_start3A_60 = arith.constant 2 : i32
    %dma_start3A_61 = arith.constant 0 : i32
    %dma_start3A_62 = tpu.memref_slice %arg10[%dma_start3A_60, %dma_start3A_61] : memref<256x32xf32, #tpu.memory_space<vmem>> -> memref<1x32xf32, #tpu.memory_space<vmem>>
    %dma_start3A_63 = arith.constant 0 : i32
    %dma_start3A_64 = tpu.memref_slice %arg2[%squeeze3A_54, %dma_start3A_63] : memref<1000001x32xf32, #tpu.memory_space<hbm>> -> memref<1x32xf32, #tpu.memory_space<hbm>>
    tpu.enqueue_dma source(%dma_start3A_64 : memref<1x32xf32, #tpu.memory_space<hbm>>) target(%dma_start3A_62 : memref<1x32xf32, #tpu.memory_space<vmem>>) target_semaphore(%arg12 : memref<!tpu.dma_semaphore, #tpu.memory_space<semaphore_mem>>)
    %slice3A_65 = vector.extract_strided_slice %get3A_7 {offsets = [2], sizes = [1], strides = [1]} : vector<16xi32> to vector<1xi32>
    %squeeze3A_66 = vector.extract %slice3A_65[0] : i32 from vector<1xi32>
    %dma_start3A_67 = arith.constant 2 : i32
    %dma_start3A_68 = arith.constant 0 : i32
    %dma_start3A_69 = tpu.memref_slice %arg11[%dma_start3A_67, %dma_start3A_68] : memref<256x32xf32, #tpu.memory_space<vmem>> -> memref<1x32xf32, #tpu.memory_space<vmem>>
    %dma_start3A_70 = arith.constant 0 : i32
    %dma_start3A_71 = tpu.memref_slice %arg3[%squeeze3A_66, %dma_start3A_70] : memref<1000001x32xf32, #tpu.memory_space<hbm>> -> memref<1x32xf32, #tpu.memory_space<hbm>>
    %dma_start3A_72 = arith.constant 2 : i32
    %dma_start3A_73 = arith.constant 0 : i32
    %dma_start3A_74 = tpu.memref_slice %arg11[%dma_start3A_72, %dma_start3A_73] : memref<256x32xf32, #tpu.memory_space<vmem>> -> memref<1x32xf32, #tpu.memory_space<vmem>>
    %dma_start3A_75 = arith.constant 0 : i32
    %dma_start3A_76 = tpu.memref_slice %arg3[%squeeze3A_66, %dma_start3A_75] : memref<1000001x32xf32, #tpu.memory_space<hbm>> -> memref<1x32xf32, #tpu.memory_space<hbm>>
    tpu.enqueue_dma source(%dma_start3A_76 : memref<1x32xf32, #tpu.memory_space<hbm>>) target(%dma_start3A_74 : memref<1x32xf32, #tpu.memory_space<vmem>>) target_semaphore(%arg13 : memref<!tpu.dma_semaphore, #tpu.memory_space<semaphore_mem>>)
    %slice3A_77 = vector.extract_strided_slice %get3A_4 {offsets = [3], sizes = [1], strides = [1]} : vector<16xi32> to vector<1xi32>
    %squeeze3A_78 = vector.extract %slice3A_77[0] : i32 from vector<1xi32>
    %dma_start3A_79 = arith.constant 3 : i32
    %dma_start3A_80 = arith.constant 0 : i32
    %dma_start3A_81 = tpu.memref_slice %arg10[%dma_start3A_79, %dma_start3A_80] : memref<256x32xf32, #tpu.memory_space<vmem>> -> memref<1x32xf32, #tpu.memory_space<vmem>>
    %dma_start3A_82 = arith.constant 0 : i32
    %dma_start3A_83 = tpu.memref_slice %arg2[%squeeze3A_78, %dma_start3A_82] : memref<1000001x32xf32, #tpu.memory_space<hbm>> -> memref<1x32xf32, #tpu.memory_space<hbm>>
    %dma_start3A_84 = arith.constant 3 : i32
    %dma_start3A_85 = arith.constant 0 : i32
    %dma_start3A_86 = tpu.memref_slice %arg10[%dma_start3A_84, %dma_start3A_85] : memref<256x32xf32, #tpu.memory_space<vmem>> -> memref<1x32xf32, #tpu.memory_space<vmem>>
    %dma_start3A_87 = arith.constant 0 : i32
    %dma_start3A_88 = tpu.memref_slice %arg2[%squeeze3A_78, %dma_start3A_87] : memref<1000001x32xf32, #tpu.memory_space<hbm>> -> memref<1x32xf32, #tpu.memory_space<hbm>>
    tpu.enqueue_dma source(%dma_start3A_88 : memref<1x32xf32, #tpu.memory_space<hbm>>) target(%dma_start3A_86 : memref<1x32xf32, #tpu.memory_space<vmem>>) target_semaphore(%arg12 : memref<!tpu.dma_semaphore, #tpu.memory_space<semaphore_mem>>)
    %slice3A_89 = vector.extract_strided_slice %get3A_7 {offsets = [3], sizes = [1], strides = [1]} : vector<16xi32> to vector<1xi32>
    %squeeze3A_90 = vector.extract %slice3A_89[0] : i32 from vector<1xi32>
    %dma_start3A_91 = arith.constant 3 : i32
    %dma_start3A_92 = arith.constant 0 : i32
    %dma_start3A_93 = tpu.memref_slice %arg11[%dma_start3A_91, %dma_start3A_92] : memref<256x32xf32, #tpu.memory_space<vmem>> -> memref<1x32xf32, #tpu.memory_space<vmem>>
    %dma_start3A_94 = arith.constant 0 : i32
    %dma_start3A_95 = tpu.memref_slice %arg3[%squeeze3A_90, %dma_start3A_94] : memref<1000001x32xf32, #tpu.memory_space<hbm>> -> memref<1x32xf32, #tpu.memory_space<hbm>>
    %dma_start3A_96 = arith.constant 3 : i32
    %dma_start3A_97 = arith.constant 0 : i32
    %dma_start3A_98 = tpu.memref_slice %arg11[%dma_start3A_96, %dma_start3A_97] : memref<256x32xf32, #tpu.memory_space<vmem>> -> memref<1x32xf32, #tpu.memory_space<vmem>>
    %dma_start3A_99 = arith.constant 0 : i32
    %dma_start3A_100 = tpu.memref_slice %arg3[%squeeze3A_90, %dma_start3A_99] : memref<1000001x32xf32, #tpu.memory_space<hbm>> -> memref<1x32xf32, #tpu.memory_space<hbm>>
    tpu.enqueue_dma source(%dma_start3A_100 : memref<1x32xf32, #tpu.memory_space<hbm>>) target(%dma_start3A_98 : memref<1x32xf32, #tpu.memory_space<vmem>>) target_semaphore(%arg13 : memref<!tpu.dma_semaphore, #tpu.memory_space<semaphore_mem>>)
    %slice3A_101 = vector.extract_strided_slice %get3A_4 {offsets = [4], sizes = [1], strides = [1]} : vector<16xi32> to vector<1xi32>
    %squeeze3A_102 = vector.extract %slice3A_101[0] : i32 from vector<1xi32>
    %dma_start3A_103 = arith.constant 4 : i32
    %dma_start3A_104 = arith.constant 0 : i32
    %dma_start3A_105 = tpu.memref_slice %arg10[%dma_start3A_103, %dma_start3A_104] : memref<256x32xf32, #tpu.memory_space<vmem>> -> memref<1x32xf32, #tpu.memory_space<vmem>>
    %dma_start3A_106 = arith.constant 0 : i32
    %dma_start3A_107 = tpu.memref_slice %arg2[%squeeze3A_102, %dma_start3A_106] : memref<1000001x32xf32, #tpu.memory_space<hbm>> -> memref<1x32xf32, #tpu.memory_space<hbm>>
    %dma_start3A_108 = arith.constant 4 : i32
    %dma_start3A_109 = arith.constant 0 : i32
    %dma_start3A_110 = tpu.memref_slice %arg10[%dma_start3A_108, %dma_start3A_109] : memref<256x32xf32, #tpu.memory_space<vmem>> -> memref<1x32xf32, #tpu.memory_space<vmem>>
    %dma_start3A_111 = arith.constant 0 : i32
    %dma_start3A_112 = tpu.memref_slice %arg2[%squeeze3A_102, %dma_start3A_111] : memref<1000001x32xf32, #tpu.memory_space<hbm>> -> memref<1x32xf32, #tpu.memory_space<hbm>>
    tpu.enqueue_dma source(%dma_start3A_112 : memref<1x32xf32, #tpu.memory_space<hbm>>) target(%dma_start3A_110 : memref<1x32xf32, #tpu.memory_space<vmem>>) target_semaphore(%arg12 : memref<!tpu.dma_semaphore, #tpu.memory_space<semaphore_mem>>)
    %slice3A_113 = vector.extract_strided_slice %get3A_7 {offsets = [4], sizes = [1], strides = [1]} : vector<16xi32> to vector<1xi32>
    %squeeze3A_114 = vector.extract %slice3A_113[0] : i32 from vector<1xi32>
    %dma_start3A_115 = arith.constant 4 : i32
    %dma_start3A_116 = arith.constant 0 : i32
    %dma_start3A_117 = tpu.memref_slice %arg11[%dma_start3A_115, %dma_start3A_116] : memref<256x32xf32, #tpu.memory_space<vmem>> -> memref<1x32xf32, #tpu.memory_space<vmem>>
    %dma_start3A_118 = arith.constant 0 : i32
    %dma_start3A_119 = tpu.memref_slice %arg3[%squeeze3A_114, %dma_start3A_118] : memref<1000001x32xf32, #tpu.memory_space<hbm>> -> memref<1x32xf32, #tpu.memory_space<hbm>>
    %dma_start3A_120 = arith.constant 4 : i32
    %dma_start3A_121 = arith.constant 0 : i32
    %dma_start3A_122 = tpu.memref_slice %arg11[%dma_start3A_120, %dma_start3A_121] : memref<256x32xf32, #tpu.memory_space<vmem>> -> memref<1x32xf32, #tpu.memory_space<vmem>>
    %dma_start3A_123 = arith.constant 0 : i32
    %dma_start3A_124 = tpu.memref_slice %arg3[%squeeze3A_114, %dma_start3A_123] : memref<1000001x32xf32, #tpu.memory_space<hbm>> -> memref<1x32xf32, #tpu.memory_space<hbm>>
    tpu.enqueue_dma source(%dma_start3A_124 : memref<1x32xf32, #tpu.memory_space<hbm>>) target(%dma_start3A_122 : memref<1x32xf32, #tpu.memory_space<vmem>>) target_semaphore(%arg13 : memref<!tpu.dma_semaphore, #tpu.memory_space<semaphore_mem>>)
    %slice3A_125 = vector.extract_strided_slice %get3A_4 {offsets = [5], sizes = [1], strides = [1]} : vector<16xi32> to vector<1xi32>
    %squeeze3A_126 = vector.extract %slice3A_125[0] : i32 from vector<1xi32>
    %dma_start3A_127 = arith.constant 5 : i32
    %dma_start3A_128 = arith.constant 0 : i32
    %dma_start3A_129 = tpu.memref_slice %arg10[%dma_start3A_127, %dma_start3A_128] : memref<256x32xf32, #tpu.memory_space<vmem>> -> memref<1x32xf32, #tpu.memory_space<vmem>>
    %dma_start3A_130 = arith.constant 0 : i32
    %dma_start3A_131 = tpu.memref_slice %arg2[%squeeze3A_126, %dma_start3A_130] : memref<1000001x32xf32, #tpu.memory_space<hbm>> -> memref<1x32xf32, #tpu.memory_space<hbm>>
    %dma_start3A_132 = arith.constant 5 : i32
    %dma_start3A_133 = arith.constant 0 : i32
    %dma_start3A_134 = tpu.memref_slice %arg10[%dma_start3A_132, %dma_start3A_133] : memref<256x32xf32, #tpu.memory_space<vmem>> -> memref<1x32xf32, #tpu.memory_space<vmem>>
    %dma_start3A_135 = arith.constant 0 : i32
    %dma_start3A_136 = tpu.memref_slice %arg2[%squeeze3A_126, %dma_start3A_135] : memref<1000001x32xf32, #tpu.memory_space<hbm>> -> memref<1x32xf32, #tpu.memory_space<hbm>>
    tpu.enqueue_dma source(%dma_start3A_136 : memref<1x32xf32, #tpu.memory_space<hbm>>) target(%dma_start3A_134 : memref<1x32xf32, #tpu.memory_space<vmem>>) target_semaphore(%arg12 : memref<!tpu.dma_semaphore, #tpu.memory_space<semaphore_mem>>)
    %slice3A_137 = vector.extract_strided_slice %get3A_7 {offsets = [5], sizes = [1], strides = [1]} : vector<16xi32> to vector<1xi32>
    %squeeze3A_138 = vector.extract %slice3A_137[0] : i32 from vector<1xi32>
    %dma_start3A_139 = arith.constant 5 : i32
    %dma_start3A_140 = arith.constant 0 : i32
    %dma_start3A_141 = tpu.memref_slice %arg11[%dma_start3A_139, %dma_start3A_140] : memref<256x32xf32, #tpu.memory_space<vmem>> -> memref<1x32xf32, #tpu.memory_space<vmem>>
    %dma_start3A_142 = arith.constant 0 : i32
    %dma_start3A_143 = tpu.memref_slice %arg3[%squeeze3A_138, %dma_start3A_142] : memref<1000001x32xf32, #tpu.memory_space<hbm>> -> memref<1x32xf32, #tpu.memory_space<hbm>>
    %dma_start3A_144 = arith.constant 5 : i32
    %dma_start3A_145 = arith.constant 0 : i32
    %dma_start3A_146 = tpu.memref_slice %arg11[%dma_start3A_144, %dma_start3A_145] : memref<256x32xf32, #tpu.memory_space<vmem>> -> memref<1x32xf32, #tpu.memory_space<vmem>>
    %dma_start3A_147 = arith.constant 0 : i32
    %dma_start3A_148 = tpu.memref_slice %arg3[%squeeze3A_138, %dma_start3A_147] : memref<1000001x32xf32, #tpu.memory_space<hbm>> -> memref<1x32xf32, #tpu.memory_space<hbm>>
    tpu.enqueue_dma source(%dma_start3A_148 : memref<1x32xf32, #tpu.memory_space<hbm>>) target(%dma_start3A_146 : memref<1x32xf32, #tpu.memory_space<vmem>>) target_semaphore(%arg13 : memref<!tpu.dma_semaphore, #tpu.memory_space<semaphore_mem>>)
    %slice3A_149 = vector.extract_strided_slice %get3A_4 {offsets = [6], sizes = [1], strides = [1]} : vector<16xi32> to vector<1xi32>
    %squeeze3A_150 = vector.extract %slice3A_149[0] : i32 from vector<1xi32>
    %dma_start3A_151 = arith.constant 6 : i32
    %dma_start3A_152 = arith.constant 0 : i32
    %dma_start3A_153 = tpu.memref_slice %arg10[%dma_start3A_151, %dma_start3A_152] : memref<256x32xf32, #tpu.memory_space<vmem>> -> memref<1x32xf32, #tpu.memory_space<vmem>>
    %dma_start3A_154 = arith.constant 0 : i32
    %dma_start3A_155 = tpu.memref_slice %arg2[%squeeze3A_150, %dma_start3A_154] : memref<1000001x32xf32, #tpu.memory_space<hbm>> -> memref<1x32xf32, #tpu.memory_space<hbm>>
    %dma_start3A_156 = arith.constant 6 : i32
    %dma_start3A_157 = arith.constant 0 : i32
    %dma_start3A_158 = tpu.memref_slice %arg10[%dma_start3A_156, %dma_start3A_157] : memref<256x32xf32, #tpu.memory_space<vmem>> -> memref<1x32xf32, #tpu.memory_space<vmem>>
    %dma_start3A_159 = arith.constant 0 : i32
    %dma_start3A_160 = tpu.memref_slice %arg2[%squeeze3A_150, %dma_start3A_159] : memref<1000001x32xf32, #tpu.memory_space<hbm>> -> memref<1x32xf32, #tpu.memory_space<hbm>>
    tpu.enqueue_dma source(%dma_start3A_160 : memref<1x32xf32, #tpu.memory_space<hbm>>) target(%dma_start3A_158 : memref<1x32xf32, #tpu.memory_space<vmem>>) target_semaphore(%arg12 : memref<!tpu.dma_semaphore, #tpu.memory_space<semaphore_mem>>)
    %slice3A_161 = vector.extract_strided_slice %get3A_7 {offsets = [6], sizes = [1], strides = [1]} : vector<16xi32> to vector<1xi32>
    %squeeze3A_162 = vector.extract %slice3A_161[0] : i32 from vector<1xi32>
    %dma_start3A_163 = arith.constant 6 : i32
    %dma_start3A_164 = arith.constant 0 : i32
    %dma_start3A_165 = tpu.memref_slice %arg11[%dma_start3A_163, %dma_start3A_164] : memref<256x32xf32, #tpu.memory_space<vmem>> -> memref<1x32xf32, #tpu.memory_space<vmem>>
    %dma_start3A_166 = arith.constant 0 : i32
    %dma_start3A_167 = tpu.memref_slice %arg3[%squeeze3A_162, %dma_start3A_166] : memref<1000001x32xf32, #tpu.memory_space<hbm>> -> memref<1x32xf32, #tpu.memory_space<hbm>>
    %dma_start3A_168 = arith.constant 6 : i32
    %dma_start3A_169 = arith.constant 0 : i32
    %dma_start3A_170 = tpu.memref_slice %arg11[%dma_start3A_168, %dma_start3A_169] : memref<256x32xf32, #tpu.memory_space<vmem>> -> memref<1x32xf32, #tpu.memory_space<vmem>>
    %dma_start3A_171 = arith.constant 0 : i32
    %dma_start3A_172 = tpu.memref_slice %arg3[%squeeze3A_162, %dma_start3A_171] : memref<1000001x32xf32, #tpu.memory_space<hbm>> -> memref<1x32xf32, #tpu.memory_space<hbm>>
    tpu.enqueue_dma source(%dma_start3A_172 : memref<1x32xf32, #tpu.memory_space<hbm>>) target(%dma_start3A_170 : memref<1x32xf32, #tpu.memory_space<vmem>>) target_semaphore(%arg13 : memref<!tpu.dma_semaphore, #tpu.memory_space<semaphore_mem>>)
    %slice3A_173 = vector.extract_strided_slice %get3A_4 {offsets = [7], sizes = [1], strides = [1]} : vector<16xi32> to vector<1xi32>
    %squeeze3A_174 = vector.extract %slice3A_173[0] : i32 from vector<1xi32>
    %dma_start3A_175 = arith.constant 7 : i32
    %dma_start3A_176 = arith.constant 0 : i32
    %dma_start3A_177 = tpu.memref_slice %arg10[%dma_start3A_175, %dma_start3A_176] : memref<256x32xf32, #tpu.memory_space<vmem>> -> memref<1x32xf32, #tpu.memory_space<vmem>>
    %dma_start3A_178 = arith.constant 0 : i32
    %dma_start3A_179 = tpu.memref_slice %arg2[%squeeze3A_174, %dma_start3A_178] : memref<1000001x32xf32, #tpu.memory_space<hbm>> -> memref<1x32xf32, #tpu.memory_space<hbm>>
    %dma_start3A_180 = arith.constant 7 : i32
    %dma_start3A_181 = arith.constant 0 : i32
    %dma_start3A_182 = tpu.memref_slice %arg10[%dma_start3A_180, %dma_start3A_181] : memref<256x32xf32, #tpu.memory_space<vmem>> -> memref<1x32xf32, #tpu.memory_space<vmem>>
    %dma_start3A_183 = arith.constant 0 : i32
    %dma_start3A_184 = tpu.memref_slice %arg2[%squeeze3A_174, %dma_start3A_183] : memref<1000001x32xf32, #tpu.memory_space<hbm>> -> memref<1x32xf32, #tpu.memory_space<hbm>>
    tpu.enqueue_dma source(%dma_start3A_184 : memref<1x32xf32, #tpu.memory_space<hbm>>) target(%dma_start3A_182 : memref<1x32xf32, #tpu.memory_space<vmem>>) target_semaphore(%arg12 : memref<!tpu.dma_semaphore, #tpu.memory_space<semaphore_mem>>)
    %slice3A_185 = vector.extract_strided_slice %get3A_7 {offsets = [7], sizes = [1], strides = [1]} : vector<16xi32> to vector<1xi32>
    %squeeze3A_186 = vector.extract %slice3A_185[0] : i32 from vector<1xi32>
    %dma_start3A_187 = arith.constant 7 : i32
    %dma_start3A_188 = arith.constant 0 : i32
    %dma_start3A_189 = tpu.memref_slice %arg11[%dma_start3A_187, %dma_start3A_188] : memref<256x32xf32, #tpu.memory_space<vmem>> -> memref<1x32xf32, #tpu.memory_space<vmem>>
    %dma_start3A_190 = arith.constant 0 : i32
    %dma_start3A_191 = tpu.memref_slice %arg3[%squeeze3A_186, %dma_start3A_190] : memref<1000001x32xf32, #tpu.memory_space<hbm>> -> memref<1x32xf32, #tpu.memory_space<hbm>>
    %dma_start3A_192 = arith.constant 7 : i32
    %dma_start3A_193 = arith.constant 0 : i32
    %dma_start3A_194 = tpu.memref_slice %arg11[%dma_start3A_192, %dma_start3A_193] : memref<256x32xf32, #tpu.memory_space<vmem>> -> memref<1x32xf32, #tpu.memory_space<vmem>>
    %dma_start3A_195 = arith.constant 0 : i32
    %dma_start3A_196 = tpu.memref_slice %arg3[%squeeze3A_186, %dma_start3A_195] : memref<1000001x32xf32, #tpu.memory_space<hbm>> -> memref<1x32xf32, #tpu.memory_space<hbm>>
    tpu.enqueue_dma source(%dma_start3A_196 : memref<1x32xf32, #tpu.memory_space<hbm>>) target(%dma_start3A_194 : memref<1x32xf32, #tpu.memory_space<vmem>>) target_semaphore(%arg13 : memref<!tpu.dma_semaphore, #tpu.memory_space<semaphore_mem>>)
    %slice3A_197 = vector.extract_strided_slice %get3A_4 {offsets = [8], sizes = [1], strides = [1]} : vector<16xi32> to vector<1xi32>
    %squeeze3A_198 = vector.extract %slice3A_197[0] : i32 from vector<1xi32>
    %dma_start3A_199 = arith.constant 8 : i32
    %dma_start3A_200 = arith.constant 0 : i32
    %dma_start3A_201 = tpu.memref_slice %arg10[%dma_start3A_199, %dma_start3A_200] : memref<256x32xf32, #tpu.memory_space<vmem>> -> memref<1x32xf32, #tpu.memory_space<vmem>>
    %dma_start3A_202 = arith.constant 0 : i32
    %dma_start3A_203 = tpu.memref_slice %arg2[%squeeze3A_198, %dma_start3A_202] : memref<1000001x32xf32, #tpu.memory_space<hbm>> -> memref<1x32xf32, #tpu.memory_space<hbm>>
    %dma_start3A_204 = arith.constant 8 : i32
    %dma_start3A_205 = arith.constant 0 : i32
    %dma_start3A_206 = tpu.memref_slice %arg10[%dma_start3A_204, %dma_start3A_205] : memref<256x32xf32, #tpu.memory_space<vmem>> -> memref<1x32xf32, #tpu.memory_space<vmem>>
    %dma_start3A_207 = arith.constant 0 : i32
    %dma_start3A_208 = tpu.memref_slice %arg2[%squeeze3A_198, %dma_start3A_207] : memref<1000001x32xf32, #tpu.memory_space<hbm>> -> memref<1x32xf32, #tpu.memory_space<hbm>>
    tpu.enqueue_dma source(%dma_start3A_208 : memref<1x32xf32, #tpu.memory_space<hbm>>) target(%dma_start3A_206 : memref<1x32xf32, #tpu.memory_space<vmem>>) target_semaphore(%arg12 : memref<!tpu.dma_semaphore, #tpu.memory_space<semaphore_mem>>)
    %slice3A_209 = vector.extract_strided_slice %get3A_7 {offsets = [8], sizes = [1], strides = [1]} : vector<16xi32> to vector<1xi32>
    %squeeze3A_210 = vector.extract %slice3A_209[0] : i32 from vector<1xi32>
    %dma_start3A_211 = arith.constant 8 : i32
    %dma_start3A_212 = arith.constant 0 : i32
    %dma_start3A_213 = tpu.memref_slice %arg11[%dma_start3A_211, %dma_start3A_212] : memref<256x32xf32, #tpu.memory_space<vmem>> -> memref<1x32xf32, #tpu.memory_space<vmem>>
    %dma_start3A_214 = arith.constant 0 : i32
    %dma_start3A_215 = tpu.memref_slice %arg3[%squeeze3A_210, %dma_start3A_214] : memref<1000001x32xf32, #tpu.memory_space<hbm>> -> memref<1x32xf32, #tpu.memory_space<hbm>>
    %dma_start3A_216 = arith.constant 8 : i32
    %dma_start3A_217 = arith.constant 0 : i32
    %dma_start3A_218 = tpu.memref_slice %arg11[%dma_start3A_216, %dma_start3A_217] : memref<256x32xf32, #tpu.memory_space<vmem>> -> memref<1x32xf32, #tpu.memory_space<vmem>>
    %dma_start3A_219 = arith.constant 0 : i32
    %dma_start3A_220 = tpu.memref_slice %arg3[%squeeze3A_210, %dma_start3A_219] : memref<1000001x32xf32, #tpu.memory_space<hbm>> -> memref<1x32xf32, #tpu.memory_space<hbm>>
    tpu.enqueue_dma source(%dma_start3A_220 : memref<1x32xf32, #tpu.memory_space<hbm>>) target(%dma_start3A_218 : memref<1x32xf32, #tpu.memory_space<vmem>>) target_semaphore(%arg13 : memref<!tpu.dma_semaphore, #tpu.memory_space<semaphore_mem>>)
    %slice3A_221 = vector.extract_strided_slice %get3A_4 {offsets = [9], sizes = [1], strides = [1]} : vector<16xi32> to vector<1xi32>
    %squeeze3A_222 = vector.extract %slice3A_221[0] : i32 from vector<1xi32>
    %dma_start3A_223 = arith.constant 9 : i32
    %dma_start3A_224 = arith.constant 0 : i32
    %dma_start3A_225 = tpu.memref_slice %arg10[%dma_start3A_223, %dma_start3A_224] : memref<256x32xf32, #tpu.memory_space<vmem>> -> memref<1x32xf32, #tpu.memory_space<vmem>>
    %dma_start3A_226 = arith.constant 0 : i32
    %dma_start3A_227 = tpu.memref_slice %arg2[%squeeze3A_222, %dma_start3A_226] : memref<1000001x32xf32, #tpu.memory_space<hbm>> -> memref<1x32xf32, #tpu.memory_space<hbm>>
    %dma_start3A_228 = arith.constant 9 : i32
    %dma_start3A_229 = arith.constant 0 : i32
    %dma_start3A_230 = tpu.memref_slice %arg10[%dma_start3A_228, %dma_start3A_229] : memref<256x32xf32, #tpu.memory_space<vmem>> -> memref<1x32xf32, #tpu.memory_space<vmem>>
    %dma_start3A_231 = arith.constant 0 : i32
    %dma_start3A_232 = tpu.memref_slice %arg2[%squeeze3A_222, %dma_start3A_231] : memref<1000001x32xf32, #tpu.memory_space<hbm>> -> memref<1x32xf32, #tpu.memory_space<hbm>>
    tpu.enqueue_dma source(%dma_start3A_232 : memref<1x32xf32, #tpu.memory_space<hbm>>) target(%dma_start3A_230 : memref<1x32xf32, #tpu.memory_space<vmem>>) target_semaphore(%arg12 : memref<!tpu.dma_semaphore, #tpu.memory_space<semaphore_mem>>)
    %slice3A_233 = vector.extract_strided_slice %get3A_7 {offsets = [9], sizes = [1], strides = [1]} : vector<16xi32> to vector<1xi32>
    %squeeze3A_234 = vector.extract %slice3A_233[0] : i32 from vector<1xi32>
    %dma_start3A_235 = arith.constant 9 : i32
    %dma_start3A_236 = arith.constant 0 : i32
    %dma_start3A_237 = tpu.memref_slice %arg11[%dma_start3A_235, %dma_start3A_236] : memref<256x32xf32, #tpu.memory_space<vmem>> -> memref<1x32xf32, #tpu.memory_space<vmem>>
    %dma_start3A_238 = arith.constant 0 : i32
    %dma_start3A_239 = tpu.memref_slice %arg3[%squeeze3A_234, %dma_start3A_238] : memref<1000001x32xf32, #tpu.memory_space<hbm>> -> memref<1x32xf32, #tpu.memory_space<hbm>>
    %dma_start3A_240 = arith.constant 9 : i32
    %dma_start3A_241 = arith.constant 0 : i32
    %dma_start3A_242 = tpu.memref_slice %arg11[%dma_start3A_240, %dma_start3A_241] : memref<256x32xf32, #tpu.memory_space<vmem>> -> memref<1x32xf32, #tpu.memory_space<vmem>>
    %dma_start3A_243 = arith.constant 0 : i32
    %dma_start3A_244 = tpu.memref_slice %arg3[%squeeze3A_234, %dma_start3A_243] : memref<1000001x32xf32, #tpu.memory_space<hbm>> -> memref<1x32xf32, #tpu.memory_space<hbm>>
    tpu.enqueue_dma source(%dma_start3A_244 : memref<1x32xf32, #tpu.memory_space<hbm>>) target(%dma_start3A_242 : memref<1x32xf32, #tpu.memory_space<vmem>>) target_semaphore(%arg13 : memref<!tpu.dma_semaphore, #tpu.memory_space<semaphore_mem>>)
    %slice3A_245 = vector.extract_strided_slice %get3A_4 {offsets = [10], sizes = [1], strides = [1]} : vector<16xi32> to vector<1xi32>
    %squeeze3A_246 = vector.extract %slice3A_245[0] : i32 from vector<1xi32>
    %dma_start3A_247 = arith.constant 10 : i32
    %dma_start3A_248 = arith.constant 0 : i32
    %dma_start3A_249 = tpu.memref_slice %arg10[%dma_start3A_247, %dma_start3A_248] : memref<256x32xf32, #tpu.memory_space<vmem>> -> memref<1x32xf32, #tpu.memory_space<vmem>>
    %dma_start3A_250 = arith.constant 0 : i32
    %dma_start3A_251 = tpu.memref_slice %arg2[%squeeze3A_246, %dma_start3A_250] : memref<1000001x32xf32, #tpu.memory_space<hbm>> -> memref<1x32xf32, #tpu.memory_space<hbm>>
    %dma_start3A_252 = arith.constant 10 : i32
    %dma_start3A_253 = arith.constant 0 : i32
    %dma_start3A_254 = tpu.memref_slice %arg10[%dma_start3A_252, %dma_start3A_253] : memref<256x32xf32, #tpu.memory_space<vmem>> -> memref<1x32xf32, #tpu.memory_space<vmem>>
    %dma_start3A_255 = arith.constant 0 : i32
    %dma_start3A_256 = tpu.memref_slice %arg2[%squeeze3A_246, %dma_start3A_255] : memref<1000001x32xf32, #tpu.memory_space<hbm>> -> memref<1x32xf32, #tpu.memory_space<hbm>>
    tpu.enqueue_dma source(%dma_start3A_256 : memref<1x32xf32, #tpu.memory_space<hbm>>) target(%dma_start3A_254 : memref<1x32xf32, #tpu.memory_space<vmem>>) target_semaphore(%arg12 : memref<!tpu.dma_semaphore, #tpu.memory_space<semaphore_mem>>)
    %slice3A_257 = vector.extract_strided_slice %get3A_7 {offsets = [10], sizes = [1], strides = [1]} : vector<16xi32> to vector<1xi32>
    %squeeze3A_258 = vector.extract %slice3A_257[0] : i32 from vector<1xi32>
    %dma_start3A_259 = arith.constant 10 : i32
    %dma_start3A_260 = arith.constant 0 : i32
    %dma_start3A_261 = tpu.memref_slice %arg11[%dma_start3A_259, %dma_start3A_260] : memref<256x32xf32, #tpu.memory_space<vmem>> -> memref<1x32xf32, #tpu.memory_space<vmem>>
    %dma_start3A_262 = arith.constant 0 : i32
    %dma_start3A_263 = tpu.memref_slice %arg3[%squeeze3A_258, %dma_start3A_262] : memref<1000001x32xf32, #tpu.memory_space<hbm>> -> memref<1x32xf32, #tpu.memory_space<hbm>>
    %dma_start3A_264 = arith.constant 10 : i32
    %dma_start3A_265 = arith.constant 0 : i32
    %dma_start3A_266 = tpu.memref_slice %arg11[%dma_start3A_264, %dma_start3A_265] : memref<256x32xf32, #tpu.memory_space<vmem>> -> memref<1x32xf32, #tpu.memory_space<vmem>>
    %dma_start3A_267 = arith.constant 0 : i32
    %dma_start3A_268 = tpu.memref_slice %arg3[%squeeze3A_258, %dma_start3A_267] : memref<1000001x32xf32, #tpu.memory_space<hbm>> -> memref<1x32xf32, #tpu.memory_space<hbm>>
    tpu.enqueue_dma source(%dma_start3A_268 : memref<1x32xf32, #tpu.memory_space<hbm>>) target(%dma_start3A_266 : memref<1x32xf32, #tpu.memory_space<vmem>>) target_semaphore(%arg13 : memref<!tpu.dma_semaphore, #tpu.memory_space<semaphore_mem>>)
    %slice3A_269 = vector.extract_strided_slice %get3A_4 {offsets = [11], sizes = [1], strides = [1]} : vector<16xi32> to vector<1xi32>
    %squeeze3A_270 = vector.extract %slice3A_269[0] : i32 from vector<1xi32>
    %dma_start3A_271 = arith.constant 11 : i32
    %dma_start3A_272 = arith.constant 0 : i32
    %dma_start3A_273 = tpu.memref_slice %arg10[%dma_start3A_271, %dma_start3A_272] : memref<256x32xf32, #tpu.memory_space<vmem>> -> memref<1x32xf32, #tpu.memory_space<vmem>>
    %dma_start3A_274 = arith.constant 0 : i32
    %dma_start3A_275 = tpu.memref_slice %arg2[%squeeze3A_270, %dma_start3A_274] : memref<1000001x32xf32, #tpu.memory_space<hbm>> -> memref<1x32xf32, #tpu.memory_space<hbm>>
    %dma_start3A_276 = arith.constant 11 : i32
    %dma_start3A_277 = arith.constant 0 : i32
    %dma_start3A_278 = tpu.memref_slice %arg10[%dma_start3A_276, %dma_start3A_277] : memref<256x32xf32, #tpu.memory_space<vmem>> -> memref<1x32xf32, #tpu.memory_space<vmem>>
    %dma_start3A_279 = arith.constant 0 : i32
    %dma_start3A_280 = tpu.memref_slice %arg2[%squeeze3A_270, %dma_start3A_279] : memref<1000001x32xf32, #tpu.memory_space<hbm>> -> memref<1x32xf32, #tpu.memory_space<hbm>>
    tpu.enqueue_dma source(%dma_start3A_280 : memref<1x32xf32, #tpu.memory_space<hbm>>) target(%dma_start3A_278 : memref<1x32xf32, #tpu.memory_space<vmem>>) target_semaphore(%arg12 : memref<!tpu.dma_semaphore, #tpu.memory_space<semaphore_mem>>)
    %slice3A_281 = vector.extract_strided_slice %get3A_7 {offsets = [11], sizes = [1], strides = [1]} : vector<16xi32> to vector<1xi32>
    %squeeze3A_282 = vector.extract %slice3A_281[0] : i32 from vector<1xi32>
    %dma_start3A_283 = arith.constant 11 : i32
    %dma_start3A_284 = arith.constant 0 : i32
    %dma_start3A_285 = tpu.memref_slice %arg11[%dma_start3A_283, %dma_start3A_284] : memref<256x32xf32, #tpu.memory_space<vmem>> -> memref<1x32xf32, #tpu.memory_space<vmem>>
    %dma_start3A_286 = arith.constant 0 : i32
    %dma_start3A_287 = tpu.memref_slice %arg3[%squeeze3A_282, %dma_start3A_286] : memref<1000001x32xf32, #tpu.memory_space<hbm>> -> memref<1x32xf32, #tpu.memory_space<hbm>>
    %dma_start3A_288 = arith.constant 11 : i32
    %dma_start3A_289 = arith.constant 0 : i32
    %dma_start3A_290 = tpu.memref_slice %arg11[%dma_start3A_288, %dma_start3A_289] : memref<256x32xf32, #tpu.memory_space<vmem>> -> memref<1x32xf32, #tpu.memory_space<vmem>>
    %dma_start3A_291 = arith.constant 0 : i32
    %dma_start3A_292 = tpu.memref_slice %arg3[%squeeze3A_282, %dma_start3A_291] : memref<1000001x32xf32, #tpu.memory_space<hbm>> -> memref<1x32xf32, #tpu.memory_space<hbm>>
    tpu.enqueue_dma source(%dma_start3A_292 : memref<1x32xf32, #tpu.memory_space<hbm>>) target(%dma_start3A_290 : memref<1x32xf32, #tpu.memory_space<vmem>>) target_semaphore(%arg13 : memref<!tpu.dma_semaphore, #tpu.memory_space<semaphore_mem>>)
    %slice3A_293 = vector.extract_strided_slice %get3A_4 {offsets = [12], sizes = [1], strides = [1]} : vector<16xi32> to vector<1xi32>
    %squeeze3A_294 = vector.extract %slice3A_293[0] : i32 from vector<1xi32>
    %dma_start3A_295 = arith.constant 12 : i32
    %dma_start3A_296 = arith.constant 0 : i32
    %dma_start3A_297 = tpu.memref_slice %arg10[%dma_start3A_295, %dma_start3A_296] : memref<256x32xf32, #tpu.memory_space<vmem>> -> memref<1x32xf32, #tpu.memory_space<vmem>>
    %dma_start3A_298 = arith.constant 0 : i32
    %dma_start3A_299 = tpu.memref_slice %arg2[%squeeze3A_294, %dma_start3A_298] : memref<1000001x32xf32, #tpu.memory_space<hbm>> -> memref<1x32xf32, #tpu.memory_space<hbm>>
    %dma_start3A_300 = arith.constant 12 : i32
    %dma_start3A_301 = arith.constant 0 : i32
    %dma_start3A_302 = tpu.memref_slice %arg10[%dma_start3A_300, %dma_start3A_301] : memref<256x32xf32, #tpu.memory_space<vmem>> -> memref<1x32xf32, #tpu.memory_space<vmem>>
    %dma_start3A_303 = arith.constant 0 : i32
    %dma_start3A_304 = tpu.memref_slice %arg2[%squeeze3A_294, %dma_start3A_303] : memref<1000001x32xf32, #tpu.memory_space<hbm>> -> memref<1x32xf32, #tpu.memory_space<hbm>>
    tpu.enqueue_dma source(%dma_start3A_304 : memref<1x32xf32, #tpu.memory_space<hbm>>) target(%dma_start3A_302 : memref<1x32xf32, #tpu.memory_space<vmem>>) target_semaphore(%arg12 : memref<!tpu.dma_semaphore, #tpu.memory_space<semaphore_mem>>)
    %slice3A_305 = vector.extract_strided_slice %get3A_7 {offsets = [12], sizes = [1], strides = [1]} : vector<16xi32> to vector<1xi32>
    %squeeze3A_306 = vector.extract %slice3A_305[0] : i32 from vector<1xi32>
    %dma_start3A_307 = arith.constant 12 : i32
    %dma_start3A_308 = arith.constant 0 : i32
    %dma_start3A_309 = tpu.memref_slice %arg11[%dma_start3A_307, %dma_start3A_308] : memref<256x32xf32, #tpu.memory_space<vmem>> -> memref<1x32xf32, #tpu.memory_space<vmem>>
    %dma_start3A_310 = arith.constant 0 : i32
    %dma_start3A_311 = tpu.memref_slice %arg3[%squeeze3A_306, %dma_start3A_310] : memref<1000001x32xf32, #tpu.memory_space<hbm>> -> memref<1x32xf32, #tpu.memory_space<hbm>>
    %dma_start3A_312 = arith.constant 12 : i32
    %dma_start3A_313 = arith.constant 0 : i32
    %dma_start3A_314 = tpu.memref_slice %arg11[%dma_start3A_312, %dma_start3A_313] : memref<256x32xf32, #tpu.memory_space<vmem>> -> memref<1x32xf32, #tpu.memory_space<vmem>>
    %dma_start3A_315 = arith.constant 0 : i32
    %dma_start3A_316 = tpu.memref_slice %arg3[%squeeze3A_306, %dma_start3A_315] : memref<1000001x32xf32, #tpu.memory_space<hbm>> -> memref<1x32xf32, #tpu.memory_space<hbm>>
    tpu.enqueue_dma source(%dma_start3A_316 : memref<1x32xf32, #tpu.memory_space<hbm>>) target(%dma_start3A_314 : memref<1x32xf32, #tpu.memory_space<vmem>>) target_semaphore(%arg13 : memref<!tpu.dma_semaphore, #tpu.memory_space<semaphore_mem>>)
    %slice3A_317 = vector.extract_strided_slice %get3A_4 {offsets = [13], sizes = [1], strides = [1]} : vector<16xi32> to vector<1xi32>
    %squeeze3A_318 = vector.extract %slice3A_317[0] : i32 from vector<1xi32>
    %dma_start3A_319 = arith.constant 13 : i32
    %dma_start3A_320 = arith.constant 0 : i32
    %dma_start3A_321 = tpu.memref_slice %arg10[%dma_start3A_319, %dma_start3A_320] : memref<256x32xf32, #tpu.memory_space<vmem>> -> memref<1x32xf32, #tpu.memory_space<vmem>>
    %dma_start3A_322 = arith.constant 0 : i32
    %dma_start3A_323 = tpu.memref_slice %arg2[%squeeze3A_318, %dma_start3A_322] : memref<1000001x32xf32, #tpu.memory_space<hbm>> -> memref<1x32xf32, #tpu.memory_space<hbm>>
    %dma_start3A_324 = arith.constant 13 : i32
    %dma_start3A_325 = arith.constant 0 : i32
    %dma_start3A_326 = tpu.memref_slice %arg10[%dma_start3A_324, %dma_start3A_325] : memref<256x32xf32, #tpu.memory_space<vmem>> -> memref<1x32xf32, #tpu.memory_space<vmem>>
    %dma_start3A_327 = arith.constant 0 : i32
    %dma_start3A_328 = tpu.memref_slice %arg2[%squeeze3A_318, %dma_start3A_327] : memref<1000001x32xf32, #tpu.memory_space<hbm>> -> memref<1x32xf32, #tpu.memory_space<hbm>>
    tpu.enqueue_dma source(%dma_start3A_328 : memref<1x32xf32, #tpu.memory_space<hbm>>) target(%dma_start3A_326 : memref<1x32xf32, #tpu.memory_space<vmem>>) target_semaphore(%arg12 : memref<!tpu.dma_semaphore, #tpu.memory_space<semaphore_mem>>)
    %slice3A_329 = vector.extract_strided_slice %get3A_7 {offsets = [13], sizes = [1], strides = [1]} : vector<16xi32> to vector<1xi32>
    %squeeze3A_330 = vector.extract %slice3A_329[0] : i32 from vector<1xi32>
    %dma_start3A_331 = arith.constant 13 : i32
    %dma_start3A_332 = arith.constant 0 : i32
    %dma_start3A_333 = tpu.memref_slice %arg11[%dma_start3A_331, %dma_start3A_332] : memref<256x32xf32, #tpu.memory_space<vmem>> -> memref<1x32xf32, #tpu.memory_space<vmem>>
    %dma_start3A_334 = arith.constant 0 : i32
    %dma_start3A_335 = tpu.memref_slice %arg3[%squeeze3A_330, %dma_start3A_334] : memref<1000001x32xf32, #tpu.memory_space<hbm>> -> memref<1x32xf32, #tpu.memory_space<hbm>>
    %dma_start3A_336 = arith.constant 13 : i32
    %dma_start3A_337 = arith.constant 0 : i32
    %dma_start3A_338 = tpu.memref_slice %arg11[%dma_start3A_336, %dma_start3A_337] : memref<256x32xf32, #tpu.memory_space<vmem>> -> memref<1x32xf32, #tpu.memory_space<vmem>>
    %dma_start3A_339 = arith.constant 0 : i32
    %dma_start3A_340 = tpu.memref_slice %arg3[%squeeze3A_330, %dma_start3A_339] : memref<1000001x32xf32, #tpu.memory_space<hbm>> -> memref<1x32xf32, #tpu.memory_space<hbm>>
    tpu.enqueue_dma source(%dma_start3A_340 : memref<1x32xf32, #tpu.memory_space<hbm>>) target(%dma_start3A_338 : memref<1x32xf32, #tpu.memory_space<vmem>>) target_semaphore(%arg13 : memref<!tpu.dma_semaphore, #tpu.memory_space<semaphore_mem>>)
    %slice3A_341 = vector.extract_strided_slice %get3A_4 {offsets = [14], sizes = [1], strides = [1]} : vector<16xi32> to vector<1xi32>
    %squeeze3A_342 = vector.extract %slice3A_341[0] : i32 from vector<1xi32>
    %dma_start3A_343 = arith.constant 14 : i32
    %dma_start3A_344 = arith.constant 0 : i32
    %dma_start3A_345 = tpu.memref_slice %arg10[%dma_start3A_343, %dma_start3A_344] : memref<256x32xf32, #tpu.memory_space<vmem>> -> memref<1x32xf32, #tpu.memory_space<vmem>>
    %dma_start3A_346 = arith.constant 0 : i32
    %dma_start3A_347 = tpu.memref_slice %arg2[%squeeze3A_342, %dma_start3A_346] : memref<1000001x32xf32, #tpu.memory_space<hbm>> -> memref<1x32xf32, #tpu.memory_space<hbm>>
    %dma_start3A_348 = arith.constant 14 : i32
    %dma_start3A_349 = arith.constant 0 : i32
    %dma_start3A_350 = tpu.memref_slice %arg10[%dma_start3A_348, %dma_start3A_349] : memref<256x32xf32, #tpu.memory_space<vmem>> -> memref<1x32xf32, #tpu.memory_space<vmem>>
    %dma_start3A_351 = arith.constant 0 : i32
    %dma_start3A_352 = tpu.memref_slice %arg2[%squeeze3A_342, %dma_start3A_351] : memref<1000001x32xf32, #tpu.memory_space<hbm>> -> memref<1x32xf32, #tpu.memory_space<hbm>>
    tpu.enqueue_dma source(%dma_start3A_352 : memref<1x32xf32, #tpu.memory_space<hbm>>) target(%dma_start3A_350 : memref<1x32xf32, #tpu.memory_space<vmem>>) target_semaphore(%arg12 : memref<!tpu.dma_semaphore, #tpu.memory_space<semaphore_mem>>)
    %slice3A_353 = vector.extract_strided_slice %get3A_7 {offsets = [14], sizes = [1], strides = [1]} : vector<16xi32> to vector<1xi32>
    %squeeze3A_354 = vector.extract %slice3A_353[0] : i32 from vector<1xi32>
    %dma_start3A_355 = arith.constant 14 : i32
    %dma_start3A_356 = arith.constant 0 : i32
    %dma_start3A_357 = tpu.memref_slice %arg11[%dma_start3A_355, %dma_start3A_356] : memref<256x32xf32, #tpu.memory_space<vmem>> -> memref<1x32xf32, #tpu.memory_space<vmem>>
    %dma_start3A_358 = arith.constant 0 : i32
    %dma_start3A_359 = tpu.memref_slice %arg3[%squeeze3A_354, %dma_start3A_358] : memref<1000001x32xf32, #tpu.memory_space<hbm>> -> memref<1x32xf32, #tpu.memory_space<hbm>>
    %dma_start3A_360 = arith.constant 14 : i32
    %dma_start3A_361 = arith.constant 0 : i32
    %dma_start3A_362 = tpu.memref_slice %arg11[%dma_start3A_360, %dma_start3A_361] : memref<256x32xf32, #tpu.memory_space<vmem>> -> memref<1x32xf32, #tpu.memory_space<vmem>>
    %dma_start3A_363 = arith.constant 0 : i32
    %dma_start3A_364 = tpu.memref_slice %arg3[%squeeze3A_354, %dma_start3A_363] : memref<1000001x32xf32, #tpu.memory_space<hbm>> -> memref<1x32xf32, #tpu.memory_space<hbm>>
    tpu.enqueue_dma source(%dma_start3A_364 : memref<1x32xf32, #tpu.memory_space<hbm>>) target(%dma_start3A_362 : memref<1x32xf32, #tpu.memory_space<vmem>>) target_semaphore(%arg13 : memref<!tpu.dma_semaphore, #tpu.memory_space<semaphore_mem>>)
    %slice3A_365 = vector.extract_strided_slice %get3A_4 {offsets = [15], sizes = [1], strides = [1]} : vector<16xi32> to vector<1xi32>
    %squeeze3A_366 = vector.extract %slice3A_365[0] : i32 from vector<1xi32>
    %dma_start3A_367 = arith.constant 15 : i32
    %dma_start3A_368 = arith.constant 0 : i32
    %dma_start3A_369 = tpu.memref_slice %arg10[%dma_start3A_367, %dma_start3A_368] : memref<256x32xf32, #tpu.memory_space<vmem>> -> memref<1x32xf32, #tpu.memory_space<vmem>>
    %dma_start3A_370 = arith.constant 0 : i32
    %dma_start3A_371 = tpu.memref_slice %arg2[%squeeze3A_366, %dma_start3A_370] : memref<1000001x32xf32, #tpu.memory_space<hbm>> -> memref<1x32xf32, #tpu.memory_space<hbm>>
    %dma_start3A_372 = arith.constant 15 : i32
    %dma_start3A_373 = arith.constant 0 : i32
    %dma_start3A_374 = tpu.memref_slice %arg10[%dma_start3A_372, %dma_start3A_373] : memref<256x32xf32, #tpu.memory_space<vmem>> -> memref<1x32xf32, #tpu.memory_space<vmem>>
    %dma_start3A_375 = arith.constant 0 : i32
    %dma_start3A_376 = tpu.memref_slice %arg2[%squeeze3A_366, %dma_start3A_375] : memref<1000001x32xf32, #tpu.memory_space<hbm>> -> memref<1x32xf32, #tpu.memory_space<hbm>>
    tpu.enqueue_dma source(%dma_start3A_376 : memref<1x32xf32, #tpu.memory_space<hbm>>) target(%dma_start3A_374 : memref<1x32xf32, #tpu.memory_space<vmem>>) target_semaphore(%arg12 : memref<!tpu.dma_semaphore, #tpu.memory_space<semaphore_mem>>)
    %slice3A_377 = vector.extract_strided_slice %get3A_7 {offsets = [15], sizes = [1], strides = [1]} : vector<16xi32> to vector<1xi32>
    %squeeze3A_378 = vector.extract %slice3A_377[0] : i32 from vector<1xi32>
    %dma_start3A_379 = arith.constant 15 : i32
    %dma_start3A_380 = arith.constant 0 : i32
    %dma_start3A_381 = tpu.memref_slice %arg11[%dma_start3A_379, %dma_start3A_380] : memref<256x32xf32, #tpu.memory_space<vmem>> -> memref<1x32xf32, #tpu.memory_space<vmem>>
    %dma_start3A_382 = arith.constant 0 : i32
    %dma_start3A_383 = tpu.memref_slice %arg3[%squeeze3A_378, %dma_start3A_382] : memref<1000001x32xf32, #tpu.memory_space<hbm>> -> memref<1x32xf32, #tpu.memory_space<hbm>>
    %dma_start3A_384 = arith.constant 15 : i32
    %dma_start3A_385 = arith.constant 0 : i32
    %dma_start3A_386 = tpu.memref_slice %arg11[%dma_start3A_384, %dma_start3A_385] : memref<256x32xf32, #tpu.memory_space<vmem>> -> memref<1x32xf32, #tpu.memory_space<vmem>>
    %dma_start3A_387 = arith.constant 0 : i32
    %dma_start3A_388 = tpu.memref_slice %arg3[%squeeze3A_378, %dma_start3A_387] : memref<1000001x32xf32, #tpu.memory_space<hbm>> -> memref<1x32xf32, #tpu.memory_space<hbm>>
    tpu.enqueue_dma source(%dma_start3A_388 : memref<1x32xf32, #tpu.memory_space<hbm>>) target(%dma_start3A_386 : memref<1x32xf32, #tpu.memory_space<vmem>>) target_semaphore(%arg13 : memref<!tpu.dma_semaphore, #tpu.memory_space<semaphore_mem>>)
    %get3A_389 = arith.constant 16 : index
    %get3A_390 = tpu.vector_load %arg8[%get3A_389] {strides = array<i32>} : memref<512xi32, #tpu.memory_space<vmem>>, vector<16xi32>,
    %get3A_391 = vector.shape_cast %get3A_390 : vector<16xi32> to vector<16xi32>
    %get3A_392 = arith.constant 16 : index
    %get3A_393 = tpu.vector_load %arg9[%get3A_392] {strides = array<i32>} : memref<512xi32, #tpu.memory_space<vmem>>, vector<16xi32>,
    %get3A_394 = vector.shape_cast %get3A_393 : vector<16xi32> to vector<16xi32>
    %slice3A_395 = vector.extract_strided_slice %get3A_391 {offsets = [0], sizes = [1], strides = [1]} : vector<16xi32> to vector<1xi32>
    %squeeze3A_396 = vector.extract %slice3A_395[0] : i32 from vector<1xi32>
    %dma_start3A_397 = arith.constant 16 : i32
    %dma_start3A_398 = arith.constant 0 : i32
    %dma_start3A_399 = tpu.memref_slice %arg10[%dma_start3A_397, %dma_start3A_398] : memref<256x32xf32, #tpu.memory_space<vmem>> -> memref<1x32xf32, #tpu.memory_space<vmem>>
    %dma_start3A_400 = arith.constant 0 : i32
    %dma_start3A_401 = tpu.memref_slice %arg2[%squeeze3A_396, %dma_start3A_400] : memref<1000001x32xf32, #tpu.memory_space<hbm>> -> memref<1x32xf32, #tpu.memory_space<hbm>>
    %dma_start3A_402 = arith.constant 16 : i32
    %dma_start3A_403 = arith.constant 0 : i32
    %dma_start3A_404 = tpu.memref_slice %arg10[%dma_start3A_402, %dma_start3A_403] : memref<256x32xf32, #tpu.memory_space<vmem>> -> memref<1x32xf32, #tpu.memory_space<vmem>>
    %dma_start3A_405 = arith.constant 0 : i32
    %dma_start3A_406 = tpu.memref_slice %arg2[%squeeze3A_396, %dma_start3A_405] : memref<1000001x32xf32, #tpu.memory_space<hbm>> -> memref<1x32xf32, #tpu.memory_space<hbm>>
    tpu.enqueue_dma source(%dma_start3A_406 : memref<1x32xf32, #tpu.memory_space<hbm>>) target(%dma_start3A_404 : memref<1x32xf32, #tpu.memory_space<vmem>>) target_semaphore(%arg12 : memref<!tpu.dma_semaphore, #tpu.memory_space<semaphore_mem>>)
    %slice3A_407 = vector.extract_strided_slice %get3A_394 {offsets = [0], sizes = [1], strides = [1]} : vector<16xi32> to vector<1xi32>
    %squeeze3A_408 = vector.extract %slice3A_407[0] : i32 from vector<1xi32>
    %dma_start3A_409 = arith.constant 16 : i32
    %dma_start3A_410 = arith.constant 0 : i32
    %dma_start3A_411 = tpu.memref_slice %arg11[%dma_start3A_409, %dma_start3A_410] : memref<256x32xf32, #tpu.memory_space<vmem>> -> memref<1x32xf32, #tpu.memory_space<vmem>>
    %dma_start3A_412 = arith.constant 0 : i32
    %dma_start3A_413 = tpu.memref_slice %arg3[%squeeze3A_408, %dma_start3A_412] : memref<1000001x32xf32, #tpu.memory_space<hbm>> -> memref<1x32xf32, #tpu.memory_space<hbm>>
    %dma_start3A_414 = arith.constant 16 : i32
    %dma_start3A_415 = arith.constant 0 : i32
    %dma_start3A_416 = tpu.memref_slice %arg11[%dma_start3A_414, %dma_start3A_415] : memref<256x32xf32, #tpu.memory_space<vmem>> -> memref<1x32xf32, #tpu.memory_space<vmem>>
    %dma_start3A_417 = arith.constant 0 : i32
    %dma_start3A_418 = tpu.memref_slice %arg3[%squeeze3A_408, %dma_start3A_417] : memref<1000001x32xf32, #tpu.memory_space<hbm>> -> memref<1x32xf32, #tpu.memory_space<hbm>>
    tpu.enqueue_dma source(%dma_start3A_418 : memref<1x32xf32, #tpu.memory_space<hbm>>) target(%dma_start3A_416 : memref<1x32xf32, #tpu.memory_space<vmem>>) target_semaphore(%arg13 : memref<!tpu.dma_semaphore, #tpu.memory_space<semaphore_mem>>)
    %slice3A_419 = vector.extract_strided_slice %get3A_391 {offsets = [1], sizes = [1], strides = [1]} : vector<16xi32> to vector<1xi32>
    %squeeze3A_420 = vector.extract %slice3A_419[0] : i32 from vector<1xi32>
    %dma_start3A_421 = arith.constant 17 : i32
    %dma_start3A_422 = arith.constant 0 : i32
    %dma_start3A_423 = tpu.memref_slice %arg10[%dma_start3A_421, %dma_start3A_422] : memref<256x32xf32, #tpu.memory_space<vmem>> -> memref<1x32xf32, #tpu.memory_space<vmem>>
    %dma_start3A_424 = arith.constant 0 : i32
    %dma_start3A_425 = tpu.memref_slice %arg2[%squeeze3A_420, %dma_start3A_424] : memref<1000001x32xf32, #tpu.memory_space<hbm>> -> memref<1x32xf32, #tpu.memory_space<hbm>>
    %dma_start3A_426 = arith.constant 17 : i32
    %dma_start3A_427 = arith.constant 0 : i32
    %dma_start3A_428 = tpu.memref_slice %arg10[%dma_start3A_426, %dma_start3A_427] : memref<256x32xf32, #tpu.memory_space<vmem>> -> memref<1x32xf32, #tpu.memory_space<vmem>>
    %dma_start3A_429 = arith.constant 0 : i32
    %dma_start3A_430 = tpu.memref_slice %arg2[%squeeze3A_420, %dma_start3A_429] : memref<1000001x32xf32, #tpu.memory_space<hbm>> -> memref<1x32xf32, #tpu.memory_space<hbm>>
    tpu.enqueue_dma source(%dma_start3A_430 : memref<1x32xf32, #tpu.memory_space<hbm>>) target(%dma_start3A_428 : memref<1x32xf32, #tpu.memory_space<vmem>>) target_semaphore(%arg12 : memref<!tpu.dma_semaphore, #tpu.memory_space<semaphore_mem>>)
    %slice3A_431 = vector.extract_strided_slice %get3A_394 {offsets = [1], sizes = [1], strides = [1]} : vector<16xi32> to vector<1xi32>
    %squeeze3A_432 = vector.extract %slice3A_431[0] : i32 from vector<1xi32>
    %dma_start3A_433 = arith.constant 17 : i32
    %dma_start3A_434 = arith.constant 0 : i32
    %dma_start3A_435 = tpu.memref_slice %arg11[%dma_start3A_433, %dma_start3A_434] : memref<256x32xf32, #tpu.memory_space<vmem>> -> memref<1x32xf32, #tpu.memory_space<vmem>>
    %dma_start3A_436 = arith.constant 0 : i32
    %dma_start3A_437 = tpu.memref_slice %arg3[%squeeze3A_432, %dma_start3A_436] : memref<1000001x32xf32, #tpu.memory_space<hbm>> -> memref<1x32xf32, #tpu.memory_space<hbm>>
    %dma_start3A_438 = arith.constant 17 : i32
    %dma_start3A_439 = arith.constant 0 : i32
    %dma_start3A_440 = tpu.memref_slice %arg11[%dma_start3A_438, %dma_start3A_439] : memref<256x32xf32, #tpu.memory_space<vmem>> -> memref<1x32xf32, #tpu.memory_space<vmem>>
    %dma_start3A_441 = arith.constant 0 : i32
    %dma_start3A_442 = tpu.memref_slice %arg3[%squeeze3A_432, %dma_start3A_441] : memref<1000001x32xf32, #tpu.memory_space<hbm>> -> memref<1x32xf32, #tpu.memory_space<hbm>>
    tpu.enqueue_dma source(%dma_start3A_442 : memref<1x32xf32, #tpu.memory_space<hbm>>) target(%dma_start3A_440 : memref<1x32xf32, #tpu.memory_space<vmem>>) target_semaphore(%arg13 : memref<!tpu.dma_semaphore, #tpu.memory_space<semaphore_mem>>)
    %slice3A_443 = vector.extract_strided_slice %get3A_391 {offsets = [2], sizes = [1], strides = [1]} : vector<16xi32> to vector<1xi32>
    %squeeze3A_444 = vector.extract %slice3A_443[0] : i32 from vector<1xi32>
    %dma_start3A_445 = arith.constant 18 : i32
    %dma_start3A_446 = arith.constant 0 : i32
    %dma_start3A_447 = tpu.memref_slice %arg10[%dma_start3A_445, %dma_start3A_446] : memref<256x32xf32, #tpu.memory_space<vmem>> -> memref<1x32xf32, #tpu.memory_space<vmem>>
    %dma_start3A_448 = arith.constant 0 : i32
    %dma_start3A_449 = tpu.memref_slice %arg2[%squeeze3A_444, %dma_start3A_448] : memref<1000001x32xf32, #tpu.memory_space<hbm>> -> memref<1x32xf32, #tpu.memory_space<hbm>>
    %dma_start3A_450 = arith.constant 18 : i32
    %dma_start3A_451 = arith.constant 0 : i32
    %dma_start3A_452 = tpu.memref_slice %arg10[%dma_start3A_450, %dma_start3A_451] : memref<256x32xf32, #tpu.memory_space<vmem>> -> memref<1x32xf32, #tpu.memory_space<vmem>>
    %dma_start3A_453 = arith.constant 0 : i32
    %dma_start3A_454 = tpu.memref_slice %arg2[%squeeze3A_444, %dma_start3A_453] : memref<1000001x32xf32, #tpu.memory_space<hbm>> -> memref<1x32xf32, #tpu.memory_space<hbm>>
    tpu.enqueue_dma source(%dma_start3A_454 : memref<1x32xf32, #tpu.memory_space<hbm>>) target(%dma_start3A_452 : memref<1x32xf32, #tpu.memory_space<vmem>>) target_semaphore(%arg12 : memref<!tpu.dma_semaphore, #tpu.memory_space<semaphore_mem>>)
    %slice3A_455 = vector.extract_strided_slice %get3A_394 {offsets = [2], sizes = [1], strides = [1]} : vector<16xi32> to vector<1xi32>
    %squeeze3A_456 = vector.extract %slice3A_455[0] : i32 from vector<1xi32>
    %dma_start3A_457 = arith.constant 18 : i32
    %dma_start3A_458 = arith.constant 0 : i32
    %dma_start3A_459 = tpu.memref_slice %arg11[%dma_start3A_457, %dma_start3A_458] : memref<256x32xf32, #tpu.memory_space<vmem>> -> memref<1x32xf32, #tpu.memory_space<vmem>>
    %dma_start3A_460 = arith.constant 0 : i32
    %dma_start3A_461 = tpu.memref_slice %arg3[%squeeze3A_456, %dma_start3A_460] : memref<1000001x32xf32, #tpu.memory_space<hbm>> -> memref<1x32xf32, #tpu.memory_space<hbm>>
    %dma_start3A_462 = arith.constant 18 : i32
    %dma_start3A_463 = arith.constant 0 : i32
    %dma_start3A_464 = tpu.memref_slice %arg11[%dma_start3A_462, %dma_start3A_463] : memref<256x32xf32, #tpu.memory_space<vmem>> -> memref<1x32xf32, #tpu.memory_space<vmem>>
    %dma_start3A_465 = arith.constant 0 : i32
    %dma_start3A_466 = tpu.memref_slice %arg3[%squeeze3A_456, %dma_start3A_465] : memref<1000001x32xf32, #tpu.memory_space<hbm>> -> memref<1x32xf32, #tpu.memory_space<hbm>>
    tpu.enqueue_dma source(%dma_start3A_466 : memref<1x32xf32, #tpu.memory_space<hbm>>) target(%dma_start3A_464 : memref<1x32xf32, #tpu.memory_space<vmem>>) target_semaphore(%arg13 : memref<!tpu.dma_semaphore, #tpu.memory_space<semaphore_mem>>)
    %slice3A_467 = vector.extract_strided_slice %get3A_391 {offsets = [3], sizes = [1], strides = [1]} : vector<16xi32> to vector<1xi32>
    %squeeze3A_468 = vector.extract %slice3A_467[0] : i32 from vector<1xi32>
    %dma_start3A_469 = arith.constant 19 : i32
    %dma_start3A_470 = arith.constant 0 : i32
    %dma_start3A_471 = tpu.memref_slice %arg10[%dma_start3A_469, %dma_start3A_470] : memref<256x32xf32, #tpu.memory_space<vmem>> -> memref<1x32xf32, #tpu.memory_space<vmem>>
    %dma_start3A_472 = arith.constant 0 : i32
    %dma_start3A_473 = tpu.memref_slice %arg2[%squeeze3A_468, %dma_start3A_472] : memref<1000001x32xf32, #tpu.memory_space<hbm>> -> memref<1x32xf32, #tpu.memory_space<hbm>>
    %dma_start3A_474 = arith.constant 19 : i32
    %dma_start3A_475 = arith.constant 0 : i32
    %dma_start3A_476 = tpu.memref_slice %arg10[%dma_start3A_474, %dma_start3A_475] : memref<256x32xf32, #tpu.memory_space<vmem>> -> memref<1x32xf32, #tpu.memory_space<vmem>>
    %dma_start3A_477 = arith.constant 0 : i32
    %dma_start3A_478 = tpu.memref_slice %arg2[%squeeze3A_468, %dma_start3A_477] : memref<1000001x32xf32, #tpu.memory_space<hbm>> -> memref<1x32xf32, #tpu.memory_space<hbm>>
    tpu.enqueue_dma source(%dma_start3A_478 : memref<1x32xf32, #tpu.memory_space<hbm>>) target(%dma_start3A_476 : memref<1x32xf32, #tpu.memory_space<vmem>>) target_semaphore(%arg12 : memref<!tpu.dma_semaphore, #tpu.memory_space<semaphore_mem>>)
    %slice3A_479 = vector.extract_strided_slice %get3A_394 {offsets = [3], sizes = [1], strides = [1]} : vector<16xi32> to vector<1xi32>
    %squeeze3A_480 = vector.extract %slice3A_479[0] : i32 from vector<1xi32>
    %dma_start3A_481 = arith.constant 19 : i32
    %dma_start3A_482 = arith.constant 0 : i32
    %dma_start3A_483 = tpu.memref_slice %arg11[%dma_start3A_481, %dma_start3A_482] : memref<256x32xf32, #tpu.memory_space<vmem>> -> memref<1x32xf32, #tpu.memory_space<vmem>>
    %dma_start3A_484 = arith.constant 0 : i32
    %dma_start3A_485 = tpu.memref_slice %arg3[%squeeze3A_480, %dma_start3A_484] : memref<1000001x32xf32, #tpu.memory_space<hbm>> -> memref<1x32xf32, #tpu.memory_space<hbm>>
    %dma_start3A_486 = arith.constant 19 : i32
    %dma_start3A_487 = arith.constant 0 : i32
    %dma_start3A_488 = tpu.memref_slice %arg11[%dma_start3A_486, %dma_start3A_487] : memref<256x32xf32, #tpu.memory_space<vmem>> -> memref<1x32xf32, #tpu.memory_space<vmem>>
    %dma_start3A_489 = arith.constant 0 : i32
    %dma_start3A_490 = tpu.memref_slice %arg3[%squeeze3A_480, %dma_start3A_489] : memref<1000001x32xf32, #tpu.memory_space<hbm>> -> memref<1x32xf32, #tpu.memory_space<hbm>>
    tpu.enqueue_dma source(%dma_start3A_490 : memref<1x32xf32, #tpu.memory_space<hbm>>) target(%dma_start3A_488 : memref<1x32xf32, #tpu.memory_space<vmem>>) target_semaphore(%arg13 : memref<!tpu.dma_semaphore, #tpu.memory_space<semaphore_mem>>)
    %slice3A_491 = vector.extract_strided_slice %get3A_391 {offsets = [4], sizes = [1], strides = [1]} : vector<16xi32> to vector<1xi32>
    %squeeze3A_492 = vector.extract %slice3A_491[0] : i32 from vector<1xi32>
    %dma_start3A_493 = arith.constant 20 : i32
    %dma_start3A_494 = arith.constant 0 : i32
    %dma_start3A_495 = tpu.memref_slice %arg10[%dma_start3A_493, %dma_start3A_494] : memref<256x32xf32, #tpu.memory_space<vmem>> -> memref<1x32xf32, #tpu.memory_space<vmem>>
    %dma_start3A_496 = arith.constant 0 : i32
    %dma_start3A_497 = tpu.memref_slice %arg2[%squeeze3A_492, %dma_start3A_496] : memref<1000001x32xf32, #tpu.memory_space<hbm>> -> memref<1x32xf32, #tpu.memory_space<hbm>>
    %dma_start3A_498 = arith.constant 20 : i32
    %dma_start3A_499 = arith.constant 0 : i32
    %dma_start3A_500 = tpu.memref_slice %arg10[%dma_start3A_498, %dma_start3A_499] : memref<256x32xf32, #tpu.memory_space<vmem>> -> memref<1x32xf32, #tpu.memory_space<vmem>>
    %dma_start3A_501 = arith.constant 0 : i32
    %dma_start3A_502 = tpu.memref_slice %arg2[%squeeze3A_492, %dma_start3A_501] : memref<1000001x32xf32, #tpu.memory_space<hbm>> -> memref<1x32xf32, #tpu.memory_space<hbm>>
    tpu.enqueue_dma source(%dma_start3A_502 : memref<1x32xf32, #tpu.memory_space<hbm>>) target(%dma_start3A_500 : memref<1x32xf32, #tpu.memory_space<vmem>>) target_semaphore(%arg12 : memref<!tpu.dma_semaphore, #tpu.memory_space<semaphore_mem>>)
    %slice3A_503 = vector.extract_strided_slice %get3A_394 {offsets = [4], sizes = [1], strides = [1]} : vector<16xi32> to vector<1xi32>
    %squeeze3A_504 = vector.extract %slice3A_503[0] : i32 from vector<1xi32>
    %dma_start3A_505 = arith.constant 20 : i32
    %dma_start3A_506 = arith.constant 0 : i32
    %dma_start3A_507 = tpu.memref_slice %arg11[%dma_start3A_505, %dma_start3A_506] : memref<256x32xf32, #tpu.memory_space<vmem>> -> memref<1x32xf32, #tpu.memory_space<vmem>>
    %dma_start3A_508 = arith.constant 0 : i32
    %dma_start3A_509 = tpu.memref_slice %arg3[%squeeze3A_504, %dma_start3A_508] : memref<1000001x32xf32, #tpu.memory_space<hbm>> -> memref<1x32xf32, #tpu.memory_space<hbm>>
    %dma_start3A_510 = arith.constant 20 : i32
    %dma_start3A_511 = arith.constant 0 : i32
    %dma_start3A_512 = tpu.memref_slice %arg11[%dma_start3A_510, %dma_start3A_511] : memref<256x32xf32, #tpu.memory_space<vmem>> -> memref<1x32xf32, #tpu.memory_space<vmem>>
    %dma_start3A_513 = arith.constant 0 : i32
    %dma_start3A_514 = tpu.memref_slice %arg3[%squeeze3A_504, %dma_start3A_513] : memref<1000001x32xf32, #tpu.memory_space<hbm>> -> memref<1x32xf32, #tpu.memory_space<hbm>>
    tpu.enqueue_dma source(%dma_start3A_514 : memref<1x32xf32, #tpu.memory_space<hbm>>) target(%dma_start3A_512 : memref<1x32xf32, #tpu.memory_space<vmem>>) target_semaphore(%arg13 : memref<!tpu.dma_semaphore, #tpu.memory_space<semaphore_mem>>)
    %slice3A_515 = vector.extract_strided_slice %get3A_391 {offsets = [5], sizes = [1], strides = [1]} : vector<16xi32> to vector<1xi32>
    %squeeze3A_516 = vector.extract %slice3A_515[0] : i32 from vector<1xi32>
    %dma_start3A_517 = arith.constant 21 : i32
    %dma_start3A_518 = arith.constant 0 : i32
    %dma_start3A_519 = tpu.memref_slice %arg10[%dma_start3A_517, %dma_start3A_518] : memref<256x32xf32, #tpu.memory_space<vmem>> -> memref<1x32xf32, #tpu.memory_space<vmem>>
    %dma_start3A_520 = arith.constant 0 : i32
    %dma_start3A_521 = tpu.memref_slice %arg2[%squeeze3A_516, %dma_start3A_520] : memref<1000001x32xf32, #tpu.memory_space<hbm>> -> memref<1x32xf32, #tpu.memory_space<hbm>>
    %dma_start3A_522 = arith.constant 21 : i32
    %dma_start3A_523 = arith.constant 0 : i32
    %dma_start3A_524 = tpu.memref_slice %arg10[%dma_start3A_522, %dma_start3A_523] : memref<256x32xf32, #tpu.memory_space<vmem>> -> memref<1x32xf32, #tpu.memory_space<vmem>>
    %dma_start3A_525 = arith.constant 0 : i32
    %dma_start3A_526 = tpu.memref_slice %arg2[%squeeze3A_516, %dma_start3A_525] : memref<1000001x32xf32, #tpu.memory_space<hbm>> -> memref<1x32xf32, #tpu.memory_space<hbm>>
    tpu.enqueue_dma source(%dma_start3A_526 : memref<1x32xf32, #tpu.memory_space<hbm>>) target(%dma_start3A_524 : memref<1x32xf32, #tpu.memory_space<vmem>>) target_semaphore(%arg12 : memref<!tpu.dma_semaphore, #tpu.memory_space<semaphore_mem>>)
    %slice3A_527 = vector.extract_strided_slice %get3A_394 {offsets = [5], sizes = [1], strides = [1]} : vector<16xi32> to vector<1xi32>
    %squeeze3A_528 = vector.extract %slice3A_527[0] : i32 from vector<1xi32>
    %dma_start3A_529 = arith.constant 21 : i32
    %dma_start3A_530 = arith.constant 0 : i32
    %dma_start3A_531 = tpu.memref_slice %arg11[%dma_start3A_529, %dma_start3A_530] : memref<256x32xf32, #tpu.memory_space<vmem>> -> memref<1x32xf32, #tpu.memory_space<vmem>>
    %dma_start3A_532 = arith.constant 0 : i32
    %dma_start3A_533 = tpu.memref_slice %arg3[%squeeze3A_528, %dma_start3A_532] : memref<1000001x32xf32, #tpu.memory_space<hbm>> -> memref<1x32xf32, #tpu.memory_space<hbm>>
    %dma_start3A_534 = arith.constant 21 : i32
    %dma_start3A_535 = arith.constant 0 : i32
    %dma_start3A_536 = tpu.memref_slice %arg11[%dma_start3A_534, %dma_start3A_535] : memref<256x32xf32, #tpu.memory_space<vmem>> -> memref<1x32xf32, #tpu.memory_space<vmem>>
    %dma_start3A_537 = arith.constant 0 : i32
    %dma_start3A_538 = tpu.memref_slice %arg3[%squeeze3A_528, %dma_start3A_537] : memref<1000001x32xf32, #tpu.memory_space<hbm>> -> memref<1x32xf32, #tpu.memory_space<hbm>>
    tpu.enqueue_dma source(%dma_start3A_538 : memref<1x32xf32, #tpu.memory_space<hbm>>) target(%dma_start3A_536 : memref<1x32xf32, #tpu.memory_space<vmem>>) target_semaphore(%arg13 : memref<!tpu.dma_semaphore, #tpu.memory_space<semaphore_mem>>)
    %slice3A_539 = vector.extract_strided_slice %get3A_391 {offsets = [6], sizes = [1], strides = [1]} : vector<16xi32> to vector<1xi32>
    %squeeze3A_540 = vector.extract %slice3A_539[0] : i32 from vector<1xi32>
    %dma_start3A_541 = arith.constant 22 : i32
    %dma_start3A_542 = arith.constant 0 : i32
    %dma_start3A_543 = tpu.memref_slice %arg10[%dma_start3A_541, %dma_start3A_542] : memref<256x32xf32, #tpu.memory_space<vmem>> -> memref<1x32xf32, #tpu.memory_space<vmem>>
    %dma_start3A_544 = arith.constant 0 : i32
    %dma_start3A_545 = tpu.memref_slice %arg2[%squeeze3A_540, %dma_start3A_544] : memref<1000001x32xf32, #tpu.memory_space<hbm>> -> memref<1x32xf32, #tpu.memory_space<hbm>>
    %dma_start3A_546 = arith.constant 22 : i32
    %dma_start3A_547 = arith.constant 0 : i32
    %dma_start3A_548 = tpu.memref_slice %arg10[%dma_start3A_546, %dma_start3A_547] : memref<256x32xf32, #tpu.memory_space<vmem>> -> memref<1x32xf32, #tpu.memory_space<vmem>>
    %dma_start3A_549 = arith.constant 0 : i32
    %dma_start3A_550 = tpu.memref_slice %arg2[%squeeze3A_540, %dma_start3A_549] : memref<1000001x32xf32, #tpu.memory_space<hbm>> -> memref<1x32xf32, #tpu.memory_space<hbm>>
    tpu.enqueue_dma source(%dma_start3A_550 : memref<1x32xf32, #tpu.memory_space<hbm>>) target(%dma_start3A_548 : memref<1x32xf32, #tpu.memory_space<vmem>>) target_semaphore(%arg12 : memref<!tpu.dma_semaphore, #tpu.memory_space<semaphore_mem>>)
    %slice3A_551 = vector.extract_strided_slice %get3A_394 {offsets = [6], sizes = [1], strides = [1]} : vector<16xi32> to vector<1xi32>
    %squeeze3A_552 = vector.extract %slice3A_551[0] : i32 from vector<1xi32>
    %dma_start3A_553 = arith.constant 22 : i32
    %dma_start3A_554 = arith.constant 0 : i32
    %dma_start3A_555 = tpu.memref_slice %arg11[%dma_start3A_553, %dma_start3A_554] : memref<256x32xf32, #tpu.memory_space<vmem>> -> memref<1x32xf32, #tpu.memory_space<vmem>>
    %dma_start3A_556 = arith.constant 0 : i32
    %dma_start3A_557 = tpu.memref_slice %arg3[%squeeze3A_552, %dma_start3A_556] : memref<1000001x32xf32, #tpu.memory_space<hbm>> -> memref<1x32xf32, #tpu.memory_space<hbm>>
    %dma_start3A_558 = arith.constant 22 : i32
    %dma_start3A_559 = arith.constant 0 : i32
    %dma_start3A_560 = tpu.memref_slice %arg11[%dma_start3A_558, %dma_start3A_559] : memref<256x32xf32, #tpu.memory_space<vmem>> -> memref<1x32xf32, #tpu.memory_space<vmem>>
    %dma_start3A_561 = arith.constant 0 : i32
    %dma_start3A_562 = tpu.memref_slice %arg3[%squeeze3A_552, %dma_start3A_561] : memref<1000001x32xf32, #tpu.memory_space<hbm>> -> memref<1x32xf32, #tpu.memory_space<hbm>>
    tpu.enqueue_dma source(%dma_start3A_562 : memref<1x32xf32, #tpu.memory_space<hbm>>) target(%dma_start3A_560 : memref<1x32xf32, #tpu.memory_space<vmem>>) target_semaphore(%arg13 : memref<!tpu.dma_semaphore, #tpu.memory_space<semaphore_mem>>)
    %slice3A_563 = vector.extract_strided_slice %get3A_391 {offsets = [7], sizes = [1], strides = [1]} : vector<16xi32> to vector<1xi32>
    %squeeze3A_564 = vector.extract %slice3A_563[0] : i32 from vector<1xi32>
    %dma_start3A_565 = arith.constant 23 : i32
    %dma_start3A_566 = arith.constant 0 : i32
    %dma_start3A_567 = tpu.memref_slice %arg10[%dma_start3A_565, %dma_start3A_566] : memref<256x32xf32, #tpu.memory_space<vmem>> -> memref<1x32xf32, #tpu.memory_space<vmem>>
    %dma_start3A_568 = arith.constant 0 : i32
    %dma_start3A_569 = tpu.memref_slice %arg2[%squeeze3A_564, %dma_start3A_568] : memref<1000001x32xf32, #tpu.memory_space<hbm>> -> memref<1x32xf32, #tpu.memory_space<hbm>>
    %dma_start3A_570 = arith.constant 23 : i32
    %dma_start3A_571 = arith.constant 0 : i32
    %dma_start3A_572 = tpu.memref_slice %arg10[%dma_start3A_570, %dma_start3A_571] : memref<256x32xf32, #tpu.memory_space<vmem>> -> memref<1x32xf32, #tpu.memory_space<vmem>>
    %dma_start3A_573 = arith.constant 0 : i32
    %dma_start3A_574 = tpu.memref_slice %arg2[%squeeze3A_564, %dma_start3A_573] : memref<1000001x32xf32, #tpu.memory_space<hbm>> -> memref<1x32xf32, #tpu.memory_space<hbm>>
    tpu.enqueue_dma source(%dma_start3A_574 : memref<1x32xf32, #tpu.memory_space<hbm>>) target(%dma_start3A_572 : memref<1x32xf32, #tpu.memory_space<vmem>>) target_semaphore(%arg12 : memref<!tpu.dma_semaphore, #tpu.memory_space<semaphore_mem>>)
    %slice3A_575 = vector.extract_strided_slice %get3A_394 {offsets = [7], sizes = [1], strides = [1]} : vector<16xi32> to vector<1xi32>
    %squeeze3A_576 = vector.extract %slice3A_575[0] : i32 from vector<1xi32>
    %dma_start3A_577 = arith.constant 23 : i32
    %dma_start3A_578 = arith.constant 0 : i32
    %dma_start3A_579 = tpu.memref_slice %arg11[%dma_start3A_577, %dma_start3A_578] : memref<256x32xf32, #tpu.memory_space<vmem>> -> memref<1x32xf32, #tpu.memory_space<vmem>>
    %dma_start3A_580 = arith.constant 0 : i32
    %dma_start3A_581 = tpu.memref_slice %arg3[%squeeze3A_576, %dma_start3A_580] : memref<1000001x32xf32, #tpu.memory_space<hbm>> -> memref<1x32xf32, #tpu.memory_space<hbm>>
    %dma_start3A_582 = arith.constant 23 : i32
    %dma_start3A_583 = arith.constant 0 : i32
    %dma_start3A_584 = tpu.memref_slice %arg11[%dma_start3A_582, %dma_start3A_583] : memref<256x32xf32, #tpu.memory_space<vmem>> -> memref<1x32xf32, #tpu.memory_space<vmem>>
    %dma_start3A_585 = arith.constant 0 : i32
    %dma_start3A_586 = tpu.memref_slice %arg3[%squeeze3A_576, %dma_start3A_585] : memref<1000001x32xf32, #tpu.memory_space<hbm>> -> memref<1x32xf32, #tpu.memory_space<hbm>>
    tpu.enqueue_dma source(%dma_start3A_586 : memref<1x32xf32, #tpu.memory_space<hbm>>) target(%dma_start3A_584 : memref<1x32xf32, #tpu.memory_space<vmem>>) target_semaphore(%arg13 : memref<!tpu.dma_semaphore, #tpu.memory_space<semaphore_mem>>)
    %slice3A_587 = vector.extract_strided_slice %get3A_391 {offsets = [8], sizes = [1], strides = [1]} : vector<16xi32> to vector<1xi32>
    %squeeze3A_588 = vector.extract %slice3A_587[0] : i32 from vector<1xi32>
    %dma_start3A_589 = arith.constant 24 : i32
    %dma_start3A_590 = arith.constant 0 : i32
    %dma_start3A_591 = tpu.memref_slice %arg10[%dma_start3A_589, %dma_start3A_590] : memref<256x32xf32, #tpu.memory_space<vmem>> -> memref<1x32xf32, #tpu.memory_space<vmem>>
    %dma_start3A_592 = arith.constant 0 : i32
    %dma_start3A_593 = tpu.memref_slice %arg2[%squeeze3A_588, %dma_start3A_592] : memref<1000001x32xf32, #tpu.memory_space<hbm>> -> memref<1x32xf32, #tpu.memory_space<hbm>>
    %dma_start3A_594 = arith.constant 24 : i32
    %dma_start3A_595 = arith.constant 0 : i32
    %dma_start3A_596 = tpu.memref_slice %arg10[%dma_start3A_594, %dma_start3A_595] : memref<256x32xf32, #tpu.memory_space<vmem>> -> memref<1x32xf32, #tpu.memory_space<vmem>>
    %dma_start3A_597 = arith.constant 0 : i32
    %dma_start3A_598 = tpu.memref_slice %arg2[%squeeze3A_588, %dma_start3A_597] : memref<1000001x32xf32, #tpu.memory_space<hbm>> -> memref<1x32xf32, #tpu.memory_space<hbm>>
    tpu.enqueue_dma source(%dma_start3A_598 : memref<1x32xf32, #tpu.memory_space<hbm>>) target(%dma_start3A_596 : memref<1x32xf32, #tpu.memory_space<vmem>>) target_semaphore(%arg12 : memref<!tpu.dma_semaphore, #tpu.memory_space<semaphore_mem>>)
    %slice3A_599 = vector.extract_strided_slice %get3A_394 {offsets = [8], sizes = [1], strides = [1]} : vector<16xi32> to vector<1xi32>
    %squeeze3A_600 = vector.extract %slice3A_599[0] : i32 from vector<1xi32>
    %dma_start3A_601 = arith.constant 24 : i32
    %dma_start3A_602 = arith.constant 0 : i32
    %dma_start3A_603 = tpu.memref_slice %arg11[%dma_start3A_601, %dma_start3A_602] : memref<256x32xf32, #tpu.memory_space<vmem>> -> memref<1x32xf32, #tpu.memory_space<vmem>>
    %dma_start3A_604 = arith.constant 0 : i32
    %dma_start3A_605 = tpu.memref_slice %arg3[%squeeze3A_600, %dma_start3A_604] : memref<1000001x32xf32, #tpu.memory_space<hbm>> -> memref<1x32xf32, #tpu.memory_space<hbm>>
    %dma_start3A_606 = arith.constant 24 : i32
    %dma_start3A_607 = arith.constant 0 : i32
    %dma_start3A_608 = tpu.memref_slice %arg11[%dma_start3A_606, %dma_start3A_607] : memref<256x32xf32, #tpu.memory_space<vmem>> -> memref<1x32xf32, #tpu.memory_space<vmem>>
    %dma_start3A_609 = arith.constant 0 : i32
    %dma_start3A_610 = tpu.memref_slice %arg3[%squeeze3A_600, %dma_start3A_609] : memref<1000001x32xf32, #tpu.memory_space<hbm>> -> memref<1x32xf32, #tpu.memory_space<hbm>>
    tpu.enqueue_dma source(%dma_start3A_610 : memref<1x32xf32, #tpu.memory_space<hbm>>) target(%dma_start3A_608 : memref<1x32xf32, #tpu.memory_space<vmem>>) target_semaphore(%arg13 : memref<!tpu.dma_semaphore, #tpu.memory_space<semaphore_mem>>)
    %slice3A_611 = vector.extract_strided_slice %get3A_391 {offsets = [9], sizes = [1], strides = [1]} : vector<16xi32> to vector<1xi32>
    %squeeze3A_612 = vector.extract %slice3A_611[0] : i32 from vector<1xi32>
    %dma_start3A_613 = arith.constant 25 : i32
    %dma_start3A_614 = arith.constant 0 : i32
    %dma_start3A_615 = tpu.memref_slice %arg10[%dma_start3A_613, %dma_start3A_614] : memref<256x32xf32, #tpu.memory_space<vmem>> -> memref<1x32xf32, #tpu.memory_space<vmem>>
    %dma_start3A_616 = arith.constant 0 : i32
    %dma_start3A_617 = tpu.memref_slice %arg2[%squeeze3A_612, %dma_start3A_616] : memref<1000001x32xf32, #tpu.memory_space<hbm>> -> memref<1x32xf32, #tpu.memory_space<hbm>>
    %dma_start3A_618 = arith.constant 25 : i32
    %dma_start3A_619 = arith.constant 0 : i32
    %dma_start3A_620 = tpu.memref_slice %arg10[%dma_start3A_618, %dma_start3A_619] : memref<256x32xf32, #tpu.memory_space<vmem>> -> memref<1x32xf32, #tpu.memory_space<vmem>>
    %dma_start3A_621 = arith.constant 0 : i32
    %dma_start3A_622 = tpu.memref_slice %arg2[%squeeze3A_612, %dma_start3A_621] : memref<1000001x32xf32, #tpu.memory_space<hbm>> -> memref<1x32xf32, #tpu.memory_space<hbm>>
    tpu.enqueue_dma source(%dma_start3A_622 : memref<1x32xf32, #tpu.memory_space<hbm>>) target(%dma_start3A_620 : memref<1x32xf32, #tpu.memory_space<vmem>>) target_semaphore(%arg12 : memref<!tpu.dma_semaphore, #tpu.memory_space<semaphore_mem>>)
    %slice3A_623 = vector.extract_strided_slice %get3A_394 {offsets = [9], sizes = [1], strides = [1]} : vector<16xi32> to vector<1xi32>
    %squeeze3A_624 = vector.extract %slice3A_623[0] : i32 from vector<1xi32>
    %dma_start3A_625 = arith.constant 25 : i32
    %dma_start3A_626 = arith.constant 0 : i32
    %dma_start3A_627 = tpu.memref_slice %arg11[%dma_start3A_625, %dma_start3A_626] : memref<256x32xf32, #tpu.memory_space<vmem>> -> memref<1x32xf32, #tpu.memory_space<vmem>>
    %dma_start3A_628 = arith.constant 0 : i32
    %dma_start3A_629 = tpu.memref_slice %arg3[%squeeze3A_624, %dma_start3A_628] : memref<1000001x32xf32, #tpu.memory_space<hbm>> -> memref<1x32xf32, #tpu.memory_space<hbm>>
    %dma_start3A_630 = arith.constant 25 : i32
    %dma_start3A_631 = arith.constant 0 : i32
    %dma_start3A_632 = tpu.memref_slice %arg11[%dma_start3A_630, %dma_start3A_631] : memref<256x32xf32, #tpu.memory_space<vmem>> -> memref<1x32xf32, #tpu.memory_space<vmem>>
    %dma_start3A_633 = arith.constant 0 : i32
    %dma_start3A_634 = tpu.memref_slice %arg3[%squeeze3A_624, %dma_start3A_633] : memref<1000001x32xf32, #tpu.memory_space<hbm>> -> memref<1x32xf32, #tpu.memory_space<hbm>>
    tpu.enqueue_dma source(%dma_start3A_634 : memref<1x32xf32, #tpu.memory_space<hbm>>) target(%dma_start3A_632 : memref<1x32xf32, #tpu.memory_space<vmem>>) target_semaphore(%arg13 : memref<!tpu.dma_semaphore, #tpu.memory_space<semaphore_mem>>)
    %slice3A_635 = vector.extract_strided_slice %get3A_391 {offsets = [10], sizes = [1], strides = [1]} : vector<16xi32> to vector<1xi32>
    %squeeze3A_636 = vector.extract %slice3A_635[0] : i32 from vector<1xi32>
    %dma_start3A_637 = arith.constant 26 : i32
    %dma_start3A_638 = arith.constant 0 : i32
    %dma_start3A_639 = tpu.memref_slice %arg10[%dma_start3A_637, %dma_start3A_638] : memref<256x32xf32, #tpu.memory_space<vmem>> -> memref<1x32xf32, #tpu.memory_space<vmem>>
    %dma_start3A_640 = arith.constant 0 : i32
    %dma_start3A_641 = tpu.memref_slice %arg2[%squeeze3A_636, %dma_start3A_640] : memref<1000001x32xf32, #tpu.memory_space<hbm>> -> memref<1x32xf32, #tpu.memory_space<hbm>>
    %dma_start3A_642 = arith.constant 26 : i32
    %dma_start3A_643 = arith.constant 0 : i32
    %dma_start3A_644 = tpu.memref_slice %arg10[%dma_start3A_642, %dma_start3A_643] : memref<256x32xf32, #tpu.memory_space<vmem>> -> memref<1x32xf32, #tpu.memory_space<vmem>>
    %dma_start3A_645 = arith.constant 0 : i32
    %dma_start3A_646 = tpu.memref_slice %arg2[%squeeze3A_636, %dma_start3A_645] : memref<1000001x32xf32, #tpu.memory_space<hbm>> -> memref<1x32xf32, #tpu.memory_space<hbm>>
    tpu.enqueue_dma source(%dma_start3A_646 : memref<1x32xf32, #tpu.memory_space<hbm>>) target(%dma_start3A_644 : memref<1x32xf32, #tpu.memory_space<vmem>>) target_semaphore(%arg12 : memref<!tpu.dma_semaphore, #tpu.memory_space<semaphore_mem>>)
    %slice3A_647 = vector.extract_strided_slice %get3A_394 {offsets = [10], sizes = [1], strides = [1]} : vector<16xi32> to vector<1xi32>
    %squeeze3A_648 = vector.extract %slice3A_647[0] : i32 from vector<1xi32>
    %dma_start3A_649 = arith.constant 26 : i32
    %dma_start3A_650 = arith.constant 0 : i32
    %dma_start3A_651 = tpu.memref_slice %arg11[%dma_start3A_649, %dma_start3A_650] : memref<256x32xf32, #tpu.memory_space<vmem>> -> memref<1x32xf32, #tpu.memory_space<vmem>>
    %dma_start3A_652 = arith.constant 0 : i32
    %dma_start3A_653 = tpu.memref_slice %arg3[%squeeze3A_648, %dma_start3A_652] : memref<1000001x32xf32, #tpu.memory_space<hbm>> -> memref<1x32xf32, #tpu.memory_space<hbm>>
    %dma_start3A_654 = arith.constant 26 : i32
    %dma_start3A_655 = arith.constant 0 : i32
    %dma_start3A_656 = tpu.memref_slice %arg11[%dma_start3A_654, %dma_start3A_655] : memref<256x32xf32, #tpu.memory_space<vmem>> -> memref<1x32xf32, #tpu.memory_space<vmem>>
    %dma_start3A_657 = arith.constant 0 : i32
    %dma_start3A_658 = tpu.memref_slice %arg3[%squeeze3A_648, %dma_start3A_657] : memref<1000001x32xf32, #tpu.memory_space<hbm>> -> memref<1x32xf32, #tpu.memory_space<hbm>>
    tpu.enqueue_dma source(%dma_start3A_658 : memref<1x32xf32, #tpu.memory_space<hbm>>) target(%dma_start3A_656 : memref<1x32xf32, #tpu.memory_space<vmem>>) target_semaphore(%arg13 : memref<!tpu.dma_semaphore, #tpu.memory_space<semaphore_mem>>)
    %slice3A_659 = vector.extract_strided_slice %get3A_391 {offsets = [11], sizes = [1], strides = [1]} : vector<16xi32> to vector<1xi32>
    %squeeze3A_660 = vector.extract %slice3A_659[0] : i32 from vector<1xi32>
    %dma_start3A_661 = arith.constant 27 : i32
    %dma_start3A_662 = arith.constant 0 : i32
    %dma_start3A_663 = tpu.memref_slice %arg10[%dma_start3A_661, %dma_start3A_662] : memref<256x32xf32, #tpu.memory_space<vmem>> -> memref<1x32xf32, #tpu.memory_space<vmem>>
    %dma_start3A_664 = arith.constant 0 : i32
    %dma_start3A_665 = tpu.memref_slice %arg2[%squeeze3A_660, %dma_start3A_664] : memref<1000001x32xf32, #tpu.memory_space<hbm>> -> memref<1x32xf32, #tpu.memory_space<hbm>>
    %dma_start3A_666 = arith.constant 27 : i32
    %dma_start3A_667 = arith.constant 0 : i32
    %dma_start3A_668 = tpu.memref_slice %arg10[%dma_start3A_666, %dma_start3A_667] : memref<256x32xf32, #tpu.memory_space<vmem>> -> memref<1x32xf32, #tpu.memory_space<vmem>>
    %dma_start3A_669 = arith.constant 0 : i32
    %dma_start3A_670 = tpu.memref_slice %arg2[%squeeze3A_660, %dma_start3A_669] : memref<1000001x32xf32, #tpu.memory_space<hbm>> -> memref<1x32xf32, #tpu.memory_space<hbm>>
    tpu.enqueue_dma source(%dma_start3A_670 : memref<1x32xf32, #tpu.memory_space<hbm>>) target(%dma_start3A_668 : memref<1x32xf32, #tpu.memory_space<vmem>>) target_semaphore(%arg12 : memref<!tpu.dma_semaphore, #tpu.memory_space<semaphore_mem>>)
    %slice3A_671 = vector.extract_strided_slice %get3A_394 {offsets = [11], sizes = [1], strides = [1]} : vector<16xi32> to vector<1xi32>
    %squeeze3A_672 = vector.extract %slice3A_671[0] : i32 from vector<1xi32>
    %dma_start3A_673 = arith.constant 27 : i32
    %dma_start3A_674 = arith.constant 0 : i32
    %dma_start3A_675 = tpu.memref_slice %arg11[%dma_start3A_673, %dma_start3A_674] : memref<256x32xf32, #tpu.memory_space<vmem>> -> memref<1x32xf32, #tpu.memory_space<vmem>>
    %dma_start3A_676 = arith.constant 0 : i32
    %dma_start3A_677 = tpu.memref_slice %arg3[%squeeze3A_672, %dma_start3A_676] : memref<1000001x32xf32, #tpu.memory_space<hbm>> -> memref<1x32xf32, #tpu.memory_space<hbm>>
    %dma_start3A_678 = arith.constant 27 : i32
    %dma_start3A_679 = arith.constant 0 : i32
    %dma_start3A_680 = tpu.memref_slice %arg11[%dma_start3A_678, %dma_start3A_679] : memref<256x32xf32, #tpu.memory_space<vmem>> -> memref<1x32xf32, #tpu.memory_space<vmem>>
    %dma_start3A_681 = arith.constant 0 : i32
    %dma_start3A_682 = tpu.memref_slice %arg3[%squeeze3A_672, %dma_start3A_681] : memref<1000001x32xf32, #tpu.memory_space<hbm>> -> memref<1x32xf32, #tpu.memory_space<hbm>>
    tpu.enqueue_dma source(%dma_start3A_682 : memref<1x32xf32, #tpu.memory_space<hbm>>) target(%dma_start3A_680 : memref<1x32xf32, #tpu.memory_space<vmem>>) target_semaphore(%arg13 : memref<!tpu.dma_semaphore, #tpu.memory_space<semaphore_mem>>)
    %slice3A_683 = vector.extract_strided_slice %get3A_391 {offsets = [12], sizes = [1], strides = [1]} : vector<16xi32> to vector<1xi32>
    %squeeze3A_684 = vector.extract %slice3A_683[0] : i32 from vector<1xi32>
    %dma_start3A_685 = arith.constant 28 : i32
    %dma_start3A_686 = arith.constant 0 : i32
    %dma_start3A_687 = tpu.memref_slice %arg10[%dma_start3A_685, %dma_start3A_686] : memref<256x32xf32, #tpu.memory_space<vmem>> -> memref<1x32xf32, #tpu.memory_space<vmem>>
    %dma_start3A_688 = arith.constant 0 : i32
    %dma_start3A_689 = tpu.memref_slice %arg2[%squeeze3A_684, %dma_start3A_688] : memref<1000001x32xf32, #tpu.memory_space<hbm>> -> memref<1x32xf32, #tpu.memory_space<hbm>>
    %dma_start3A_690 = arith.constant 28 : i32
    %dma_start3A_691 = arith.constant 0 : i32
    %dma_start3A_692 = tpu.memref_slice %arg10[%dma_start3A_690, %dma_start3A_691] : memref<256x32xf32, #tpu.memory_space<vmem>> -> memref<1x32xf32, #tpu.memory_space<vmem>>
    %dma_start3A_693 = arith.constant 0 : i32
    %dma_start3A_694 = tpu.memref_slice %arg2[%squeeze3A_684, %dma_start3A_693] : memref<1000001x32xf32, #tpu.memory_space<hbm>> -> memref<1x32xf32, #tpu.memory_space<hbm>>
    tpu.enqueue_dma source(%dma_start3A_694 : memref<1x32xf32, #tpu.memory_space<hbm>>) target(%dma_start3A_692 : memref<1x32xf32, #tpu.memory_space<vmem>>) target_semaphore(%arg12 : memref<!tpu.dma_semaphore, #tpu.memory_space<semaphore_mem>>)
    %slice3A_695 = vector.extract_strided_slice %get3A_394 {offsets = [12], sizes = [1], strides = [1]} : vector<16xi32> to vector<1xi32>
    %squeeze3A_696 = vector.extract %slice3A_695[0] : i32 from vector<1xi32>
    %dma_start3A_697 = arith.constant 28 : i32
    %dma_start3A_698 = arith.constant 0 : i32
    %dma_start3A_699 = tpu.memref_slice %arg11[%dma_start3A_697, %dma_start3A_698] : memref<256x32xf32, #tpu.memory_space<vmem>> -> memref<1x32xf32, #tpu.memory_space<vmem>>
    %dma_start3A_700 = arith.constant 0 : i32
    %dma_start3A_701 = tpu.memref_slice %arg3[%squeeze3A_696, %dma_start3A_700] : memref<1000001x32xf32, #tpu.memory_space<hbm>> -> memref<1x32xf32, #tpu.memory_space<hbm>>
    %dma_start3A_702 = arith.constant 28 : i32
    %dma_start3A_703 = arith.constant 0 : i32
    %dma_start3A_704 = tpu.memref_slice %arg11[%dma_start3A_702, %dma_start3A_703] : memref<256x32xf32, #tpu.memory_space<vmem>> -> memref<1x32xf32, #tpu.memory_space<vmem>>
    %dma_start3A_705 = arith.constant 0 : i32
    %dma_start3A_706 = tpu.memref_slice %arg3[%squeeze3A_696, %dma_start3A_705] : memref<1000001x32xf32, #tpu.memory_space<hbm>> -> memref<1x32xf32, #tpu.memory_space<hbm>>
    tpu.enqueue_dma source(%dma_start3A_706 : memref<1x32xf32, #tpu.memory_space<hbm>>) target(%dma_start3A_704 : memref<1x32xf32, #tpu.memory_space<vmem>>) target_semaphore(%arg13 : memref<!tpu.dma_semaphore, #tpu.memory_space<semaphore_mem>>)
    %slice3A_707 = vector.extract_strided_slice %get3A_391 {offsets = [13], sizes = [1], strides = [1]} : vector<16xi32> to vector<1xi32>
    %squeeze3A_708 = vector.extract %slice3A_707[0] : i32 from vector<1xi32>
    %dma_start3A_709 = arith.constant 29 : i32
    %dma_start3A_710 = arith.constant 0 : i32
    %dma_start3A_711 = tpu.memref_slice %arg10[%dma_start3A_709, %dma_start3A_710] : memref<256x32xf32, #tpu.memory_space<vmem>> -> memref<1x32xf32, #tpu.memory_space<vmem>>
    %dma_start3A_712 = arith.constant 0 : i32
    %dma_start3A_713 = tpu.memref_slice %arg2[%squeeze3A_708, %dma_start3A_712] : memref<1000001x32xf32, #tpu.memory_space<hbm>> -> memref<1x32xf32, #tpu.memory_space<hbm>>
    %dma_start3A_714 = arith.constant 29 : i32
    %dma_start3A_715 = arith.constant 0 : i32
    %dma_start3A_716 = tpu.memref_slice %arg10[%dma_start3A_714, %dma_start3A_715] : memref<256x32xf32, #tpu.memory_space<vmem>> -> memref<1x32xf32, #tpu.memory_space<vmem>>
    %dma_start3A_717 = arith.constant 0 : i32
    %dma_start3A_718 = tpu.memref_slice %arg2[%squeeze3A_708, %dma_start3A_717] : memref<1000001x32xf32, #tpu.memory_space<hbm>> -> memref<1x32xf32, #tpu.memory_space<hbm>>
    tpu.enqueue_dma source(%dma_start3A_718 : memref<1x32xf32, #tpu.memory_space<hbm>>) target(%dma_start3A_716 : memref<1x32xf32, #tpu.memory_space<vmem>>) target_semaphore(%arg12 : memref<!tpu.dma_semaphore, #tpu.memory_space<semaphore_mem>>)
    %slice3A_719 = vector.extract_strided_slice %get3A_394 {offsets = [13], sizes = [1], strides = [1]} : vector<16xi32> to vector<1xi32>
    %squeeze3A_720 = vector.extract %slice3A_719[0] : i32 from vector<1xi32>
    %dma_start3A_721 = arith.constant 29 : i32
    %dma_start3A_722 = arith.constant 0 : i32
    %dma_start3A_723 = tpu.memref_slice %arg11[%dma_start3A_721, %dma_start3A_722] : memref<256x32xf32, #tpu.memory_space<vmem>> -> memref<1x32xf32, #tpu.memory_space<vmem>>
    %dma_start3A_724 = arith.constant 0 : i32
    %dma_start3A_725 = tpu.memref_slice %arg3[%squeeze3A_720, %dma_start3A_724] : memref<1000001x32xf32, #tpu.memory_space<hbm>> -> memref<1x32xf32, #tpu.memory_space<hbm>>
    %dma_start3A_726 = arith.constant 29 : i32
    %dma_start3A_727 = arith.constant 0 : i32
    %dma_start3A_728 = tpu.memref_slice %arg11[%dma_start3A_726, %dma_start3A_727] : memref<256x32xf32, #tpu.memory_space<vmem>> -> memref<1x32xf32, #tpu.memory_space<vmem>>
    %dma_start3A_729 = arith.constant 0 : i32
    %dma_start3A_730 = tpu.memref_slice %arg3[%squeeze3A_720, %dma_start3A_729] : memref<1000001x32xf32, #tpu.memory_space<hbm>> -> memref<1x32xf32, #tpu.memory_space<hbm>>
    tpu.enqueue_dma source(%dma_start3A_730 : memref<1x32xf32, #tpu.memory_space<hbm>>) target(%dma_start3A_728 : memref<1x32xf32, #tpu.memory_space<vmem>>) target_semaphore(%arg13 : memref<!tpu.dma_semaphore, #tpu.memory_space<semaphore_mem>>)
    %slice3A_731 = vector.extract_strided_slice %get3A_391 {offsets = [14], sizes = [1], strides = [1]} : vector<16xi32> to vector<1xi32>
    %squeeze3A_732 = vector.extract %slice3A_731[0] : i32 from vector<1xi32>
    %dma_start3A_733 = arith.constant 30 : i32
    %dma_start3A_734 = arith.constant 0 : i32
    %dma_start3A_735 = tpu.memref_slice %arg10[%dma_start3A_733, %dma_start3A_734] : memref<256x32xf32, #tpu.memory_space<vmem>> -> memref<1x32xf32, #tpu.memory_space<vmem>>
    %dma_start3A_736 = arith.constant 0 : i32
    %dma_start3A_737 = tpu.memref_slice %arg2[%squeeze3A_732, %dma_start3A_736] : memref<1000001x32xf32, #tpu.memory_space<hbm>> -> memref<1x32xf32, #tpu.memory_space<hbm>>
    %dma_start3A_738 = arith.constant 30 : i32
    %dma_start3A_739 = arith.constant 0 : i32
    %dma_start3A_740 = tpu.memref_slice %arg10[%dma_start3A_738, %dma_start3A_739] : memref<256x32xf32, #tpu.memory_space<vmem>> -> memref<1x32xf32, #tpu.memory_space<vmem>>
    %dma_start3A_741 = arith.constant 0 : i32
    %dma_start3A_742 = tpu.memref_slice %arg2[%squeeze3A_732, %dma_start3A_741] : memref<1000001x32xf32, #tpu.memory_space<hbm>> -> memref<1x32xf32, #tpu.memory_space<hbm>>
    tpu.enqueue_dma source(%dma_start3A_742 : memref<1x32xf32, #tpu.memory_space<hbm>>) target(%dma_start3A_740 : memref<1x32xf32, #tpu.memory_space<vmem>>) target_semaphore(%arg12 : memref<!tpu.dma_semaphore, #tpu.memory_space<semaphore_mem>>)
    %slice3A_743 = vector.extract_strided_slice %get3A_394 {offsets = [14], sizes = [1], strides = [1]} : vector<16xi32> to vector<1xi32>
    %squeeze3A_744 = vector.extract %slice3A_743[0] : i32 from vector<1xi32>
    %dma_start3A_745 = arith.constant 30 : i32
    %dma_start3A_746 = arith.constant 0 : i32
    %dma_start3A_747 = tpu.memref_slice %arg11[%dma_start3A_745, %dma_start3A_746] : memref<256x32xf32, #tpu.memory_space<vmem>> -> memref<1x32xf32, #tpu.memory_space<vmem>>
    %dma_start3A_748 = arith.constant 0 : i32
    %dma_start3A_749 = tpu.memref_slice %arg3[%squeeze3A_744, %dma_start3A_748] : memref<1000001x32xf32, #tpu.memory_space<hbm>> -> memref<1x32xf32, #tpu.memory_space<hbm>>
    %dma_start3A_750 = arith.constant 30 : i32
    %dma_start3A_751 = arith.constant 0 : i32
    %dma_start3A_752 = tpu.memref_slice %arg11[%dma_start3A_750, %dma_start3A_751] : memref<256x32xf32, #tpu.memory_space<vmem>> -> memref<1x32xf32, #tpu.memory_space<vmem>>
    %dma_start3A_753 = arith.constant 0 : i32
    %dma_start3A_754 = tpu.memref_slice %arg3[%squeeze3A_744, %dma_start3A_753] : memref<1000001x32xf32, #tpu.memory_space<hbm>> -> memref<1x32xf32, #tpu.memory_space<hbm>>
    tpu.enqueue_dma source(%dma_start3A_754 : memref<1x32xf32, #tpu.memory_space<hbm>>) target(%dma_start3A_752 : memref<1x32xf32, #tpu.memory_space<vmem>>) target_semaphore(%arg13 : memref<!tpu.dma_semaphore, #tpu.memory_space<semaphore_mem>>)
    %slice3A_755 = vector.extract_strided_slice %get3A_391 {offsets = [15], sizes = [1], strides = [1]} : vector<16xi32> to vector<1xi32>
    %squeeze3A_756 = vector.extract %slice3A_755[0] : i32 from vector<1xi32>
    %dma_start3A_757 = arith.constant 31 : i32
    %dma_start3A_758 = arith.constant 0 : i32
    %dma_start3A_759 = tpu.memref_slice %arg10[%dma_start3A_757, %dma_start3A_758] : memref<256x32xf32, #tpu.memory_space<vmem>> -> memref<1x32xf32, #tpu.memory_space<vmem>>
    %dma_start3A_760 = arith.constant 0 : i32
    %dma_start3A_761 = tpu.memref_slice %arg2[%squeeze3A_756, %dma_start3A_760] : memref<1000001x32xf32, #tpu.memory_space<hbm>> -> memref<1x32xf32, #tpu.memory_space<hbm>>
    %dma_start3A_762 = arith.constant 31 : i32
    %dma_start3A_763 = arith.constant 0 : i32
    %dma_start3A_764 = tpu.memref_slice %arg10[%dma_start3A_762, %dma_start3A_763] : memref<256x32xf32, #tpu.memory_space<vmem>> -> memref<1x32xf32, #tpu.memory_space<vmem>>
    %dma_start3A_765 = arith.constant 0 : i32
    %dma_start3A_766 = tpu.memref_slice %arg2[%squeeze3A_756, %dma_start3A_765] : memref<1000001x32xf32, #tpu.memory_space<hbm>> -> memref<1x32xf32, #tpu.memory_space<hbm>>
    tpu.enqueue_dma source(%dma_start3A_766 : memref<1x32xf32, #tpu.memory_space<hbm>>) target(%dma_start3A_764 : memref<1x32xf32, #tpu.memory_space<vmem>>) target_semaphore(%arg12 : memref<!tpu.dma_semaphore, #tpu.memory_space<semaphore_mem>>)
    %slice3A_767 = vector.extract_strided_slice %get3A_394 {offsets = [15], sizes = [1], strides = [1]} : vector<16xi32> to vector<1xi32>
    %squeeze3A_768 = vector.extract %slice3A_767[0] : i32 from vector<1xi32>
    %dma_start3A_769 = arith.constant 31 : i32
    %dma_start3A_770 = arith.constant 0 : i32
    %dma_start3A_771 = tpu.memref_slice %arg11[%dma_start3A_769, %dma_start3A_770] : memref<256x32xf32, #tpu.memory_space<vmem>> -> memref<1x32xf32, #tpu.memory_space<vmem>>
    %dma_start3A_772 = arith.constant 0 : i32
    %dma_start3A_773 = tpu.memref_slice %arg3[%squeeze3A_768, %dma_start3A_772] : memref<1000001x32xf32, #tpu.memory_space<hbm>> -> memref<1x32xf32, #tpu.memory_space<hbm>>
    %dma_start3A_774 = arith.constant 31 : i32
    %dma_start3A_775 = arith.constant 0 : i32
    %dma_start3A_776 = tpu.memref_slice %arg11[%dma_start3A_774, %dma_start3A_775] : memref<256x32xf32, #tpu.memory_space<vmem>> -> memref<1x32xf32, #tpu.memory_space<vmem>>
    %dma_start3A_777 = arith.constant 0 : i32
    %dma_start3A_778 = tpu.memref_slice %arg3[%squeeze3A_768, %dma_start3A_777] : memref<1000001x32xf32, #tpu.memory_space<hbm>> -> memref<1x32xf32, #tpu.memory_space<hbm>>
    tpu.enqueue_dma source(%dma_start3A_778 : memref<1x32xf32, #tpu.memory_space<hbm>>) target(%dma_start3A_776 : memref<1x32xf32, #tpu.memory_space<vmem>>) target_semaphore(%arg13 : memref<!tpu.dma_semaphore, #tpu.memory_space<semaphore_mem>>)
    %scan3A = arith.constant 0 : i32
    %scan3A_779 = arith.constant 2 : i32
    %scan3A_780 = arith.constant 14 : i32
    %scan3A_781 = arith.addi %scan3A_779, %scan3A_780 : i32
    %scan3A_782 = arith.constant 1 : i32
    %scan3A_783 = scf.for %scan3A_1675 = %scan3A_779 to %scan3A_781 step %scan3A_782 iter_args(%scan3A_1676 = %scan3A) -> (i32)  : i32 {
      %mul3A_1677 = arith.constant 16 : i32
      %mul3A_1678 = arith.muli %scan3A_1675, %mul3A_1677 : i32
      %add3A_1679 = arith.constant 0 : i32
      %add3A_1680 = arith.addi %add3A_1679, %mul3A_1678 : i32
      %mul3A_1681 = arith.constant 16 : i32
      %mul3A_1682 = arith.muli %scan3A_1675, %mul3A_1681 : i32
      %get3A_1683 = arith.index_cast %add3A_1680 : i32 to index
      %get3A_1684 = tpu.vector_load %arg8[%get3A_1683] {strides = array<i32>} : memref<512xi32, #tpu.memory_space<vmem>>, vector<16xi32>,
      %get3A_1685 = vector.shape_cast %get3A_1684 : vector<16xi32> to vector<16xi32>
      %get3A_1686 = arith.index_cast %add3A_1680 : i32 to index
      %get3A_1687 = tpu.vector_load %arg9[%get3A_1686] {strides = array<i32>} : memref<512xi32, #tpu.memory_space<vmem>>, vector<16xi32>,
      %get3A_1688 = vector.shape_cast %get3A_1687 : vector<16xi32> to vector<16xi32>
      %slice3A_1689 = vector.extract_strided_slice %get3A_1685 {offsets = [0], sizes = [1], strides = [1]} : vector<16xi32> to vector<1xi32>
      %squeeze3A_1690 = vector.extract %slice3A_1689[0] : i32 from vector<1xi32>
      %add3A_1691 = arith.constant 0 : i32
      %add3A_1692 = arith.addi %mul3A_1682, %add3A_1691 : i32
      %dma_start3A_1693 = arith.constant 0 : i32
      %dma_start3A_1694 = tpu.memref_slice %arg10[%add3A_1692, %dma_start3A_1693] : memref<256x32xf32, #tpu.memory_space<vmem>> -> memref<1x32xf32, #tpu.memory_space<vmem>>
      %dma_start3A_1695 = arith.constant 0 : i32
      %dma_start3A_1696 = tpu.memref_slice %arg2[%squeeze3A_1690, %dma_start3A_1695] : memref<1000001x32xf32, #tpu.memory_space<hbm>> -> memref<1x32xf32, #tpu.memory_space<hbm>>
      %dma_start3A_1697 = arith.constant 0 : i32
      %dma_start3A_1698 = tpu.memref_slice %arg10[%add3A_1692, %dma_start3A_1697] : memref<256x32xf32, #tpu.memory_space<vmem>> -> memref<1x32xf32, #tpu.memory_space<vmem>>
      %dma_start3A_1699 = arith.constant 0 : i32
      %dma_start3A_1700 = tpu.memref_slice %arg2[%squeeze3A_1690, %dma_start3A_1699] : memref<1000001x32xf32, #tpu.memory_space<hbm>> -> memref<1x32xf32, #tpu.memory_space<hbm>>
      tpu.enqueue_dma source(%dma_start3A_1700 : memref<1x32xf32, #tpu.memory_space<hbm>>) target(%dma_start3A_1698 : memref<1x32xf32, #tpu.memory_space<vmem>>) target_semaphore(%arg12 : memref<!tpu.dma_semaphore, #tpu.memory_space<semaphore_mem>>)
      %slice3A_1701 = vector.extract_strided_slice %get3A_1688 {offsets = [0], sizes = [1], strides = [1]} : vector<16xi32> to vector<1xi32>
      %squeeze3A_1702 = vector.extract %slice3A_1701[0] : i32 from vector<1xi32>
      %add3A_1703 = arith.constant 0 : i32
      %add3A_1704 = arith.addi %mul3A_1682, %add3A_1703 : i32
      %dma_start3A_1705 = arith.constant 0 : i32
      %dma_start3A_1706 = tpu.memref_slice %arg11[%add3A_1704, %dma_start3A_1705] : memref<256x32xf32, #tpu.memory_space<vmem>> -> memref<1x32xf32, #tpu.memory_space<vmem>>
      %dma_start3A_1707 = arith.constant 0 : i32
      %dma_start3A_1708 = tpu.memref_slice %arg3[%squeeze3A_1702, %dma_start3A_1707] : memref<1000001x32xf32, #tpu.memory_space<hbm>> -> memref<1x32xf32, #tpu.memory_space<hbm>>
      %dma_start3A_1709 = arith.constant 0 : i32
      %dma_start3A_1710 = tpu.memref_slice %arg11[%add3A_1704, %dma_start3A_1709] : memref<256x32xf32, #tpu.memory_space<vmem>> -> memref<1x32xf32, #tpu.memory_space<vmem>>
      %dma_start3A_1711 = arith.constant 0 : i32
      %dma_start3A_1712 = tpu.memref_slice %arg3[%squeeze3A_1702, %dma_start3A_1711] : memref<1000001x32xf32, #tpu.memory_space<hbm>> -> memref<1x32xf32, #tpu.memory_space<hbm>>
      tpu.enqueue_dma source(%dma_start3A_1712 : memref<1x32xf32, #tpu.memory_space<hbm>>) target(%dma_start3A_1710 : memref<1x32xf32, #tpu.memory_space<vmem>>) target_semaphore(%arg13 : memref<!tpu.dma_semaphore, #tpu.memory_space<semaphore_mem>>)
      %slice3A_1713 = vector.extract_strided_slice %get3A_1685 {offsets = [1], sizes = [1], strides = [1]} : vector<16xi32> to vector<1xi32>
      %squeeze3A_1714 = vector.extract %slice3A_1713[0] : i32 from vector<1xi32>
      %add3A_1715 = arith.constant 1 : i32
      %add3A_1716 = arith.addi %mul3A_1682, %add3A_1715 : i32
      %dma_start3A_1717 = arith.constant 0 : i32
      %dma_start3A_1718 = tpu.memref_slice %arg10[%add3A_1716, %dma_start3A_1717] : memref<256x32xf32, #tpu.memory_space<vmem>> -> memref<1x32xf32, #tpu.memory_space<vmem>>
      %dma_start3A_1719 = arith.constant 0 : i32
      %dma_start3A_1720 = tpu.memref_slice %arg2[%squeeze3A_1714, %dma_start3A_1719] : memref<1000001x32xf32, #tpu.memory_space<hbm>> -> memref<1x32xf32, #tpu.memory_space<hbm>>
      %dma_start3A_1721 = arith.constant 0 : i32
      %dma_start3A_1722 = tpu.memref_slice %arg10[%add3A_1716, %dma_start3A_1721] : memref<256x32xf32, #tpu.memory_space<vmem>> -> memref<1x32xf32, #tpu.memory_space<vmem>>
      %dma_start3A_1723 = arith.constant 0 : i32
      %dma_start3A_1724 = tpu.memref_slice %arg2[%squeeze3A_1714, %dma_start3A_1723] : memref<1000001x32xf32, #tpu.memory_space<hbm>> -> memref<1x32xf32, #tpu.memory_space<hbm>>
      tpu.enqueue_dma source(%dma_start3A_1724 : memref<1x32xf32, #tpu.memory_space<hbm>>) target(%dma_start3A_1722 : memref<1x32xf32, #tpu.memory_space<vmem>>) target_semaphore(%arg12 : memref<!tpu.dma_semaphore, #tpu.memory_space<semaphore_mem>>)
      %slice3A_1725 = vector.extract_strided_slice %get3A_1688 {offsets = [1], sizes = [1], strides = [1]} : vector<16xi32> to vector<1xi32>
      %squeeze3A_1726 = vector.extract %slice3A_1725[0] : i32 from vector<1xi32>
      %add3A_1727 = arith.constant 1 : i32
      %add3A_1728 = arith.addi %mul3A_1682, %add3A_1727 : i32
      %dma_start3A_1729 = arith.constant 0 : i32
      %dma_start3A_1730 = tpu.memref_slice %arg11[%add3A_1728, %dma_start3A_1729] : memref<256x32xf32, #tpu.memory_space<vmem>> -> memref<1x32xf32, #tpu.memory_space<vmem>>
      %dma_start3A_1731 = arith.constant 0 : i32
      %dma_start3A_1732 = tpu.memref_slice %arg3[%squeeze3A_1726, %dma_start3A_1731] : memref<1000001x32xf32, #tpu.memory_space<hbm>> -> memref<1x32xf32, #tpu.memory_space<hbm>>
      %dma_start3A_1733 = arith.constant 0 : i32
      %dma_start3A_1734 = tpu.memref_slice %arg11[%add3A_1728, %dma_start3A_1733] : memref<256x32xf32, #tpu.memory_space<vmem>> -> memref<1x32xf32, #tpu.memory_space<vmem>>
      %dma_start3A_1735 = arith.constant 0 : i32
      %dma_start3A_1736 = tpu.memref_slice %arg3[%squeeze3A_1726, %dma_start3A_1735] : memref<1000001x32xf32, #tpu.memory_space<hbm>> -> memref<1x32xf32, #tpu.memory_space<hbm>>
      tpu.enqueue_dma source(%dma_start3A_1736 : memref<1x32xf32, #tpu.memory_space<hbm>>) target(%dma_start3A_1734 : memref<1x32xf32, #tpu.memory_space<vmem>>) target_semaphore(%arg13 : memref<!tpu.dma_semaphore, #tpu.memory_space<semaphore_mem>>)
      %slice3A_1737 = vector.extract_strided_slice %get3A_1685 {offsets = [2], sizes = [1], strides = [1]} : vector<16xi32> to vector<1xi32>
      %squeeze3A_1738 = vector.extract %slice3A_1737[0] : i32 from vector<1xi32>
      %add3A_1739 = arith.constant 2 : i32
      %add3A_1740 = arith.addi %mul3A_1682, %add3A_1739 : i32
      %dma_start3A_1741 = arith.constant 0 : i32
      %dma_start3A_1742 = tpu.memref_slice %arg10[%add3A_1740, %dma_start3A_1741] : memref<256x32xf32, #tpu.memory_space<vmem>> -> memref<1x32xf32, #tpu.memory_space<vmem>>
      %dma_start3A_1743 = arith.constant 0 : i32
      %dma_start3A_1744 = tpu.memref_slice %arg2[%squeeze3A_1738, %dma_start3A_1743] : memref<1000001x32xf32, #tpu.memory_space<hbm>> -> memref<1x32xf32, #tpu.memory_space<hbm>>
      %dma_start3A_1745 = arith.constant 0 : i32
      %dma_start3A_1746 = tpu.memref_slice %arg10[%add3A_1740, %dma_start3A_1745] : memref<256x32xf32, #tpu.memory_space<vmem>> -> memref<1x32xf32, #tpu.memory_space<vmem>>
      %dma_start3A_1747 = arith.constant 0 : i32
      %dma_start3A_1748 = tpu.memref_slice %arg2[%squeeze3A_1738, %dma_start3A_1747] : memref<1000001x32xf32, #tpu.memory_space<hbm>> -> memref<1x32xf32, #tpu.memory_space<hbm>>
      tpu.enqueue_dma source(%dma_start3A_1748 : memref<1x32xf32, #tpu.memory_space<hbm>>) target(%dma_start3A_1746 : memref<1x32xf32, #tpu.memory_space<vmem>>) target_semaphore(%arg12 : memref<!tpu.dma_semaphore, #tpu.memory_space<semaphore_mem>>)
      %slice3A_1749 = vector.extract_strided_slice %get3A_1688 {offsets = [2], sizes = [1], strides = [1]} : vector<16xi32> to vector<1xi32>
      %squeeze3A_1750 = vector.extract %slice3A_1749[0] : i32 from vector<1xi32>
      %add3A_1751 = arith.constant 2 : i32
      %add3A_1752 = arith.addi %mul3A_1682, %add3A_1751 : i32
      %dma_start3A_1753 = arith.constant 0 : i32
      %dma_start3A_1754 = tpu.memref_slice %arg11[%add3A_1752, %dma_start3A_1753] : memref<256x32xf32, #tpu.memory_space<vmem>> -> memref<1x32xf32, #tpu.memory_space<vmem>>
      %dma_start3A_1755 = arith.constant 0 : i32
      %dma_start3A_1756 = tpu.memref_slice %arg3[%squeeze3A_1750, %dma_start3A_1755] : memref<1000001x32xf32, #tpu.memory_space<hbm>> -> memref<1x32xf32, #tpu.memory_space<hbm>>
      %dma_start3A_1757 = arith.constant 0 : i32
      %dma_start3A_1758 = tpu.memref_slice %arg11[%add3A_1752, %dma_start3A_1757] : memref<256x32xf32, #tpu.memory_space<vmem>> -> memref<1x32xf32, #tpu.memory_space<vmem>>
      %dma_start3A_1759 = arith.constant 0 : i32
      %dma_start3A_1760 = tpu.memref_slice %arg3[%squeeze3A_1750, %dma_start3A_1759] : memref<1000001x32xf32, #tpu.memory_space<hbm>> -> memref<1x32xf32, #tpu.memory_space<hbm>>
      tpu.enqueue_dma source(%dma_start3A_1760 : memref<1x32xf32, #tpu.memory_space<hbm>>) target(%dma_start3A_1758 : memref<1x32xf32, #tpu.memory_space<vmem>>) target_semaphore(%arg13 : memref<!tpu.dma_semaphore, #tpu.memory_space<semaphore_mem>>)
      %slice3A_1761 = vector.extract_strided_slice %get3A_1685 {offsets = [3], sizes = [1], strides = [1]} : vector<16xi32> to vector<1xi32>
      %squeeze3A_1762 = vector.extract %slice3A_1761[0] : i32 from vector<1xi32>
      %add3A_1763 = arith.constant 3 : i32
      %add3A_1764 = arith.addi %mul3A_1682, %add3A_1763 : i32
      %dma_start3A_1765 = arith.constant 0 : i32
      %dma_start3A_1766 = tpu.memref_slice %arg10[%add3A_1764, %dma_start3A_1765] : memref<256x32xf32, #tpu.memory_space<vmem>> -> memref<1x32xf32, #tpu.memory_space<vmem>>
      %dma_start3A_1767 = arith.constant 0 : i32
      %dma_start3A_1768 = tpu.memref_slice %arg2[%squeeze3A_1762, %dma_start3A_1767] : memref<1000001x32xf32, #tpu.memory_space<hbm>> -> memref<1x32xf32, #tpu.memory_space<hbm>>
      %dma_start3A_1769 = arith.constant 0 : i32
      %dma_start3A_1770 = tpu.memref_slice %arg10[%add3A_1764, %dma_start3A_1769] : memref<256x32xf32, #tpu.memory_space<vmem>> -> memref<1x32xf32, #tpu.memory_space<vmem>>
      %dma_start3A_1771 = arith.constant 0 : i32
      %dma_start3A_1772 = tpu.memref_slice %arg2[%squeeze3A_1762, %dma_start3A_1771] : memref<1000001x32xf32, #tpu.memory_space<hbm>> -> memref<1x32xf32, #tpu.memory_space<hbm>>
      tpu.enqueue_dma source(%dma_start3A_1772 : memref<1x32xf32, #tpu.memory_space<hbm>>) target(%dma_start3A_1770 : memref<1x32xf32, #tpu.memory_space<vmem>>) target_semaphore(%arg12 : memref<!tpu.dma_semaphore, #tpu.memory_space<semaphore_mem>>)
      %slice3A_1773 = vector.extract_strided_slice %get3A_1688 {offsets = [3], sizes = [1], strides = [1]} : vector<16xi32> to vector<1xi32>
      %squeeze3A_1774 = vector.extract %slice3A_1773[0] : i32 from vector<1xi32>
      %add3A_1775 = arith.constant 3 : i32
      %add3A_1776 = arith.addi %mul3A_1682, %add3A_1775 : i32
      %dma_start3A_1777 = arith.constant 0 : i32
      %dma_start3A_1778 = tpu.memref_slice %arg11[%add3A_1776, %dma_start3A_1777] : memref<256x32xf32, #tpu.memory_space<vmem>> -> memref<1x32xf32, #tpu.memory_space<vmem>>
      %dma_start3A_1779 = arith.constant 0 : i32
      %dma_start3A_1780 = tpu.memref_slice %arg3[%squeeze3A_1774, %dma_start3A_1779] : memref<1000001x32xf32, #tpu.memory_space<hbm>> -> memref<1x32xf32, #tpu.memory_space<hbm>>
      %dma_start3A_1781 = arith.constant 0 : i32
      %dma_start3A_1782 = tpu.memref_slice %arg11[%add3A_1776, %dma_start3A_1781] : memref<256x32xf32, #tpu.memory_space<vmem>> -> memref<1x32xf32, #tpu.memory_space<vmem>>
      %dma_start3A_1783 = arith.constant 0 : i32
      %dma_start3A_1784 = tpu.memref_slice %arg3[%squeeze3A_1774, %dma_start3A_1783] : memref<1000001x32xf32, #tpu.memory_space<hbm>> -> memref<1x32xf32, #tpu.memory_space<hbm>>
      tpu.enqueue_dma source(%dma_start3A_1784 : memref<1x32xf32, #tpu.memory_space<hbm>>) target(%dma_start3A_1782 : memref<1x32xf32, #tpu.memory_space<vmem>>) target_semaphore(%arg13 : memref<!tpu.dma_semaphore, #tpu.memory_space<semaphore_mem>>)
      %slice3A_1785 = vector.extract_strided_slice %get3A_1685 {offsets = [4], sizes = [1], strides = [1]} : vector<16xi32> to vector<1xi32>
      %squeeze3A_1786 = vector.extract %slice3A_1785[0] : i32 from vector<1xi32>
      %add3A_1787 = arith.constant 4 : i32
      %add3A_1788 = arith.addi %mul3A_1682, %add3A_1787 : i32
      %dma_start3A_1789 = arith.constant 0 : i32
      %dma_start3A_1790 = tpu.memref_slice %arg10[%add3A_1788, %dma_start3A_1789] : memref<256x32xf32, #tpu.memory_space<vmem>> -> memref<1x32xf32, #tpu.memory_space<vmem>>
      %dma_start3A_1791 = arith.constant 0 : i32
      %dma_start3A_1792 = tpu.memref_slice %arg2[%squeeze3A_1786, %dma_start3A_1791] : memref<1000001x32xf32, #tpu.memory_space<hbm>> -> memref<1x32xf32, #tpu.memory_space<hbm>>
      %dma_start3A_1793 = arith.constant 0 : i32
      %dma_start3A_1794 = tpu.memref_slice %arg10[%add3A_1788, %dma_start3A_1793] : memref<256x32xf32, #tpu.memory_space<vmem>> -> memref<1x32xf32, #tpu.memory_space<vmem>>
      %dma_start3A_1795 = arith.constant 0 : i32
      %dma_start3A_1796 = tpu.memref_slice %arg2[%squeeze3A_1786, %dma_start3A_1795] : memref<1000001x32xf32, #tpu.memory_space<hbm>> -> memref<1x32xf32, #tpu.memory_space<hbm>>
      tpu.enqueue_dma source(%dma_start3A_1796 : memref<1x32xf32, #tpu.memory_space<hbm>>) target(%dma_start3A_1794 : memref<1x32xf32, #tpu.memory_space<vmem>>) target_semaphore(%arg12 : memref<!tpu.dma_semaphore, #tpu.memory_space<semaphore_mem>>)
      %slice3A_1797 = vector.extract_strided_slice %get3A_1688 {offsets = [4], sizes = [1], strides = [1]} : vector<16xi32> to vector<1xi32>
      %squeeze3A_1798 = vector.extract %slice3A_1797[0] : i32 from vector<1xi32>
      %add3A_1799 = arith.constant 4 : i32
      %add3A_1800 = arith.addi %mul3A_1682, %add3A_1799 : i32
      %dma_start3A_1801 = arith.constant 0 : i32
      %dma_start3A_1802 = tpu.memref_slice %arg11[%add3A_1800, %dma_start3A_1801] : memref<256x32xf32, #tpu.memory_space<vmem>> -> memref<1x32xf32, #tpu.memory_space<vmem>>
      %dma_start3A_1803 = arith.constant 0 : i32
      %dma_start3A_1804 = tpu.memref_slice %arg3[%squeeze3A_1798, %dma_start3A_1803] : memref<1000001x32xf32, #tpu.memory_space<hbm>> -> memref<1x32xf32, #tpu.memory_space<hbm>>
      %dma_start3A_1805 = arith.constant 0 : i32
      %dma_start3A_1806 = tpu.memref_slice %arg11[%add3A_1800, %dma_start3A_1805] : memref<256x32xf32, #tpu.memory_space<vmem>> -> memref<1x32xf32, #tpu.memory_space<vmem>>
      %dma_start3A_1807 = arith.constant 0 : i32
      %dma_start3A_1808 = tpu.memref_slice %arg3[%squeeze3A_1798, %dma_start3A_1807] : memref<1000001x32xf32, #tpu.memory_space<hbm>> -> memref<1x32xf32, #tpu.memory_space<hbm>>
      tpu.enqueue_dma source(%dma_start3A_1808 : memref<1x32xf32, #tpu.memory_space<hbm>>) target(%dma_start3A_1806 : memref<1x32xf32, #tpu.memory_space<vmem>>) target_semaphore(%arg13 : memref<!tpu.dma_semaphore, #tpu.memory_space<semaphore_mem>>)
      %slice3A_1809 = vector.extract_strided_slice %get3A_1685 {offsets = [5], sizes = [1], strides = [1]} : vector<16xi32> to vector<1xi32>
      %squeeze3A_1810 = vector.extract %slice3A_1809[0] : i32 from vector<1xi32>
      %add3A_1811 = arith.constant 5 : i32
      %add3A_1812 = arith.addi %mul3A_1682, %add3A_1811 : i32
      %dma_start3A_1813 = arith.constant 0 : i32
      %dma_start3A_1814 = tpu.memref_slice %arg10[%add3A_1812, %dma_start3A_1813] : memref<256x32xf32, #tpu.memory_space<vmem>> -> memref<1x32xf32, #tpu.memory_space<vmem>>
      %dma_start3A_1815 = arith.constant 0 : i32
      %dma_start3A_1816 = tpu.memref_slice %arg2[%squeeze3A_1810, %dma_start3A_1815] : memref<1000001x32xf32, #tpu.memory_space<hbm>> -> memref<1x32xf32, #tpu.memory_space<hbm>>
      %dma_start3A_1817 = arith.constant 0 : i32
      %dma_start3A_1818 = tpu.memref_slice %arg10[%add3A_1812, %dma_start3A_1817] : memref<256x32xf32, #tpu.memory_space<vmem>> -> memref<1x32xf32, #tpu.memory_space<vmem>>
      %dma_start3A_1819 = arith.constant 0 : i32
      %dma_start3A_1820 = tpu.memref_slice %arg2[%squeeze3A_1810, %dma_start3A_1819] : memref<1000001x32xf32, #tpu.memory_space<hbm>> -> memref<1x32xf32, #tpu.memory_space<hbm>>
      tpu.enqueue_dma source(%dma_start3A_1820 : memref<1x32xf32, #tpu.memory_space<hbm>>) target(%dma_start3A_1818 : memref<1x32xf32, #tpu.memory_space<vmem>>) target_semaphore(%arg12 : memref<!tpu.dma_semaphore, #tpu.memory_space<semaphore_mem>>)
      %slice3A_1821 = vector.extract_strided_slice %get3A_1688 {offsets = [5], sizes = [1], strides = [1]} : vector<16xi32> to vector<1xi32>
      %squeeze3A_1822 = vector.extract %slice3A_1821[0] : i32 from vector<1xi32>
      %add3A_1823 = arith.constant 5 : i32
      %add3A_1824 = arith.addi %mul3A_1682, %add3A_1823 : i32
      %dma_start3A_1825 = arith.constant 0 : i32
      %dma_start3A_1826 = tpu.memref_slice %arg11[%add3A_1824, %dma_start3A_1825] : memref<256x32xf32, #tpu.memory_space<vmem>> -> memref<1x32xf32, #tpu.memory_space<vmem>>
      %dma_start3A_1827 = arith.constant 0 : i32
      %dma_start3A_1828 = tpu.memref_slice %arg3[%squeeze3A_1822, %dma_start3A_1827] : memref<1000001x32xf32, #tpu.memory_space<hbm>> -> memref<1x32xf32, #tpu.memory_space<hbm>>
      %dma_start3A_1829 = arith.constant 0 : i32
      %dma_start3A_1830 = tpu.memref_slice %arg11[%add3A_1824, %dma_start3A_1829] : memref<256x32xf32, #tpu.memory_space<vmem>> -> memref<1x32xf32, #tpu.memory_space<vmem>>
      %dma_start3A_1831 = arith.constant 0 : i32
      %dma_start3A_1832 = tpu.memref_slice %arg3[%squeeze3A_1822, %dma_start3A_1831] : memref<1000001x32xf32, #tpu.memory_space<hbm>> -> memref<1x32xf32, #tpu.memory_space<hbm>>
      tpu.enqueue_dma source(%dma_start3A_1832 : memref<1x32xf32, #tpu.memory_space<hbm>>) target(%dma_start3A_1830 : memref<1x32xf32, #tpu.memory_space<vmem>>) target_semaphore(%arg13 : memref<!tpu.dma_semaphore, #tpu.memory_space<semaphore_mem>>)
      %slice3A_1833 = vector.extract_strided_slice %get3A_1685 {offsets = [6], sizes = [1], strides = [1]} : vector<16xi32> to vector<1xi32>
      %squeeze3A_1834 = vector.extract %slice3A_1833[0] : i32 from vector<1xi32>
      %add3A_1835 = arith.constant 6 : i32
      %add3A_1836 = arith.addi %mul3A_1682, %add3A_1835 : i32
      %dma_start3A_1837 = arith.constant 0 : i32
      %dma_start3A_1838 = tpu.memref_slice %arg10[%add3A_1836, %dma_start3A_1837] : memref<256x32xf32, #tpu.memory_space<vmem>> -> memref<1x32xf32, #tpu.memory_space<vmem>>
      %dma_start3A_1839 = arith.constant 0 : i32
      %dma_start3A_1840 = tpu.memref_slice %arg2[%squeeze3A_1834, %dma_start3A_1839] : memref<1000001x32xf32, #tpu.memory_space<hbm>> -> memref<1x32xf32, #tpu.memory_space<hbm>>
      %dma_start3A_1841 = arith.constant 0 : i32
      %dma_start3A_1842 = tpu.memref_slice %arg10[%add3A_1836, %dma_start3A_1841] : memref<256x32xf32, #tpu.memory_space<vmem>> -> memref<1x32xf32, #tpu.memory_space<vmem>>
      %dma_start3A_1843 = arith.constant 0 : i32
      %dma_start3A_1844 = tpu.memref_slice %arg2[%squeeze3A_1834, %dma_start3A_1843] : memref<1000001x32xf32, #tpu.memory_space<hbm>> -> memref<1x32xf32, #tpu.memory_space<hbm>>
      tpu.enqueue_dma source(%dma_start3A_1844 : memref<1x32xf32, #tpu.memory_space<hbm>>) target(%dma_start3A_1842 : memref<1x32xf32, #tpu.memory_space<vmem>>) target_semaphore(%arg12 : memref<!tpu.dma_semaphore, #tpu.memory_space<semaphore_mem>>)
      %slice3A_1845 = vector.extract_strided_slice %get3A_1688 {offsets = [6], sizes = [1], strides = [1]} : vector<16xi32> to vector<1xi32>
      %squeeze3A_1846 = vector.extract %slice3A_1845[0] : i32 from vector<1xi32>
      %add3A_1847 = arith.constant 6 : i32
      %add3A_1848 = arith.addi %mul3A_1682, %add3A_1847 : i32
      %dma_start3A_1849 = arith.constant 0 : i32
      %dma_start3A_1850 = tpu.memref_slice %arg11[%add3A_1848, %dma_start3A_1849] : memref<256x32xf32, #tpu.memory_space<vmem>> -> memref<1x32xf32, #tpu.memory_space<vmem>>
      %dma_start3A_1851 = arith.constant 0 : i32
      %dma_start3A_1852 = tpu.memref_slice %arg3[%squeeze3A_1846, %dma_start3A_1851] : memref<1000001x32xf32, #tpu.memory_space<hbm>> -> memref<1x32xf32, #tpu.memory_space<hbm>>
      %dma_start3A_1853 = arith.constant 0 : i32
      %dma_start3A_1854 = tpu.memref_slice %arg11[%add3A_1848, %dma_start3A_1853] : memref<256x32xf32, #tpu.memory_space<vmem>> -> memref<1x32xf32, #tpu.memory_space<vmem>>
      %dma_start3A_1855 = arith.constant 0 : i32
      %dma_start3A_1856 = tpu.memref_slice %arg3[%squeeze3A_1846, %dma_start3A_1855] : memref<1000001x32xf32, #tpu.memory_space<hbm>> -> memref<1x32xf32, #tpu.memory_space<hbm>>
      tpu.enqueue_dma source(%dma_start3A_1856 : memref<1x32xf32, #tpu.memory_space<hbm>>) target(%dma_start3A_1854 : memref<1x32xf32, #tpu.memory_space<vmem>>) target_semaphore(%arg13 : memref<!tpu.dma_semaphore, #tpu.memory_space<semaphore_mem>>)
      %slice3A_1857 = vector.extract_strided_slice %get3A_1685 {offsets = [7], sizes = [1], strides = [1]} : vector<16xi32> to vector<1xi32>
      %squeeze3A_1858 = vector.extract %slice3A_1857[0] : i32 from vector<1xi32>
      %add3A_1859 = arith.constant 7 : i32
      %add3A_1860 = arith.addi %mul3A_1682, %add3A_1859 : i32
      %dma_start3A_1861 = arith.constant 0 : i32
      %dma_start3A_1862 = tpu.memref_slice %arg10[%add3A_1860, %dma_start3A_1861] : memref<256x32xf32, #tpu.memory_space<vmem>> -> memref<1x32xf32, #tpu.memory_space<vmem>>
      %dma_start3A_1863 = arith.constant 0 : i32
      %dma_start3A_1864 = tpu.memref_slice %arg2[%squeeze3A_1858, %dma_start3A_1863] : memref<1000001x32xf32, #tpu.memory_space<hbm>> -> memref<1x32xf32, #tpu.memory_space<hbm>>
      %dma_start3A_1865 = arith.constant 0 : i32
      %dma_start3A_1866 = tpu.memref_slice %arg10[%add3A_1860, %dma_start3A_1865] : memref<256x32xf32, #tpu.memory_space<vmem>> -> memref<1x32xf32, #tpu.memory_space<vmem>>
      %dma_start3A_1867 = arith.constant 0 : i32
      %dma_start3A_1868 = tpu.memref_slice %arg2[%squeeze3A_1858, %dma_start3A_1867] : memref<1000001x32xf32, #tpu.memory_space<hbm>> -> memref<1x32xf32, #tpu.memory_space<hbm>>
      tpu.enqueue_dma source(%dma_start3A_1868 : memref<1x32xf32, #tpu.memory_space<hbm>>) target(%dma_start3A_1866 : memref<1x32xf32, #tpu.memory_space<vmem>>) target_semaphore(%arg12 : memref<!tpu.dma_semaphore, #tpu.memory_space<semaphore_mem>>)
      %slice3A_1869 = vector.extract_strided_slice %get3A_1688 {offsets = [7], sizes = [1], strides = [1]} : vector<16xi32> to vector<1xi32>
      %squeeze3A_1870 = vector.extract %slice3A_1869[0] : i32 from vector<1xi32>
      %add3A_1871 = arith.constant 7 : i32
      %add3A_1872 = arith.addi %mul3A_1682, %add3A_1871 : i32
      %dma_start3A_1873 = arith.constant 0 : i32
      %dma_start3A_1874 = tpu.memref_slice %arg11[%add3A_1872, %dma_start3A_1873] : memref<256x32xf32, #tpu.memory_space<vmem>> -> memref<1x32xf32, #tpu.memory_space<vmem>>
      %dma_start3A_1875 = arith.constant 0 : i32
      %dma_start3A_1876 = tpu.memref_slice %arg3[%squeeze3A_1870, %dma_start3A_1875] : memref<1000001x32xf32, #tpu.memory_space<hbm>> -> memref<1x32xf32, #tpu.memory_space<hbm>>
      %dma_start3A_1877 = arith.constant 0 : i32
      %dma_start3A_1878 = tpu.memref_slice %arg11[%add3A_1872, %dma_start3A_1877] : memref<256x32xf32, #tpu.memory_space<vmem>> -> memref<1x32xf32, #tpu.memory_space<vmem>>
      %dma_start3A_1879 = arith.constant 0 : i32
      %dma_start3A_1880 = tpu.memref_slice %arg3[%squeeze3A_1870, %dma_start3A_1879] : memref<1000001x32xf32, #tpu.memory_space<hbm>> -> memref<1x32xf32, #tpu.memory_space<hbm>>
      tpu.enqueue_dma source(%dma_start3A_1880 : memref<1x32xf32, #tpu.memory_space<hbm>>) target(%dma_start3A_1878 : memref<1x32xf32, #tpu.memory_space<vmem>>) target_semaphore(%arg13 : memref<!tpu.dma_semaphore, #tpu.memory_space<semaphore_mem>>)
      %slice3A_1881 = vector.extract_strided_slice %get3A_1685 {offsets = [8], sizes = [1], strides = [1]} : vector<16xi32> to vector<1xi32>
      %squeeze3A_1882 = vector.extract %slice3A_1881[0] : i32 from vector<1xi32>
      %add3A_1883 = arith.constant 8 : i32
      %add3A_1884 = arith.addi %mul3A_1682, %add3A_1883 : i32
      %dma_start3A_1885 = arith.constant 0 : i32
      %dma_start3A_1886 = tpu.memref_slice %arg10[%add3A_1884, %dma_start3A_1885] : memref<256x32xf32, #tpu.memory_space<vmem>> -> memref<1x32xf32, #tpu.memory_space<vmem>>
      %dma_start3A_1887 = arith.constant 0 : i32
      %dma_start3A_1888 = tpu.memref_slice %arg2[%squeeze3A_1882, %dma_start3A_1887] : memref<1000001x32xf32, #tpu.memory_space<hbm>> -> memref<1x32xf32, #tpu.memory_space<hbm>>
      %dma_start3A_1889 = arith.constant 0 : i32
      %dma_start3A_1890 = tpu.memref_slice %arg10[%add3A_1884, %dma_start3A_1889] : memref<256x32xf32, #tpu.memory_space<vmem>> -> memref<1x32xf32, #tpu.memory_space<vmem>>
      %dma_start3A_1891 = arith.constant 0 : i32
      %dma_start3A_1892 = tpu.memref_slice %arg2[%squeeze3A_1882, %dma_start3A_1891] : memref<1000001x32xf32, #tpu.memory_space<hbm>> -> memref<1x32xf32, #tpu.memory_space<hbm>>
      tpu.enqueue_dma source(%dma_start3A_1892 : memref<1x32xf32, #tpu.memory_space<hbm>>) target(%dma_start3A_1890 : memref<1x32xf32, #tpu.memory_space<vmem>>) target_semaphore(%arg12 : memref<!tpu.dma_semaphore, #tpu.memory_space<semaphore_mem>>)
      %slice3A_1893 = vector.extract_strided_slice %get3A_1688 {offsets = [8], sizes = [1], strides = [1]} : vector<16xi32> to vector<1xi32>
      %squeeze3A_1894 = vector.extract %slice3A_1893[0] : i32 from vector<1xi32>
      %add3A_1895 = arith.constant 8 : i32
      %add3A_1896 = arith.addi %mul3A_1682, %add3A_1895 : i32
      %dma_start3A_1897 = arith.constant 0 : i32
      %dma_start3A_1898 = tpu.memref_slice %arg11[%add3A_1896, %dma_start3A_1897] : memref<256x32xf32, #tpu.memory_space<vmem>> -> memref<1x32xf32, #tpu.memory_space<vmem>>
      %dma_start3A_1899 = arith.constant 0 : i32
      %dma_start3A_1900 = tpu.memref_slice %arg3[%squeeze3A_1894, %dma_start3A_1899] : memref<1000001x32xf32, #tpu.memory_space<hbm>> -> memref<1x32xf32, #tpu.memory_space<hbm>>
      %dma_start3A_1901 = arith.constant 0 : i32
      %dma_start3A_1902 = tpu.memref_slice %arg11[%add3A_1896, %dma_start3A_1901] : memref<256x32xf32, #tpu.memory_space<vmem>> -> memref<1x32xf32, #tpu.memory_space<vmem>>
      %dma_start3A_1903 = arith.constant 0 : i32
      %dma_start3A_1904 = tpu.memref_slice %arg3[%squeeze3A_1894, %dma_start3A_1903] : memref<1000001x32xf32, #tpu.memory_space<hbm>> -> memref<1x32xf32, #tpu.memory_space<hbm>>
      tpu.enqueue_dma source(%dma_start3A_1904 : memref<1x32xf32, #tpu.memory_space<hbm>>) target(%dma_start3A_1902 : memref<1x32xf32, #tpu.memory_space<vmem>>) target_semaphore(%arg13 : memref<!tpu.dma_semaphore, #tpu.memory_space<semaphore_mem>>)
      %slice3A_1905 = vector.extract_strided_slice %get3A_1685 {offsets = [9], sizes = [1], strides = [1]} : vector<16xi32> to vector<1xi32>
      %squeeze3A_1906 = vector.extract %slice3A_1905[0] : i32 from vector<1xi32>
      %add3A_1907 = arith.constant 9 : i32
      %add3A_1908 = arith.addi %mul3A_1682, %add3A_1907 : i32
      %dma_start3A_1909 = arith.constant 0 : i32
      %dma_start3A_1910 = tpu.memref_slice %arg10[%add3A_1908, %dma_start3A_1909] : memref<256x32xf32, #tpu.memory_space<vmem>> -> memref<1x32xf32, #tpu.memory_space<vmem>>
      %dma_start3A_1911 = arith.constant 0 : i32
      %dma_start3A_1912 = tpu.memref_slice %arg2[%squeeze3A_1906, %dma_start3A_1911] : memref<1000001x32xf32, #tpu.memory_space<hbm>> -> memref<1x32xf32, #tpu.memory_space<hbm>>
      %dma_start3A_1913 = arith.constant 0 : i32
      %dma_start3A_1914 = tpu.memref_slice %arg10[%add3A_1908, %dma_start3A_1913] : memref<256x32xf32, #tpu.memory_space<vmem>> -> memref<1x32xf32, #tpu.memory_space<vmem>>
      %dma_start3A_1915 = arith.constant 0 : i32
      %dma_start3A_1916 = tpu.memref_slice %arg2[%squeeze3A_1906, %dma_start3A_1915] : memref<1000001x32xf32, #tpu.memory_space<hbm>> -> memref<1x32xf32, #tpu.memory_space<hbm>>
      tpu.enqueue_dma source(%dma_start3A_1916 : memref<1x32xf32, #tpu.memory_space<hbm>>) target(%dma_start3A_1914 : memref<1x32xf32, #tpu.memory_space<vmem>>) target_semaphore(%arg12 : memref<!tpu.dma_semaphore, #tpu.memory_space<semaphore_mem>>)
      %slice3A_1917 = vector.extract_strided_slice %get3A_1688 {offsets = [9], sizes = [1], strides = [1]} : vector<16xi32> to vector<1xi32>
      %squeeze3A_1918 = vector.extract %slice3A_1917[0] : i32 from vector<1xi32>
      %add3A_1919 = arith.constant 9 : i32
      %add3A_1920 = arith.addi %mul3A_1682, %add3A_1919 : i32
      %dma_start3A_1921 = arith.constant 0 : i32
      %dma_start3A_1922 = tpu.memref_slice %arg11[%add3A_1920, %dma_start3A_1921] : memref<256x32xf32, #tpu.memory_space<vmem>> -> memref<1x32xf32, #tpu.memory_space<vmem>>
      %dma_start3A_1923 = arith.constant 0 : i32
      %dma_start3A_1924 = tpu.memref_slice %arg3[%squeeze3A_1918, %dma_start3A_1923] : memref<1000001x32xf32, #tpu.memory_space<hbm>> -> memref<1x32xf32, #tpu.memory_space<hbm>>
      %dma_start3A_1925 = arith.constant 0 : i32
      %dma_start3A_1926 = tpu.memref_slice %arg11[%add3A_1920, %dma_start3A_1925] : memref<256x32xf32, #tpu.memory_space<vmem>> -> memref<1x32xf32, #tpu.memory_space<vmem>>
      %dma_start3A_1927 = arith.constant 0 : i32
      %dma_start3A_1928 = tpu.memref_slice %arg3[%squeeze3A_1918, %dma_start3A_1927] : memref<1000001x32xf32, #tpu.memory_space<hbm>> -> memref<1x32xf32, #tpu.memory_space<hbm>>
      tpu.enqueue_dma source(%dma_start3A_1928 : memref<1x32xf32, #tpu.memory_space<hbm>>) target(%dma_start3A_1926 : memref<1x32xf32, #tpu.memory_space<vmem>>) target_semaphore(%arg13 : memref<!tpu.dma_semaphore, #tpu.memory_space<semaphore_mem>>)
      %slice3A_1929 = vector.extract_strided_slice %get3A_1685 {offsets = [10], sizes = [1], strides = [1]} : vector<16xi32> to vector<1xi32>
      %squeeze3A_1930 = vector.extract %slice3A_1929[0] : i32 from vector<1xi32>
      %add3A_1931 = arith.constant 10 : i32
      %add3A_1932 = arith.addi %mul3A_1682, %add3A_1931 : i32
      %dma_start3A_1933 = arith.constant 0 : i32
      %dma_start3A_1934 = tpu.memref_slice %arg10[%add3A_1932, %dma_start3A_1933] : memref<256x32xf32, #tpu.memory_space<vmem>> -> memref<1x32xf32, #tpu.memory_space<vmem>>
      %dma_start3A_1935 = arith.constant 0 : i32
      %dma_start3A_1936 = tpu.memref_slice %arg2[%squeeze3A_1930, %dma_start3A_1935] : memref<1000001x32xf32, #tpu.memory_space<hbm>> -> memref<1x32xf32, #tpu.memory_space<hbm>>
      %dma_start3A_1937 = arith.constant 0 : i32
      %dma_start3A_1938 = tpu.memref_slice %arg10[%add3A_1932, %dma_start3A_1937] : memref<256x32xf32, #tpu.memory_space<vmem>> -> memref<1x32xf32, #tpu.memory_space<vmem>>
      %dma_start3A_1939 = arith.constant 0 : i32
      %dma_start3A_1940 = tpu.memref_slice %arg2[%squeeze3A_1930, %dma_start3A_1939] : memref<1000001x32xf32, #tpu.memory_space<hbm>> -> memref<1x32xf32, #tpu.memory_space<hbm>>
      tpu.enqueue_dma source(%dma_start3A_1940 : memref<1x32xf32, #tpu.memory_space<hbm>>) target(%dma_start3A_1938 : memref<1x32xf32, #tpu.memory_space<vmem>>) target_semaphore(%arg12 : memref<!tpu.dma_semaphore, #tpu.memory_space<semaphore_mem>>)
      %slice3A_1941 = vector.extract_strided_slice %get3A_1688 {offsets = [10], sizes = [1], strides = [1]} : vector<16xi32> to vector<1xi32>
      %squeeze3A_1942 = vector.extract %slice3A_1941[0] : i32 from vector<1xi32>
      %add3A_1943 = arith.constant 10 : i32
      %add3A_1944 = arith.addi %mul3A_1682, %add3A_1943 : i32
      %dma_start3A_1945 = arith.constant 0 : i32
      %dma_start3A_1946 = tpu.memref_slice %arg11[%add3A_1944, %dma_start3A_1945] : memref<256x32xf32, #tpu.memory_space<vmem>> -> memref<1x32xf32, #tpu.memory_space<vmem>>
      %dma_start3A_1947 = arith.constant 0 : i32
      %dma_start3A_1948 = tpu.memref_slice %arg3[%squeeze3A_1942, %dma_start3A_1947] : memref<1000001x32xf32, #tpu.memory_space<hbm>> -> memref<1x32xf32, #tpu.memory_space<hbm>>
      %dma_start3A_1949 = arith.constant 0 : i32
      %dma_start3A_1950 = tpu.memref_slice %arg11[%add3A_1944, %dma_start3A_1949] : memref<256x32xf32, #tpu.memory_space<vmem>> -> memref<1x32xf32, #tpu.memory_space<vmem>>
      %dma_start3A_1951 = arith.constant 0 : i32
      %dma_start3A_1952 = tpu.memref_slice %arg3[%squeeze3A_1942, %dma_start3A_1951] : memref<1000001x32xf32, #tpu.memory_space<hbm>> -> memref<1x32xf32, #tpu.memory_space<hbm>>
      tpu.enqueue_dma source(%dma_start3A_1952 : memref<1x32xf32, #tpu.memory_space<hbm>>) target(%dma_start3A_1950 : memref<1x32xf32, #tpu.memory_space<vmem>>) target_semaphore(%arg13 : memref<!tpu.dma_semaphore, #tpu.memory_space<semaphore_mem>>)
      %slice3A_1953 = vector.extract_strided_slice %get3A_1685 {offsets = [11], sizes = [1], strides = [1]} : vector<16xi32> to vector<1xi32>
      %squeeze3A_1954 = vector.extract %slice3A_1953[0] : i32 from vector<1xi32>
      %add3A_1955 = arith.constant 11 : i32
      %add3A_1956 = arith.addi %mul3A_1682, %add3A_1955 : i32
      %dma_start3A_1957 = arith.constant 0 : i32
      %dma_start3A_1958 = tpu.memref_slice %arg10[%add3A_1956, %dma_start3A_1957] : memref<256x32xf32, #tpu.memory_space<vmem>> -> memref<1x32xf32, #tpu.memory_space<vmem>>
      %dma_start3A_1959 = arith.constant 0 : i32
      %dma_start3A_1960 = tpu.memref_slice %arg2[%squeeze3A_1954, %dma_start3A_1959] : memref<1000001x32xf32, #tpu.memory_space<hbm>> -> memref<1x32xf32, #tpu.memory_space<hbm>>
      %dma_start3A_1961 = arith.constant 0 : i32
      %dma_start3A_1962 = tpu.memref_slice %arg10[%add3A_1956, %dma_start3A_1961] : memref<256x32xf32, #tpu.memory_space<vmem>> -> memref<1x32xf32, #tpu.memory_space<vmem>>
      %dma_start3A_1963 = arith.constant 0 : i32
      %dma_start3A_1964 = tpu.memref_slice %arg2[%squeeze3A_1954, %dma_start3A_1963] : memref<1000001x32xf32, #tpu.memory_space<hbm>> -> memref<1x32xf32, #tpu.memory_space<hbm>>
      tpu.enqueue_dma source(%dma_start3A_1964 : memref<1x32xf32, #tpu.memory_space<hbm>>) target(%dma_start3A_1962 : memref<1x32xf32, #tpu.memory_space<vmem>>) target_semaphore(%arg12 : memref<!tpu.dma_semaphore, #tpu.memory_space<semaphore_mem>>)
      %slice3A_1965 = vector.extract_strided_slice %get3A_1688 {offsets = [11], sizes = [1], strides = [1]} : vector<16xi32> to vector<1xi32>
      %squeeze3A_1966 = vector.extract %slice3A_1965[0] : i32 from vector<1xi32>
      %add3A_1967 = arith.constant 11 : i32
      %add3A_1968 = arith.addi %mul3A_1682, %add3A_1967 : i32
      %dma_start3A_1969 = arith.constant 0 : i32
      %dma_start3A_1970 = tpu.memref_slice %arg11[%add3A_1968, %dma_start3A_1969] : memref<256x32xf32, #tpu.memory_space<vmem>> -> memref<1x32xf32, #tpu.memory_space<vmem>>
      %dma_start3A_1971 = arith.constant 0 : i32
      %dma_start3A_1972 = tpu.memref_slice %arg3[%squeeze3A_1966, %dma_start3A_1971] : memref<1000001x32xf32, #tpu.memory_space<hbm>> -> memref<1x32xf32, #tpu.memory_space<hbm>>
      %dma_start3A_1973 = arith.constant 0 : i32
      %dma_start3A_1974 = tpu.memref_slice %arg11[%add3A_1968, %dma_start3A_1973] : memref<256x32xf32, #tpu.memory_space<vmem>> -> memref<1x32xf32, #tpu.memory_space<vmem>>
      %dma_start3A_1975 = arith.constant 0 : i32
      %dma_start3A_1976 = tpu.memref_slice %arg3[%squeeze3A_1966, %dma_start3A_1975] : memref<1000001x32xf32, #tpu.memory_space<hbm>> -> memref<1x32xf32, #tpu.memory_space<hbm>>
      tpu.enqueue_dma source(%dma_start3A_1976 : memref<1x32xf32, #tpu.memory_space<hbm>>) target(%dma_start3A_1974 : memref<1x32xf32, #tpu.memory_space<vmem>>) target_semaphore(%arg13 : memref<!tpu.dma_semaphore, #tpu.memory_space<semaphore_mem>>)
      %slice3A_1977 = vector.extract_strided_slice %get3A_1685 {offsets = [12], sizes = [1], strides = [1]} : vector<16xi32> to vector<1xi32>
      %squeeze3A_1978 = vector.extract %slice3A_1977[0] : i32 from vector<1xi32>
      %add3A_1979 = arith.constant 12 : i32
      %add3A_1980 = arith.addi %mul3A_1682, %add3A_1979 : i32
      %dma_start3A_1981 = arith.constant 0 : i32
      %dma_start3A_1982 = tpu.memref_slice %arg10[%add3A_1980, %dma_start3A_1981] : memref<256x32xf32, #tpu.memory_space<vmem>> -> memref<1x32xf32, #tpu.memory_space<vmem>>
      %dma_start3A_1983 = arith.constant 0 : i32
      %dma_start3A_1984 = tpu.memref_slice %arg2[%squeeze3A_1978, %dma_start3A_1983] : memref<1000001x32xf32, #tpu.memory_space<hbm>> -> memref<1x32xf32, #tpu.memory_space<hbm>>
      %dma_start3A_1985 = arith.constant 0 : i32
      %dma_start3A_1986 = tpu.memref_slice %arg10[%add3A_1980, %dma_start3A_1985] : memref<256x32xf32, #tpu.memory_space<vmem>> -> memref<1x32xf32, #tpu.memory_space<vmem>>
      %dma_start3A_1987 = arith.constant 0 : i32
      %dma_start3A_1988 = tpu.memref_slice %arg2[%squeeze3A_1978, %dma_start3A_1987] : memref<1000001x32xf32, #tpu.memory_space<hbm>> -> memref<1x32xf32, #tpu.memory_space<hbm>>
      tpu.enqueue_dma source(%dma_start3A_1988 : memref<1x32xf32, #tpu.memory_space<hbm>>) target(%dma_start3A_1986 : memref<1x32xf32, #tpu.memory_space<vmem>>) target_semaphore(%arg12 : memref<!tpu.dma_semaphore, #tpu.memory_space<semaphore_mem>>)
      %slice3A_1989 = vector.extract_strided_slice %get3A_1688 {offsets = [12], sizes = [1], strides = [1]} : vector<16xi32> to vector<1xi32>
      %squeeze3A_1990 = vector.extract %slice3A_1989[0] : i32 from vector<1xi32>
      %add3A_1991 = arith.constant 12 : i32
      %add3A_1992 = arith.addi %mul3A_1682, %add3A_1991 : i32
      %dma_start3A_1993 = arith.constant 0 : i32
      %dma_start3A_1994 = tpu.memref_slice %arg11[%add3A_1992, %dma_start3A_1993] : memref<256x32xf32, #tpu.memory_space<vmem>> -> memref<1x32xf32, #tpu.memory_space<vmem>>
      %dma_start3A_1995 = arith.constant 0 : i32
      %dma_start3A_1996 = tpu.memref_slice %arg3[%squeeze3A_1990, %dma_start3A_1995] : memref<1000001x32xf32, #tpu.memory_space<hbm>> -> memref<1x32xf32, #tpu.memory_space<hbm>>
      %dma_start3A_1997 = arith.constant 0 : i32
      %dma_start3A_1998 = tpu.memref_slice %arg11[%add3A_1992, %dma_start3A_1997] : memref<256x32xf32, #tpu.memory_space<vmem>> -> memref<1x32xf32, #tpu.memory_space<vmem>>
      %dma_start3A_1999 = arith.constant 0 : i32
      %dma_start3A_2000 = tpu.memref_slice %arg3[%squeeze3A_1990, %dma_start3A_1999] : memref<1000001x32xf32, #tpu.memory_space<hbm>> -> memref<1x32xf32, #tpu.memory_space<hbm>>
      tpu.enqueue_dma source(%dma_start3A_2000 : memref<1x32xf32, #tpu.memory_space<hbm>>) target(%dma_start3A_1998 : memref<1x32xf32, #tpu.memory_space<vmem>>) target_semaphore(%arg13 : memref<!tpu.dma_semaphore, #tpu.memory_space<semaphore_mem>>)
      %slice3A_2001 = vector.extract_strided_slice %get3A_1685 {offsets = [13], sizes = [1], strides = [1]} : vector<16xi32> to vector<1xi32>
      %squeeze3A_2002 = vector.extract %slice3A_2001[0] : i32 from vector<1xi32>
      %add3A_2003 = arith.constant 13 : i32
      %add3A_2004 = arith.addi %mul3A_1682, %add3A_2003 : i32
      %dma_start3A_2005 = arith.constant 0 : i32
      %dma_start3A_2006 = tpu.memref_slice %arg10[%add3A_2004, %dma_start3A_2005] : memref<256x32xf32, #tpu.memory_space<vmem>> -> memref<1x32xf32, #tpu.memory_space<vmem>>
      %dma_start3A_2007 = arith.constant 0 : i32
      %dma_start3A_2008 = tpu.memref_slice %arg2[%squeeze3A_2002, %dma_start3A_2007] : memref<1000001x32xf32, #tpu.memory_space<hbm>> -> memref<1x32xf32, #tpu.memory_space<hbm>>
      %dma_start3A_2009 = arith.constant 0 : i32
      %dma_start3A_2010 = tpu.memref_slice %arg10[%add3A_2004, %dma_start3A_2009] : memref<256x32xf32, #tpu.memory_space<vmem>> -> memref<1x32xf32, #tpu.memory_space<vmem>>
      %dma_start3A_2011 = arith.constant 0 : i32
      %dma_start3A_2012 = tpu.memref_slice %arg2[%squeeze3A_2002, %dma_start3A_2011] : memref<1000001x32xf32, #tpu.memory_space<hbm>> -> memref<1x32xf32, #tpu.memory_space<hbm>>
      tpu.enqueue_dma source(%dma_start3A_2012 : memref<1x32xf32, #tpu.memory_space<hbm>>) target(%dma_start3A_2010 : memref<1x32xf32, #tpu.memory_space<vmem>>) target_semaphore(%arg12 : memref<!tpu.dma_semaphore, #tpu.memory_space<semaphore_mem>>)
      %slice3A_2013 = vector.extract_strided_slice %get3A_1688 {offsets = [13], sizes = [1], strides = [1]} : vector<16xi32> to vector<1xi32>
      %squeeze3A_2014 = vector.extract %slice3A_2013[0] : i32 from vector<1xi32>
      %add3A_2015 = arith.constant 13 : i32
      %add3A_2016 = arith.addi %mul3A_1682, %add3A_2015 : i32
      %dma_start3A_2017 = arith.constant 0 : i32
      %dma_start3A_2018 = tpu.memref_slice %arg11[%add3A_2016, %dma_start3A_2017] : memref<256x32xf32, #tpu.memory_space<vmem>> -> memref<1x32xf32, #tpu.memory_space<vmem>>
      %dma_start3A_2019 = arith.constant 0 : i32
      %dma_start3A_2020 = tpu.memref_slice %arg3[%squeeze3A_2014, %dma_start3A_2019] : memref<1000001x32xf32, #tpu.memory_space<hbm>> -> memref<1x32xf32, #tpu.memory_space<hbm>>
      %dma_start3A_2021 = arith.constant 0 : i32
      %dma_start3A_2022 = tpu.memref_slice %arg11[%add3A_2016, %dma_start3A_2021] : memref<256x32xf32, #tpu.memory_space<vmem>> -> memref<1x32xf32, #tpu.memory_space<vmem>>
      %dma_start3A_2023 = arith.constant 0 : i32
      %dma_start3A_2024 = tpu.memref_slice %arg3[%squeeze3A_2014, %dma_start3A_2023] : memref<1000001x32xf32, #tpu.memory_space<hbm>> -> memref<1x32xf32, #tpu.memory_space<hbm>>
      tpu.enqueue_dma source(%dma_start3A_2024 : memref<1x32xf32, #tpu.memory_space<hbm>>) target(%dma_start3A_2022 : memref<1x32xf32, #tpu.memory_space<vmem>>) target_semaphore(%arg13 : memref<!tpu.dma_semaphore, #tpu.memory_space<semaphore_mem>>)
      %slice3A_2025 = vector.extract_strided_slice %get3A_1685 {offsets = [14], sizes = [1], strides = [1]} : vector<16xi32> to vector<1xi32>
      %squeeze3A_2026 = vector.extract %slice3A_2025[0] : i32 from vector<1xi32>
      %add3A_2027 = arith.constant 14 : i32
      %add3A_2028 = arith.addi %mul3A_1682, %add3A_2027 : i32
      %dma_start3A_2029 = arith.constant 0 : i32
      %dma_start3A_2030 = tpu.memref_slice %arg10[%add3A_2028, %dma_start3A_2029] : memref<256x32xf32, #tpu.memory_space<vmem>> -> memref<1x32xf32, #tpu.memory_space<vmem>>
      %dma_start3A_2031 = arith.constant 0 : i32
      %dma_start3A_2032 = tpu.memref_slice %arg2[%squeeze3A_2026, %dma_start3A_2031] : memref<1000001x32xf32, #tpu.memory_space<hbm>> -> memref<1x32xf32, #tpu.memory_space<hbm>>
      %dma_start3A_2033 = arith.constant 0 : i32
      %dma_start3A_2034 = tpu.memref_slice %arg10[%add3A_2028, %dma_start3A_2033] : memref<256x32xf32, #tpu.memory_space<vmem>> -> memref<1x32xf32, #tpu.memory_space<vmem>>
      %dma_start3A_2035 = arith.constant 0 : i32
      %dma_start3A_2036 = tpu.memref_slice %arg2[%squeeze3A_2026, %dma_start3A_2035] : memref<1000001x32xf32, #tpu.memory_space<hbm>> -> memref<1x32xf32, #tpu.memory_space<hbm>>
      tpu.enqueue_dma source(%dma_start3A_2036 : memref<1x32xf32, #tpu.memory_space<hbm>>) target(%dma_start3A_2034 : memref<1x32xf32, #tpu.memory_space<vmem>>) target_semaphore(%arg12 : memref<!tpu.dma_semaphore, #tpu.memory_space<semaphore_mem>>)
      %slice3A_2037 = vector.extract_strided_slice %get3A_1688 {offsets = [14], sizes = [1], strides = [1]} : vector<16xi32> to vector<1xi32>
      %squeeze3A_2038 = vector.extract %slice3A_2037[0] : i32 from vector<1xi32>
      %add3A_2039 = arith.constant 14 : i32
      %add3A_2040 = arith.addi %mul3A_1682, %add3A_2039 : i32
      %dma_start3A_2041 = arith.constant 0 : i32
      %dma_start3A_2042 = tpu.memref_slice %arg11[%add3A_2040, %dma_start3A_2041] : memref<256x32xf32, #tpu.memory_space<vmem>> -> memref<1x32xf32, #tpu.memory_space<vmem>>
      %dma_start3A_2043 = arith.constant 0 : i32
      %dma_start3A_2044 = tpu.memref_slice %arg3[%squeeze3A_2038, %dma_start3A_2043] : memref<1000001x32xf32, #tpu.memory_space<hbm>> -> memref<1x32xf32, #tpu.memory_space<hbm>>
      %dma_start3A_2045 = arith.constant 0 : i32
      %dma_start3A_2046 = tpu.memref_slice %arg11[%add3A_2040, %dma_start3A_2045] : memref<256x32xf32, #tpu.memory_space<vmem>> -> memref<1x32xf32, #tpu.memory_space<vmem>>
      %dma_start3A_2047 = arith.constant 0 : i32
      %dma_start3A_2048 = tpu.memref_slice %arg3[%squeeze3A_2038, %dma_start3A_2047] : memref<1000001x32xf32, #tpu.memory_space<hbm>> -> memref<1x32xf32, #tpu.memory_space<hbm>>
      tpu.enqueue_dma source(%dma_start3A_2048 : memref<1x32xf32, #tpu.memory_space<hbm>>) target(%dma_start3A_2046 : memref<1x32xf32, #tpu.memory_space<vmem>>) target_semaphore(%arg13 : memref<!tpu.dma_semaphore, #tpu.memory_space<semaphore_mem>>)
      %slice3A_2049 = vector.extract_strided_slice %get3A_1685 {offsets = [15], sizes = [1], strides = [1]} : vector<16xi32> to vector<1xi32>
      %squeeze3A_2050 = vector.extract %slice3A_2049[0] : i32 from vector<1xi32>
      %add3A_2051 = arith.constant 15 : i32
      %add3A_2052 = arith.addi %mul3A_1682, %add3A_2051 : i32
      %dma_start3A_2053 = arith.constant 0 : i32
      %dma_start3A_2054 = tpu.memref_slice %arg10[%add3A_2052, %dma_start3A_2053] : memref<256x32xf32, #tpu.memory_space<vmem>> -> memref<1x32xf32, #tpu.memory_space<vmem>>
      %dma_start3A_2055 = arith.constant 0 : i32
      %dma_start3A_2056 = tpu.memref_slice %arg2[%squeeze3A_2050, %dma_start3A_2055] : memref<1000001x32xf32, #tpu.memory_space<hbm>> -> memref<1x32xf32, #tpu.memory_space<hbm>>
      %dma_start3A_2057 = arith.constant 0 : i32
      %dma_start3A_2058 = tpu.memref_slice %arg10[%add3A_2052, %dma_start3A_2057] : memref<256x32xf32, #tpu.memory_space<vmem>> -> memref<1x32xf32, #tpu.memory_space<vmem>>
      %dma_start3A_2059 = arith.constant 0 : i32
      %dma_start3A_2060 = tpu.memref_slice %arg2[%squeeze3A_2050, %dma_start3A_2059] : memref<1000001x32xf32, #tpu.memory_space<hbm>> -> memref<1x32xf32, #tpu.memory_space<hbm>>
      tpu.enqueue_dma source(%dma_start3A_2060 : memref<1x32xf32, #tpu.memory_space<hbm>>) target(%dma_start3A_2058 : memref<1x32xf32, #tpu.memory_space<vmem>>) target_semaphore(%arg12 : memref<!tpu.dma_semaphore, #tpu.memory_space<semaphore_mem>>)
      %slice3A_2061 = vector.extract_strided_slice %get3A_1688 {offsets = [15], sizes = [1], strides = [1]} : vector<16xi32> to vector<1xi32>
      %squeeze3A_2062 = vector.extract %slice3A_2061[0] : i32 from vector<1xi32>
      %add3A_2063 = arith.constant 15 : i32
      %add3A_2064 = arith.addi %mul3A_1682, %add3A_2063 : i32
      %dma_start3A_2065 = arith.constant 0 : i32
      %dma_start3A_2066 = tpu.memref_slice %arg11[%add3A_2064, %dma_start3A_2065] : memref<256x32xf32, #tpu.memory_space<vmem>> -> memref<1x32xf32, #tpu.memory_space<vmem>>
      %dma_start3A_2067 = arith.constant 0 : i32
      %dma_start3A_2068 = tpu.memref_slice %arg3[%squeeze3A_2062, %dma_start3A_2067] : memref<1000001x32xf32, #tpu.memory_space<hbm>> -> memref<1x32xf32, #tpu.memory_space<hbm>>
      %dma_start3A_2069 = arith.constant 0 : i32
      %dma_start3A_2070 = tpu.memref_slice %arg11[%add3A_2064, %dma_start3A_2069] : memref<256x32xf32, #tpu.memory_space<vmem>> -> memref<1x32xf32, #tpu.memory_space<vmem>>
      %dma_start3A_2071 = arith.constant 0 : i32
      %dma_start3A_2072 = tpu.memref_slice %arg3[%squeeze3A_2062, %dma_start3A_2071] : memref<1000001x32xf32, #tpu.memory_space<hbm>> -> memref<1x32xf32, #tpu.memory_space<hbm>>
      tpu.enqueue_dma source(%dma_start3A_2072 : memref<1x32xf32, #tpu.memory_space<hbm>>) target(%dma_start3A_2070 : memref<1x32xf32, #tpu.memory_space<vmem>>) target_semaphore(%arg13 : memref<!tpu.dma_semaphore, #tpu.memory_space<semaphore_mem>>)
      %sub3A = arith.constant 2 : i32
      %sub3A_2073 = arith.subi %scan3A_1675, %sub3A : i32
      %mul3A_2074 = arith.constant 16 : i32
      %mul3A_2075 = arith.muli %sub3A_2073, %mul3A_2074 : i32
      %dma_wait3A_2076 = arith.constant 0 : i32
      %dma_wait3A_2077 = tpu.memref_slice %arg10[%mul3A_2075, %dma_wait3A_2076] : memref<256x32xf32, #tpu.memory_space<vmem>> -> memref<16x32xf32, #tpu.memory_space<vmem>>
      %dma_wait3A_2078 = arith.constant 0 : i32
      %dma_wait3A_2079 = arith.constant 0 : i32
      %dma_wait3A_2080 = tpu.memref_slice %arg2[%dma_wait3A_2078, %dma_wait3A_2079] : memref<1000001x32xf32, #tpu.memory_space<hbm>> -> memref<16x32xf32, #tpu.memory_space<hbm>>
      %dma_wait3A_2081 = arith.constant 0 : i32
      %dma_wait3A_2082 = tpu.memref_slice %arg10[%mul3A_2075, %dma_wait3A_2081] : memref<256x32xf32, #tpu.memory_space<vmem>> -> memref<16x32xf32, #tpu.memory_space<vmem>>
      %dma_wait3A_2083 = arith.constant 0 : i32
      %dma_wait3A_2084 = arith.constant 0 : i32
      %dma_wait3A_2085 = tpu.memref_slice %arg2[%dma_wait3A_2083, %dma_wait3A_2084] : memref<1000001x32xf32, #tpu.memory_space<hbm>> -> memref<16x32xf32, #tpu.memory_space<hbm>>
      tpu.wait_dma2 semaphore(%arg12 : memref<!tpu.dma_semaphore, #tpu.memory_space<semaphore_mem>>) src(%dma_wait3A_2085 : memref<16x32xf32, #tpu.memory_space<hbm>>) dst(%dma_wait3A_2082 : memref<16x32xf32, #tpu.memory_space<vmem>>)
      %mul3A_2086 = arith.constant 16 : i32
      %mul3A_2087 = arith.muli %sub3A_2073, %mul3A_2086 : i32
      %dma_wait3A_2088 = arith.constant 0 : i32
      %dma_wait3A_2089 = tpu.memref_slice %arg11[%mul3A_2087, %dma_wait3A_2088] : memref<256x32xf32, #tpu.memory_space<vmem>> -> memref<16x32xf32, #tpu.memory_space<vmem>>
      %dma_wait3A_2090 = arith.constant 0 : i32
      %dma_wait3A_2091 = arith.constant 0 : i32
      %dma_wait3A_2092 = tpu.memref_slice %arg3[%dma_wait3A_2090, %dma_wait3A_2091] : memref<1000001x32xf32, #tpu.memory_space<hbm>> -> memref<16x32xf32, #tpu.memory_space<hbm>>
      %dma_wait3A_2093 = arith.constant 0 : i32
      %dma_wait3A_2094 = tpu.memref_slice %arg11[%mul3A_2087, %dma_wait3A_2093] : memref<256x32xf32, #tpu.memory_space<vmem>> -> memref<16x32xf32, #tpu.memory_space<vmem>>
      %dma_wait3A_2095 = arith.constant 0 : i32
      %dma_wait3A_2096 = arith.constant 0 : i32
      %dma_wait3A_2097 = tpu.memref_slice %arg3[%dma_wait3A_2095, %dma_wait3A_2096] : memref<1000001x32xf32, #tpu.memory_space<hbm>> -> memref<16x32xf32, #tpu.memory_space<hbm>>
      tpu.wait_dma2 semaphore(%arg13 : memref<!tpu.dma_semaphore, #tpu.memory_space<semaphore_mem>>) src(%dma_wait3A_2097 : memref<16x32xf32, #tpu.memory_space<hbm>>) dst(%dma_wait3A_2094 : memref<16x32xf32, #tpu.memory_space<vmem>>)
      %scan3A_2098 = arith.constant 0 : i32
      scf.yield %scan3A_2098 : i32
    }
    %scan3A_784 = arith.constant 14 : i32
    %dma_wait3A = arith.constant 224 : i32
    %dma_wait3A_785 = arith.constant 0 : i32
    %dma_wait3A_786 = tpu.memref_slice %arg10[%dma_wait3A, %dma_wait3A_785] : memref<256x32xf32, #tpu.memory_space<vmem>> -> memref<16x32xf32, #tpu.memory_space<vmem>>
    %dma_wait3A_787 = arith.constant 0 : i32
    %dma_wait3A_788 = arith.constant 0 : i32
    %dma_wait3A_789 = tpu.memref_slice %arg2[%dma_wait3A_787, %dma_wait3A_788] : memref<1000001x32xf32, #tpu.memory_space<hbm>> -> memref<16x32xf32, #tpu.memory_space<hbm>>
    %dma_wait3A_790 = arith.constant 224 : i32
    %dma_wait3A_791 = arith.constant 0 : i32
    %dma_wait3A_792 = tpu.memref_slice %arg10[%dma_wait3A_790, %dma_wait3A_791] : memref<256x32xf32, #tpu.memory_space<vmem>> -> memref<16x32xf32, #tpu.memory_space<vmem>>
    %dma_wait3A_793 = arith.constant 0 : i32
    %dma_wait3A_794 = arith.constant 0 : i32
    %dma_wait3A_795 = tpu.memref_slice %arg2[%dma_wait3A_793, %dma_wait3A_794] : memref<1000001x32xf32, #tpu.memory_space<hbm>> -> memref<16x32xf32, #tpu.memory_space<hbm>>
    tpu.wait_dma2 semaphore(%arg12 : memref<!tpu.dma_semaphore, #tpu.memory_space<semaphore_mem>>) src(%dma_wait3A_795 : memref<16x32xf32, #tpu.memory_space<hbm>>) dst(%dma_wait3A_792 : memref<16x32xf32, #tpu.memory_space<vmem>>)
    %dma_wait3A_796 = arith.constant 224 : i32
    %dma_wait3A_797 = arith.constant 0 : i32
    %dma_wait3A_798 = tpu.memref_slice %arg11[%dma_wait3A_796, %dma_wait3A_797] : memref<256x32xf32, #tpu.memory_space<vmem>> -> memref<16x32xf32, #tpu.memory_space<vmem>>
    %dma_wait3A_799 = arith.constant 0 : i32
    %dma_wait3A_800 = arith.constant 0 : i32
    %dma_wait3A_801 = tpu.memref_slice %arg3[%dma_wait3A_799, %dma_wait3A_800] : memref<1000001x32xf32, #tpu.memory_space<hbm>> -> memref<16x32xf32, #tpu.memory_space<hbm>>
    %dma_wait3A_802 = arith.constant 224 : i32
    %dma_wait3A_803 = arith.constant 0 : i32
    %dma_wait3A_804 = tpu.memref_slice %arg11[%dma_wait3A_802, %dma_wait3A_803] : memref<256x32xf32, #tpu.memory_space<vmem>> -> memref<16x32xf32, #tpu.memory_space<vmem>>
    %dma_wait3A_805 = arith.constant 0 : i32
    %dma_wait3A_806 = arith.constant 0 : i32
    %dma_wait3A_807 = tpu.memref_slice %arg3[%dma_wait3A_805, %dma_wait3A_806] : memref<1000001x32xf32, #tpu.memory_space<hbm>> -> memref<16x32xf32, #tpu.memory_space<hbm>>
    tpu.wait_dma2 semaphore(%arg13 : memref<!tpu.dma_semaphore, #tpu.memory_space<semaphore_mem>>) src(%dma_wait3A_807 : memref<16x32xf32, #tpu.memory_space<hbm>>) dst(%dma_wait3A_804 : memref<16x32xf32, #tpu.memory_space<vmem>>)
    %dma_wait3A_808 = arith.constant 240 : i32
    %dma_wait3A_809 = arith.constant 0 : i32
    %dma_wait3A_810 = tpu.memref_slice %arg10[%dma_wait3A_808, %dma_wait3A_809] : memref<256x32xf32, #tpu.memory_space<vmem>> -> memref<16x32xf32, #tpu.memory_space<vmem>>
    %dma_wait3A_811 = arith.constant 0 : i32
    %dma_wait3A_812 = arith.constant 0 : i32
    %dma_wait3A_813 = tpu.memref_slice %arg2[%dma_wait3A_811, %dma_wait3A_812] : memref<1000001x32xf32, #tpu.memory_space<hbm>> -> memref<16x32xf32, #tpu.memory_space<hbm>>
    %dma_wait3A_814 = arith.constant 240 : i32
    %dma_wait3A_815 = arith.constant 0 : i32
    %dma_wait3A_816 = tpu.memref_slice %arg10[%dma_wait3A_814, %dma_wait3A_815] : memref<256x32xf32, #tpu.memory_space<vmem>> -> memref<16x32xf32, #tpu.memory_space<vmem>>
    %dma_wait3A_817 = arith.constant 0 : i32
    %dma_wait3A_818 = arith.constant 0 : i32
    %dma_wait3A_819 = tpu.memref_slice %arg2[%dma_wait3A_817, %dma_wait3A_818] : memref<1000001x32xf32, #tpu.memory_space<hbm>> -> memref<16x32xf32, #tpu.memory_space<hbm>>
    tpu.wait_dma2 semaphore(%arg12 : memref<!tpu.dma_semaphore, #tpu.memory_space<semaphore_mem>>) src(%dma_wait3A_819 : memref<16x32xf32, #tpu.memory_space<hbm>>) dst(%dma_wait3A_816 : memref<16x32xf32, #tpu.memory_space<vmem>>)
    %dma_wait3A_820 = arith.constant 240 : i32
    %dma_wait3A_821 = arith.constant 0 : i32
    %dma_wait3A_822 = tpu.memref_slice %arg11[%dma_wait3A_820, %dma_wait3A_821] : memref<256x32xf32, #tpu.memory_space<vmem>> -> memref<16x32xf32, #tpu.memory_space<vmem>>
    %dma_wait3A_823 = arith.constant 0 : i32
    %dma_wait3A_824 = arith.constant 0 : i32
    %dma_wait3A_825 = tpu.memref_slice %arg3[%dma_wait3A_823, %dma_wait3A_824] : memref<1000001x32xf32, #tpu.memory_space<hbm>> -> memref<16x32xf32, #tpu.memory_space<hbm>>
    %dma_wait3A_826 = arith.constant 240 : i32
    %dma_wait3A_827 = arith.constant 0 : i32
    %dma_wait3A_828 = tpu.memref_slice %arg11[%dma_wait3A_826, %dma_wait3A_827] : memref<256x32xf32, #tpu.memory_space<vmem>> -> memref<16x32xf32, #tpu.memory_space<vmem>>
    %dma_wait3A_829 = arith.constant 0 : i32
    %dma_wait3A_830 = arith.constant 0 : i32
    %dma_wait3A_831 = tpu.memref_slice %arg3[%dma_wait3A_829, %dma_wait3A_830] : memref<1000001x32xf32, #tpu.memory_space<hbm>> -> memref<16x32xf32, #tpu.memory_space<hbm>>
    tpu.wait_dma2 semaphore(%arg13 : memref<!tpu.dma_semaphore, #tpu.memory_space<semaphore_mem>>) src(%dma_wait3A_831 : memref<16x32xf32, #tpu.memory_space<hbm>>) dst(%dma_wait3A_828 : memref<16x32xf32, #tpu.memory_space<vmem>>)
    %add3A_832 = arith.constant 0 : i32
    %add3A_833 = arith.addi %mul3A_2, %add3A_832 : i32
    "tpu.region"() ({
      %run_scoped3A = tpu.sem_alloc : memref<!tpu.dma_semaphore, #tpu.memory_space<semaphore_mem>>
      %dma_start3A_1675 = arith.constant 0 : i32
      %dma_start3A_1676 = tpu.memref_slice %arg6[%add3A_833, %dma_start3A_1675] : memref<16384x32xf32, #tpu.memory_space<hbm>> -> memref<256x32xf32, #tpu.memory_space<hbm>>
      %dma_start3A_1677 = arith.constant 0 : i32
      %dma_start3A_1678 = tpu.memref_slice %arg6[%add3A_833, %dma_start3A_1677] : memref<16384x32xf32, #tpu.memory_space<hbm>> -> memref<256x32xf32, #tpu.memory_space<hbm>>
      tpu.enqueue_dma source(%arg10 : memref<256x32xf32, #tpu.memory_space<vmem>>) target(%dma_start3A_1678 : memref<256x32xf32, #tpu.memory_space<hbm>>) target_semaphore(%run_scoped3A : memref<!tpu.dma_semaphore, #tpu.memory_space<semaphore_mem>>)
      %dma_wait3A_1679 = arith.constant 0 : i32
      %dma_wait3A_1680 = tpu.memref_slice %arg6[%add3A_833, %dma_wait3A_1679] : memref<16384x32xf32, #tpu.memory_space<hbm>> -> memref<256x32xf32, #tpu.memory_space<hbm>>
      %dma_wait3A_1681 = arith.constant 0 : i32
      %dma_wait3A_1682 = tpu.memref_slice %arg6[%add3A_833, %dma_wait3A_1681] : memref<16384x32xf32, #tpu.memory_space<hbm>> -> memref<256x32xf32, #tpu.memory_space<hbm>>
      tpu.wait_dma2 semaphore(%run_scoped3A : memref<!tpu.dma_semaphore, #tpu.memory_space<semaphore_mem>>) src(%arg10 : memref<256x32xf32, #tpu.memory_space<vmem>>) dst(%dma_wait3A_1682 : memref<256x32xf32, #tpu.memory_space<hbm>>)
      tpu.yield
    }) : () -> ()
    %add3A_834 = arith.constant 0 : i32
    %add3A_835 = arith.addi %mul3A_2, %add3A_834 : i32
    "tpu.region"() ({
      %run_scoped3A = tpu.sem_alloc : memref<!tpu.dma_semaphore, #tpu.memory_space<semaphore_mem>>
      %dma_start3A_1675 = arith.constant 0 : i32
      %dma_start3A_1676 = tpu.memref_slice %arg7[%add3A_835, %dma_start3A_1675] : memref<16384x32xf32, #tpu.memory_space<hbm>> -> memref<256x32xf32, #tpu.memory_space<hbm>>
      %dma_start3A_1677 = arith.constant 0 : i32
      %dma_start3A_1678 = tpu.memref_slice %arg7[%add3A_835, %dma_start3A_1677] : memref<16384x32xf32, #tpu.memory_space<hbm>> -> memref<256x32xf32, #tpu.memory_space<hbm>>
      tpu.enqueue_dma source(%arg11 : memref<256x32xf32, #tpu.memory_space<vmem>>) target(%dma_start3A_1678 : memref<256x32xf32, #tpu.memory_space<hbm>>) target_semaphore(%run_scoped3A : memref<!tpu.dma_semaphore, #tpu.memory_space<semaphore_mem>>)
      %dma_wait3A_1679 = arith.constant 0 : i32
      %dma_wait3A_1680 = tpu.memref_slice %arg7[%add3A_835, %dma_wait3A_1679] : memref<16384x32xf32, #tpu.memory_space<hbm>> -> memref<256x32xf32, #tpu.memory_space<hbm>>
      %dma_wait3A_1681 = arith.constant 0 : i32
      %dma_wait3A_1682 = tpu.memref_slice %arg7[%add3A_835, %dma_wait3A_1681] : memref<16384x32xf32, #tpu.memory_space<hbm>> -> memref<256x32xf32, #tpu.memory_space<hbm>>
      tpu.wait_dma2 semaphore(%run_scoped3A : memref<!tpu.dma_semaphore, #tpu.memory_space<semaphore_mem>>) src(%arg11 : memref<256x32xf32, #tpu.memory_space<vmem>>) dst(%dma_wait3A_1682 : memref<256x32xf32, #tpu.memory_space<hbm>>)
      tpu.yield
    }) : () -> ()
    %get3A_836 = arith.constant 256 : index
    %get3A_837 = tpu.vector_load %arg8[%get3A_836] {strides = array<i32>} : memref<512xi32, #tpu.memory_space<vmem>>, vector<16xi32>,
    %get3A_838 = vector.shape_cast %get3A_837 : vector<16xi32> to vector<16xi32>
    %get3A_839 = arith.constant 256 : index
    %get3A_840 = tpu.vector_load %arg9[%get3A_839] {strides = array<i32>} : memref<512xi32, #tpu.memory_space<vmem>>, vector<16xi32>,
    %get3A_841 = vector.shape_cast %get3A_840 : vector<16xi32> to vector<16xi32>
    %slice3A_842 = vector.extract_strided_slice %get3A_838 {offsets = [0], sizes = [1], strides = [1]} : vector<16xi32> to vector<1xi32>
    %squeeze3A_843 = vector.extract %slice3A_842[0] : i32 from vector<1xi32>
    %dma_start3A_844 = arith.constant 0 : i32
    %dma_start3A_845 = arith.constant 0 : i32
    %dma_start3A_846 = tpu.memref_slice %arg10[%dma_start3A_844, %dma_start3A_845] : memref<256x32xf32, #tpu.memory_space<vmem>> -> memref<1x32xf32, #tpu.memory_space<vmem>>
    %dma_start3A_847 = arith.constant 0 : i32
    %dma_start3A_848 = tpu.memref_slice %arg2[%squeeze3A_843, %dma_start3A_847] : memref<1000001x32xf32, #tpu.memory_space<hbm>> -> memref<1x32xf32, #tpu.memory_space<hbm>>
    %dma_start3A_849 = arith.constant 0 : i32
    %dma_start3A_850 = arith.constant 0 : i32
    %dma_start3A_851 = tpu.memref_slice %arg10[%dma_start3A_849, %dma_start3A_850] : memref<256x32xf32, #tpu.memory_space<vmem>> -> memref<1x32xf32, #tpu.memory_space<vmem>>
    %dma_start3A_852 = arith.constant 0 : i32
    %dma_start3A_853 = tpu.memref_slice %arg2[%squeeze3A_843, %dma_start3A_852] : memref<1000001x32xf32, #tpu.memory_space<hbm>> -> memref<1x32xf32, #tpu.memory_space<hbm>>
    tpu.enqueue_dma source(%dma_start3A_853 : memref<1x32xf32, #tpu.memory_space<hbm>>) target(%dma_start3A_851 : memref<1x32xf32, #tpu.memory_space<vmem>>) target_semaphore(%arg12 : memref<!tpu.dma_semaphore, #tpu.memory_space<semaphore_mem>>)
    %slice3A_854 = vector.extract_strided_slice %get3A_841 {offsets = [0], sizes = [1], strides = [1]} : vector<16xi32> to vector<1xi32>
    %squeeze3A_855 = vector.extract %slice3A_854[0] : i32 from vector<1xi32>
    %dma_start3A_856 = arith.constant 0 : i32
    %dma_start3A_857 = arith.constant 0 : i32
    %dma_start3A_858 = tpu.memref_slice %arg11[%dma_start3A_856, %dma_start3A_857] : memref<256x32xf32, #tpu.memory_space<vmem>> -> memref<1x32xf32, #tpu.memory_space<vmem>>
    %dma_start3A_859 = arith.constant 0 : i32
    %dma_start3A_860 = tpu.memref_slice %arg3[%squeeze3A_855, %dma_start3A_859] : memref<1000001x32xf32, #tpu.memory_space<hbm>> -> memref<1x32xf32, #tpu.memory_space<hbm>>
    %dma_start3A_861 = arith.constant 0 : i32
    %dma_start3A_862 = arith.constant 0 : i32
    %dma_start3A_863 = tpu.memref_slice %arg11[%dma_start3A_861, %dma_start3A_862] : memref<256x32xf32, #tpu.memory_space<vmem>> -> memref<1x32xf32, #tpu.memory_space<vmem>>
    %dma_start3A_864 = arith.constant 0 : i32
    %dma_start3A_865 = tpu.memref_slice %arg3[%squeeze3A_855, %dma_start3A_864] : memref<1000001x32xf32, #tpu.memory_space<hbm>> -> memref<1x32xf32, #tpu.memory_space<hbm>>
    tpu.enqueue_dma source(%dma_start3A_865 : memref<1x32xf32, #tpu.memory_space<hbm>>) target(%dma_start3A_863 : memref<1x32xf32, #tpu.memory_space<vmem>>) target_semaphore(%arg13 : memref<!tpu.dma_semaphore, #tpu.memory_space<semaphore_mem>>)
    %slice3A_866 = vector.extract_strided_slice %get3A_838 {offsets = [1], sizes = [1], strides = [1]} : vector<16xi32> to vector<1xi32>
    %squeeze3A_867 = vector.extract %slice3A_866[0] : i32 from vector<1xi32>
    %dma_start3A_868 = arith.constant 1 : i32
    %dma_start3A_869 = arith.constant 0 : i32
    %dma_start3A_870 = tpu.memref_slice %arg10[%dma_start3A_868, %dma_start3A_869] : memref<256x32xf32, #tpu.memory_space<vmem>> -> memref<1x32xf32, #tpu.memory_space<vmem>>
    %dma_start3A_871 = arith.constant 0 : i32
    %dma_start3A_872 = tpu.memref_slice %arg2[%squeeze3A_867, %dma_start3A_871] : memref<1000001x32xf32, #tpu.memory_space<hbm>> -> memref<1x32xf32, #tpu.memory_space<hbm>>
    %dma_start3A_873 = arith.constant 1 : i32
    %dma_start3A_874 = arith.constant 0 : i32
    %dma_start3A_875 = tpu.memref_slice %arg10[%dma_start3A_873, %dma_start3A_874] : memref<256x32xf32, #tpu.memory_space<vmem>> -> memref<1x32xf32, #tpu.memory_space<vmem>>
    %dma_start3A_876 = arith.constant 0 : i32
    %dma_start3A_877 = tpu.memref_slice %arg2[%squeeze3A_867, %dma_start3A_876] : memref<1000001x32xf32, #tpu.memory_space<hbm>> -> memref<1x32xf32, #tpu.memory_space<hbm>>
    tpu.enqueue_dma source(%dma_start3A_877 : memref<1x32xf32, #tpu.memory_space<hbm>>) target(%dma_start3A_875 : memref<1x32xf32, #tpu.memory_space<vmem>>) target_semaphore(%arg12 : memref<!tpu.dma_semaphore, #tpu.memory_space<semaphore_mem>>)
    %slice3A_878 = vector.extract_strided_slice %get3A_841 {offsets = [1], sizes = [1], strides = [1]} : vector<16xi32> to vector<1xi32>
    %squeeze3A_879 = vector.extract %slice3A_878[0] : i32 from vector<1xi32>
    %dma_start3A_880 = arith.constant 1 : i32
    %dma_start3A_881 = arith.constant 0 : i32
    %dma_start3A_882 = tpu.memref_slice %arg11[%dma_start3A_880, %dma_start3A_881] : memref<256x32xf32, #tpu.memory_space<vmem>> -> memref<1x32xf32, #tpu.memory_space<vmem>>
    %dma_start3A_883 = arith.constant 0 : i32
    %dma_start3A_884 = tpu.memref_slice %arg3[%squeeze3A_879, %dma_start3A_883] : memref<1000001x32xf32, #tpu.memory_space<hbm>> -> memref<1x32xf32, #tpu.memory_space<hbm>>
    %dma_start3A_885 = arith.constant 1 : i32
    %dma_start3A_886 = arith.constant 0 : i32
    %dma_start3A_887 = tpu.memref_slice %arg11[%dma_start3A_885, %dma_start3A_886] : memref<256x32xf32, #tpu.memory_space<vmem>> -> memref<1x32xf32, #tpu.memory_space<vmem>>
    %dma_start3A_888 = arith.constant 0 : i32
    %dma_start3A_889 = tpu.memref_slice %arg3[%squeeze3A_879, %dma_start3A_888] : memref<1000001x32xf32, #tpu.memory_space<hbm>> -> memref<1x32xf32, #tpu.memory_space<hbm>>
    tpu.enqueue_dma source(%dma_start3A_889 : memref<1x32xf32, #tpu.memory_space<hbm>>) target(%dma_start3A_887 : memref<1x32xf32, #tpu.memory_space<vmem>>) target_semaphore(%arg13 : memref<!tpu.dma_semaphore, #tpu.memory_space<semaphore_mem>>)
    %slice3A_890 = vector.extract_strided_slice %get3A_838 {offsets = [2], sizes = [1], strides = [1]} : vector<16xi32> to vector<1xi32>
    %squeeze3A_891 = vector.extract %slice3A_890[0] : i32 from vector<1xi32>
    %dma_start3A_892 = arith.constant 2 : i32
    %dma_start3A_893 = arith.constant 0 : i32
    %dma_start3A_894 = tpu.memref_slice %arg10[%dma_start3A_892, %dma_start3A_893] : memref<256x32xf32, #tpu.memory_space<vmem>> -> memref<1x32xf32, #tpu.memory_space<vmem>>
    %dma_start3A_895 = arith.constant 0 : i32
    %dma_start3A_896 = tpu.memref_slice %arg2[%squeeze3A_891, %dma_start3A_895] : memref<1000001x32xf32, #tpu.memory_space<hbm>> -> memref<1x32xf32, #tpu.memory_space<hbm>>
    %dma_start3A_897 = arith.constant 2 : i32
    %dma_start3A_898 = arith.constant 0 : i32
    %dma_start3A_899 = tpu.memref_slice %arg10[%dma_start3A_897, %dma_start3A_898] : memref<256x32xf32, #tpu.memory_space<vmem>> -> memref<1x32xf32, #tpu.memory_space<vmem>>
    %dma_start3A_900 = arith.constant 0 : i32
    %dma_start3A_901 = tpu.memref_slice %arg2[%squeeze3A_891, %dma_start3A_900] : memref<1000001x32xf32, #tpu.memory_space<hbm>> -> memref<1x32xf32, #tpu.memory_space<hbm>>
    tpu.enqueue_dma source(%dma_start3A_901 : memref<1x32xf32, #tpu.memory_space<hbm>>) target(%dma_start3A_899 : memref<1x32xf32, #tpu.memory_space<vmem>>) target_semaphore(%arg12 : memref<!tpu.dma_semaphore, #tpu.memory_space<semaphore_mem>>)
    %slice3A_902 = vector.extract_strided_slice %get3A_841 {offsets = [2], sizes = [1], strides = [1]} : vector<16xi32> to vector<1xi32>
    %squeeze3A_903 = vector.extract %slice3A_902[0] : i32 from vector<1xi32>
    %dma_start3A_904 = arith.constant 2 : i32
    %dma_start3A_905 = arith.constant 0 : i32
    %dma_start3A_906 = tpu.memref_slice %arg11[%dma_start3A_904, %dma_start3A_905] : memref<256x32xf32, #tpu.memory_space<vmem>> -> memref<1x32xf32, #tpu.memory_space<vmem>>
    %dma_start3A_907 = arith.constant 0 : i32
    %dma_start3A_908 = tpu.memref_slice %arg3[%squeeze3A_903, %dma_start3A_907] : memref<1000001x32xf32, #tpu.memory_space<hbm>> -> memref<1x32xf32, #tpu.memory_space<hbm>>
    %dma_start3A_909 = arith.constant 2 : i32
    %dma_start3A_910 = arith.constant 0 : i32
    %dma_start3A_911 = tpu.memref_slice %arg11[%dma_start3A_909, %dma_start3A_910] : memref<256x32xf32, #tpu.memory_space<vmem>> -> memref<1x32xf32, #tpu.memory_space<vmem>>
    %dma_start3A_912 = arith.constant 0 : i32
    %dma_start3A_913 = tpu.memref_slice %arg3[%squeeze3A_903, %dma_start3A_912] : memref<1000001x32xf32, #tpu.memory_space<hbm>> -> memref<1x32xf32, #tpu.memory_space<hbm>>
    tpu.enqueue_dma source(%dma_start3A_913 : memref<1x32xf32, #tpu.memory_space<hbm>>) target(%dma_start3A_911 : memref<1x32xf32, #tpu.memory_space<vmem>>) target_semaphore(%arg13 : memref<!tpu.dma_semaphore, #tpu.memory_space<semaphore_mem>>)
    %slice3A_914 = vector.extract_strided_slice %get3A_838 {offsets = [3], sizes = [1], strides = [1]} : vector<16xi32> to vector<1xi32>
    %squeeze3A_915 = vector.extract %slice3A_914[0] : i32 from vector<1xi32>
    %dma_start3A_916 = arith.constant 3 : i32
    %dma_start3A_917 = arith.constant 0 : i32
    %dma_start3A_918 = tpu.memref_slice %arg10[%dma_start3A_916, %dma_start3A_917] : memref<256x32xf32, #tpu.memory_space<vmem>> -> memref<1x32xf32, #tpu.memory_space<vmem>>
    %dma_start3A_919 = arith.constant 0 : i32
    %dma_start3A_920 = tpu.memref_slice %arg2[%squeeze3A_915, %dma_start3A_919] : memref<1000001x32xf32, #tpu.memory_space<hbm>> -> memref<1x32xf32, #tpu.memory_space<hbm>>
    %dma_start3A_921 = arith.constant 3 : i32
    %dma_start3A_922 = arith.constant 0 : i32
    %dma_start3A_923 = tpu.memref_slice %arg10[%dma_start3A_921, %dma_start3A_922] : memref<256x32xf32, #tpu.memory_space<vmem>> -> memref<1x32xf32, #tpu.memory_space<vmem>>
    %dma_start3A_924 = arith.constant 0 : i32
    %dma_start3A_925 = tpu.memref_slice %arg2[%squeeze3A_915, %dma_start3A_924] : memref<1000001x32xf32, #tpu.memory_space<hbm>> -> memref<1x32xf32, #tpu.memory_space<hbm>>
    tpu.enqueue_dma source(%dma_start3A_925 : memref<1x32xf32, #tpu.memory_space<hbm>>) target(%dma_start3A_923 : memref<1x32xf32, #tpu.memory_space<vmem>>) target_semaphore(%arg12 : memref<!tpu.dma_semaphore, #tpu.memory_space<semaphore_mem>>)
    %slice3A_926 = vector.extract_strided_slice %get3A_841 {offsets = [3], sizes = [1], strides = [1]} : vector<16xi32> to vector<1xi32>
    %squeeze3A_927 = vector.extract %slice3A_926[0] : i32 from vector<1xi32>
    %dma_start3A_928 = arith.constant 3 : i32
    %dma_start3A_929 = arith.constant 0 : i32
    %dma_start3A_930 = tpu.memref_slice %arg11[%dma_start3A_928, %dma_start3A_929] : memref<256x32xf32, #tpu.memory_space<vmem>> -> memref<1x32xf32, #tpu.memory_space<vmem>>
    %dma_start3A_931 = arith.constant 0 : i32
    %dma_start3A_932 = tpu.memref_slice %arg3[%squeeze3A_927, %dma_start3A_931] : memref<1000001x32xf32, #tpu.memory_space<hbm>> -> memref<1x32xf32, #tpu.memory_space<hbm>>
    %dma_start3A_933 = arith.constant 3 : i32
    %dma_start3A_934 = arith.constant 0 : i32
    %dma_start3A_935 = tpu.memref_slice %arg11[%dma_start3A_933, %dma_start3A_934] : memref<256x32xf32, #tpu.memory_space<vmem>> -> memref<1x32xf32, #tpu.memory_space<vmem>>
    %dma_start3A_936 = arith.constant 0 : i32
    %dma_start3A_937 = tpu.memref_slice %arg3[%squeeze3A_927, %dma_start3A_936] : memref<1000001x32xf32, #tpu.memory_space<hbm>> -> memref<1x32xf32, #tpu.memory_space<hbm>>
    tpu.enqueue_dma source(%dma_start3A_937 : memref<1x32xf32, #tpu.memory_space<hbm>>) target(%dma_start3A_935 : memref<1x32xf32, #tpu.memory_space<vmem>>) target_semaphore(%arg13 : memref<!tpu.dma_semaphore, #tpu.memory_space<semaphore_mem>>)
    %slice3A_938 = vector.extract_strided_slice %get3A_838 {offsets = [4], sizes = [1], strides = [1]} : vector<16xi32> to vector<1xi32>
    %squeeze3A_939 = vector.extract %slice3A_938[0] : i32 from vector<1xi32>
    %dma_start3A_940 = arith.constant 4 : i32
    %dma_start3A_941 = arith.constant 0 : i32
    %dma_start3A_942 = tpu.memref_slice %arg10[%dma_start3A_940, %dma_start3A_941] : memref<256x32xf32, #tpu.memory_space<vmem>> -> memref<1x32xf32, #tpu.memory_space<vmem>>
    %dma_start3A_943 = arith.constant 0 : i32
    %dma_start3A_944 = tpu.memref_slice %arg2[%squeeze3A_939, %dma_start3A_943] : memref<1000001x32xf32, #tpu.memory_space<hbm>> -> memref<1x32xf32, #tpu.memory_space<hbm>>
    %dma_start3A_945 = arith.constant 4 : i32
    %dma_start3A_946 = arith.constant 0 : i32
    %dma_start3A_947 = tpu.memref_slice %arg10[%dma_start3A_945, %dma_start3A_946] : memref<256x32xf32, #tpu.memory_space<vmem>> -> memref<1x32xf32, #tpu.memory_space<vmem>>
    %dma_start3A_948 = arith.constant 0 : i32
    %dma_start3A_949 = tpu.memref_slice %arg2[%squeeze3A_939, %dma_start3A_948] : memref<1000001x32xf32, #tpu.memory_space<hbm>> -> memref<1x32xf32, #tpu.memory_space<hbm>>
    tpu.enqueue_dma source(%dma_start3A_949 : memref<1x32xf32, #tpu.memory_space<hbm>>) target(%dma_start3A_947 : memref<1x32xf32, #tpu.memory_space<vmem>>) target_semaphore(%arg12 : memref<!tpu.dma_semaphore, #tpu.memory_space<semaphore_mem>>)
    %slice3A_950 = vector.extract_strided_slice %get3A_841 {offsets = [4], sizes = [1], strides = [1]} : vector<16xi32> to vector<1xi32>
    %squeeze3A_951 = vector.extract %slice3A_950[0] : i32 from vector<1xi32>
    %dma_start3A_952 = arith.constant 4 : i32
    %dma_start3A_953 = arith.constant 0 : i32
    %dma_start3A_954 = tpu.memref_slice %arg11[%dma_start3A_952, %dma_start3A_953] : memref<256x32xf32, #tpu.memory_space<vmem>> -> memref<1x32xf32, #tpu.memory_space<vmem>>
    %dma_start3A_955 = arith.constant 0 : i32
    %dma_start3A_956 = tpu.memref_slice %arg3[%squeeze3A_951, %dma_start3A_955] : memref<1000001x32xf32, #tpu.memory_space<hbm>> -> memref<1x32xf32, #tpu.memory_space<hbm>>
    %dma_start3A_957 = arith.constant 4 : i32
    %dma_start3A_958 = arith.constant 0 : i32
    %dma_start3A_959 = tpu.memref_slice %arg11[%dma_start3A_957, %dma_start3A_958] : memref<256x32xf32, #tpu.memory_space<vmem>> -> memref<1x32xf32, #tpu.memory_space<vmem>>
    %dma_start3A_960 = arith.constant 0 : i32
    %dma_start3A_961 = tpu.memref_slice %arg3[%squeeze3A_951, %dma_start3A_960] : memref<1000001x32xf32, #tpu.memory_space<hbm>> -> memref<1x32xf32, #tpu.memory_space<hbm>>
    tpu.enqueue_dma source(%dma_start3A_961 : memref<1x32xf32, #tpu.memory_space<hbm>>) target(%dma_start3A_959 : memref<1x32xf32, #tpu.memory_space<vmem>>) target_semaphore(%arg13 : memref<!tpu.dma_semaphore, #tpu.memory_space<semaphore_mem>>)
    %slice3A_962 = vector.extract_strided_slice %get3A_838 {offsets = [5], sizes = [1], strides = [1]} : vector<16xi32> to vector<1xi32>
    %squeeze3A_963 = vector.extract %slice3A_962[0] : i32 from vector<1xi32>
    %dma_start3A_964 = arith.constant 5 : i32
    %dma_start3A_965 = arith.constant 0 : i32
    %dma_start3A_966 = tpu.memref_slice %arg10[%dma_start3A_964, %dma_start3A_965] : memref<256x32xf32, #tpu.memory_space<vmem>> -> memref<1x32xf32, #tpu.memory_space<vmem>>
    %dma_start3A_967 = arith.constant 0 : i32
    %dma_start3A_968 = tpu.memref_slice %arg2[%squeeze3A_963, %dma_start3A_967] : memref<1000001x32xf32, #tpu.memory_space<hbm>> -> memref<1x32xf32, #tpu.memory_space<hbm>>
    %dma_start3A_969 = arith.constant 5 : i32
    %dma_start3A_970 = arith.constant 0 : i32
    %dma_start3A_971 = tpu.memref_slice %arg10[%dma_start3A_969, %dma_start3A_970] : memref<256x32xf32, #tpu.memory_space<vmem>> -> memref<1x32xf32, #tpu.memory_space<vmem>>
    %dma_start3A_972 = arith.constant 0 : i32
    %dma_start3A_973 = tpu.memref_slice %arg2[%squeeze3A_963, %dma_start3A_972] : memref<1000001x32xf32, #tpu.memory_space<hbm>> -> memref<1x32xf32, #tpu.memory_space<hbm>>
    tpu.enqueue_dma source(%dma_start3A_973 : memref<1x32xf32, #tpu.memory_space<hbm>>) target(%dma_start3A_971 : memref<1x32xf32, #tpu.memory_space<vmem>>) target_semaphore(%arg12 : memref<!tpu.dma_semaphore, #tpu.memory_space<semaphore_mem>>)
    %slice3A_974 = vector.extract_strided_slice %get3A_841 {offsets = [5], sizes = [1], strides = [1]} : vector<16xi32> to vector<1xi32>
    %squeeze3A_975 = vector.extract %slice3A_974[0] : i32 from vector<1xi32>
    %dma_start3A_976 = arith.constant 5 : i32
    %dma_start3A_977 = arith.constant 0 : i32
    %dma_start3A_978 = tpu.memref_slice %arg11[%dma_start3A_976, %dma_start3A_977] : memref<256x32xf32, #tpu.memory_space<vmem>> -> memref<1x32xf32, #tpu.memory_space<vmem>>
    %dma_start3A_979 = arith.constant 0 : i32
    %dma_start3A_980 = tpu.memref_slice %arg3[%squeeze3A_975, %dma_start3A_979] : memref<1000001x32xf32, #tpu.memory_space<hbm>> -> memref<1x32xf32, #tpu.memory_space<hbm>>
    %dma_start3A_981 = arith.constant 5 : i32
    %dma_start3A_982 = arith.constant 0 : i32
    %dma_start3A_983 = tpu.memref_slice %arg11[%dma_start3A_981, %dma_start3A_982] : memref<256x32xf32, #tpu.memory_space<vmem>> -> memref<1x32xf32, #tpu.memory_space<vmem>>
    %dma_start3A_984 = arith.constant 0 : i32
    %dma_start3A_985 = tpu.memref_slice %arg3[%squeeze3A_975, %dma_start3A_984] : memref<1000001x32xf32, #tpu.memory_space<hbm>> -> memref<1x32xf32, #tpu.memory_space<hbm>>
    tpu.enqueue_dma source(%dma_start3A_985 : memref<1x32xf32, #tpu.memory_space<hbm>>) target(%dma_start3A_983 : memref<1x32xf32, #tpu.memory_space<vmem>>) target_semaphore(%arg13 : memref<!tpu.dma_semaphore, #tpu.memory_space<semaphore_mem>>)
    %slice3A_986 = vector.extract_strided_slice %get3A_838 {offsets = [6], sizes = [1], strides = [1]} : vector<16xi32> to vector<1xi32>
    %squeeze3A_987 = vector.extract %slice3A_986[0] : i32 from vector<1xi32>
    %dma_start3A_988 = arith.constant 6 : i32
    %dma_start3A_989 = arith.constant 0 : i32
    %dma_start3A_990 = tpu.memref_slice %arg10[%dma_start3A_988, %dma_start3A_989] : memref<256x32xf32, #tpu.memory_space<vmem>> -> memref<1x32xf32, #tpu.memory_space<vmem>>
    %dma_start3A_991 = arith.constant 0 : i32
    %dma_start3A_992 = tpu.memref_slice %arg2[%squeeze3A_987, %dma_start3A_991] : memref<1000001x32xf32, #tpu.memory_space<hbm>> -> memref<1x32xf32, #tpu.memory_space<hbm>>
    %dma_start3A_993 = arith.constant 6 : i32
    %dma_start3A_994 = arith.constant 0 : i32
    %dma_start3A_995 = tpu.memref_slice %arg10[%dma_start3A_993, %dma_start3A_994] : memref<256x32xf32, #tpu.memory_space<vmem>> -> memref<1x32xf32, #tpu.memory_space<vmem>>
    %dma_start3A_996 = arith.constant 0 : i32
    %dma_start3A_997 = tpu.memref_slice %arg2[%squeeze3A_987, %dma_start3A_996] : memref<1000001x32xf32, #tpu.memory_space<hbm>> -> memref<1x32xf32, #tpu.memory_space<hbm>>
    tpu.enqueue_dma source(%dma_start3A_997 : memref<1x32xf32, #tpu.memory_space<hbm>>) target(%dma_start3A_995 : memref<1x32xf32, #tpu.memory_space<vmem>>) target_semaphore(%arg12 : memref<!tpu.dma_semaphore, #tpu.memory_space<semaphore_mem>>)
    %slice3A_998 = vector.extract_strided_slice %get3A_841 {offsets = [6], sizes = [1], strides = [1]} : vector<16xi32> to vector<1xi32>
    %squeeze3A_999 = vector.extract %slice3A_998[0] : i32 from vector<1xi32>
    %dma_start3A_1000 = arith.constant 6 : i32
    %dma_start3A_1001 = arith.constant 0 : i32
    %dma_start3A_1002 = tpu.memref_slice %arg11[%dma_start3A_1000, %dma_start3A_1001] : memref<256x32xf32, #tpu.memory_space<vmem>> -> memref<1x32xf32, #tpu.memory_space<vmem>>
    %dma_start3A_1003 = arith.constant 0 : i32
    %dma_start3A_1004 = tpu.memref_slice %arg3[%squeeze3A_999, %dma_start3A_1003] : memref<1000001x32xf32, #tpu.memory_space<hbm>> -> memref<1x32xf32, #tpu.memory_space<hbm>>
    %dma_start3A_1005 = arith.constant 6 : i32
    %dma_start3A_1006 = arith.constant 0 : i32
    %dma_start3A_1007 = tpu.memref_slice %arg11[%dma_start3A_1005, %dma_start3A_1006] : memref<256x32xf32, #tpu.memory_space<vmem>> -> memref<1x32xf32, #tpu.memory_space<vmem>>
    %dma_start3A_1008 = arith.constant 0 : i32
    %dma_start3A_1009 = tpu.memref_slice %arg3[%squeeze3A_999, %dma_start3A_1008] : memref<1000001x32xf32, #tpu.memory_space<hbm>> -> memref<1x32xf32, #tpu.memory_space<hbm>>
    tpu.enqueue_dma source(%dma_start3A_1009 : memref<1x32xf32, #tpu.memory_space<hbm>>) target(%dma_start3A_1007 : memref<1x32xf32, #tpu.memory_space<vmem>>) target_semaphore(%arg13 : memref<!tpu.dma_semaphore, #tpu.memory_space<semaphore_mem>>)
    %slice3A_1010 = vector.extract_strided_slice %get3A_838 {offsets = [7], sizes = [1], strides = [1]} : vector<16xi32> to vector<1xi32>
    %squeeze3A_1011 = vector.extract %slice3A_1010[0] : i32 from vector<1xi32>
    %dma_start3A_1012 = arith.constant 7 : i32
    %dma_start3A_1013 = arith.constant 0 : i32
    %dma_start3A_1014 = tpu.memref_slice %arg10[%dma_start3A_1012, %dma_start3A_1013] : memref<256x32xf32, #tpu.memory_space<vmem>> -> memref<1x32xf32, #tpu.memory_space<vmem>>
    %dma_start3A_1015 = arith.constant 0 : i32
    %dma_start3A_1016 = tpu.memref_slice %arg2[%squeeze3A_1011, %dma_start3A_1015] : memref<1000001x32xf32, #tpu.memory_space<hbm>> -> memref<1x32xf32, #tpu.memory_space<hbm>>
    %dma_start3A_1017 = arith.constant 7 : i32
    %dma_start3A_1018 = arith.constant 0 : i32
    %dma_start3A_1019 = tpu.memref_slice %arg10[%dma_start3A_1017, %dma_start3A_1018] : memref<256x32xf32, #tpu.memory_space<vmem>> -> memref<1x32xf32, #tpu.memory_space<vmem>>
    %dma_start3A_1020 = arith.constant 0 : i32
    %dma_start3A_1021 = tpu.memref_slice %arg2[%squeeze3A_1011, %dma_start3A_1020] : memref<1000001x32xf32, #tpu.memory_space<hbm>> -> memref<1x32xf32, #tpu.memory_space<hbm>>
    tpu.enqueue_dma source(%dma_start3A_1021 : memref<1x32xf32, #tpu.memory_space<hbm>>) target(%dma_start3A_1019 : memref<1x32xf32, #tpu.memory_space<vmem>>) target_semaphore(%arg12 : memref<!tpu.dma_semaphore, #tpu.memory_space<semaphore_mem>>)
    %slice3A_1022 = vector.extract_strided_slice %get3A_841 {offsets = [7], sizes = [1], strides = [1]} : vector<16xi32> to vector<1xi32>
    %squeeze3A_1023 = vector.extract %slice3A_1022[0] : i32 from vector<1xi32>
    %dma_start3A_1024 = arith.constant 7 : i32
    %dma_start3A_1025 = arith.constant 0 : i32
    %dma_start3A_1026 = tpu.memref_slice %arg11[%dma_start3A_1024, %dma_start3A_1025] : memref<256x32xf32, #tpu.memory_space<vmem>> -> memref<1x32xf32, #tpu.memory_space<vmem>>
    %dma_start3A_1027 = arith.constant 0 : i32
    %dma_start3A_1028 = tpu.memref_slice %arg3[%squeeze3A_1023, %dma_start3A_1027] : memref<1000001x32xf32, #tpu.memory_space<hbm>> -> memref<1x32xf32, #tpu.memory_space<hbm>>
    %dma_start3A_1029 = arith.constant 7 : i32
    %dma_start3A_1030 = arith.constant 0 : i32
    %dma_start3A_1031 = tpu.memref_slice %arg11[%dma_start3A_1029, %dma_start3A_1030] : memref<256x32xf32, #tpu.memory_space<vmem>> -> memref<1x32xf32, #tpu.memory_space<vmem>>
    %dma_start3A_1032 = arith.constant 0 : i32
    %dma_start3A_1033 = tpu.memref_slice %arg3[%squeeze3A_1023, %dma_start3A_1032] : memref<1000001x32xf32, #tpu.memory_space<hbm>> -> memref<1x32xf32, #tpu.memory_space<hbm>>
    tpu.enqueue_dma source(%dma_start3A_1033 : memref<1x32xf32, #tpu.memory_space<hbm>>) target(%dma_start3A_1031 : memref<1x32xf32, #tpu.memory_space<vmem>>) target_semaphore(%arg13 : memref<!tpu.dma_semaphore, #tpu.memory_space<semaphore_mem>>)
    %slice3A_1034 = vector.extract_strided_slice %get3A_838 {offsets = [8], sizes = [1], strides = [1]} : vector<16xi32> to vector<1xi32>
    %squeeze3A_1035 = vector.extract %slice3A_1034[0] : i32 from vector<1xi32>
    %dma_start3A_1036 = arith.constant 8 : i32
    %dma_start3A_1037 = arith.constant 0 : i32
    %dma_start3A_1038 = tpu.memref_slice %arg10[%dma_start3A_1036, %dma_start3A_1037] : memref<256x32xf32, #tpu.memory_space<vmem>> -> memref<1x32xf32, #tpu.memory_space<vmem>>
    %dma_start3A_1039 = arith.constant 0 : i32
    %dma_start3A_1040 = tpu.memref_slice %arg2[%squeeze3A_1035, %dma_start3A_1039] : memref<1000001x32xf32, #tpu.memory_space<hbm>> -> memref<1x32xf32, #tpu.memory_space<hbm>>
    %dma_start3A_1041 = arith.constant 8 : i32
    %dma_start3A_1042 = arith.constant 0 : i32
    %dma_start3A_1043 = tpu.memref_slice %arg10[%dma_start3A_1041, %dma_start3A_1042] : memref<256x32xf32, #tpu.memory_space<vmem>> -> memref<1x32xf32, #tpu.memory_space<vmem>>
    %dma_start3A_1044 = arith.constant 0 : i32
    %dma_start3A_1045 = tpu.memref_slice %arg2[%squeeze3A_1035, %dma_start3A_1044] : memref<1000001x32xf32, #tpu.memory_space<hbm>> -> memref<1x32xf32, #tpu.memory_space<hbm>>
    tpu.enqueue_dma source(%dma_start3A_1045 : memref<1x32xf32, #tpu.memory_space<hbm>>) target(%dma_start3A_1043 : memref<1x32xf32, #tpu.memory_space<vmem>>) target_semaphore(%arg12 : memref<!tpu.dma_semaphore, #tpu.memory_space<semaphore_mem>>)
    %slice3A_1046 = vector.extract_strided_slice %get3A_841 {offsets = [8], sizes = [1], strides = [1]} : vector<16xi32> to vector<1xi32>
    %squeeze3A_1047 = vector.extract %slice3A_1046[0] : i32 from vector<1xi32>
    %dma_start3A_1048 = arith.constant 8 : i32
    %dma_start3A_1049 = arith.constant 0 : i32
    %dma_start3A_1050 = tpu.memref_slice %arg11[%dma_start3A_1048, %dma_start3A_1049] : memref<256x32xf32, #tpu.memory_space<vmem>> -> memref<1x32xf32, #tpu.memory_space<vmem>>
    %dma_start3A_1051 = arith.constant 0 : i32
    %dma_start3A_1052 = tpu.memref_slice %arg3[%squeeze3A_1047, %dma_start3A_1051] : memref<1000001x32xf32, #tpu.memory_space<hbm>> -> memref<1x32xf32, #tpu.memory_space<hbm>>
    %dma_start3A_1053 = arith.constant 8 : i32
    %dma_start3A_1054 = arith.constant 0 : i32
    %dma_start3A_1055 = tpu.memref_slice %arg11[%dma_start3A_1053, %dma_start3A_1054] : memref<256x32xf32, #tpu.memory_space<vmem>> -> memref<1x32xf32, #tpu.memory_space<vmem>>
    %dma_start3A_1056 = arith.constant 0 : i32
    %dma_start3A_1057 = tpu.memref_slice %arg3[%squeeze3A_1047, %dma_start3A_1056] : memref<1000001x32xf32, #tpu.memory_space<hbm>> -> memref<1x32xf32, #tpu.memory_space<hbm>>
    tpu.enqueue_dma source(%dma_start3A_1057 : memref<1x32xf32, #tpu.memory_space<hbm>>) target(%dma_start3A_1055 : memref<1x32xf32, #tpu.memory_space<vmem>>) target_semaphore(%arg13 : memref<!tpu.dma_semaphore, #tpu.memory_space<semaphore_mem>>)
    %slice3A_1058 = vector.extract_strided_slice %get3A_838 {offsets = [9], sizes = [1], strides = [1]} : vector<16xi32> to vector<1xi32>
    %squeeze3A_1059 = vector.extract %slice3A_1058[0] : i32 from vector<1xi32>
    %dma_start3A_1060 = arith.constant 9 : i32
    %dma_start3A_1061 = arith.constant 0 : i32
    %dma_start3A_1062 = tpu.memref_slice %arg10[%dma_start3A_1060, %dma_start3A_1061] : memref<256x32xf32, #tpu.memory_space<vmem>> -> memref<1x32xf32, #tpu.memory_space<vmem>>
    %dma_start3A_1063 = arith.constant 0 : i32
    %dma_start3A_1064 = tpu.memref_slice %arg2[%squeeze3A_1059, %dma_start3A_1063] : memref<1000001x32xf32, #tpu.memory_space<hbm>> -> memref<1x32xf32, #tpu.memory_space<hbm>>
    %dma_start3A_1065 = arith.constant 9 : i32
    %dma_start3A_1066 = arith.constant 0 : i32
    %dma_start3A_1067 = tpu.memref_slice %arg10[%dma_start3A_1065, %dma_start3A_1066] : memref<256x32xf32, #tpu.memory_space<vmem>> -> memref<1x32xf32, #tpu.memory_space<vmem>>
    %dma_start3A_1068 = arith.constant 0 : i32
    %dma_start3A_1069 = tpu.memref_slice %arg2[%squeeze3A_1059, %dma_start3A_1068] : memref<1000001x32xf32, #tpu.memory_space<hbm>> -> memref<1x32xf32, #tpu.memory_space<hbm>>
    tpu.enqueue_dma source(%dma_start3A_1069 : memref<1x32xf32, #tpu.memory_space<hbm>>) target(%dma_start3A_1067 : memref<1x32xf32, #tpu.memory_space<vmem>>) target_semaphore(%arg12 : memref<!tpu.dma_semaphore, #tpu.memory_space<semaphore_mem>>)
    %slice3A_1070 = vector.extract_strided_slice %get3A_841 {offsets = [9], sizes = [1], strides = [1]} : vector<16xi32> to vector<1xi32>
    %squeeze3A_1071 = vector.extract %slice3A_1070[0] : i32 from vector<1xi32>
    %dma_start3A_1072 = arith.constant 9 : i32
    %dma_start3A_1073 = arith.constant 0 : i32
    %dma_start3A_1074 = tpu.memref_slice %arg11[%dma_start3A_1072, %dma_start3A_1073] : memref<256x32xf32, #tpu.memory_space<vmem>> -> memref<1x32xf32, #tpu.memory_space<vmem>>
    %dma_start3A_1075 = arith.constant 0 : i32
    %dma_start3A_1076 = tpu.memref_slice %arg3[%squeeze3A_1071, %dma_start3A_1075] : memref<1000001x32xf32, #tpu.memory_space<hbm>> -> memref<1x32xf32, #tpu.memory_space<hbm>>
    %dma_start3A_1077 = arith.constant 9 : i32
    %dma_start3A_1078 = arith.constant 0 : i32
    %dma_start3A_1079 = tpu.memref_slice %arg11[%dma_start3A_1077, %dma_start3A_1078] : memref<256x32xf32, #tpu.memory_space<vmem>> -> memref<1x32xf32, #tpu.memory_space<vmem>>
    %dma_start3A_1080 = arith.constant 0 : i32
    %dma_start3A_1081 = tpu.memref_slice %arg3[%squeeze3A_1071, %dma_start3A_1080] : memref<1000001x32xf32, #tpu.memory_space<hbm>> -> memref<1x32xf32, #tpu.memory_space<hbm>>
    tpu.enqueue_dma source(%dma_start3A_1081 : memref<1x32xf32, #tpu.memory_space<hbm>>) target(%dma_start3A_1079 : memref<1x32xf32, #tpu.memory_space<vmem>>) target_semaphore(%arg13 : memref<!tpu.dma_semaphore, #tpu.memory_space<semaphore_mem>>)
    %slice3A_1082 = vector.extract_strided_slice %get3A_838 {offsets = [10], sizes = [1], strides = [1]} : vector<16xi32> to vector<1xi32>
    %squeeze3A_1083 = vector.extract %slice3A_1082[0] : i32 from vector<1xi32>
    %dma_start3A_1084 = arith.constant 10 : i32
    %dma_start3A_1085 = arith.constant 0 : i32
    %dma_start3A_1086 = tpu.memref_slice %arg10[%dma_start3A_1084, %dma_start3A_1085] : memref<256x32xf32, #tpu.memory_space<vmem>> -> memref<1x32xf32, #tpu.memory_space<vmem>>
    %dma_start3A_1087 = arith.constant 0 : i32
    %dma_start3A_1088 = tpu.memref_slice %arg2[%squeeze3A_1083, %dma_start3A_1087] : memref<1000001x32xf32, #tpu.memory_space<hbm>> -> memref<1x32xf32, #tpu.memory_space<hbm>>
    %dma_start3A_1089 = arith.constant 10 : i32
    %dma_start3A_1090 = arith.constant 0 : i32
    %dma_start3A_1091 = tpu.memref_slice %arg10[%dma_start3A_1089, %dma_start3A_1090] : memref<256x32xf32, #tpu.memory_space<vmem>> -> memref<1x32xf32, #tpu.memory_space<vmem>>
    %dma_start3A_1092 = arith.constant 0 : i32
    %dma_start3A_1093 = tpu.memref_slice %arg2[%squeeze3A_1083, %dma_start3A_1092] : memref<1000001x32xf32, #tpu.memory_space<hbm>> -> memref<1x32xf32, #tpu.memory_space<hbm>>
    tpu.enqueue_dma source(%dma_start3A_1093 : memref<1x32xf32, #tpu.memory_space<hbm>>) target(%dma_start3A_1091 : memref<1x32xf32, #tpu.memory_space<vmem>>) target_semaphore(%arg12 : memref<!tpu.dma_semaphore, #tpu.memory_space<semaphore_mem>>)
    %slice3A_1094 = vector.extract_strided_slice %get3A_841 {offsets = [10], sizes = [1], strides = [1]} : vector<16xi32> to vector<1xi32>
    %squeeze3A_1095 = vector.extract %slice3A_1094[0] : i32 from vector<1xi32>
    %dma_start3A_1096 = arith.constant 10 : i32
    %dma_start3A_1097 = arith.constant 0 : i32
    %dma_start3A_1098 = tpu.memref_slice %arg11[%dma_start3A_1096, %dma_start3A_1097] : memref<256x32xf32, #tpu.memory_space<vmem>> -> memref<1x32xf32, #tpu.memory_space<vmem>>
    %dma_start3A_1099 = arith.constant 0 : i32
    %dma_start3A_1100 = tpu.memref_slice %arg3[%squeeze3A_1095, %dma_start3A_1099] : memref<1000001x32xf32, #tpu.memory_space<hbm>> -> memref<1x32xf32, #tpu.memory_space<hbm>>
    %dma_start3A_1101 = arith.constant 10 : i32
    %dma_start3A_1102 = arith.constant 0 : i32
    %dma_start3A_1103 = tpu.memref_slice %arg11[%dma_start3A_1101, %dma_start3A_1102] : memref<256x32xf32, #tpu.memory_space<vmem>> -> memref<1x32xf32, #tpu.memory_space<vmem>>
    %dma_start3A_1104 = arith.constant 0 : i32
    %dma_start3A_1105 = tpu.memref_slice %arg3[%squeeze3A_1095, %dma_start3A_1104] : memref<1000001x32xf32, #tpu.memory_space<hbm>> -> memref<1x32xf32, #tpu.memory_space<hbm>>
    tpu.enqueue_dma source(%dma_start3A_1105 : memref<1x32xf32, #tpu.memory_space<hbm>>) target(%dma_start3A_1103 : memref<1x32xf32, #tpu.memory_space<vmem>>) target_semaphore(%arg13 : memref<!tpu.dma_semaphore, #tpu.memory_space<semaphore_mem>>)
    %slice3A_1106 = vector.extract_strided_slice %get3A_838 {offsets = [11], sizes = [1], strides = [1]} : vector<16xi32> to vector<1xi32>
    %squeeze3A_1107 = vector.extract %slice3A_1106[0] : i32 from vector<1xi32>
    %dma_start3A_1108 = arith.constant 11 : i32
    %dma_start3A_1109 = arith.constant 0 : i32
    %dma_start3A_1110 = tpu.memref_slice %arg10[%dma_start3A_1108, %dma_start3A_1109] : memref<256x32xf32, #tpu.memory_space<vmem>> -> memref<1x32xf32, #tpu.memory_space<vmem>>
    %dma_start3A_1111 = arith.constant 0 : i32
    %dma_start3A_1112 = tpu.memref_slice %arg2[%squeeze3A_1107, %dma_start3A_1111] : memref<1000001x32xf32, #tpu.memory_space<hbm>> -> memref<1x32xf32, #tpu.memory_space<hbm>>
    %dma_start3A_1113 = arith.constant 11 : i32
    %dma_start3A_1114 = arith.constant 0 : i32
    %dma_start3A_1115 = tpu.memref_slice %arg10[%dma_start3A_1113, %dma_start3A_1114] : memref<256x32xf32, #tpu.memory_space<vmem>> -> memref<1x32xf32, #tpu.memory_space<vmem>>
    %dma_start3A_1116 = arith.constant 0 : i32
    %dma_start3A_1117 = tpu.memref_slice %arg2[%squeeze3A_1107, %dma_start3A_1116] : memref<1000001x32xf32, #tpu.memory_space<hbm>> -> memref<1x32xf32, #tpu.memory_space<hbm>>
    tpu.enqueue_dma source(%dma_start3A_1117 : memref<1x32xf32, #tpu.memory_space<hbm>>) target(%dma_start3A_1115 : memref<1x32xf32, #tpu.memory_space<vmem>>) target_semaphore(%arg12 : memref<!tpu.dma_semaphore, #tpu.memory_space<semaphore_mem>>)
    %slice3A_1118 = vector.extract_strided_slice %get3A_841 {offsets = [11], sizes = [1], strides = [1]} : vector<16xi32> to vector<1xi32>
    %squeeze3A_1119 = vector.extract %slice3A_1118[0] : i32 from vector<1xi32>
    %dma_start3A_1120 = arith.constant 11 : i32
    %dma_start3A_1121 = arith.constant 0 : i32
    %dma_start3A_1122 = tpu.memref_slice %arg11[%dma_start3A_1120, %dma_start3A_1121] : memref<256x32xf32, #tpu.memory_space<vmem>> -> memref<1x32xf32, #tpu.memory_space<vmem>>
    %dma_start3A_1123 = arith.constant 0 : i32
    %dma_start3A_1124 = tpu.memref_slice %arg3[%squeeze3A_1119, %dma_start3A_1123] : memref<1000001x32xf32, #tpu.memory_space<hbm>> -> memref<1x32xf32, #tpu.memory_space<hbm>>
    %dma_start3A_1125 = arith.constant 11 : i32
    %dma_start3A_1126 = arith.constant 0 : i32
    %dma_start3A_1127 = tpu.memref_slice %arg11[%dma_start3A_1125, %dma_start3A_1126] : memref<256x32xf32, #tpu.memory_space<vmem>> -> memref<1x32xf32, #tpu.memory_space<vmem>>
    %dma_start3A_1128 = arith.constant 0 : i32
    %dma_start3A_1129 = tpu.memref_slice %arg3[%squeeze3A_1119, %dma_start3A_1128] : memref<1000001x32xf32, #tpu.memory_space<hbm>> -> memref<1x32xf32, #tpu.memory_space<hbm>>
    tpu.enqueue_dma source(%dma_start3A_1129 : memref<1x32xf32, #tpu.memory_space<hbm>>) target(%dma_start3A_1127 : memref<1x32xf32, #tpu.memory_space<vmem>>) target_semaphore(%arg13 : memref<!tpu.dma_semaphore, #tpu.memory_space<semaphore_mem>>)
    %slice3A_1130 = vector.extract_strided_slice %get3A_838 {offsets = [12], sizes = [1], strides = [1]} : vector<16xi32> to vector<1xi32>
    %squeeze3A_1131 = vector.extract %slice3A_1130[0] : i32 from vector<1xi32>
    %dma_start3A_1132 = arith.constant 12 : i32
    %dma_start3A_1133 = arith.constant 0 : i32
    %dma_start3A_1134 = tpu.memref_slice %arg10[%dma_start3A_1132, %dma_start3A_1133] : memref<256x32xf32, #tpu.memory_space<vmem>> -> memref<1x32xf32, #tpu.memory_space<vmem>>
    %dma_start3A_1135 = arith.constant 0 : i32
    %dma_start3A_1136 = tpu.memref_slice %arg2[%squeeze3A_1131, %dma_start3A_1135] : memref<1000001x32xf32, #tpu.memory_space<hbm>> -> memref<1x32xf32, #tpu.memory_space<hbm>>
    %dma_start3A_1137 = arith.constant 12 : i32
    %dma_start3A_1138 = arith.constant 0 : i32
    %dma_start3A_1139 = tpu.memref_slice %arg10[%dma_start3A_1137, %dma_start3A_1138] : memref<256x32xf32, #tpu.memory_space<vmem>> -> memref<1x32xf32, #tpu.memory_space<vmem>>
    %dma_start3A_1140 = arith.constant 0 : i32
    %dma_start3A_1141 = tpu.memref_slice %arg2[%squeeze3A_1131, %dma_start3A_1140] : memref<1000001x32xf32, #tpu.memory_space<hbm>> -> memref<1x32xf32, #tpu.memory_space<hbm>>
    tpu.enqueue_dma source(%dma_start3A_1141 : memref<1x32xf32, #tpu.memory_space<hbm>>) target(%dma_start3A_1139 : memref<1x32xf32, #tpu.memory_space<vmem>>) target_semaphore(%arg12 : memref<!tpu.dma_semaphore, #tpu.memory_space<semaphore_mem>>)
    %slice3A_1142 = vector.extract_strided_slice %get3A_841 {offsets = [12], sizes = [1], strides = [1]} : vector<16xi32> to vector<1xi32>
    %squeeze3A_1143 = vector.extract %slice3A_1142[0] : i32 from vector<1xi32>
    %dma_start3A_1144 = arith.constant 12 : i32
    %dma_start3A_1145 = arith.constant 0 : i32
    %dma_start3A_1146 = tpu.memref_slice %arg11[%dma_start3A_1144, %dma_start3A_1145] : memref<256x32xf32, #tpu.memory_space<vmem>> -> memref<1x32xf32, #tpu.memory_space<vmem>>
    %dma_start3A_1147 = arith.constant 0 : i32
    %dma_start3A_1148 = tpu.memref_slice %arg3[%squeeze3A_1143, %dma_start3A_1147] : memref<1000001x32xf32, #tpu.memory_space<hbm>> -> memref<1x32xf32, #tpu.memory_space<hbm>>
    %dma_start3A_1149 = arith.constant 12 : i32
    %dma_start3A_1150 = arith.constant 0 : i32
    %dma_start3A_1151 = tpu.memref_slice %arg11[%dma_start3A_1149, %dma_start3A_1150] : memref<256x32xf32, #tpu.memory_space<vmem>> -> memref<1x32xf32, #tpu.memory_space<vmem>>
    %dma_start3A_1152 = arith.constant 0 : i32
    %dma_start3A_1153 = tpu.memref_slice %arg3[%squeeze3A_1143, %dma_start3A_1152] : memref<1000001x32xf32, #tpu.memory_space<hbm>> -> memref<1x32xf32, #tpu.memory_space<hbm>>
    tpu.enqueue_dma source(%dma_start3A_1153 : memref<1x32xf32, #tpu.memory_space<hbm>>) target(%dma_start3A_1151 : memref<1x32xf32, #tpu.memory_space<vmem>>) target_semaphore(%arg13 : memref<!tpu.dma_semaphore, #tpu.memory_space<semaphore_mem>>)
    %slice3A_1154 = vector.extract_strided_slice %get3A_838 {offsets = [13], sizes = [1], strides = [1]} : vector<16xi32> to vector<1xi32>
    %squeeze3A_1155 = vector.extract %slice3A_1154[0] : i32 from vector<1xi32>
    %dma_start3A_1156 = arith.constant 13 : i32
    %dma_start3A_1157 = arith.constant 0 : i32
    %dma_start3A_1158 = tpu.memref_slice %arg10[%dma_start3A_1156, %dma_start3A_1157] : memref<256x32xf32, #tpu.memory_space<vmem>> -> memref<1x32xf32, #tpu.memory_space<vmem>>
    %dma_start3A_1159 = arith.constant 0 : i32
    %dma_start3A_1160 = tpu.memref_slice %arg2[%squeeze3A_1155, %dma_start3A_1159] : memref<1000001x32xf32, #tpu.memory_space<hbm>> -> memref<1x32xf32, #tpu.memory_space<hbm>>
    %dma_start3A_1161 = arith.constant 13 : i32
    %dma_start3A_1162 = arith.constant 0 : i32
    %dma_start3A_1163 = tpu.memref_slice %arg10[%dma_start3A_1161, %dma_start3A_1162] : memref<256x32xf32, #tpu.memory_space<vmem>> -> memref<1x32xf32, #tpu.memory_space<vmem>>
    %dma_start3A_1164 = arith.constant 0 : i32
    %dma_start3A_1165 = tpu.memref_slice %arg2[%squeeze3A_1155, %dma_start3A_1164] : memref<1000001x32xf32, #tpu.memory_space<hbm>> -> memref<1x32xf32, #tpu.memory_space<hbm>>
    tpu.enqueue_dma source(%dma_start3A_1165 : memref<1x32xf32, #tpu.memory_space<hbm>>) target(%dma_start3A_1163 : memref<1x32xf32, #tpu.memory_space<vmem>>) target_semaphore(%arg12 : memref<!tpu.dma_semaphore, #tpu.memory_space<semaphore_mem>>)
    %slice3A_1166 = vector.extract_strided_slice %get3A_841 {offsets = [13], sizes = [1], strides = [1]} : vector<16xi32> to vector<1xi32>
    %squeeze3A_1167 = vector.extract %slice3A_1166[0] : i32 from vector<1xi32>
    %dma_start3A_1168 = arith.constant 13 : i32
    %dma_start3A_1169 = arith.constant 0 : i32
    %dma_start3A_1170 = tpu.memref_slice %arg11[%dma_start3A_1168, %dma_start3A_1169] : memref<256x32xf32, #tpu.memory_space<vmem>> -> memref<1x32xf32, #tpu.memory_space<vmem>>
    %dma_start3A_1171 = arith.constant 0 : i32
    %dma_start3A_1172 = tpu.memref_slice %arg3[%squeeze3A_1167, %dma_start3A_1171] : memref<1000001x32xf32, #tpu.memory_space<hbm>> -> memref<1x32xf32, #tpu.memory_space<hbm>>
    %dma_start3A_1173 = arith.constant 13 : i32
    %dma_start3A_1174 = arith.constant 0 : i32
    %dma_start3A_1175 = tpu.memref_slice %arg11[%dma_start3A_1173, %dma_start3A_1174] : memref<256x32xf32, #tpu.memory_space<vmem>> -> memref<1x32xf32, #tpu.memory_space<vmem>>
    %dma_start3A_1176 = arith.constant 0 : i32
    %dma_start3A_1177 = tpu.memref_slice %arg3[%squeeze3A_1167, %dma_start3A_1176] : memref<1000001x32xf32, #tpu.memory_space<hbm>> -> memref<1x32xf32, #tpu.memory_space<hbm>>
    tpu.enqueue_dma source(%dma_start3A_1177 : memref<1x32xf32, #tpu.memory_space<hbm>>) target(%dma_start3A_1175 : memref<1x32xf32, #tpu.memory_space<vmem>>) target_semaphore(%arg13 : memref<!tpu.dma_semaphore, #tpu.memory_space<semaphore_mem>>)
    %slice3A_1178 = vector.extract_strided_slice %get3A_838 {offsets = [14], sizes = [1], strides = [1]} : vector<16xi32> to vector<1xi32>
    %squeeze3A_1179 = vector.extract %slice3A_1178[0] : i32 from vector<1xi32>
    %dma_start3A_1180 = arith.constant 14 : i32
    %dma_start3A_1181 = arith.constant 0 : i32
    %dma_start3A_1182 = tpu.memref_slice %arg10[%dma_start3A_1180, %dma_start3A_1181] : memref<256x32xf32, #tpu.memory_space<vmem>> -> memref<1x32xf32, #tpu.memory_space<vmem>>
    %dma_start3A_1183 = arith.constant 0 : i32
    %dma_start3A_1184 = tpu.memref_slice %arg2[%squeeze3A_1179, %dma_start3A_1183] : memref<1000001x32xf32, #tpu.memory_space<hbm>> -> memref<1x32xf32, #tpu.memory_space<hbm>>
    %dma_start3A_1185 = arith.constant 14 : i32
    %dma_start3A_1186 = arith.constant 0 : i32
    %dma_start3A_1187 = tpu.memref_slice %arg10[%dma_start3A_1185, %dma_start3A_1186] : memref<256x32xf32, #tpu.memory_space<vmem>> -> memref<1x32xf32, #tpu.memory_space<vmem>>
    %dma_start3A_1188 = arith.constant 0 : i32
    %dma_start3A_1189 = tpu.memref_slice %arg2[%squeeze3A_1179, %dma_start3A_1188] : memref<1000001x32xf32, #tpu.memory_space<hbm>> -> memref<1x32xf32, #tpu.memory_space<hbm>>
    tpu.enqueue_dma source(%dma_start3A_1189 : memref<1x32xf32, #tpu.memory_space<hbm>>) target(%dma_start3A_1187 : memref<1x32xf32, #tpu.memory_space<vmem>>) target_semaphore(%arg12 : memref<!tpu.dma_semaphore, #tpu.memory_space<semaphore_mem>>)
    %slice3A_1190 = vector.extract_strided_slice %get3A_841 {offsets = [14], sizes = [1], strides = [1]} : vector<16xi32> to vector<1xi32>
    %squeeze3A_1191 = vector.extract %slice3A_1190[0] : i32 from vector<1xi32>
    %dma_start3A_1192 = arith.constant 14 : i32
    %dma_start3A_1193 = arith.constant 0 : i32
    %dma_start3A_1194 = tpu.memref_slice %arg11[%dma_start3A_1192, %dma_start3A_1193] : memref<256x32xf32, #tpu.memory_space<vmem>> -> memref<1x32xf32, #tpu.memory_space<vmem>>
    %dma_start3A_1195 = arith.constant 0 : i32
    %dma_start3A_1196 = tpu.memref_slice %arg3[%squeeze3A_1191, %dma_start3A_1195] : memref<1000001x32xf32, #tpu.memory_space<hbm>> -> memref<1x32xf32, #tpu.memory_space<hbm>>
    %dma_start3A_1197 = arith.constant 14 : i32
    %dma_start3A_1198 = arith.constant 0 : i32
    %dma_start3A_1199 = tpu.memref_slice %arg11[%dma_start3A_1197, %dma_start3A_1198] : memref<256x32xf32, #tpu.memory_space<vmem>> -> memref<1x32xf32, #tpu.memory_space<vmem>>
    %dma_start3A_1200 = arith.constant 0 : i32
    %dma_start3A_1201 = tpu.memref_slice %arg3[%squeeze3A_1191, %dma_start3A_1200] : memref<1000001x32xf32, #tpu.memory_space<hbm>> -> memref<1x32xf32, #tpu.memory_space<hbm>>
    tpu.enqueue_dma source(%dma_start3A_1201 : memref<1x32xf32, #tpu.memory_space<hbm>>) target(%dma_start3A_1199 : memref<1x32xf32, #tpu.memory_space<vmem>>) target_semaphore(%arg13 : memref<!tpu.dma_semaphore, #tpu.memory_space<semaphore_mem>>)
    %slice3A_1202 = vector.extract_strided_slice %get3A_838 {offsets = [15], sizes = [1], strides = [1]} : vector<16xi32> to vector<1xi32>
    %squeeze3A_1203 = vector.extract %slice3A_1202[0] : i32 from vector<1xi32>
    %dma_start3A_1204 = arith.constant 15 : i32
    %dma_start3A_1205 = arith.constant 0 : i32
    %dma_start3A_1206 = tpu.memref_slice %arg10[%dma_start3A_1204, %dma_start3A_1205] : memref<256x32xf32, #tpu.memory_space<vmem>> -> memref<1x32xf32, #tpu.memory_space<vmem>>
    %dma_start3A_1207 = arith.constant 0 : i32
    %dma_start3A_1208 = tpu.memref_slice %arg2[%squeeze3A_1203, %dma_start3A_1207] : memref<1000001x32xf32, #tpu.memory_space<hbm>> -> memref<1x32xf32, #tpu.memory_space<hbm>>
    %dma_start3A_1209 = arith.constant 15 : i32
    %dma_start3A_1210 = arith.constant 0 : i32
    %dma_start3A_1211 = tpu.memref_slice %arg10[%dma_start3A_1209, %dma_start3A_1210] : memref<256x32xf32, #tpu.memory_space<vmem>> -> memref<1x32xf32, #tpu.memory_space<vmem>>
    %dma_start3A_1212 = arith.constant 0 : i32
    %dma_start3A_1213 = tpu.memref_slice %arg2[%squeeze3A_1203, %dma_start3A_1212] : memref<1000001x32xf32, #tpu.memory_space<hbm>> -> memref<1x32xf32, #tpu.memory_space<hbm>>
    tpu.enqueue_dma source(%dma_start3A_1213 : memref<1x32xf32, #tpu.memory_space<hbm>>) target(%dma_start3A_1211 : memref<1x32xf32, #tpu.memory_space<vmem>>) target_semaphore(%arg12 : memref<!tpu.dma_semaphore, #tpu.memory_space<semaphore_mem>>)
    %slice3A_1214 = vector.extract_strided_slice %get3A_841 {offsets = [15], sizes = [1], strides = [1]} : vector<16xi32> to vector<1xi32>
    %squeeze3A_1215 = vector.extract %slice3A_1214[0] : i32 from vector<1xi32>
    %dma_start3A_1216 = arith.constant 15 : i32
    %dma_start3A_1217 = arith.constant 0 : i32
    %dma_start3A_1218 = tpu.memref_slice %arg11[%dma_start3A_1216, %dma_start3A_1217] : memref<256x32xf32, #tpu.memory_space<vmem>> -> memref<1x32xf32, #tpu.memory_space<vmem>>
    %dma_start3A_1219 = arith.constant 0 : i32
    %dma_start3A_1220 = tpu.memref_slice %arg3[%squeeze3A_1215, %dma_start3A_1219] : memref<1000001x32xf32, #tpu.memory_space<hbm>> -> memref<1x32xf32, #tpu.memory_space<hbm>>
    %dma_start3A_1221 = arith.constant 15 : i32
    %dma_start3A_1222 = arith.constant 0 : i32
    %dma_start3A_1223 = tpu.memref_slice %arg11[%dma_start3A_1221, %dma_start3A_1222] : memref<256x32xf32, #tpu.memory_space<vmem>> -> memref<1x32xf32, #tpu.memory_space<vmem>>
    %dma_start3A_1224 = arith.constant 0 : i32
    %dma_start3A_1225 = tpu.memref_slice %arg3[%squeeze3A_1215, %dma_start3A_1224] : memref<1000001x32xf32, #tpu.memory_space<hbm>> -> memref<1x32xf32, #tpu.memory_space<hbm>>
    tpu.enqueue_dma source(%dma_start3A_1225 : memref<1x32xf32, #tpu.memory_space<hbm>>) target(%dma_start3A_1223 : memref<1x32xf32, #tpu.memory_space<vmem>>) target_semaphore(%arg13 : memref<!tpu.dma_semaphore, #tpu.memory_space<semaphore_mem>>)
    %get3A_1226 = arith.constant 272 : index
    %get3A_1227 = tpu.vector_load %arg8[%get3A_1226] {strides = array<i32>} : memref<512xi32, #tpu.memory_space<vmem>>, vector<16xi32>,
    %get3A_1228 = vector.shape_cast %get3A_1227 : vector<16xi32> to vector<16xi32>
    %get3A_1229 = arith.constant 272 : index
    %get3A_1230 = tpu.vector_load %arg9[%get3A_1229] {strides = array<i32>} : memref<512xi32, #tpu.memory_space<vmem>>, vector<16xi32>,
    %get3A_1231 = vector.shape_cast %get3A_1230 : vector<16xi32> to vector<16xi32>
    %slice3A_1232 = vector.extract_strided_slice %get3A_1228 {offsets = [0], sizes = [1], strides = [1]} : vector<16xi32> to vector<1xi32>
    %squeeze3A_1233 = vector.extract %slice3A_1232[0] : i32 from vector<1xi32>
    %dma_start3A_1234 = arith.constant 16 : i32
    %dma_start3A_1235 = arith.constant 0 : i32
    %dma_start3A_1236 = tpu.memref_slice %arg10[%dma_start3A_1234, %dma_start3A_1235] : memref<256x32xf32, #tpu.memory_space<vmem>> -> memref<1x32xf32, #tpu.memory_space<vmem>>
    %dma_start3A_1237 = arith.constant 0 : i32
    %dma_start3A_1238 = tpu.memref_slice %arg2[%squeeze3A_1233, %dma_start3A_1237] : memref<1000001x32xf32, #tpu.memory_space<hbm>> -> memref<1x32xf32, #tpu.memory_space<hbm>>
    %dma_start3A_1239 = arith.constant 16 : i32
    %dma_start3A_1240 = arith.constant 0 : i32
    %dma_start3A_1241 = tpu.memref_slice %arg10[%dma_start3A_1239, %dma_start3A_1240] : memref<256x32xf32, #tpu.memory_space<vmem>> -> memref<1x32xf32, #tpu.memory_space<vmem>>
    %dma_start3A_1242 = arith.constant 0 : i32
    %dma_start3A_1243 = tpu.memref_slice %arg2[%squeeze3A_1233, %dma_start3A_1242] : memref<1000001x32xf32, #tpu.memory_space<hbm>> -> memref<1x32xf32, #tpu.memory_space<hbm>>
    tpu.enqueue_dma source(%dma_start3A_1243 : memref<1x32xf32, #tpu.memory_space<hbm>>) target(%dma_start3A_1241 : memref<1x32xf32, #tpu.memory_space<vmem>>) target_semaphore(%arg12 : memref<!tpu.dma_semaphore, #tpu.memory_space<semaphore_mem>>)
    %slice3A_1244 = vector.extract_strided_slice %get3A_1231 {offsets = [0], sizes = [1], strides = [1]} : vector<16xi32> to vector<1xi32>
    %squeeze3A_1245 = vector.extract %slice3A_1244[0] : i32 from vector<1xi32>
    %dma_start3A_1246 = arith.constant 16 : i32
    %dma_start3A_1247 = arith.constant 0 : i32
    %dma_start3A_1248 = tpu.memref_slice %arg11[%dma_start3A_1246, %dma_start3A_1247] : memref<256x32xf32, #tpu.memory_space<vmem>> -> memref<1x32xf32, #tpu.memory_space<vmem>>
    %dma_start3A_1249 = arith.constant 0 : i32
    %dma_start3A_1250 = tpu.memref_slice %arg3[%squeeze3A_1245, %dma_start3A_1249] : memref<1000001x32xf32, #tpu.memory_space<hbm>> -> memref<1x32xf32, #tpu.memory_space<hbm>>
    %dma_start3A_1251 = arith.constant 16 : i32
    %dma_start3A_1252 = arith.constant 0 : i32
    %dma_start3A_1253 = tpu.memref_slice %arg11[%dma_start3A_1251, %dma_start3A_1252] : memref<256x32xf32, #tpu.memory_space<vmem>> -> memref<1x32xf32, #tpu.memory_space<vmem>>
    %dma_start3A_1254 = arith.constant 0 : i32
    %dma_start3A_1255 = tpu.memref_slice %arg3[%squeeze3A_1245, %dma_start3A_1254] : memref<1000001x32xf32, #tpu.memory_space<hbm>> -> memref<1x32xf32, #tpu.memory_space<hbm>>
    tpu.enqueue_dma source(%dma_start3A_1255 : memref<1x32xf32, #tpu.memory_space<hbm>>) target(%dma_start3A_1253 : memref<1x32xf32, #tpu.memory_space<vmem>>) target_semaphore(%arg13 : memref<!tpu.dma_semaphore, #tpu.memory_space<semaphore_mem>>)
    %slice3A_1256 = vector.extract_strided_slice %get3A_1228 {offsets = [1], sizes = [1], strides = [1]} : vector<16xi32> to vector<1xi32>
    %squeeze3A_1257 = vector.extract %slice3A_1256[0] : i32 from vector<1xi32>
    %dma_start3A_1258 = arith.constant 17 : i32
    %dma_start3A_1259 = arith.constant 0 : i32
    %dma_start3A_1260 = tpu.memref_slice %arg10[%dma_start3A_1258, %dma_start3A_1259] : memref<256x32xf32, #tpu.memory_space<vmem>> -> memref<1x32xf32, #tpu.memory_space<vmem>>
    %dma_start3A_1261 = arith.constant 0 : i32
    %dma_start3A_1262 = tpu.memref_slice %arg2[%squeeze3A_1257, %dma_start3A_1261] : memref<1000001x32xf32, #tpu.memory_space<hbm>> -> memref<1x32xf32, #tpu.memory_space<hbm>>
    %dma_start3A_1263 = arith.constant 17 : i32
    %dma_start3A_1264 = arith.constant 0 : i32
    %dma_start3A_1265 = tpu.memref_slice %arg10[%dma_start3A_1263, %dma_start3A_1264] : memref<256x32xf32, #tpu.memory_space<vmem>> -> memref<1x32xf32, #tpu.memory_space<vmem>>
    %dma_start3A_1266 = arith.constant 0 : i32
    %dma_start3A_1267 = tpu.memref_slice %arg2[%squeeze3A_1257, %dma_start3A_1266] : memref<1000001x32xf32, #tpu.memory_space<hbm>> -> memref<1x32xf32, #tpu.memory_space<hbm>>
    tpu.enqueue_dma source(%dma_start3A_1267 : memref<1x32xf32, #tpu.memory_space<hbm>>) target(%dma_start3A_1265 : memref<1x32xf32, #tpu.memory_space<vmem>>) target_semaphore(%arg12 : memref<!tpu.dma_semaphore, #tpu.memory_space<semaphore_mem>>)
    %slice3A_1268 = vector.extract_strided_slice %get3A_1231 {offsets = [1], sizes = [1], strides = [1]} : vector<16xi32> to vector<1xi32>
    %squeeze3A_1269 = vector.extract %slice3A_1268[0] : i32 from vector<1xi32>
    %dma_start3A_1270 = arith.constant 17 : i32
    %dma_start3A_1271 = arith.constant 0 : i32
    %dma_start3A_1272 = tpu.memref_slice %arg11[%dma_start3A_1270, %dma_start3A_1271] : memref<256x32xf32, #tpu.memory_space<vmem>> -> memref<1x32xf32, #tpu.memory_space<vmem>>
    %dma_start3A_1273 = arith.constant 0 : i32
    %dma_start3A_1274 = tpu.memref_slice %arg3[%squeeze3A_1269, %dma_start3A_1273] : memref<1000001x32xf32, #tpu.memory_space<hbm>> -> memref<1x32xf32, #tpu.memory_space<hbm>>
    %dma_start3A_1275 = arith.constant 17 : i32
    %dma_start3A_1276 = arith.constant 0 : i32
    %dma_start3A_1277 = tpu.memref_slice %arg11[%dma_start3A_1275, %dma_start3A_1276] : memref<256x32xf32, #tpu.memory_space<vmem>> -> memref<1x32xf32, #tpu.memory_space<vmem>>
    %dma_start3A_1278 = arith.constant 0 : i32
    %dma_start3A_1279 = tpu.memref_slice %arg3[%squeeze3A_1269, %dma_start3A_1278] : memref<1000001x32xf32, #tpu.memory_space<hbm>> -> memref<1x32xf32, #tpu.memory_space<hbm>>
    tpu.enqueue_dma source(%dma_start3A_1279 : memref<1x32xf32, #tpu.memory_space<hbm>>) target(%dma_start3A_1277 : memref<1x32xf32, #tpu.memory_space<vmem>>) target_semaphore(%arg13 : memref<!tpu.dma_semaphore, #tpu.memory_space<semaphore_mem>>)
    %slice3A_1280 = vector.extract_strided_slice %get3A_1228 {offsets = [2], sizes = [1], strides = [1]} : vector<16xi32> to vector<1xi32>
    %squeeze3A_1281 = vector.extract %slice3A_1280[0] : i32 from vector<1xi32>
    %dma_start3A_1282 = arith.constant 18 : i32
    %dma_start3A_1283 = arith.constant 0 : i32
    %dma_start3A_1284 = tpu.memref_slice %arg10[%dma_start3A_1282, %dma_start3A_1283] : memref<256x32xf32, #tpu.memory_space<vmem>> -> memref<1x32xf32, #tpu.memory_space<vmem>>
    %dma_start3A_1285 = arith.constant 0 : i32
    %dma_start3A_1286 = tpu.memref_slice %arg2[%squeeze3A_1281, %dma_start3A_1285] : memref<1000001x32xf32, #tpu.memory_space<hbm>> -> memref<1x32xf32, #tpu.memory_space<hbm>>
    %dma_start3A_1287 = arith.constant 18 : i32
    %dma_start3A_1288 = arith.constant 0 : i32
    %dma_start3A_1289 = tpu.memref_slice %arg10[%dma_start3A_1287, %dma_start3A_1288] : memref<256x32xf32, #tpu.memory_space<vmem>> -> memref<1x32xf32, #tpu.memory_space<vmem>>
    %dma_start3A_1290 = arith.constant 0 : i32
    %dma_start3A_1291 = tpu.memref_slice %arg2[%squeeze3A_1281, %dma_start3A_1290] : memref<1000001x32xf32, #tpu.memory_space<hbm>> -> memref<1x32xf32, #tpu.memory_space<hbm>>
    tpu.enqueue_dma source(%dma_start3A_1291 : memref<1x32xf32, #tpu.memory_space<hbm>>) target(%dma_start3A_1289 : memref<1x32xf32, #tpu.memory_space<vmem>>) target_semaphore(%arg12 : memref<!tpu.dma_semaphore, #tpu.memory_space<semaphore_mem>>)
    %slice3A_1292 = vector.extract_strided_slice %get3A_1231 {offsets = [2], sizes = [1], strides = [1]} : vector<16xi32> to vector<1xi32>
    %squeeze3A_1293 = vector.extract %slice3A_1292[0] : i32 from vector<1xi32>
    %dma_start3A_1294 = arith.constant 18 : i32
    %dma_start3A_1295 = arith.constant 0 : i32
    %dma_start3A_1296 = tpu.memref_slice %arg11[%dma_start3A_1294, %dma_start3A_1295] : memref<256x32xf32, #tpu.memory_space<vmem>> -> memref<1x32xf32, #tpu.memory_space<vmem>>
    %dma_start3A_1297 = arith.constant 0 : i32
    %dma_start3A_1298 = tpu.memref_slice %arg3[%squeeze3A_1293, %dma_start3A_1297] : memref<1000001x32xf32, #tpu.memory_space<hbm>> -> memref<1x32xf32, #tpu.memory_space<hbm>>
    %dma_start3A_1299 = arith.constant 18 : i32
    %dma_start3A_1300 = arith.constant 0 : i32
    %dma_start3A_1301 = tpu.memref_slice %arg11[%dma_start3A_1299, %dma_start3A_1300] : memref<256x32xf32, #tpu.memory_space<vmem>> -> memref<1x32xf32, #tpu.memory_space<vmem>>
    %dma_start3A_1302 = arith.constant 0 : i32
    %dma_start3A_1303 = tpu.memref_slice %arg3[%squeeze3A_1293, %dma_start3A_1302] : memref<1000001x32xf32, #tpu.memory_space<hbm>> -> memref<1x32xf32, #tpu.memory_space<hbm>>
    tpu.enqueue_dma source(%dma_start3A_1303 : memref<1x32xf32, #tpu.memory_space<hbm>>) target(%dma_start3A_1301 : memref<1x32xf32, #tpu.memory_space<vmem>>) target_semaphore(%arg13 : memref<!tpu.dma_semaphore, #tpu.memory_space<semaphore_mem>>)
    %slice3A_1304 = vector.extract_strided_slice %get3A_1228 {offsets = [3], sizes = [1], strides = [1]} : vector<16xi32> to vector<1xi32>
    %squeeze3A_1305 = vector.extract %slice3A_1304[0] : i32 from vector<1xi32>
    %dma_start3A_1306 = arith.constant 19 : i32
    %dma_start3A_1307 = arith.constant 0 : i32
    %dma_start3A_1308 = tpu.memref_slice %arg10[%dma_start3A_1306, %dma_start3A_1307] : memref<256x32xf32, #tpu.memory_space<vmem>> -> memref<1x32xf32, #tpu.memory_space<vmem>>
    %dma_start3A_1309 = arith.constant 0 : i32
    %dma_start3A_1310 = tpu.memref_slice %arg2[%squeeze3A_1305, %dma_start3A_1309] : memref<1000001x32xf32, #tpu.memory_space<hbm>> -> memref<1x32xf32, #tpu.memory_space<hbm>>
    %dma_start3A_1311 = arith.constant 19 : i32
    %dma_start3A_1312 = arith.constant 0 : i32
    %dma_start3A_1313 = tpu.memref_slice %arg10[%dma_start3A_1311, %dma_start3A_1312] : memref<256x32xf32, #tpu.memory_space<vmem>> -> memref<1x32xf32, #tpu.memory_space<vmem>>
    %dma_start3A_1314 = arith.constant 0 : i32
    %dma_start3A_1315 = tpu.memref_slice %arg2[%squeeze3A_1305, %dma_start3A_1314] : memref<1000001x32xf32, #tpu.memory_space<hbm>> -> memref<1x32xf32, #tpu.memory_space<hbm>>
    tpu.enqueue_dma source(%dma_start3A_1315 : memref<1x32xf32, #tpu.memory_space<hbm>>) target(%dma_start3A_1313 : memref<1x32xf32, #tpu.memory_space<vmem>>) target_semaphore(%arg12 : memref<!tpu.dma_semaphore, #tpu.memory_space<semaphore_mem>>)
    %slice3A_1316 = vector.extract_strided_slice %get3A_1231 {offsets = [3], sizes = [1], strides = [1]} : vector<16xi32> to vector<1xi32>
    %squeeze3A_1317 = vector.extract %slice3A_1316[0] : i32 from vector<1xi32>
    %dma_start3A_1318 = arith.constant 19 : i32
    %dma_start3A_1319 = arith.constant 0 : i32
    %dma_start3A_1320 = tpu.memref_slice %arg11[%dma_start3A_1318, %dma_start3A_1319] : memref<256x32xf32, #tpu.memory_space<vmem>> -> memref<1x32xf32, #tpu.memory_space<vmem>>
    %dma_start3A_1321 = arith.constant 0 : i32
    %dma_start3A_1322 = tpu.memref_slice %arg3[%squeeze3A_1317, %dma_start3A_1321] : memref<1000001x32xf32, #tpu.memory_space<hbm>> -> memref<1x32xf32, #tpu.memory_space<hbm>>
    %dma_start3A_1323 = arith.constant 19 : i32
    %dma_start3A_1324 = arith.constant 0 : i32
    %dma_start3A_1325 = tpu.memref_slice %arg11[%dma_start3A_1323, %dma_start3A_1324] : memref<256x32xf32, #tpu.memory_space<vmem>> -> memref<1x32xf32, #tpu.memory_space<vmem>>
    %dma_start3A_1326 = arith.constant 0 : i32
    %dma_start3A_1327 = tpu.memref_slice %arg3[%squeeze3A_1317, %dma_start3A_1326] : memref<1000001x32xf32, #tpu.memory_space<hbm>> -> memref<1x32xf32, #tpu.memory_space<hbm>>
    tpu.enqueue_dma source(%dma_start3A_1327 : memref<1x32xf32, #tpu.memory_space<hbm>>) target(%dma_start3A_1325 : memref<1x32xf32, #tpu.memory_space<vmem>>) target_semaphore(%arg13 : memref<!tpu.dma_semaphore, #tpu.memory_space<semaphore_mem>>)
    %slice3A_1328 = vector.extract_strided_slice %get3A_1228 {offsets = [4], sizes = [1], strides = [1]} : vector<16xi32> to vector<1xi32>
    %squeeze3A_1329 = vector.extract %slice3A_1328[0] : i32 from vector<1xi32>
    %dma_start3A_1330 = arith.constant 20 : i32
    %dma_start3A_1331 = arith.constant 0 : i32
    %dma_start3A_1332 = tpu.memref_slice %arg10[%dma_start3A_1330, %dma_start3A_1331] : memref<256x32xf32, #tpu.memory_space<vmem>> -> memref<1x32xf32, #tpu.memory_space<vmem>>
    %dma_start3A_1333 = arith.constant 0 : i32
    %dma_start3A_1334 = tpu.memref_slice %arg2[%squeeze3A_1329, %dma_start3A_1333] : memref<1000001x32xf32, #tpu.memory_space<hbm>> -> memref<1x32xf32, #tpu.memory_space<hbm>>
    %dma_start3A_1335 = arith.constant 20 : i32
    %dma_start3A_1336 = arith.constant 0 : i32
    %dma_start3A_1337 = tpu.memref_slice %arg10[%dma_start3A_1335, %dma_start3A_1336] : memref<256x32xf32, #tpu.memory_space<vmem>> -> memref<1x32xf32, #tpu.memory_space<vmem>>
    %dma_start3A_1338 = arith.constant 0 : i32
    %dma_start3A_1339 = tpu.memref_slice %arg2[%squeeze3A_1329, %dma_start3A_1338] : memref<1000001x32xf32, #tpu.memory_space<hbm>> -> memref<1x32xf32, #tpu.memory_space<hbm>>
    tpu.enqueue_dma source(%dma_start3A_1339 : memref<1x32xf32, #tpu.memory_space<hbm>>) target(%dma_start3A_1337 : memref<1x32xf32, #tpu.memory_space<vmem>>) target_semaphore(%arg12 : memref<!tpu.dma_semaphore, #tpu.memory_space<semaphore_mem>>)
    %slice3A_1340 = vector.extract_strided_slice %get3A_1231 {offsets = [4], sizes = [1], strides = [1]} : vector<16xi32> to vector<1xi32>
    %squeeze3A_1341 = vector.extract %slice3A_1340[0] : i32 from vector<1xi32>
    %dma_start3A_1342 = arith.constant 20 : i32
    %dma_start3A_1343 = arith.constant 0 : i32
    %dma_start3A_1344 = tpu.memref_slice %arg11[%dma_start3A_1342, %dma_start3A_1343] : memref<256x32xf32, #tpu.memory_space<vmem>> -> memref<1x32xf32, #tpu.memory_space<vmem>>
    %dma_start3A_1345 = arith.constant 0 : i32
    %dma_start3A_1346 = tpu.memref_slice %arg3[%squeeze3A_1341, %dma_start3A_1345] : memref<1000001x32xf32, #tpu.memory_space<hbm>> -> memref<1x32xf32, #tpu.memory_space<hbm>>
    %dma_start3A_1347 = arith.constant 20 : i32
    %dma_start3A_1348 = arith.constant 0 : i32
    %dma_start3A_1349 = tpu.memref_slice %arg11[%dma_start3A_1347, %dma_start3A_1348] : memref<256x32xf32, #tpu.memory_space<vmem>> -> memref<1x32xf32, #tpu.memory_space<vmem>>
    %dma_start3A_1350 = arith.constant 0 : i32
    %dma_start3A_1351 = tpu.memref_slice %arg3[%squeeze3A_1341, %dma_start3A_1350] : memref<1000001x32xf32, #tpu.memory_space<hbm>> -> memref<1x32xf32, #tpu.memory_space<hbm>>
    tpu.enqueue_dma source(%dma_start3A_1351 : memref<1x32xf32, #tpu.memory_space<hbm>>) target(%dma_start3A_1349 : memref<1x32xf32, #tpu.memory_space<vmem>>) target_semaphore(%arg13 : memref<!tpu.dma_semaphore, #tpu.memory_space<semaphore_mem>>)
    %slice3A_1352 = vector.extract_strided_slice %get3A_1228 {offsets = [5], sizes = [1], strides = [1]} : vector<16xi32> to vector<1xi32>
    %squeeze3A_1353 = vector.extract %slice3A_1352[0] : i32 from vector<1xi32>
    %dma_start3A_1354 = arith.constant 21 : i32
    %dma_start3A_1355 = arith.constant 0 : i32
    %dma_start3A_1356 = tpu.memref_slice %arg10[%dma_start3A_1354, %dma_start3A_1355] : memref<256x32xf32, #tpu.memory_space<vmem>> -> memref<1x32xf32, #tpu.memory_space<vmem>>
    %dma_start3A_1357 = arith.constant 0 : i32
    %dma_start3A_1358 = tpu.memref_slice %arg2[%squeeze3A_1353, %dma_start3A_1357] : memref<1000001x32xf32, #tpu.memory_space<hbm>> -> memref<1x32xf32, #tpu.memory_space<hbm>>
    %dma_start3A_1359 = arith.constant 21 : i32
    %dma_start3A_1360 = arith.constant 0 : i32
    %dma_start3A_1361 = tpu.memref_slice %arg10[%dma_start3A_1359, %dma_start3A_1360] : memref<256x32xf32, #tpu.memory_space<vmem>> -> memref<1x32xf32, #tpu.memory_space<vmem>>
    %dma_start3A_1362 = arith.constant 0 : i32
    %dma_start3A_1363 = tpu.memref_slice %arg2[%squeeze3A_1353, %dma_start3A_1362] : memref<1000001x32xf32, #tpu.memory_space<hbm>> -> memref<1x32xf32, #tpu.memory_space<hbm>>
    tpu.enqueue_dma source(%dma_start3A_1363 : memref<1x32xf32, #tpu.memory_space<hbm>>) target(%dma_start3A_1361 : memref<1x32xf32, #tpu.memory_space<vmem>>) target_semaphore(%arg12 : memref<!tpu.dma_semaphore, #tpu.memory_space<semaphore_mem>>)
    %slice3A_1364 = vector.extract_strided_slice %get3A_1231 {offsets = [5], sizes = [1], strides = [1]} : vector<16xi32> to vector<1xi32>
    %squeeze3A_1365 = vector.extract %slice3A_1364[0] : i32 from vector<1xi32>
    %dma_start3A_1366 = arith.constant 21 : i32
    %dma_start3A_1367 = arith.constant 0 : i32
    %dma_start3A_1368 = tpu.memref_slice %arg11[%dma_start3A_1366, %dma_start3A_1367] : memref<256x32xf32, #tpu.memory_space<vmem>> -> memref<1x32xf32, #tpu.memory_space<vmem>>
    %dma_start3A_1369 = arith.constant 0 : i32
    %dma_start3A_1370 = tpu.memref_slice %arg3[%squeeze3A_1365, %dma_start3A_1369] : memref<1000001x32xf32, #tpu.memory_space<hbm>> -> memref<1x32xf32, #tpu.memory_space<hbm>>
    %dma_start3A_1371 = arith.constant 21 : i32
    %dma_start3A_1372 = arith.constant 0 : i32
    %dma_start3A_1373 = tpu.memref_slice %arg11[%dma_start3A_1371, %dma_start3A_1372] : memref<256x32xf32, #tpu.memory_space<vmem>> -> memref<1x32xf32, #tpu.memory_space<vmem>>
    %dma_start3A_1374 = arith.constant 0 : i32
    %dma_start3A_1375 = tpu.memref_slice %arg3[%squeeze3A_1365, %dma_start3A_1374] : memref<1000001x32xf32, #tpu.memory_space<hbm>> -> memref<1x32xf32, #tpu.memory_space<hbm>>
    tpu.enqueue_dma source(%dma_start3A_1375 : memref<1x32xf32, #tpu.memory_space<hbm>>) target(%dma_start3A_1373 : memref<1x32xf32, #tpu.memory_space<vmem>>) target_semaphore(%arg13 : memref<!tpu.dma_semaphore, #tpu.memory_space<semaphore_mem>>)
    %slice3A_1376 = vector.extract_strided_slice %get3A_1228 {offsets = [6], sizes = [1], strides = [1]} : vector<16xi32> to vector<1xi32>
    %squeeze3A_1377 = vector.extract %slice3A_1376[0] : i32 from vector<1xi32>
    %dma_start3A_1378 = arith.constant 22 : i32
    %dma_start3A_1379 = arith.constant 0 : i32
    %dma_start3A_1380 = tpu.memref_slice %arg10[%dma_start3A_1378, %dma_start3A_1379] : memref<256x32xf32, #tpu.memory_space<vmem>> -> memref<1x32xf32, #tpu.memory_space<vmem>>
    %dma_start3A_1381 = arith.constant 0 : i32
    %dma_start3A_1382 = tpu.memref_slice %arg2[%squeeze3A_1377, %dma_start3A_1381] : memref<1000001x32xf32, #tpu.memory_space<hbm>> -> memref<1x32xf32, #tpu.memory_space<hbm>>
    %dma_start3A_1383 = arith.constant 22 : i32
    %dma_start3A_1384 = arith.constant 0 : i32
    %dma_start3A_1385 = tpu.memref_slice %arg10[%dma_start3A_1383, %dma_start3A_1384] : memref<256x32xf32, #tpu.memory_space<vmem>> -> memref<1x32xf32, #tpu.memory_space<vmem>>
    %dma_start3A_1386 = arith.constant 0 : i32
    %dma_start3A_1387 = tpu.memref_slice %arg2[%squeeze3A_1377, %dma_start3A_1386] : memref<1000001x32xf32, #tpu.memory_space<hbm>> -> memref<1x32xf32, #tpu.memory_space<hbm>>
    tpu.enqueue_dma source(%dma_start3A_1387 : memref<1x32xf32, #tpu.memory_space<hbm>>) target(%dma_start3A_1385 : memref<1x32xf32, #tpu.memory_space<vmem>>) target_semaphore(%arg12 : memref<!tpu.dma_semaphore, #tpu.memory_space<semaphore_mem>>)
    %slice3A_1388 = vector.extract_strided_slice %get3A_1231 {offsets = [6], sizes = [1], strides = [1]} : vector<16xi32> to vector<1xi32>
    %squeeze3A_1389 = vector.extract %slice3A_1388[0] : i32 from vector<1xi32>
    %dma_start3A_1390 = arith.constant 22 : i32
    %dma_start3A_1391 = arith.constant 0 : i32
    %dma_start3A_1392 = tpu.memref_slice %arg11[%dma_start3A_1390, %dma_start3A_1391] : memref<256x32xf32, #tpu.memory_space<vmem>> -> memref<1x32xf32, #tpu.memory_space<vmem>>
    %dma_start3A_1393 = arith.constant 0 : i32
    %dma_start3A_1394 = tpu.memref_slice %arg3[%squeeze3A_1389, %dma_start3A_1393] : memref<1000001x32xf32, #tpu.memory_space<hbm>> -> memref<1x32xf32, #tpu.memory_space<hbm>>
    %dma_start3A_1395 = arith.constant 22 : i32
    %dma_start3A_1396 = arith.constant 0 : i32
    %dma_start3A_1397 = tpu.memref_slice %arg11[%dma_start3A_1395, %dma_start3A_1396] : memref<256x32xf32, #tpu.memory_space<vmem>> -> memref<1x32xf32, #tpu.memory_space<vmem>>
    %dma_start3A_1398 = arith.constant 0 : i32
    %dma_start3A_1399 = tpu.memref_slice %arg3[%squeeze3A_1389, %dma_start3A_1398] : memref<1000001x32xf32, #tpu.memory_space<hbm>> -> memref<1x32xf32, #tpu.memory_space<hbm>>
    tpu.enqueue_dma source(%dma_start3A_1399 : memref<1x32xf32, #tpu.memory_space<hbm>>) target(%dma_start3A_1397 : memref<1x32xf32, #tpu.memory_space<vmem>>) target_semaphore(%arg13 : memref<!tpu.dma_semaphore, #tpu.memory_space<semaphore_mem>>)
    %slice3A_1400 = vector.extract_strided_slice %get3A_1228 {offsets = [7], sizes = [1], strides = [1]} : vector<16xi32> to vector<1xi32>
    %squeeze3A_1401 = vector.extract %slice3A_1400[0] : i32 from vector<1xi32>
    %dma_start3A_1402 = arith.constant 23 : i32
    %dma_start3A_1403 = arith.constant 0 : i32
    %dma_start3A_1404 = tpu.memref_slice %arg10[%dma_start3A_1402, %dma_start3A_1403] : memref<256x32xf32, #tpu.memory_space<vmem>> -> memref<1x32xf32, #tpu.memory_space<vmem>>
    %dma_start3A_1405 = arith.constant 0 : i32
    %dma_start3A_1406 = tpu.memref_slice %arg2[%squeeze3A_1401, %dma_start3A_1405] : memref<1000001x32xf32, #tpu.memory_space<hbm>> -> memref<1x32xf32, #tpu.memory_space<hbm>>
    %dma_start3A_1407 = arith.constant 23 : i32
    %dma_start3A_1408 = arith.constant 0 : i32
    %dma_start3A_1409 = tpu.memref_slice %arg10[%dma_start3A_1407, %dma_start3A_1408] : memref<256x32xf32, #tpu.memory_space<vmem>> -> memref<1x32xf32, #tpu.memory_space<vmem>>
    %dma_start3A_1410 = arith.constant 0 : i32
    %dma_start3A_1411 = tpu.memref_slice %arg2[%squeeze3A_1401, %dma_start3A_1410] : memref<1000001x32xf32, #tpu.memory_space<hbm>> -> memref<1x32xf32, #tpu.memory_space<hbm>>
    tpu.enqueue_dma source(%dma_start3A_1411 : memref<1x32xf32, #tpu.memory_space<hbm>>) target(%dma_start3A_1409 : memref<1x32xf32, #tpu.memory_space<vmem>>) target_semaphore(%arg12 : memref<!tpu.dma_semaphore, #tpu.memory_space<semaphore_mem>>)
    %slice3A_1412 = vector.extract_strided_slice %get3A_1231 {offsets = [7], sizes = [1], strides = [1]} : vector<16xi32> to vector<1xi32>
    %squeeze3A_1413 = vector.extract %slice3A_1412[0] : i32 from vector<1xi32>
    %dma_start3A_1414 = arith.constant 23 : i32
    %dma_start3A_1415 = arith.constant 0 : i32
    %dma_start3A_1416 = tpu.memref_slice %arg11[%dma_start3A_1414, %dma_start3A_1415] : memref<256x32xf32, #tpu.memory_space<vmem>> -> memref<1x32xf32, #tpu.memory_space<vmem>>
    %dma_start3A_1417 = arith.constant 0 : i32
    %dma_start3A_1418 = tpu.memref_slice %arg3[%squeeze3A_1413, %dma_start3A_1417] : memref<1000001x32xf32, #tpu.memory_space<hbm>> -> memref<1x32xf32, #tpu.memory_space<hbm>>
    %dma_start3A_1419 = arith.constant 23 : i32
    %dma_start3A_1420 = arith.constant 0 : i32
    %dma_start3A_1421 = tpu.memref_slice %arg11[%dma_start3A_1419, %dma_start3A_1420] : memref<256x32xf32, #tpu.memory_space<vmem>> -> memref<1x32xf32, #tpu.memory_space<vmem>>
    %dma_start3A_1422 = arith.constant 0 : i32
    %dma_start3A_1423 = tpu.memref_slice %arg3[%squeeze3A_1413, %dma_start3A_1422] : memref<1000001x32xf32, #tpu.memory_space<hbm>> -> memref<1x32xf32, #tpu.memory_space<hbm>>
    tpu.enqueue_dma source(%dma_start3A_1423 : memref<1x32xf32, #tpu.memory_space<hbm>>) target(%dma_start3A_1421 : memref<1x32xf32, #tpu.memory_space<vmem>>) target_semaphore(%arg13 : memref<!tpu.dma_semaphore, #tpu.memory_space<semaphore_mem>>)
    %slice3A_1424 = vector.extract_strided_slice %get3A_1228 {offsets = [8], sizes = [1], strides = [1]} : vector<16xi32> to vector<1xi32>
    %squeeze3A_1425 = vector.extract %slice3A_1424[0] : i32 from vector<1xi32>
    %dma_start3A_1426 = arith.constant 24 : i32
    %dma_start3A_1427 = arith.constant 0 : i32
    %dma_start3A_1428 = tpu.memref_slice %arg10[%dma_start3A_1426, %dma_start3A_1427] : memref<256x32xf32, #tpu.memory_space<vmem>> -> memref<1x32xf32, #tpu.memory_space<vmem>>
    %dma_start3A_1429 = arith.constant 0 : i32
    %dma_start3A_1430 = tpu.memref_slice %arg2[%squeeze3A_1425, %dma_start3A_1429] : memref<1000001x32xf32, #tpu.memory_space<hbm>> -> memref<1x32xf32, #tpu.memory_space<hbm>>
    %dma_start3A_1431 = arith.constant 24 : i32
    %dma_start3A_1432 = arith.constant 0 : i32
    %dma_start3A_1433 = tpu.memref_slice %arg10[%dma_start3A_1431, %dma_start3A_1432] : memref<256x32xf32, #tpu.memory_space<vmem>> -> memref<1x32xf32, #tpu.memory_space<vmem>>
    %dma_start3A_1434 = arith.constant 0 : i32
    %dma_start3A_1435 = tpu.memref_slice %arg2[%squeeze3A_1425, %dma_start3A_1434] : memref<1000001x32xf32, #tpu.memory_space<hbm>> -> memref<1x32xf32, #tpu.memory_space<hbm>>
    tpu.enqueue_dma source(%dma_start3A_1435 : memref<1x32xf32, #tpu.memory_space<hbm>>) target(%dma_start3A_1433 : memref<1x32xf32, #tpu.memory_space<vmem>>) target_semaphore(%arg12 : memref<!tpu.dma_semaphore, #tpu.memory_space<semaphore_mem>>)
    %slice3A_1436 = vector.extract_strided_slice %get3A_1231 {offsets = [8], sizes = [1], strides = [1]} : vector<16xi32> to vector<1xi32>
    %squeeze3A_1437 = vector.extract %slice3A_1436[0] : i32 from vector<1xi32>
    %dma_start3A_1438 = arith.constant 24 : i32
    %dma_start3A_1439 = arith.constant 0 : i32
    %dma_start3A_1440 = tpu.memref_slice %arg11[%dma_start3A_1438, %dma_start3A_1439] : memref<256x32xf32, #tpu.memory_space<vmem>> -> memref<1x32xf32, #tpu.memory_space<vmem>>
    %dma_start3A_1441 = arith.constant 0 : i32
    %dma_start3A_1442 = tpu.memref_slice %arg3[%squeeze3A_1437, %dma_start3A_1441] : memref<1000001x32xf32, #tpu.memory_space<hbm>> -> memref<1x32xf32, #tpu.memory_space<hbm>>
    %dma_start3A_1443 = arith.constant 24 : i32
    %dma_start3A_1444 = arith.constant 0 : i32
    %dma_start3A_1445 = tpu.memref_slice %arg11[%dma_start3A_1443, %dma_start3A_1444] : memref<256x32xf32, #tpu.memory_space<vmem>> -> memref<1x32xf32, #tpu.memory_space<vmem>>
    %dma_start3A_1446 = arith.constant 0 : i32
    %dma_start3A_1447 = tpu.memref_slice %arg3[%squeeze3A_1437, %dma_start3A_1446] : memref<1000001x32xf32, #tpu.memory_space<hbm>> -> memref<1x32xf32, #tpu.memory_space<hbm>>
    tpu.enqueue_dma source(%dma_start3A_1447 : memref<1x32xf32, #tpu.memory_space<hbm>>) target(%dma_start3A_1445 : memref<1x32xf32, #tpu.memory_space<vmem>>) target_semaphore(%arg13 : memref<!tpu.dma_semaphore, #tpu.memory_space<semaphore_mem>>)
    %slice3A_1448 = vector.extract_strided_slice %get3A_1228 {offsets = [9], sizes = [1], strides = [1]} : vector<16xi32> to vector<1xi32>
    %squeeze3A_1449 = vector.extract %slice3A_1448[0] : i32 from vector<1xi32>
    %dma_start3A_1450 = arith.constant 25 : i32
    %dma_start3A_1451 = arith.constant 0 : i32
    %dma_start3A_1452 = tpu.memref_slice %arg10[%dma_start3A_1450, %dma_start3A_1451] : memref<256x32xf32, #tpu.memory_space<vmem>> -> memref<1x32xf32, #tpu.memory_space<vmem>>
    %dma_start3A_1453 = arith.constant 0 : i32
    %dma_start3A_1454 = tpu.memref_slice %arg2[%squeeze3A_1449, %dma_start3A_1453] : memref<1000001x32xf32, #tpu.memory_space<hbm>> -> memref<1x32xf32, #tpu.memory_space<hbm>>
    %dma_start3A_1455 = arith.constant 25 : i32
    %dma_start3A_1456 = arith.constant 0 : i32
    %dma_start3A_1457 = tpu.memref_slice %arg10[%dma_start3A_1455, %dma_start3A_1456] : memref<256x32xf32, #tpu.memory_space<vmem>> -> memref<1x32xf32, #tpu.memory_space<vmem>>
    %dma_start3A_1458 = arith.constant 0 : i32
    %dma_start3A_1459 = tpu.memref_slice %arg2[%squeeze3A_1449, %dma_start3A_1458] : memref<1000001x32xf32, #tpu.memory_space<hbm>> -> memref<1x32xf32, #tpu.memory_space<hbm>>
    tpu.enqueue_dma source(%dma_start3A_1459 : memref<1x32xf32, #tpu.memory_space<hbm>>) target(%dma_start3A_1457 : memref<1x32xf32, #tpu.memory_space<vmem>>) target_semaphore(%arg12 : memref<!tpu.dma_semaphore, #tpu.memory_space<semaphore_mem>>)
    %slice3A_1460 = vector.extract_strided_slice %get3A_1231 {offsets = [9], sizes = [1], strides = [1]} : vector<16xi32> to vector<1xi32>
    %squeeze3A_1461 = vector.extract %slice3A_1460[0] : i32 from vector<1xi32>
    %dma_start3A_1462 = arith.constant 25 : i32
    %dma_start3A_1463 = arith.constant 0 : i32
    %dma_start3A_1464 = tpu.memref_slice %arg11[%dma_start3A_1462, %dma_start3A_1463] : memref<256x32xf32, #tpu.memory_space<vmem>> -> memref<1x32xf32, #tpu.memory_space<vmem>>
    %dma_start3A_1465 = arith.constant 0 : i32
    %dma_start3A_1466 = tpu.memref_slice %arg3[%squeeze3A_1461, %dma_start3A_1465] : memref<1000001x32xf32, #tpu.memory_space<hbm>> -> memref<1x32xf32, #tpu.memory_space<hbm>>
    %dma_start3A_1467 = arith.constant 25 : i32
    %dma_start3A_1468 = arith.constant 0 : i32
    %dma_start3A_1469 = tpu.memref_slice %arg11[%dma_start3A_1467, %dma_start3A_1468] : memref<256x32xf32, #tpu.memory_space<vmem>> -> memref<1x32xf32, #tpu.memory_space<vmem>>
    %dma_start3A_1470 = arith.constant 0 : i32
    %dma_start3A_1471 = tpu.memref_slice %arg3[%squeeze3A_1461, %dma_start3A_1470] : memref<1000001x32xf32, #tpu.memory_space<hbm>> -> memref<1x32xf32, #tpu.memory_space<hbm>>
    tpu.enqueue_dma source(%dma_start3A_1471 : memref<1x32xf32, #tpu.memory_space<hbm>>) target(%dma_start3A_1469 : memref<1x32xf32, #tpu.memory_space<vmem>>) target_semaphore(%arg13 : memref<!tpu.dma_semaphore, #tpu.memory_space<semaphore_mem>>)
    %slice3A_1472 = vector.extract_strided_slice %get3A_1228 {offsets = [10], sizes = [1], strides = [1]} : vector<16xi32> to vector<1xi32>
    %squeeze3A_1473 = vector.extract %slice3A_1472[0] : i32 from vector<1xi32>
    %dma_start3A_1474 = arith.constant 26 : i32
    %dma_start3A_1475 = arith.constant 0 : i32
    %dma_start3A_1476 = tpu.memref_slice %arg10[%dma_start3A_1474, %dma_start3A_1475] : memref<256x32xf32, #tpu.memory_space<vmem>> -> memref<1x32xf32, #tpu.memory_space<vmem>>
    %dma_start3A_1477 = arith.constant 0 : i32
    %dma_start3A_1478 = tpu.memref_slice %arg2[%squeeze3A_1473, %dma_start3A_1477] : memref<1000001x32xf32, #tpu.memory_space<hbm>> -> memref<1x32xf32, #tpu.memory_space<hbm>>
    %dma_start3A_1479 = arith.constant 26 : i32
    %dma_start3A_1480 = arith.constant 0 : i32
    %dma_start3A_1481 = tpu.memref_slice %arg10[%dma_start3A_1479, %dma_start3A_1480] : memref<256x32xf32, #tpu.memory_space<vmem>> -> memref<1x32xf32, #tpu.memory_space<vmem>>
    %dma_start3A_1482 = arith.constant 0 : i32
    %dma_start3A_1483 = tpu.memref_slice %arg2[%squeeze3A_1473, %dma_start3A_1482] : memref<1000001x32xf32, #tpu.memory_space<hbm>> -> memref<1x32xf32, #tpu.memory_space<hbm>>
    tpu.enqueue_dma source(%dma_start3A_1483 : memref<1x32xf32, #tpu.memory_space<hbm>>) target(%dma_start3A_1481 : memref<1x32xf32, #tpu.memory_space<vmem>>) target_semaphore(%arg12 : memref<!tpu.dma_semaphore, #tpu.memory_space<semaphore_mem>>)
    %slice3A_1484 = vector.extract_strided_slice %get3A_1231 {offsets = [10], sizes = [1], strides = [1]} : vector<16xi32> to vector<1xi32>
    %squeeze3A_1485 = vector.extract %slice3A_1484[0] : i32 from vector<1xi32>
    %dma_start3A_1486 = arith.constant 26 : i32
    %dma_start3A_1487 = arith.constant 0 : i32
    %dma_start3A_1488 = tpu.memref_slice %arg11[%dma_start3A_1486, %dma_start3A_1487] : memref<256x32xf32, #tpu.memory_space<vmem>> -> memref<1x32xf32, #tpu.memory_space<vmem>>
    %dma_start3A_1489 = arith.constant 0 : i32
    %dma_start3A_1490 = tpu.memref_slice %arg3[%squeeze3A_1485, %dma_start3A_1489] : memref<1000001x32xf32, #tpu.memory_space<hbm>> -> memref<1x32xf32, #tpu.memory_space<hbm>>
    %dma_start3A_1491 = arith.constant 26 : i32
    %dma_start3A_1492 = arith.constant 0 : i32
    %dma_start3A_1493 = tpu.memref_slice %arg11[%dma_start3A_1491, %dma_start3A_1492] : memref<256x32xf32, #tpu.memory_space<vmem>> -> memref<1x32xf32, #tpu.memory_space<vmem>>
    %dma_start3A_1494 = arith.constant 0 : i32
    %dma_start3A_1495 = tpu.memref_slice %arg3[%squeeze3A_1485, %dma_start3A_1494] : memref<1000001x32xf32, #tpu.memory_space<hbm>> -> memref<1x32xf32, #tpu.memory_space<hbm>>
    tpu.enqueue_dma source(%dma_start3A_1495 : memref<1x32xf32, #tpu.memory_space<hbm>>) target(%dma_start3A_1493 : memref<1x32xf32, #tpu.memory_space<vmem>>) target_semaphore(%arg13 : memref<!tpu.dma_semaphore, #tpu.memory_space<semaphore_mem>>)
    %slice3A_1496 = vector.extract_strided_slice %get3A_1228 {offsets = [11], sizes = [1], strides = [1]} : vector<16xi32> to vector<1xi32>
    %squeeze3A_1497 = vector.extract %slice3A_1496[0] : i32 from vector<1xi32>
    %dma_start3A_1498 = arith.constant 27 : i32
    %dma_start3A_1499 = arith.constant 0 : i32
    %dma_start3A_1500 = tpu.memref_slice %arg10[%dma_start3A_1498, %dma_start3A_1499] : memref<256x32xf32, #tpu.memory_space<vmem>> -> memref<1x32xf32, #tpu.memory_space<vmem>>
    %dma_start3A_1501 = arith.constant 0 : i32
    %dma_start3A_1502 = tpu.memref_slice %arg2[%squeeze3A_1497, %dma_start3A_1501] : memref<1000001x32xf32, #tpu.memory_space<hbm>> -> memref<1x32xf32, #tpu.memory_space<hbm>>
    %dma_start3A_1503 = arith.constant 27 : i32
    %dma_start3A_1504 = arith.constant 0 : i32
    %dma_start3A_1505 = tpu.memref_slice %arg10[%dma_start3A_1503, %dma_start3A_1504] : memref<256x32xf32, #tpu.memory_space<vmem>> -> memref<1x32xf32, #tpu.memory_space<vmem>>
    %dma_start3A_1506 = arith.constant 0 : i32
    %dma_start3A_1507 = tpu.memref_slice %arg2[%squeeze3A_1497, %dma_start3A_1506] : memref<1000001x32xf32, #tpu.memory_space<hbm>> -> memref<1x32xf32, #tpu.memory_space<hbm>>
    tpu.enqueue_dma source(%dma_start3A_1507 : memref<1x32xf32, #tpu.memory_space<hbm>>) target(%dma_start3A_1505 : memref<1x32xf32, #tpu.memory_space<vmem>>) target_semaphore(%arg12 : memref<!tpu.dma_semaphore, #tpu.memory_space<semaphore_mem>>)
    %slice3A_1508 = vector.extract_strided_slice %get3A_1231 {offsets = [11], sizes = [1], strides = [1]} : vector<16xi32> to vector<1xi32>
    %squeeze3A_1509 = vector.extract %slice3A_1508[0] : i32 from vector<1xi32>
    %dma_start3A_1510 = arith.constant 27 : i32
    %dma_start3A_1511 = arith.constant 0 : i32
    %dma_start3A_1512 = tpu.memref_slice %arg11[%dma_start3A_1510, %dma_start3A_1511] : memref<256x32xf32, #tpu.memory_space<vmem>> -> memref<1x32xf32, #tpu.memory_space<vmem>>
    %dma_start3A_1513 = arith.constant 0 : i32
    %dma_start3A_1514 = tpu.memref_slice %arg3[%squeeze3A_1509, %dma_start3A_1513] : memref<1000001x32xf32, #tpu.memory_space<hbm>> -> memref<1x32xf32, #tpu.memory_space<hbm>>
    %dma_start3A_1515 = arith.constant 27 : i32
    %dma_start3A_1516 = arith.constant 0 : i32
    %dma_start3A_1517 = tpu.memref_slice %arg11[%dma_start3A_1515, %dma_start3A_1516] : memref<256x32xf32, #tpu.memory_space<vmem>> -> memref<1x32xf32, #tpu.memory_space<vmem>>
    %dma_start3A_1518 = arith.constant 0 : i32
    %dma_start3A_1519 = tpu.memref_slice %arg3[%squeeze3A_1509, %dma_start3A_1518] : memref<1000001x32xf32, #tpu.memory_space<hbm>> -> memref<1x32xf32, #tpu.memory_space<hbm>>
    tpu.enqueue_dma source(%dma_start3A_1519 : memref<1x32xf32, #tpu.memory_space<hbm>>) target(%dma_start3A_1517 : memref<1x32xf32, #tpu.memory_space<vmem>>) target_semaphore(%arg13 : memref<!tpu.dma_semaphore, #tpu.memory_space<semaphore_mem>>)
    %slice3A_1520 = vector.extract_strided_slice %get3A_1228 {offsets = [12], sizes = [1], strides = [1]} : vector<16xi32> to vector<1xi32>
    %squeeze3A_1521 = vector.extract %slice3A_1520[0] : i32 from vector<1xi32>
    %dma_start3A_1522 = arith.constant 28 : i32
    %dma_start3A_1523 = arith.constant 0 : i32
    %dma_start3A_1524 = tpu.memref_slice %arg10[%dma_start3A_1522, %dma_start3A_1523] : memref<256x32xf32, #tpu.memory_space<vmem>> -> memref<1x32xf32, #tpu.memory_space<vmem>>
    %dma_start3A_1525 = arith.constant 0 : i32
    %dma_start3A_1526 = tpu.memref_slice %arg2[%squeeze3A_1521, %dma_start3A_1525] : memref<1000001x32xf32, #tpu.memory_space<hbm>> -> memref<1x32xf32, #tpu.memory_space<hbm>>
    %dma_start3A_1527 = arith.constant 28 : i32
    %dma_start3A_1528 = arith.constant 0 : i32
    %dma_start3A_1529 = tpu.memref_slice %arg10[%dma_start3A_1527, %dma_start3A_1528] : memref<256x32xf32, #tpu.memory_space<vmem>> -> memref<1x32xf32, #tpu.memory_space<vmem>>
    %dma_start3A_1530 = arith.constant 0 : i32
    %dma_start3A_1531 = tpu.memref_slice %arg2[%squeeze3A_1521, %dma_start3A_1530] : memref<1000001x32xf32, #tpu.memory_space<hbm>> -> memref<1x32xf32, #tpu.memory_space<hbm>>
    tpu.enqueue_dma source(%dma_start3A_1531 : memref<1x32xf32, #tpu.memory_space<hbm>>) target(%dma_start3A_1529 : memref<1x32xf32, #tpu.memory_space<vmem>>) target_semaphore(%arg12 : memref<!tpu.dma_semaphore, #tpu.memory_space<semaphore_mem>>)
    %slice3A_1532 = vector.extract_strided_slice %get3A_1231 {offsets = [12], sizes = [1], strides = [1]} : vector<16xi32> to vector<1xi32>
    %squeeze3A_1533 = vector.extract %slice3A_1532[0] : i32 from vector<1xi32>
    %dma_start3A_1534 = arith.constant 28 : i32
    %dma_start3A_1535 = arith.constant 0 : i32
    %dma_start3A_1536 = tpu.memref_slice %arg11[%dma_start3A_1534, %dma_start3A_1535] : memref<256x32xf32, #tpu.memory_space<vmem>> -> memref<1x32xf32, #tpu.memory_space<vmem>>
    %dma_start3A_1537 = arith.constant 0 : i32
    %dma_start3A_1538 = tpu.memref_slice %arg3[%squeeze3A_1533, %dma_start3A_1537] : memref<1000001x32xf32, #tpu.memory_space<hbm>> -> memref<1x32xf32, #tpu.memory_space<hbm>>
    %dma_start3A_1539 = arith.constant 28 : i32
    %dma_start3A_1540 = arith.constant 0 : i32
    %dma_start3A_1541 = tpu.memref_slice %arg11[%dma_start3A_1539, %dma_start3A_1540] : memref<256x32xf32, #tpu.memory_space<vmem>> -> memref<1x32xf32, #tpu.memory_space<vmem>>
    %dma_start3A_1542 = arith.constant 0 : i32
    %dma_start3A_1543 = tpu.memref_slice %arg3[%squeeze3A_1533, %dma_start3A_1542] : memref<1000001x32xf32, #tpu.memory_space<hbm>> -> memref<1x32xf32, #tpu.memory_space<hbm>>
    tpu.enqueue_dma source(%dma_start3A_1543 : memref<1x32xf32, #tpu.memory_space<hbm>>) target(%dma_start3A_1541 : memref<1x32xf32, #tpu.memory_space<vmem>>) target_semaphore(%arg13 : memref<!tpu.dma_semaphore, #tpu.memory_space<semaphore_mem>>)
    %slice3A_1544 = vector.extract_strided_slice %get3A_1228 {offsets = [13], sizes = [1], strides = [1]} : vector<16xi32> to vector<1xi32>
    %squeeze3A_1545 = vector.extract %slice3A_1544[0] : i32 from vector<1xi32>
    %dma_start3A_1546 = arith.constant 29 : i32
    %dma_start3A_1547 = arith.constant 0 : i32
    %dma_start3A_1548 = tpu.memref_slice %arg10[%dma_start3A_1546, %dma_start3A_1547] : memref<256x32xf32, #tpu.memory_space<vmem>> -> memref<1x32xf32, #tpu.memory_space<vmem>>
    %dma_start3A_1549 = arith.constant 0 : i32
    %dma_start3A_1550 = tpu.memref_slice %arg2[%squeeze3A_1545, %dma_start3A_1549] : memref<1000001x32xf32, #tpu.memory_space<hbm>> -> memref<1x32xf32, #tpu.memory_space<hbm>>
    %dma_start3A_1551 = arith.constant 29 : i32
    %dma_start3A_1552 = arith.constant 0 : i32
    %dma_start3A_1553 = tpu.memref_slice %arg10[%dma_start3A_1551, %dma_start3A_1552] : memref<256x32xf32, #tpu.memory_space<vmem>> -> memref<1x32xf32, #tpu.memory_space<vmem>>
    %dma_start3A_1554 = arith.constant 0 : i32
    %dma_start3A_1555 = tpu.memref_slice %arg2[%squeeze3A_1545, %dma_start3A_1554] : memref<1000001x32xf32, #tpu.memory_space<hbm>> -> memref<1x32xf32, #tpu.memory_space<hbm>>
    tpu.enqueue_dma source(%dma_start3A_1555 : memref<1x32xf32, #tpu.memory_space<hbm>>) target(%dma_start3A_1553 : memref<1x32xf32, #tpu.memory_space<vmem>>) target_semaphore(%arg12 : memref<!tpu.dma_semaphore, #tpu.memory_space<semaphore_mem>>)
    %slice3A_1556 = vector.extract_strided_slice %get3A_1231 {offsets = [13], sizes = [1], strides = [1]} : vector<16xi32> to vector<1xi32>
    %squeeze3A_1557 = vector.extract %slice3A_1556[0] : i32 from vector<1xi32>
    %dma_start3A_1558 = arith.constant 29 : i32
    %dma_start3A_1559 = arith.constant 0 : i32
    %dma_start3A_1560 = tpu.memref_slice %arg11[%dma_start3A_1558, %dma_start3A_1559] : memref<256x32xf32, #tpu.memory_space<vmem>> -> memref<1x32xf32, #tpu.memory_space<vmem>>
    %dma_start3A_1561 = arith.constant 0 : i32
    %dma_start3A_1562 = tpu.memref_slice %arg3[%squeeze3A_1557, %dma_start3A_1561] : memref<1000001x32xf32, #tpu.memory_space<hbm>> -> memref<1x32xf32, #tpu.memory_space<hbm>>
    %dma_start3A_1563 = arith.constant 29 : i32
    %dma_start3A_1564 = arith.constant 0 : i32
    %dma_start3A_1565 = tpu.memref_slice %arg11[%dma_start3A_1563, %dma_start3A_1564] : memref<256x32xf32, #tpu.memory_space<vmem>> -> memref<1x32xf32, #tpu.memory_space<vmem>>
    %dma_start3A_1566 = arith.constant 0 : i32
    %dma_start3A_1567 = tpu.memref_slice %arg3[%squeeze3A_1557, %dma_start3A_1566] : memref<1000001x32xf32, #tpu.memory_space<hbm>> -> memref<1x32xf32, #tpu.memory_space<hbm>>
    tpu.enqueue_dma source(%dma_start3A_1567 : memref<1x32xf32, #tpu.memory_space<hbm>>) target(%dma_start3A_1565 : memref<1x32xf32, #tpu.memory_space<vmem>>) target_semaphore(%arg13 : memref<!tpu.dma_semaphore, #tpu.memory_space<semaphore_mem>>)
    %slice3A_1568 = vector.extract_strided_slice %get3A_1228 {offsets = [14], sizes = [1], strides = [1]} : vector<16xi32> to vector<1xi32>
    %squeeze3A_1569 = vector.extract %slice3A_1568[0] : i32 from vector<1xi32>
    %dma_start3A_1570 = arith.constant 30 : i32
    %dma_start3A_1571 = arith.constant 0 : i32
    %dma_start3A_1572 = tpu.memref_slice %arg10[%dma_start3A_1570, %dma_start3A_1571] : memref<256x32xf32, #tpu.memory_space<vmem>> -> memref<1x32xf32, #tpu.memory_space<vmem>>
    %dma_start3A_1573 = arith.constant 0 : i32
    %dma_start3A_1574 = tpu.memref_slice %arg2[%squeeze3A_1569, %dma_start3A_1573] : memref<1000001x32xf32, #tpu.memory_space<hbm>> -> memref<1x32xf32, #tpu.memory_space<hbm>>
    %dma_start3A_1575 = arith.constant 30 : i32
    %dma_start3A_1576 = arith.constant 0 : i32
    %dma_start3A_1577 = tpu.memref_slice %arg10[%dma_start3A_1575, %dma_start3A_1576] : memref<256x32xf32, #tpu.memory_space<vmem>> -> memref<1x32xf32, #tpu.memory_space<vmem>>
    %dma_start3A_1578 = arith.constant 0 : i32
    %dma_start3A_1579 = tpu.memref_slice %arg2[%squeeze3A_1569, %dma_start3A_1578] : memref<1000001x32xf32, #tpu.memory_space<hbm>> -> memref<1x32xf32, #tpu.memory_space<hbm>>
    tpu.enqueue_dma source(%dma_start3A_1579 : memref<1x32xf32, #tpu.memory_space<hbm>>) target(%dma_start3A_1577 : memref<1x32xf32, #tpu.memory_space<vmem>>) target_semaphore(%arg12 : memref<!tpu.dma_semaphore, #tpu.memory_space<semaphore_mem>>)
    %slice3A_1580 = vector.extract_strided_slice %get3A_1231 {offsets = [14], sizes = [1], strides = [1]} : vector<16xi32> to vector<1xi32>
    %squeeze3A_1581 = vector.extract %slice3A_1580[0] : i32 from vector<1xi32>
    %dma_start3A_1582 = arith.constant 30 : i32
    %dma_start3A_1583 = arith.constant 0 : i32
    %dma_start3A_1584 = tpu.memref_slice %arg11[%dma_start3A_1582, %dma_start3A_1583] : memref<256x32xf32, #tpu.memory_space<vmem>> -> memref<1x32xf32, #tpu.memory_space<vmem>>
    %dma_start3A_1585 = arith.constant 0 : i32
    %dma_start3A_1586 = tpu.memref_slice %arg3[%squeeze3A_1581, %dma_start3A_1585] : memref<1000001x32xf32, #tpu.memory_space<hbm>> -> memref<1x32xf32, #tpu.memory_space<hbm>>
    %dma_start3A_1587 = arith.constant 30 : i32
    %dma_start3A_1588 = arith.constant 0 : i32
    %dma_start3A_1589 = tpu.memref_slice %arg11[%dma_start3A_1587, %dma_start3A_1588] : memref<256x32xf32, #tpu.memory_space<vmem>> -> memref<1x32xf32, #tpu.memory_space<vmem>>
    %dma_start3A_1590 = arith.constant 0 : i32
    %dma_start3A_1591 = tpu.memref_slice %arg3[%squeeze3A_1581, %dma_start3A_1590] : memref<1000001x32xf32, #tpu.memory_space<hbm>> -> memref<1x32xf32, #tpu.memory_space<hbm>>
    tpu.enqueue_dma source(%dma_start3A_1591 : memref<1x32xf32, #tpu.memory_space<hbm>>) target(%dma_start3A_1589 : memref<1x32xf32, #tpu.memory_space<vmem>>) target_semaphore(%arg13 : memref<!tpu.dma_semaphore, #tpu.memory_space<semaphore_mem>>)
    %slice3A_1592 = vector.extract_strided_slice %get3A_1228 {offsets = [15], sizes = [1], strides = [1]} : vector<16xi32> to vector<1xi32>
    %squeeze3A_1593 = vector.extract %slice3A_1592[0] : i32 from vector<1xi32>
    %dma_start3A_1594 = arith.constant 31 : i32
    %dma_start3A_1595 = arith.constant 0 : i32
    %dma_start3A_1596 = tpu.memref_slice %arg10[%dma_start3A_1594, %dma_start3A_1595] : memref<256x32xf32, #tpu.memory_space<vmem>> -> memref<1x32xf32, #tpu.memory_space<vmem>>
    %dma_start3A_1597 = arith.constant 0 : i32
    %dma_start3A_1598 = tpu.memref_slice %arg2[%squeeze3A_1593, %dma_start3A_1597] : memref<1000001x32xf32, #tpu.memory_space<hbm>> -> memref<1x32xf32, #tpu.memory_space<hbm>>
    %dma_start3A_1599 = arith.constant 31 : i32
    %dma_start3A_1600 = arith.constant 0 : i32
    %dma_start3A_1601 = tpu.memref_slice %arg10[%dma_start3A_1599, %dma_start3A_1600] : memref<256x32xf32, #tpu.memory_space<vmem>> -> memref<1x32xf32, #tpu.memory_space<vmem>>
    %dma_start3A_1602 = arith.constant 0 : i32
    %dma_start3A_1603 = tpu.memref_slice %arg2[%squeeze3A_1593, %dma_start3A_1602] : memref<1000001x32xf32, #tpu.memory_space<hbm>> -> memref<1x32xf32, #tpu.memory_space<hbm>>
    tpu.enqueue_dma source(%dma_start3A_1603 : memref<1x32xf32, #tpu.memory_space<hbm>>) target(%dma_start3A_1601 : memref<1x32xf32, #tpu.memory_space<vmem>>) target_semaphore(%arg12 : memref<!tpu.dma_semaphore, #tpu.memory_space<semaphore_mem>>)
    %slice3A_1604 = vector.extract_strided_slice %get3A_1231 {offsets = [15], sizes = [1], strides = [1]} : vector<16xi32> to vector<1xi32>
    %squeeze3A_1605 = vector.extract %slice3A_1604[0] : i32 from vector<1xi32>
    %dma_start3A_1606 = arith.constant 31 : i32
    %dma_start3A_1607 = arith.constant 0 : i32
    %dma_start3A_1608 = tpu.memref_slice %arg11[%dma_start3A_1606, %dma_start3A_1607] : memref<256x32xf32, #tpu.memory_space<vmem>> -> memref<1x32xf32, #tpu.memory_space<vmem>>
    %dma_start3A_1609 = arith.constant 0 : i32
    %dma_start3A_1610 = tpu.memref_slice %arg3[%squeeze3A_1605, %dma_start3A_1609] : memref<1000001x32xf32, #tpu.memory_space<hbm>> -> memref<1x32xf32, #tpu.memory_space<hbm>>
    %dma_start3A_1611 = arith.constant 31 : i32
    %dma_start3A_1612 = arith.constant 0 : i32
    %dma_start3A_1613 = tpu.memref_slice %arg11[%dma_start3A_1611, %dma_start3A_1612] : memref<256x32xf32, #tpu.memory_space<vmem>> -> memref<1x32xf32, #tpu.memory_space<vmem>>
    %dma_start3A_1614 = arith.constant 0 : i32
    %dma_start3A_1615 = tpu.memref_slice %arg3[%squeeze3A_1605, %dma_start3A_1614] : memref<1000001x32xf32, #tpu.memory_space<hbm>> -> memref<1x32xf32, #tpu.memory_space<hbm>>
    tpu.enqueue_dma source(%dma_start3A_1615 : memref<1x32xf32, #tpu.memory_space<hbm>>) target(%dma_start3A_1613 : memref<1x32xf32, #tpu.memory_space<vmem>>) target_semaphore(%arg13 : memref<!tpu.dma_semaphore, #tpu.memory_space<semaphore_mem>>)
    %scan3A_1616 = arith.constant 0 : i32
    %scan3A_1617 = arith.constant 2 : i32
    %scan3A_1618 = arith.constant 14 : i32
    %scan3A_1619 = arith.addi %scan3A_1617, %scan3A_1618 : i32
    %scan3A_1620 = arith.constant 1 : i32
    %scan3A_1621 = scf.for %scan3A_1675 = %scan3A_1617 to %scan3A_1619 step %scan3A_1620 iter_args(%scan3A_1676 = %scan3A_1616) -> (i32)  : i32 {
      %mul3A_1677 = arith.constant 16 : i32
      %mul3A_1678 = arith.muli %scan3A_1675, %mul3A_1677 : i32
      %add3A_1679 = arith.constant 256 : i32
      %add3A_1680 = arith.addi %add3A_1679, %mul3A_1678 : i32
      %mul3A_1681 = arith.constant 16 : i32
      %mul3A_1682 = arith.muli %scan3A_1675, %mul3A_1681 : i32
      %get3A_1683 = arith.index_cast %add3A_1680 : i32 to index
      %get3A_1684 = tpu.vector_load %arg8[%get3A_1683] {strides = array<i32>} : memref<512xi32, #tpu.memory_space<vmem>>, vector<16xi32>,
      %get3A_1685 = vector.shape_cast %get3A_1684 : vector<16xi32> to vector<16xi32>
      %get3A_1686 = arith.index_cast %add3A_1680 : i32 to index
      %get3A_1687 = tpu.vector_load %arg9[%get3A_1686] {strides = array<i32>} : memref<512xi32, #tpu.memory_space<vmem>>, vector<16xi32>,
      %get3A_1688 = vector.shape_cast %get3A_1687 : vector<16xi32> to vector<16xi32>
      %slice3A_1689 = vector.extract_strided_slice %get3A_1685 {offsets = [0], sizes = [1], strides = [1]} : vector<16xi32> to vector<1xi32>
      %squeeze3A_1690 = vector.extract %slice3A_1689[0] : i32 from vector<1xi32>
      %add3A_1691 = arith.constant 0 : i32
      %add3A_1692 = arith.addi %mul3A_1682, %add3A_1691 : i32
      %dma_start3A_1693 = arith.constant 0 : i32
      %dma_start3A_1694 = tpu.memref_slice %arg10[%add3A_1692, %dma_start3A_1693] : memref<256x32xf32, #tpu.memory_space<vmem>> -> memref<1x32xf32, #tpu.memory_space<vmem>>
      %dma_start3A_1695 = arith.constant 0 : i32
      %dma_start3A_1696 = tpu.memref_slice %arg2[%squeeze3A_1690, %dma_start3A_1695] : memref<1000001x32xf32, #tpu.memory_space<hbm>> -> memref<1x32xf32, #tpu.memory_space<hbm>>
      %dma_start3A_1697 = arith.constant 0 : i32
      %dma_start3A_1698 = tpu.memref_slice %arg10[%add3A_1692, %dma_start3A_1697] : memref<256x32xf32, #tpu.memory_space<vmem>> -> memref<1x32xf32, #tpu.memory_space<vmem>>
      %dma_start3A_1699 = arith.constant 0 : i32
      %dma_start3A_1700 = tpu.memref_slice %arg2[%squeeze3A_1690, %dma_start3A_1699] : memref<1000001x32xf32, #tpu.memory_space<hbm>> -> memref<1x32xf32, #tpu.memory_space<hbm>>
      tpu.enqueue_dma source(%dma_start3A_1700 : memref<1x32xf32, #tpu.memory_space<hbm>>) target(%dma_start3A_1698 : memref<1x32xf32, #tpu.memory_space<vmem>>) target_semaphore(%arg12 : memref<!tpu.dma_semaphore, #tpu.memory_space<semaphore_mem>>)
      %slice3A_1701 = vector.extract_strided_slice %get3A_1688 {offsets = [0], sizes = [1], strides = [1]} : vector<16xi32> to vector<1xi32>
      %squeeze3A_1702 = vector.extract %slice3A_1701[0] : i32 from vector<1xi32>
      %add3A_1703 = arith.constant 0 : i32
      %add3A_1704 = arith.addi %mul3A_1682, %add3A_1703 : i32
      %dma_start3A_1705 = arith.constant 0 : i32
      %dma_start3A_1706 = tpu.memref_slice %arg11[%add3A_1704, %dma_start3A_1705] : memref<256x32xf32, #tpu.memory_space<vmem>> -> memref<1x32xf32, #tpu.memory_space<vmem>>
      %dma_start3A_1707 = arith.constant 0 : i32
      %dma_start3A_1708 = tpu.memref_slice %arg3[%squeeze3A_1702, %dma_start3A_1707] : memref<1000001x32xf32, #tpu.memory_space<hbm>> -> memref<1x32xf32, #tpu.memory_space<hbm>>
      %dma_start3A_1709 = arith.constant 0 : i32
      %dma_start3A_1710 = tpu.memref_slice %arg11[%add3A_1704, %dma_start3A_1709] : memref<256x32xf32, #tpu.memory_space<vmem>> -> memref<1x32xf32, #tpu.memory_space<vmem>>
      %dma_start3A_1711 = arith.constant 0 : i32
      %dma_start3A_1712 = tpu.memref_slice %arg3[%squeeze3A_1702, %dma_start3A_1711] : memref<1000001x32xf32, #tpu.memory_space<hbm>> -> memref<1x32xf32, #tpu.memory_space<hbm>>
      tpu.enqueue_dma source(%dma_start3A_1712 : memref<1x32xf32, #tpu.memory_space<hbm>>) target(%dma_start3A_1710 : memref<1x32xf32, #tpu.memory_space<vmem>>) target_semaphore(%arg13 : memref<!tpu.dma_semaphore, #tpu.memory_space<semaphore_mem>>)
      %slice3A_1713 = vector.extract_strided_slice %get3A_1685 {offsets = [1], sizes = [1], strides = [1]} : vector<16xi32> to vector<1xi32>
      %squeeze3A_1714 = vector.extract %slice3A_1713[0] : i32 from vector<1xi32>
      %add3A_1715 = arith.constant 1 : i32
      %add3A_1716 = arith.addi %mul3A_1682, %add3A_1715 : i32
      %dma_start3A_1717 = arith.constant 0 : i32
      %dma_start3A_1718 = tpu.memref_slice %arg10[%add3A_1716, %dma_start3A_1717] : memref<256x32xf32, #tpu.memory_space<vmem>> -> memref<1x32xf32, #tpu.memory_space<vmem>>
      %dma_start3A_1719 = arith.constant 0 : i32
      %dma_start3A_1720 = tpu.memref_slice %arg2[%squeeze3A_1714, %dma_start3A_1719] : memref<1000001x32xf32, #tpu.memory_space<hbm>> -> memref<1x32xf32, #tpu.memory_space<hbm>>
      %dma_start3A_1721 = arith.constant 0 : i32
      %dma_start3A_1722 = tpu.memref_slice %arg10[%add3A_1716, %dma_start3A_1721] : memref<256x32xf32, #tpu.memory_space<vmem>> -> memref<1x32xf32, #tpu.memory_space<vmem>>
      %dma_start3A_1723 = arith.constant 0 : i32
      %dma_start3A_1724 = tpu.memref_slice %arg2[%squeeze3A_1714, %dma_start3A_1723] : memref<1000001x32xf32, #tpu.memory_space<hbm>> -> memref<1x32xf32, #tpu.memory_space<hbm>>
      tpu.enqueue_dma source(%dma_start3A_1724 : memref<1x32xf32, #tpu.memory_space<hbm>>) target(%dma_start3A_1722 : memref<1x32xf32, #tpu.memory_space<vmem>>) target_semaphore(%arg12 : memref<!tpu.dma_semaphore, #tpu.memory_space<semaphore_mem>>)
      %slice3A_1725 = vector.extract_strided_slice %get3A_1688 {offsets = [1], sizes = [1], strides = [1]} : vector<16xi32> to vector<1xi32>
      %squeeze3A_1726 = vector.extract %slice3A_1725[0] : i32 from vector<1xi32>
      %add3A_1727 = arith.constant 1 : i32
      %add3A_1728 = arith.addi %mul3A_1682, %add3A_1727 : i32
      %dma_start3A_1729 = arith.constant 0 : i32
      %dma_start3A_1730 = tpu.memref_slice %arg11[%add3A_1728, %dma_start3A_1729] : memref<256x32xf32, #tpu.memory_space<vmem>> -> memref<1x32xf32, #tpu.memory_space<vmem>>
      %dma_start3A_1731 = arith.constant 0 : i32
      %dma_start3A_1732 = tpu.memref_slice %arg3[%squeeze3A_1726, %dma_start3A_1731] : memref<1000001x32xf32, #tpu.memory_space<hbm>> -> memref<1x32xf32, #tpu.memory_space<hbm>>
      %dma_start3A_1733 = arith.constant 0 : i32
      %dma_start3A_1734 = tpu.memref_slice %arg11[%add3A_1728, %dma_start3A_1733] : memref<256x32xf32, #tpu.memory_space<vmem>> -> memref<1x32xf32, #tpu.memory_space<vmem>>
      %dma_start3A_1735 = arith.constant 0 : i32
      %dma_start3A_1736 = tpu.memref_slice %arg3[%squeeze3A_1726, %dma_start3A_1735] : memref<1000001x32xf32, #tpu.memory_space<hbm>> -> memref<1x32xf32, #tpu.memory_space<hbm>>
      tpu.enqueue_dma source(%dma_start3A_1736 : memref<1x32xf32, #tpu.memory_space<hbm>>) target(%dma_start3A_1734 : memref<1x32xf32, #tpu.memory_space<vmem>>) target_semaphore(%arg13 : memref<!tpu.dma_semaphore, #tpu.memory_space<semaphore_mem>>)
      %slice3A_1737 = vector.extract_strided_slice %get3A_1685 {offsets = [2], sizes = [1], strides = [1]} : vector<16xi32> to vector<1xi32>
      %squeeze3A_1738 = vector.extract %slice3A_1737[0] : i32 from vector<1xi32>
      %add3A_1739 = arith.constant 2 : i32
      %add3A_1740 = arith.addi %mul3A_1682, %add3A_1739 : i32
      %dma_start3A_1741 = arith.constant 0 : i32
      %dma_start3A_1742 = tpu.memref_slice %arg10[%add3A_1740, %dma_start3A_1741] : memref<256x32xf32, #tpu.memory_space<vmem>> -> memref<1x32xf32, #tpu.memory_space<vmem>>
      %dma_start3A_1743 = arith.constant 0 : i32
      %dma_start3A_1744 = tpu.memref_slice %arg2[%squeeze3A_1738, %dma_start3A_1743] : memref<1000001x32xf32, #tpu.memory_space<hbm>> -> memref<1x32xf32, #tpu.memory_space<hbm>>
      %dma_start3A_1745 = arith.constant 0 : i32
      %dma_start3A_1746 = tpu.memref_slice %arg10[%add3A_1740, %dma_start3A_1745] : memref<256x32xf32, #tpu.memory_space<vmem>> -> memref<1x32xf32, #tpu.memory_space<vmem>>
      %dma_start3A_1747 = arith.constant 0 : i32
      %dma_start3A_1748 = tpu.memref_slice %arg2[%squeeze3A_1738, %dma_start3A_1747] : memref<1000001x32xf32, #tpu.memory_space<hbm>> -> memref<1x32xf32, #tpu.memory_space<hbm>>
      tpu.enqueue_dma source(%dma_start3A_1748 : memref<1x32xf32, #tpu.memory_space<hbm>>) target(%dma_start3A_1746 : memref<1x32xf32, #tpu.memory_space<vmem>>) target_semaphore(%arg12 : memref<!tpu.dma_semaphore, #tpu.memory_space<semaphore_mem>>)
      %slice3A_1749 = vector.extract_strided_slice %get3A_1688 {offsets = [2], sizes = [1], strides = [1]} : vector<16xi32> to vector<1xi32>
      %squeeze3A_1750 = vector.extract %slice3A_1749[0] : i32 from vector<1xi32>
      %add3A_1751 = arith.constant 2 : i32
      %add3A_1752 = arith.addi %mul3A_1682, %add3A_1751 : i32
      %dma_start3A_1753 = arith.constant 0 : i32
      %dma_start3A_1754 = tpu.memref_slice %arg11[%add3A_1752, %dma_start3A_1753] : memref<256x32xf32, #tpu.memory_space<vmem>> -> memref<1x32xf32, #tpu.memory_space<vmem>>
      %dma_start3A_1755 = arith.constant 0 : i32
      %dma_start3A_1756 = tpu.memref_slice %arg3[%squeeze3A_1750, %dma_start3A_1755] : memref<1000001x32xf32, #tpu.memory_space<hbm>> -> memref<1x32xf32, #tpu.memory_space<hbm>>
      %dma_start3A_1757 = arith.constant 0 : i32
      %dma_start3A_1758 = tpu.memref_slice %arg11[%add3A_1752, %dma_start3A_1757] : memref<256x32xf32, #tpu.memory_space<vmem>> -> memref<1x32xf32, #tpu.memory_space<vmem>>
      %dma_start3A_1759 = arith.constant 0 : i32
      %dma_start3A_1760 = tpu.memref_slice %arg3[%squeeze3A_1750, %dma_start3A_1759] : memref<1000001x32xf32, #tpu.memory_space<hbm>> -> memref<1x32xf32, #tpu.memory_space<hbm>>
      tpu.enqueue_dma source(%dma_start3A_1760 : memref<1x32xf32, #tpu.memory_space<hbm>>) target(%dma_start3A_1758 : memref<1x32xf32, #tpu.memory_space<vmem>>) target_semaphore(%arg13 : memref<!tpu.dma_semaphore, #tpu.memory_space<semaphore_mem>>)
      %slice3A_1761 = vector.extract_strided_slice %get3A_1685 {offsets = [3], sizes = [1], strides = [1]} : vector<16xi32> to vector<1xi32>
      %squeeze3A_1762 = vector.extract %slice3A_1761[0] : i32 from vector<1xi32>
      %add3A_1763 = arith.constant 3 : i32
      %add3A_1764 = arith.addi %mul3A_1682, %add3A_1763 : i32
      %dma_start3A_1765 = arith.constant 0 : i32
      %dma_start3A_1766 = tpu.memref_slice %arg10[%add3A_1764, %dma_start3A_1765] : memref<256x32xf32, #tpu.memory_space<vmem>> -> memref<1x32xf32, #tpu.memory_space<vmem>>
      %dma_start3A_1767 = arith.constant 0 : i32
      %dma_start3A_1768 = tpu.memref_slice %arg2[%squeeze3A_1762, %dma_start3A_1767] : memref<1000001x32xf32, #tpu.memory_space<hbm>> -> memref<1x32xf32, #tpu.memory_space<hbm>>
      %dma_start3A_1769 = arith.constant 0 : i32
      %dma_start3A_1770 = tpu.memref_slice %arg10[%add3A_1764, %dma_start3A_1769] : memref<256x32xf32, #tpu.memory_space<vmem>> -> memref<1x32xf32, #tpu.memory_space<vmem>>
      %dma_start3A_1771 = arith.constant 0 : i32
      %dma_start3A_1772 = tpu.memref_slice %arg2[%squeeze3A_1762, %dma_start3A_1771] : memref<1000001x32xf32, #tpu.memory_space<hbm>> -> memref<1x32xf32, #tpu.memory_space<hbm>>
      tpu.enqueue_dma source(%dma_start3A_1772 : memref<1x32xf32, #tpu.memory_space<hbm>>) target(%dma_start3A_1770 : memref<1x32xf32, #tpu.memory_space<vmem>>) target_semaphore(%arg12 : memref<!tpu.dma_semaphore, #tpu.memory_space<semaphore_mem>>)
      %slice3A_1773 = vector.extract_strided_slice %get3A_1688 {offsets = [3], sizes = [1], strides = [1]} : vector<16xi32> to vector<1xi32>
      %squeeze3A_1774 = vector.extract %slice3A_1773[0] : i32 from vector<1xi32>
      %add3A_1775 = arith.constant 3 : i32
      %add3A_1776 = arith.addi %mul3A_1682, %add3A_1775 : i32
      %dma_start3A_1777 = arith.constant 0 : i32
      %dma_start3A_1778 = tpu.memref_slice %arg11[%add3A_1776, %dma_start3A_1777] : memref<256x32xf32, #tpu.memory_space<vmem>> -> memref<1x32xf32, #tpu.memory_space<vmem>>
      %dma_start3A_1779 = arith.constant 0 : i32
      %dma_start3A_1780 = tpu.memref_slice %arg3[%squeeze3A_1774, %dma_start3A_1779] : memref<1000001x32xf32, #tpu.memory_space<hbm>> -> memref<1x32xf32, #tpu.memory_space<hbm>>
      %dma_start3A_1781 = arith.constant 0 : i32
      %dma_start3A_1782 = tpu.memref_slice %arg11[%add3A_1776, %dma_start3A_1781] : memref<256x32xf32, #tpu.memory_space<vmem>> -> memref<1x32xf32, #tpu.memory_space<vmem>>
      %dma_start3A_1783 = arith.constant 0 : i32
      %dma_start3A_1784 = tpu.memref_slice %arg3[%squeeze3A_1774, %dma_start3A_1783] : memref<1000001x32xf32, #tpu.memory_space<hbm>> -> memref<1x32xf32, #tpu.memory_space<hbm>>
      tpu.enqueue_dma source(%dma_start3A_1784 : memref<1x32xf32, #tpu.memory_space<hbm>>) target(%dma_start3A_1782 : memref<1x32xf32, #tpu.memory_space<vmem>>) target_semaphore(%arg13 : memref<!tpu.dma_semaphore, #tpu.memory_space<semaphore_mem>>)
      %slice3A_1785 = vector.extract_strided_slice %get3A_1685 {offsets = [4], sizes = [1], strides = [1]} : vector<16xi32> to vector<1xi32>
      %squeeze3A_1786 = vector.extract %slice3A_1785[0] : i32 from vector<1xi32>
      %add3A_1787 = arith.constant 4 : i32
      %add3A_1788 = arith.addi %mul3A_1682, %add3A_1787 : i32
      %dma_start3A_1789 = arith.constant 0 : i32
      %dma_start3A_1790 = tpu.memref_slice %arg10[%add3A_1788, %dma_start3A_1789] : memref<256x32xf32, #tpu.memory_space<vmem>> -> memref<1x32xf32, #tpu.memory_space<vmem>>
      %dma_start3A_1791 = arith.constant 0 : i32
      %dma_start3A_1792 = tpu.memref_slice %arg2[%squeeze3A_1786, %dma_start3A_1791] : memref<1000001x32xf32, #tpu.memory_space<hbm>> -> memref<1x32xf32, #tpu.memory_space<hbm>>
      %dma_start3A_1793 = arith.constant 0 : i32
      %dma_start3A_1794 = tpu.memref_slice %arg10[%add3A_1788, %dma_start3A_1793] : memref<256x32xf32, #tpu.memory_space<vmem>> -> memref<1x32xf32, #tpu.memory_space<vmem>>
      %dma_start3A_1795 = arith.constant 0 : i32
      %dma_start3A_1796 = tpu.memref_slice %arg2[%squeeze3A_1786, %dma_start3A_1795] : memref<1000001x32xf32, #tpu.memory_space<hbm>> -> memref<1x32xf32, #tpu.memory_space<hbm>>
      tpu.enqueue_dma source(%dma_start3A_1796 : memref<1x32xf32, #tpu.memory_space<hbm>>) target(%dma_start3A_1794 : memref<1x32xf32, #tpu.memory_space<vmem>>) target_semaphore(%arg12 : memref<!tpu.dma_semaphore, #tpu.memory_space<semaphore_mem>>)
      %slice3A_1797 = vector.extract_strided_slice %get3A_1688 {offsets = [4], sizes = [1], strides = [1]} : vector<16xi32> to vector<1xi32>
      %squeeze3A_1798 = vector.extract %slice3A_1797[0] : i32 from vector<1xi32>
      %add3A_1799 = arith.constant 4 : i32
      %add3A_1800 = arith.addi %mul3A_1682, %add3A_1799 : i32
      %dma_start3A_1801 = arith.constant 0 : i32
      %dma_start3A_1802 = tpu.memref_slice %arg11[%add3A_1800, %dma_start3A_1801] : memref<256x32xf32, #tpu.memory_space<vmem>> -> memref<1x32xf32, #tpu.memory_space<vmem>>
      %dma_start3A_1803 = arith.constant 0 : i32
      %dma_start3A_1804 = tpu.memref_slice %arg3[%squeeze3A_1798, %dma_start3A_1803] : memref<1000001x32xf32, #tpu.memory_space<hbm>> -> memref<1x32xf32, #tpu.memory_space<hbm>>
      %dma_start3A_1805 = arith.constant 0 : i32
      %dma_start3A_1806 = tpu.memref_slice %arg11[%add3A_1800, %dma_start3A_1805] : memref<256x32xf32, #tpu.memory_space<vmem>> -> memref<1x32xf32, #tpu.memory_space<vmem>>
      %dma_start3A_1807 = arith.constant 0 : i32
      %dma_start3A_1808 = tpu.memref_slice %arg3[%squeeze3A_1798, %dma_start3A_1807] : memref<1000001x32xf32, #tpu.memory_space<hbm>> -> memref<1x32xf32, #tpu.memory_space<hbm>>
      tpu.enqueue_dma source(%dma_start3A_1808 : memref<1x32xf32, #tpu.memory_space<hbm>>) target(%dma_start3A_1806 : memref<1x32xf32, #tpu.memory_space<vmem>>) target_semaphore(%arg13 : memref<!tpu.dma_semaphore, #tpu.memory_space<semaphore_mem>>)
      %slice3A_1809 = vector.extract_strided_slice %get3A_1685 {offsets = [5], sizes = [1], strides = [1]} : vector<16xi32> to vector<1xi32>
      %squeeze3A_1810 = vector.extract %slice3A_1809[0] : i32 from vector<1xi32>
      %add3A_1811 = arith.constant 5 : i32
      %add3A_1812 = arith.addi %mul3A_1682, %add3A_1811 : i32
      %dma_start3A_1813 = arith.constant 0 : i32
      %dma_start3A_1814 = tpu.memref_slice %arg10[%add3A_1812, %dma_start3A_1813] : memref<256x32xf32, #tpu.memory_space<vmem>> -> memref<1x32xf32, #tpu.memory_space<vmem>>
      %dma_start3A_1815 = arith.constant 0 : i32
      %dma_start3A_1816 = tpu.memref_slice %arg2[%squeeze3A_1810, %dma_start3A_1815] : memref<1000001x32xf32, #tpu.memory_space<hbm>> -> memref<1x32xf32, #tpu.memory_space<hbm>>
      %dma_start3A_1817 = arith.constant 0 : i32
      %dma_start3A_1818 = tpu.memref_slice %arg10[%add3A_1812, %dma_start3A_1817] : memref<256x32xf32, #tpu.memory_space<vmem>> -> memref<1x32xf32, #tpu.memory_space<vmem>>
      %dma_start3A_1819 = arith.constant 0 : i32
      %dma_start3A_1820 = tpu.memref_slice %arg2[%squeeze3A_1810, %dma_start3A_1819] : memref<1000001x32xf32, #tpu.memory_space<hbm>> -> memref<1x32xf32, #tpu.memory_space<hbm>>
      tpu.enqueue_dma source(%dma_start3A_1820 : memref<1x32xf32, #tpu.memory_space<hbm>>) target(%dma_start3A_1818 : memref<1x32xf32, #tpu.memory_space<vmem>>) target_semaphore(%arg12 : memref<!tpu.dma_semaphore, #tpu.memory_space<semaphore_mem>>)
      %slice3A_1821 = vector.extract_strided_slice %get3A_1688 {offsets = [5], sizes = [1], strides = [1]} : vector<16xi32> to vector<1xi32>
      %squeeze3A_1822 = vector.extract %slice3A_1821[0] : i32 from vector<1xi32>
      %add3A_1823 = arith.constant 5 : i32
      %add3A_1824 = arith.addi %mul3A_1682, %add3A_1823 : i32
      %dma_start3A_1825 = arith.constant 0 : i32
      %dma_start3A_1826 = tpu.memref_slice %arg11[%add3A_1824, %dma_start3A_1825] : memref<256x32xf32, #tpu.memory_space<vmem>> -> memref<1x32xf32, #tpu.memory_space<vmem>>
      %dma_start3A_1827 = arith.constant 0 : i32
      %dma_start3A_1828 = tpu.memref_slice %arg3[%squeeze3A_1822, %dma_start3A_1827] : memref<1000001x32xf32, #tpu.memory_space<hbm>> -> memref<1x32xf32, #tpu.memory_space<hbm>>
      %dma_start3A_1829 = arith.constant 0 : i32
      %dma_start3A_1830 = tpu.memref_slice %arg11[%add3A_1824, %dma_start3A_1829] : memref<256x32xf32, #tpu.memory_space<vmem>> -> memref<1x32xf32, #tpu.memory_space<vmem>>
      %dma_start3A_1831 = arith.constant 0 : i32
      %dma_start3A_1832 = tpu.memref_slice %arg3[%squeeze3A_1822, %dma_start3A_1831] : memref<1000001x32xf32, #tpu.memory_space<hbm>> -> memref<1x32xf32, #tpu.memory_space<hbm>>
      tpu.enqueue_dma source(%dma_start3A_1832 : memref<1x32xf32, #tpu.memory_space<hbm>>) target(%dma_start3A_1830 : memref<1x32xf32, #tpu.memory_space<vmem>>) target_semaphore(%arg13 : memref<!tpu.dma_semaphore, #tpu.memory_space<semaphore_mem>>)
      %slice3A_1833 = vector.extract_strided_slice %get3A_1685 {offsets = [6], sizes = [1], strides = [1]} : vector<16xi32> to vector<1xi32>
      %squeeze3A_1834 = vector.extract %slice3A_1833[0] : i32 from vector<1xi32>
      %add3A_1835 = arith.constant 6 : i32
      %add3A_1836 = arith.addi %mul3A_1682, %add3A_1835 : i32
      %dma_start3A_1837 = arith.constant 0 : i32
      %dma_start3A_1838 = tpu.memref_slice %arg10[%add3A_1836, %dma_start3A_1837] : memref<256x32xf32, #tpu.memory_space<vmem>> -> memref<1x32xf32, #tpu.memory_space<vmem>>
      %dma_start3A_1839 = arith.constant 0 : i32
      %dma_start3A_1840 = tpu.memref_slice %arg2[%squeeze3A_1834, %dma_start3A_1839] : memref<1000001x32xf32, #tpu.memory_space<hbm>> -> memref<1x32xf32, #tpu.memory_space<hbm>>
      %dma_start3A_1841 = arith.constant 0 : i32
      %dma_start3A_1842 = tpu.memref_slice %arg10[%add3A_1836, %dma_start3A_1841] : memref<256x32xf32, #tpu.memory_space<vmem>> -> memref<1x32xf32, #tpu.memory_space<vmem>>
      %dma_start3A_1843 = arith.constant 0 : i32
      %dma_start3A_1844 = tpu.memref_slice %arg2[%squeeze3A_1834, %dma_start3A_1843] : memref<1000001x32xf32, #tpu.memory_space<hbm>> -> memref<1x32xf32, #tpu.memory_space<hbm>>
      tpu.enqueue_dma source(%dma_start3A_1844 : memref<1x32xf32, #tpu.memory_space<hbm>>) target(%dma_start3A_1842 : memref<1x32xf32, #tpu.memory_space<vmem>>) target_semaphore(%arg12 : memref<!tpu.dma_semaphore, #tpu.memory_space<semaphore_mem>>)
      %slice3A_1845 = vector.extract_strided_slice %get3A_1688 {offsets = [6], sizes = [1], strides = [1]} : vector<16xi32> to vector<1xi32>
      %squeeze3A_1846 = vector.extract %slice3A_1845[0] : i32 from vector<1xi32>
      %add3A_1847 = arith.constant 6 : i32
      %add3A_1848 = arith.addi %mul3A_1682, %add3A_1847 : i32
      %dma_start3A_1849 = arith.constant 0 : i32
      %dma_start3A_1850 = tpu.memref_slice %arg11[%add3A_1848, %dma_start3A_1849] : memref<256x32xf32, #tpu.memory_space<vmem>> -> memref<1x32xf32, #tpu.memory_space<vmem>>
      %dma_start3A_1851 = arith.constant 0 : i32
      %dma_start3A_1852 = tpu.memref_slice %arg3[%squeeze3A_1846, %dma_start3A_1851] : memref<1000001x32xf32, #tpu.memory_space<hbm>> -> memref<1x32xf32, #tpu.memory_space<hbm>>
      %dma_start3A_1853 = arith.constant 0 : i32
      %dma_start3A_1854 = tpu.memref_slice %arg11[%add3A_1848, %dma_start3A_1853] : memref<256x32xf32, #tpu.memory_space<vmem>> -> memref<1x32xf32, #tpu.memory_space<vmem>>
      %dma_start3A_1855 = arith.constant 0 : i32
      %dma_start3A_1856 = tpu.memref_slice %arg3[%squeeze3A_1846, %dma_start3A_1855] : memref<1000001x32xf32, #tpu.memory_space<hbm>> -> memref<1x32xf32, #tpu.memory_space<hbm>>
      tpu.enqueue_dma source(%dma_start3A_1856 : memref<1x32xf32, #tpu.memory_space<hbm>>) target(%dma_start3A_1854 : memref<1x32xf32, #tpu.memory_space<vmem>>) target_semaphore(%arg13 : memref<!tpu.dma_semaphore, #tpu.memory_space<semaphore_mem>>)
      %slice3A_1857 = vector.extract_strided_slice %get3A_1685 {offsets = [7], sizes = [1], strides = [1]} : vector<16xi32> to vector<1xi32>
      %squeeze3A_1858 = vector.extract %slice3A_1857[0] : i32 from vector<1xi32>
      %add3A_1859 = arith.constant 7 : i32
      %add3A_1860 = arith.addi %mul3A_1682, %add3A_1859 : i32
      %dma_start3A_1861 = arith.constant 0 : i32
      %dma_start3A_1862 = tpu.memref_slice %arg10[%add3A_1860, %dma_start3A_1861] : memref<256x32xf32, #tpu.memory_space<vmem>> -> memref<1x32xf32, #tpu.memory_space<vmem>>
      %dma_start3A_1863 = arith.constant 0 : i32
      %dma_start3A_1864 = tpu.memref_slice %arg2[%squeeze3A_1858, %dma_start3A_1863] : memref<1000001x32xf32, #tpu.memory_space<hbm>> -> memref<1x32xf32, #tpu.memory_space<hbm>>
      %dma_start3A_1865 = arith.constant 0 : i32
      %dma_start3A_1866 = tpu.memref_slice %arg10[%add3A_1860, %dma_start3A_1865] : memref<256x32xf32, #tpu.memory_space<vmem>> -> memref<1x32xf32, #tpu.memory_space<vmem>>
      %dma_start3A_1867 = arith.constant 0 : i32
      %dma_start3A_1868 = tpu.memref_slice %arg2[%squeeze3A_1858, %dma_start3A_1867] : memref<1000001x32xf32, #tpu.memory_space<hbm>> -> memref<1x32xf32, #tpu.memory_space<hbm>>
      tpu.enqueue_dma source(%dma_start3A_1868 : memref<1x32xf32, #tpu.memory_space<hbm>>) target(%dma_start3A_1866 : memref<1x32xf32, #tpu.memory_space<vmem>>) target_semaphore(%arg12 : memref<!tpu.dma_semaphore, #tpu.memory_space<semaphore_mem>>)
      %slice3A_1869 = vector.extract_strided_slice %get3A_1688 {offsets = [7], sizes = [1], strides = [1]} : vector<16xi32> to vector<1xi32>
      %squeeze3A_1870 = vector.extract %slice3A_1869[0] : i32 from vector<1xi32>
      %add3A_1871 = arith.constant 7 : i32
      %add3A_1872 = arith.addi %mul3A_1682, %add3A_1871 : i32
      %dma_start3A_1873 = arith.constant 0 : i32
      %dma_start3A_1874 = tpu.memref_slice %arg11[%add3A_1872, %dma_start3A_1873] : memref<256x32xf32, #tpu.memory_space<vmem>> -> memref<1x32xf32, #tpu.memory_space<vmem>>
      %dma_start3A_1875 = arith.constant 0 : i32
      %dma_start3A_1876 = tpu.memref_slice %arg3[%squeeze3A_1870, %dma_start3A_1875] : memref<1000001x32xf32, #tpu.memory_space<hbm>> -> memref<1x32xf32, #tpu.memory_space<hbm>>
      %dma_start3A_1877 = arith.constant 0 : i32
      %dma_start3A_1878 = tpu.memref_slice %arg11[%add3A_1872, %dma_start3A_1877] : memref<256x32xf32, #tpu.memory_space<vmem>> -> memref<1x32xf32, #tpu.memory_space<vmem>>
      %dma_start3A_1879 = arith.constant 0 : i32
      %dma_start3A_1880 = tpu.memref_slice %arg3[%squeeze3A_1870, %dma_start3A_1879] : memref<1000001x32xf32, #tpu.memory_space<hbm>> -> memref<1x32xf32, #tpu.memory_space<hbm>>
      tpu.enqueue_dma source(%dma_start3A_1880 : memref<1x32xf32, #tpu.memory_space<hbm>>) target(%dma_start3A_1878 : memref<1x32xf32, #tpu.memory_space<vmem>>) target_semaphore(%arg13 : memref<!tpu.dma_semaphore, #tpu.memory_space<semaphore_mem>>)
      %slice3A_1881 = vector.extract_strided_slice %get3A_1685 {offsets = [8], sizes = [1], strides = [1]} : vector<16xi32> to vector<1xi32>
      %squeeze3A_1882 = vector.extract %slice3A_1881[0] : i32 from vector<1xi32>
      %add3A_1883 = arith.constant 8 : i32
      %add3A_1884 = arith.addi %mul3A_1682, %add3A_1883 : i32
      %dma_start3A_1885 = arith.constant 0 : i32
      %dma_start3A_1886 = tpu.memref_slice %arg10[%add3A_1884, %dma_start3A_1885] : memref<256x32xf32, #tpu.memory_space<vmem>> -> memref<1x32xf32, #tpu.memory_space<vmem>>
      %dma_start3A_1887 = arith.constant 0 : i32
      %dma_start3A_1888 = tpu.memref_slice %arg2[%squeeze3A_1882, %dma_start3A_1887] : memref<1000001x32xf32, #tpu.memory_space<hbm>> -> memref<1x32xf32, #tpu.memory_space<hbm>>
      %dma_start3A_1889 = arith.constant 0 : i32
      %dma_start3A_1890 = tpu.memref_slice %arg10[%add3A_1884, %dma_start3A_1889] : memref<256x32xf32, #tpu.memory_space<vmem>> -> memref<1x32xf32, #tpu.memory_space<vmem>>
      %dma_start3A_1891 = arith.constant 0 : i32
      %dma_start3A_1892 = tpu.memref_slice %arg2[%squeeze3A_1882, %dma_start3A_1891] : memref<1000001x32xf32, #tpu.memory_space<hbm>> -> memref<1x32xf32, #tpu.memory_space<hbm>>
      tpu.enqueue_dma source(%dma_start3A_1892 : memref<1x32xf32, #tpu.memory_space<hbm>>) target(%dma_start3A_1890 : memref<1x32xf32, #tpu.memory_space<vmem>>) target_semaphore(%arg12 : memref<!tpu.dma_semaphore, #tpu.memory_space<semaphore_mem>>)
      %slice3A_1893 = vector.extract_strided_slice %get3A_1688 {offsets = [8], sizes = [1], strides = [1]} : vector<16xi32> to vector<1xi32>
      %squeeze3A_1894 = vector.extract %slice3A_1893[0] : i32 from vector<1xi32>
      %add3A_1895 = arith.constant 8 : i32
      %add3A_1896 = arith.addi %mul3A_1682, %add3A_1895 : i32
      %dma_start3A_1897 = arith.constant 0 : i32
      %dma_start3A_1898 = tpu.memref_slice %arg11[%add3A_1896, %dma_start3A_1897] : memref<256x32xf32, #tpu.memory_space<vmem>> -> memref<1x32xf32, #tpu.memory_space<vmem>>
      %dma_start3A_1899 = arith.constant 0 : i32
      %dma_start3A_1900 = tpu.memref_slice %arg3[%squeeze3A_1894, %dma_start3A_1899] : memref<1000001x32xf32, #tpu.memory_space<hbm>> -> memref<1x32xf32, #tpu.memory_space<hbm>>
      %dma_start3A_1901 = arith.constant 0 : i32
      %dma_start3A_1902 = tpu.memref_slice %arg11[%add3A_1896, %dma_start3A_1901] : memref<256x32xf32, #tpu.memory_space<vmem>> -> memref<1x32xf32, #tpu.memory_space<vmem>>
      %dma_start3A_1903 = arith.constant 0 : i32
      %dma_start3A_1904 = tpu.memref_slice %arg3[%squeeze3A_1894, %dma_start3A_1903] : memref<1000001x32xf32, #tpu.memory_space<hbm>> -> memref<1x32xf32, #tpu.memory_space<hbm>>
      tpu.enqueue_dma source(%dma_start3A_1904 : memref<1x32xf32, #tpu.memory_space<hbm>>) target(%dma_start3A_1902 : memref<1x32xf32, #tpu.memory_space<vmem>>) target_semaphore(%arg13 : memref<!tpu.dma_semaphore, #tpu.memory_space<semaphore_mem>>)
      %slice3A_1905 = vector.extract_strided_slice %get3A_1685 {offsets = [9], sizes = [1], strides = [1]} : vector<16xi32> to vector<1xi32>
      %squeeze3A_1906 = vector.extract %slice3A_1905[0] : i32 from vector<1xi32>
      %add3A_1907 = arith.constant 9 : i32
      %add3A_1908 = arith.addi %mul3A_1682, %add3A_1907 : i32
      %dma_start3A_1909 = arith.constant 0 : i32
      %dma_start3A_1910 = tpu.memref_slice %arg10[%add3A_1908, %dma_start3A_1909] : memref<256x32xf32, #tpu.memory_space<vmem>> -> memref<1x32xf32, #tpu.memory_space<vmem>>
      %dma_start3A_1911 = arith.constant 0 : i32
      %dma_start3A_1912 = tpu.memref_slice %arg2[%squeeze3A_1906, %dma_start3A_1911] : memref<1000001x32xf32, #tpu.memory_space<hbm>> -> memref<1x32xf32, #tpu.memory_space<hbm>>
      %dma_start3A_1913 = arith.constant 0 : i32
      %dma_start3A_1914 = tpu.memref_slice %arg10[%add3A_1908, %dma_start3A_1913] : memref<256x32xf32, #tpu.memory_space<vmem>> -> memref<1x32xf32, #tpu.memory_space<vmem>>
      %dma_start3A_1915 = arith.constant 0 : i32
      %dma_start3A_1916 = tpu.memref_slice %arg2[%squeeze3A_1906, %dma_start3A_1915] : memref<1000001x32xf32, #tpu.memory_space<hbm>> -> memref<1x32xf32, #tpu.memory_space<hbm>>
      tpu.enqueue_dma source(%dma_start3A_1916 : memref<1x32xf32, #tpu.memory_space<hbm>>) target(%dma_start3A_1914 : memref<1x32xf32, #tpu.memory_space<vmem>>) target_semaphore(%arg12 : memref<!tpu.dma_semaphore, #tpu.memory_space<semaphore_mem>>)
      %slice3A_1917 = vector.extract_strided_slice %get3A_1688 {offsets = [9], sizes = [1], strides = [1]} : vector<16xi32> to vector<1xi32>
      %squeeze3A_1918 = vector.extract %slice3A_1917[0] : i32 from vector<1xi32>
      %add3A_1919 = arith.constant 9 : i32
      %add3A_1920 = arith.addi %mul3A_1682, %add3A_1919 : i32
      %dma_start3A_1921 = arith.constant 0 : i32
      %dma_start3A_1922 = tpu.memref_slice %arg11[%add3A_1920, %dma_start3A_1921] : memref<256x32xf32, #tpu.memory_space<vmem>> -> memref<1x32xf32, #tpu.memory_space<vmem>>
      %dma_start3A_1923 = arith.constant 0 : i32
      %dma_start3A_1924 = tpu.memref_slice %arg3[%squeeze3A_1918, %dma_start3A_1923] : memref<1000001x32xf32, #tpu.memory_space<hbm>> -> memref<1x32xf32, #tpu.memory_space<hbm>>
      %dma_start3A_1925 = arith.constant 0 : i32
      %dma_start3A_1926 = tpu.memref_slice %arg11[%add3A_1920, %dma_start3A_1925] : memref<256x32xf32, #tpu.memory_space<vmem>> -> memref<1x32xf32, #tpu.memory_space<vmem>>
      %dma_start3A_1927 = arith.constant 0 : i32
      %dma_start3A_1928 = tpu.memref_slice %arg3[%squeeze3A_1918, %dma_start3A_1927] : memref<1000001x32xf32, #tpu.memory_space<hbm>> -> memref<1x32xf32, #tpu.memory_space<hbm>>
      tpu.enqueue_dma source(%dma_start3A_1928 : memref<1x32xf32, #tpu.memory_space<hbm>>) target(%dma_start3A_1926 : memref<1x32xf32, #tpu.memory_space<vmem>>) target_semaphore(%arg13 : memref<!tpu.dma_semaphore, #tpu.memory_space<semaphore_mem>>)
      %slice3A_1929 = vector.extract_strided_slice %get3A_1685 {offsets = [10], sizes = [1], strides = [1]} : vector<16xi32> to vector<1xi32>
      %squeeze3A_1930 = vector.extract %slice3A_1929[0] : i32 from vector<1xi32>
      %add3A_1931 = arith.constant 10 : i32
      %add3A_1932 = arith.addi %mul3A_1682, %add3A_1931 : i32
      %dma_start3A_1933 = arith.constant 0 : i32
      %dma_start3A_1934 = tpu.memref_slice %arg10[%add3A_1932, %dma_start3A_1933] : memref<256x32xf32, #tpu.memory_space<vmem>> -> memref<1x32xf32, #tpu.memory_space<vmem>>
      %dma_start3A_1935 = arith.constant 0 : i32
      %dma_start3A_1936 = tpu.memref_slice %arg2[%squeeze3A_1930, %dma_start3A_1935] : memref<1000001x32xf32, #tpu.memory_space<hbm>> -> memref<1x32xf32, #tpu.memory_space<hbm>>
      %dma_start3A_1937 = arith.constant 0 : i32
      %dma_start3A_1938 = tpu.memref_slice %arg10[%add3A_1932, %dma_start3A_1937] : memref<256x32xf32, #tpu.memory_space<vmem>> -> memref<1x32xf32, #tpu.memory_space<vmem>>
      %dma_start3A_1939 = arith.constant 0 : i32
      %dma_start3A_1940 = tpu.memref_slice %arg2[%squeeze3A_1930, %dma_start3A_1939] : memref<1000001x32xf32, #tpu.memory_space<hbm>> -> memref<1x32xf32, #tpu.memory_space<hbm>>
      tpu.enqueue_dma source(%dma_start3A_1940 : memref<1x32xf32, #tpu.memory_space<hbm>>) target(%dma_start3A_1938 : memref<1x32xf32, #tpu.memory_space<vmem>>) target_semaphore(%arg12 : memref<!tpu.dma_semaphore, #tpu.memory_space<semaphore_mem>>)
      %slice3A_1941 = vector.extract_strided_slice %get3A_1688 {offsets = [10], sizes = [1], strides = [1]} : vector<16xi32> to vector<1xi32>
      %squeeze3A_1942 = vector.extract %slice3A_1941[0] : i32 from vector<1xi32>
      %add3A_1943 = arith.constant 10 : i32
      %add3A_1944 = arith.addi %mul3A_1682, %add3A_1943 : i32
      %dma_start3A_1945 = arith.constant 0 : i32
      %dma_start3A_1946 = tpu.memref_slice %arg11[%add3A_1944, %dma_start3A_1945] : memref<256x32xf32, #tpu.memory_space<vmem>> -> memref<1x32xf32, #tpu.memory_space<vmem>>
      %dma_start3A_1947 = arith.constant 0 : i32
      %dma_start3A_1948 = tpu.memref_slice %arg3[%squeeze3A_1942, %dma_start3A_1947] : memref<1000001x32xf32, #tpu.memory_space<hbm>> -> memref<1x32xf32, #tpu.memory_space<hbm>>
      %dma_start3A_1949 = arith.constant 0 : i32
      %dma_start3A_1950 = tpu.memref_slice %arg11[%add3A_1944, %dma_start3A_1949] : memref<256x32xf32, #tpu.memory_space<vmem>> -> memref<1x32xf32, #tpu.memory_space<vmem>>
      %dma_start3A_1951 = arith.constant 0 : i32
      %dma_start3A_1952 = tpu.memref_slice %arg3[%squeeze3A_1942, %dma_start3A_1951] : memref<1000001x32xf32, #tpu.memory_space<hbm>> -> memref<1x32xf32, #tpu.memory_space<hbm>>
      tpu.enqueue_dma source(%dma_start3A_1952 : memref<1x32xf32, #tpu.memory_space<hbm>>) target(%dma_start3A_1950 : memref<1x32xf32, #tpu.memory_space<vmem>>) target_semaphore(%arg13 : memref<!tpu.dma_semaphore, #tpu.memory_space<semaphore_mem>>)
      %slice3A_1953 = vector.extract_strided_slice %get3A_1685 {offsets = [11], sizes = [1], strides = [1]} : vector<16xi32> to vector<1xi32>
      %squeeze3A_1954 = vector.extract %slice3A_1953[0] : i32 from vector<1xi32>
      %add3A_1955 = arith.constant 11 : i32
      %add3A_1956 = arith.addi %mul3A_1682, %add3A_1955 : i32
      %dma_start3A_1957 = arith.constant 0 : i32
      %dma_start3A_1958 = tpu.memref_slice %arg10[%add3A_1956, %dma_start3A_1957] : memref<256x32xf32, #tpu.memory_space<vmem>> -> memref<1x32xf32, #tpu.memory_space<vmem>>
      %dma_start3A_1959 = arith.constant 0 : i32
      %dma_start3A_1960 = tpu.memref_slice %arg2[%squeeze3A_1954, %dma_start3A_1959] : memref<1000001x32xf32, #tpu.memory_space<hbm>> -> memref<1x32xf32, #tpu.memory_space<hbm>>
      %dma_start3A_1961 = arith.constant 0 : i32
      %dma_start3A_1962 = tpu.memref_slice %arg10[%add3A_1956, %dma_start3A_1961] : memref<256x32xf32, #tpu.memory_space<vmem>> -> memref<1x32xf32, #tpu.memory_space<vmem>>
      %dma_start3A_1963 = arith.constant 0 : i32
      %dma_start3A_1964 = tpu.memref_slice %arg2[%squeeze3A_1954, %dma_start3A_1963] : memref<1000001x32xf32, #tpu.memory_space<hbm>> -> memref<1x32xf32, #tpu.memory_space<hbm>>
      tpu.enqueue_dma source(%dma_start3A_1964 : memref<1x32xf32, #tpu.memory_space<hbm>>) target(%dma_start3A_1962 : memref<1x32xf32, #tpu.memory_space<vmem>>) target_semaphore(%arg12 : memref<!tpu.dma_semaphore, #tpu.memory_space<semaphore_mem>>)
      %slice3A_1965 = vector.extract_strided_slice %get3A_1688 {offsets = [11], sizes = [1], strides = [1]} : vector<16xi32> to vector<1xi32>
      %squeeze3A_1966 = vector.extract %slice3A_1965[0] : i32 from vector<1xi32>
      %add3A_1967 = arith.constant 11 : i32
      %add3A_1968 = arith.addi %mul3A_1682, %add3A_1967 : i32
      %dma_start3A_1969 = arith.constant 0 : i32
      %dma_start3A_1970 = tpu.memref_slice %arg11[%add3A_1968, %dma_start3A_1969] : memref<256x32xf32, #tpu.memory_space<vmem>> -> memref<1x32xf32, #tpu.memory_space<vmem>>
      %dma_start3A_1971 = arith.constant 0 : i32
      %dma_start3A_1972 = tpu.memref_slice %arg3[%squeeze3A_1966, %dma_start3A_1971] : memref<1000001x32xf32, #tpu.memory_space<hbm>> -> memref<1x32xf32, #tpu.memory_space<hbm>>
      %dma_start3A_1973 = arith.constant 0 : i32
      %dma_start3A_1974 = tpu.memref_slice %arg11[%add3A_1968, %dma_start3A_1973] : memref<256x32xf32, #tpu.memory_space<vmem>> -> memref<1x32xf32, #tpu.memory_space<vmem>>
      %dma_start3A_1975 = arith.constant 0 : i32
      %dma_start3A_1976 = tpu.memref_slice %arg3[%squeeze3A_1966, %dma_start3A_1975] : memref<1000001x32xf32, #tpu.memory_space<hbm>> -> memref<1x32xf32, #tpu.memory_space<hbm>>
      tpu.enqueue_dma source(%dma_start3A_1976 : memref<1x32xf32, #tpu.memory_space<hbm>>) target(%dma_start3A_1974 : memref<1x32xf32, #tpu.memory_space<vmem>>) target_semaphore(%arg13 : memref<!tpu.dma_semaphore, #tpu.memory_space<semaphore_mem>>)
      %slice3A_1977 = vector.extract_strided_slice %get3A_1685 {offsets = [12], sizes = [1], strides = [1]} : vector<16xi32> to vector<1xi32>
      %squeeze3A_1978 = vector.extract %slice3A_1977[0] : i32 from vector<1xi32>
      %add3A_1979 = arith.constant 12 : i32
      %add3A_1980 = arith.addi %mul3A_1682, %add3A_1979 : i32
      %dma_start3A_1981 = arith.constant 0 : i32
      %dma_start3A_1982 = tpu.memref_slice %arg10[%add3A_1980, %dma_start3A_1981] : memref<256x32xf32, #tpu.memory_space<vmem>> -> memref<1x32xf32, #tpu.memory_space<vmem>>
      %dma_start3A_1983 = arith.constant 0 : i32
      %dma_start3A_1984 = tpu.memref_slice %arg2[%squeeze3A_1978, %dma_start3A_1983] : memref<1000001x32xf32, #tpu.memory_space<hbm>> -> memref<1x32xf32, #tpu.memory_space<hbm>>
      %dma_start3A_1985 = arith.constant 0 : i32
      %dma_start3A_1986 = tpu.memref_slice %arg10[%add3A_1980, %dma_start3A_1985] : memref<256x32xf32, #tpu.memory_space<vmem>> -> memref<1x32xf32, #tpu.memory_space<vmem>>
      %dma_start3A_1987 = arith.constant 0 : i32
      %dma_start3A_1988 = tpu.memref_slice %arg2[%squeeze3A_1978, %dma_start3A_1987] : memref<1000001x32xf32, #tpu.memory_space<hbm>> -> memref<1x32xf32, #tpu.memory_space<hbm>>
      tpu.enqueue_dma source(%dma_start3A_1988 : memref<1x32xf32, #tpu.memory_space<hbm>>) target(%dma_start3A_1986 : memref<1x32xf32, #tpu.memory_space<vmem>>) target_semaphore(%arg12 : memref<!tpu.dma_semaphore, #tpu.memory_space<semaphore_mem>>)
      %slice3A_1989 = vector.extract_strided_slice %get3A_1688 {offsets = [12], sizes = [1], strides = [1]} : vector<16xi32> to vector<1xi32>
      %squeeze3A_1990 = vector.extract %slice3A_1989[0] : i32 from vector<1xi32>
      %add3A_1991 = arith.constant 12 : i32
      %add3A_1992 = arith.addi %mul3A_1682, %add3A_1991 : i32
      %dma_start3A_1993 = arith.constant 0 : i32
      %dma_start3A_1994 = tpu.memref_slice %arg11[%add3A_1992, %dma_start3A_1993] : memref<256x32xf32, #tpu.memory_space<vmem>> -> memref<1x32xf32, #tpu.memory_space<vmem>>
      %dma_start3A_1995 = arith.constant 0 : i32
      %dma_start3A_1996 = tpu.memref_slice %arg3[%squeeze3A_1990, %dma_start3A_1995] : memref<1000001x32xf32, #tpu.memory_space<hbm>> -> memref<1x32xf32, #tpu.memory_space<hbm>>
      %dma_start3A_1997 = arith.constant 0 : i32
      %dma_start3A_1998 = tpu.memref_slice %arg11[%add3A_1992, %dma_start3A_1997] : memref<256x32xf32, #tpu.memory_space<vmem>> -> memref<1x32xf32, #tpu.memory_space<vmem>>
      %dma_start3A_1999 = arith.constant 0 : i32
      %dma_start3A_2000 = tpu.memref_slice %arg3[%squeeze3A_1990, %dma_start3A_1999] : memref<1000001x32xf32, #tpu.memory_space<hbm>> -> memref<1x32xf32, #tpu.memory_space<hbm>>
      tpu.enqueue_dma source(%dma_start3A_2000 : memref<1x32xf32, #tpu.memory_space<hbm>>) target(%dma_start3A_1998 : memref<1x32xf32, #tpu.memory_space<vmem>>) target_semaphore(%arg13 : memref<!tpu.dma_semaphore, #tpu.memory_space<semaphore_mem>>)
      %slice3A_2001 = vector.extract_strided_slice %get3A_1685 {offsets = [13], sizes = [1], strides = [1]} : vector<16xi32> to vector<1xi32>
      %squeeze3A_2002 = vector.extract %slice3A_2001[0] : i32 from vector<1xi32>
      %add3A_2003 = arith.constant 13 : i32
      %add3A_2004 = arith.addi %mul3A_1682, %add3A_2003 : i32
      %dma_start3A_2005 = arith.constant 0 : i32
      %dma_start3A_2006 = tpu.memref_slice %arg10[%add3A_2004, %dma_start3A_2005] : memref<256x32xf32, #tpu.memory_space<vmem>> -> memref<1x32xf32, #tpu.memory_space<vmem>>
      %dma_start3A_2007 = arith.constant 0 : i32
      %dma_start3A_2008 = tpu.memref_slice %arg2[%squeeze3A_2002, %dma_start3A_2007] : memref<1000001x32xf32, #tpu.memory_space<hbm>> -> memref<1x32xf32, #tpu.memory_space<hbm>>
      %dma_start3A_2009 = arith.constant 0 : i32
      %dma_start3A_2010 = tpu.memref_slice %arg10[%add3A_2004, %dma_start3A_2009] : memref<256x32xf32, #tpu.memory_space<vmem>> -> memref<1x32xf32, #tpu.memory_space<vmem>>
      %dma_start3A_2011 = arith.constant 0 : i32
      %dma_start3A_2012 = tpu.memref_slice %arg2[%squeeze3A_2002, %dma_start3A_2011] : memref<1000001x32xf32, #tpu.memory_space<hbm>> -> memref<1x32xf32, #tpu.memory_space<hbm>>
      tpu.enqueue_dma source(%dma_start3A_2012 : memref<1x32xf32, #tpu.memory_space<hbm>>) target(%dma_start3A_2010 : memref<1x32xf32, #tpu.memory_space<vmem>>) target_semaphore(%arg12 : memref<!tpu.dma_semaphore, #tpu.memory_space<semaphore_mem>>)
      %slice3A_2013 = vector.extract_strided_slice %get3A_1688 {offsets = [13], sizes = [1], strides = [1]} : vector<16xi32> to vector<1xi32>
      %squeeze3A_2014 = vector.extract %slice3A_2013[0] : i32 from vector<1xi32>
      %add3A_2015 = arith.constant 13 : i32
      %add3A_2016 = arith.addi %mul3A_1682, %add3A_2015 : i32
      %dma_start3A_2017 = arith.constant 0 : i32
      %dma_start3A_2018 = tpu.memref_slice %arg11[%add3A_2016, %dma_start3A_2017] : memref<256x32xf32, #tpu.memory_space<vmem>> -> memref<1x32xf32, #tpu.memory_space<vmem>>
      %dma_start3A_2019 = arith.constant 0 : i32
      %dma_start3A_2020 = tpu.memref_slice %arg3[%squeeze3A_2014, %dma_start3A_2019] : memref<1000001x32xf32, #tpu.memory_space<hbm>> -> memref<1x32xf32, #tpu.memory_space<hbm>>
      %dma_start3A_2021 = arith.constant 0 : i32
      %dma_start3A_2022 = tpu.memref_slice %arg11[%add3A_2016, %dma_start3A_2021] : memref<256x32xf32, #tpu.memory_space<vmem>> -> memref<1x32xf32, #tpu.memory_space<vmem>>
      %dma_start3A_2023 = arith.constant 0 : i32
      %dma_start3A_2024 = tpu.memref_slice %arg3[%squeeze3A_2014, %dma_start3A_2023] : memref<1000001x32xf32, #tpu.memory_space<hbm>> -> memref<1x32xf32, #tpu.memory_space<hbm>>
      tpu.enqueue_dma source(%dma_start3A_2024 : memref<1x32xf32, #tpu.memory_space<hbm>>) target(%dma_start3A_2022 : memref<1x32xf32, #tpu.memory_space<vmem>>) target_semaphore(%arg13 : memref<!tpu.dma_semaphore, #tpu.memory_space<semaphore_mem>>)
      %slice3A_2025 = vector.extract_strided_slice %get3A_1685 {offsets = [14], sizes = [1], strides = [1]} : vector<16xi32> to vector<1xi32>
      %squeeze3A_2026 = vector.extract %slice3A_2025[0] : i32 from vector<1xi32>
      %add3A_2027 = arith.constant 14 : i32
      %add3A_2028 = arith.addi %mul3A_1682, %add3A_2027 : i32
      %dma_start3A_2029 = arith.constant 0 : i32
      %dma_start3A_2030 = tpu.memref_slice %arg10[%add3A_2028, %dma_start3A_2029] : memref<256x32xf32, #tpu.memory_space<vmem>> -> memref<1x32xf32, #tpu.memory_space<vmem>>
      %dma_start3A_2031 = arith.constant 0 : i32
      %dma_start3A_2032 = tpu.memref_slice %arg2[%squeeze3A_2026, %dma_start3A_2031] : memref<1000001x32xf32, #tpu.memory_space<hbm>> -> memref<1x32xf32, #tpu.memory_space<hbm>>
      %dma_start3A_2033 = arith.constant 0 : i32
      %dma_start3A_2034 = tpu.memref_slice %arg10[%add3A_2028, %dma_start3A_2033] : memref<256x32xf32, #tpu.memory_space<vmem>> -> memref<1x32xf32, #tpu.memory_space<vmem>>
      %dma_start3A_2035 = arith.constant 0 : i32
      %dma_start3A_2036 = tpu.memref_slice %arg2[%squeeze3A_2026, %dma_start3A_2035] : memref<1000001x32xf32, #tpu.memory_space<hbm>> -> memref<1x32xf32, #tpu.memory_space<hbm>>
      tpu.enqueue_dma source(%dma_start3A_2036 : memref<1x32xf32, #tpu.memory_space<hbm>>) target(%dma_start3A_2034 : memref<1x32xf32, #tpu.memory_space<vmem>>) target_semaphore(%arg12 : memref<!tpu.dma_semaphore, #tpu.memory_space<semaphore_mem>>)
      %slice3A_2037 = vector.extract_strided_slice %get3A_1688 {offsets = [14], sizes = [1], strides = [1]} : vector<16xi32> to vector<1xi32>
      %squeeze3A_2038 = vector.extract %slice3A_2037[0] : i32 from vector<1xi32>
      %add3A_2039 = arith.constant 14 : i32
      %add3A_2040 = arith.addi %mul3A_1682, %add3A_2039 : i32
      %dma_start3A_2041 = arith.constant 0 : i32
      %dma_start3A_2042 = tpu.memref_slice %arg11[%add3A_2040, %dma_start3A_2041] : memref<256x32xf32, #tpu.memory_space<vmem>> -> memref<1x32xf32, #tpu.memory_space<vmem>>
      %dma_start3A_2043 = arith.constant 0 : i32
      %dma_start3A_2044 = tpu.memref_slice %arg3[%squeeze3A_2038, %dma_start3A_2043] : memref<1000001x32xf32, #tpu.memory_space<hbm>> -> memref<1x32xf32, #tpu.memory_space<hbm>>
      %dma_start3A_2045 = arith.constant 0 : i32
      %dma_start3A_2046 = tpu.memref_slice %arg11[%add3A_2040, %dma_start3A_2045] : memref<256x32xf32, #tpu.memory_space<vmem>> -> memref<1x32xf32, #tpu.memory_space<vmem>>
      %dma_start3A_2047 = arith.constant 0 : i32
      %dma_start3A_2048 = tpu.memref_slice %arg3[%squeeze3A_2038, %dma_start3A_2047] : memref<1000001x32xf32, #tpu.memory_space<hbm>> -> memref<1x32xf32, #tpu.memory_space<hbm>>
      tpu.enqueue_dma source(%dma_start3A_2048 : memref<1x32xf32, #tpu.memory_space<hbm>>) target(%dma_start3A_2046 : memref<1x32xf32, #tpu.memory_space<vmem>>) target_semaphore(%arg13 : memref<!tpu.dma_semaphore, #tpu.memory_space<semaphore_mem>>)
      %slice3A_2049 = vector.extract_strided_slice %get3A_1685 {offsets = [15], sizes = [1], strides = [1]} : vector<16xi32> to vector<1xi32>
      %squeeze3A_2050 = vector.extract %slice3A_2049[0] : i32 from vector<1xi32>
      %add3A_2051 = arith.constant 15 : i32
      %add3A_2052 = arith.addi %mul3A_1682, %add3A_2051 : i32
      %dma_start3A_2053 = arith.constant 0 : i32
      %dma_start3A_2054 = tpu.memref_slice %arg10[%add3A_2052, %dma_start3A_2053] : memref<256x32xf32, #tpu.memory_space<vmem>> -> memref<1x32xf32, #tpu.memory_space<vmem>>
      %dma_start3A_2055 = arith.constant 0 : i32
      %dma_start3A_2056 = tpu.memref_slice %arg2[%squeeze3A_2050, %dma_start3A_2055] : memref<1000001x32xf32, #tpu.memory_space<hbm>> -> memref<1x32xf32, #tpu.memory_space<hbm>>
      %dma_start3A_2057 = arith.constant 0 : i32
      %dma_start3A_2058 = tpu.memref_slice %arg10[%add3A_2052, %dma_start3A_2057] : memref<256x32xf32, #tpu.memory_space<vmem>> -> memref<1x32xf32, #tpu.memory_space<vmem>>
      %dma_start3A_2059 = arith.constant 0 : i32
      %dma_start3A_2060 = tpu.memref_slice %arg2[%squeeze3A_2050, %dma_start3A_2059] : memref<1000001x32xf32, #tpu.memory_space<hbm>> -> memref<1x32xf32, #tpu.memory_space<hbm>>
      tpu.enqueue_dma source(%dma_start3A_2060 : memref<1x32xf32, #tpu.memory_space<hbm>>) target(%dma_start3A_2058 : memref<1x32xf32, #tpu.memory_space<vmem>>) target_semaphore(%arg12 : memref<!tpu.dma_semaphore, #tpu.memory_space<semaphore_mem>>)
      %slice3A_2061 = vector.extract_strided_slice %get3A_1688 {offsets = [15], sizes = [1], strides = [1]} : vector<16xi32> to vector<1xi32>
      %squeeze3A_2062 = vector.extract %slice3A_2061[0] : i32 from vector<1xi32>
      %add3A_2063 = arith.constant 15 : i32
      %add3A_2064 = arith.addi %mul3A_1682, %add3A_2063 : i32
      %dma_start3A_2065 = arith.constant 0 : i32
      %dma_start3A_2066 = tpu.memref_slice %arg11[%add3A_2064, %dma_start3A_2065] : memref<256x32xf32, #tpu.memory_space<vmem>> -> memref<1x32xf32, #tpu.memory_space<vmem>>
      %dma_start3A_2067 = arith.constant 0 : i32
      %dma_start3A_2068 = tpu.memref_slice %arg3[%squeeze3A_2062, %dma_start3A_2067] : memref<1000001x32xf32, #tpu.memory_space<hbm>> -> memref<1x32xf32, #tpu.memory_space<hbm>>
      %dma_start3A_2069 = arith.constant 0 : i32
      %dma_start3A_2070 = tpu.memref_slice %arg11[%add3A_2064, %dma_start3A_2069] : memref<256x32xf32, #tpu.memory_space<vmem>> -> memref<1x32xf32, #tpu.memory_space<vmem>>
      %dma_start3A_2071 = arith.constant 0 : i32
      %dma_start3A_2072 = tpu.memref_slice %arg3[%squeeze3A_2062, %dma_start3A_2071] : memref<1000001x32xf32, #tpu.memory_space<hbm>> -> memref<1x32xf32, #tpu.memory_space<hbm>>
      tpu.enqueue_dma source(%dma_start3A_2072 : memref<1x32xf32, #tpu.memory_space<hbm>>) target(%dma_start3A_2070 : memref<1x32xf32, #tpu.memory_space<vmem>>) target_semaphore(%arg13 : memref<!tpu.dma_semaphore, #tpu.memory_space<semaphore_mem>>)
      %sub3A = arith.constant 2 : i32
      %sub3A_2073 = arith.subi %scan3A_1675, %sub3A : i32
      %mul3A_2074 = arith.constant 16 : i32
      %mul3A_2075 = arith.muli %sub3A_2073, %mul3A_2074 : i32
      %dma_wait3A_2076 = arith.constant 0 : i32
      %dma_wait3A_2077 = tpu.memref_slice %arg10[%mul3A_2075, %dma_wait3A_2076] : memref<256x32xf32, #tpu.memory_space<vmem>> -> memref<16x32xf32, #tpu.memory_space<vmem>>
      %dma_wait3A_2078 = arith.constant 0 : i32
      %dma_wait3A_2079 = arith.constant 0 : i32
      %dma_wait3A_2080 = tpu.memref_slice %arg2[%dma_wait3A_2078, %dma_wait3A_2079] : memref<1000001x32xf32, #tpu.memory_space<hbm>> -> memref<16x32xf32, #tpu.memory_space<hbm>>
      %dma_wait3A_2081 = arith.constant 0 : i32
      %dma_wait3A_2082 = tpu.memref_slice %arg10[%mul3A_2075, %dma_wait3A_2081] : memref<256x32xf32, #tpu.memory_space<vmem>> -> memref<16x32xf32, #tpu.memory_space<vmem>>
      %dma_wait3A_2083 = arith.constant 0 : i32
      %dma_wait3A_2084 = arith.constant 0 : i32
      %dma_wait3A_2085 = tpu.memref_slice %arg2[%dma_wait3A_2083, %dma_wait3A_2084] : memref<1000001x32xf32, #tpu.memory_space<hbm>> -> memref<16x32xf32, #tpu.memory_space<hbm>>
      tpu.wait_dma2 semaphore(%arg12 : memref<!tpu.dma_semaphore, #tpu.memory_space<semaphore_mem>>) src(%dma_wait3A_2085 : memref<16x32xf32, #tpu.memory_space<hbm>>) dst(%dma_wait3A_2082 : memref<16x32xf32, #tpu.memory_space<vmem>>)
      %mul3A_2086 = arith.constant 16 : i32
      %mul3A_2087 = arith.muli %sub3A_2073, %mul3A_2086 : i32
      %dma_wait3A_2088 = arith.constant 0 : i32
      %dma_wait3A_2089 = tpu.memref_slice %arg11[%mul3A_2087, %dma_wait3A_2088] : memref<256x32xf32, #tpu.memory_space<vmem>> -> memref<16x32xf32, #tpu.memory_space<vmem>>
      %dma_wait3A_2090 = arith.constant 0 : i32
      %dma_wait3A_2091 = arith.constant 0 : i32
      %dma_wait3A_2092 = tpu.memref_slice %arg3[%dma_wait3A_2090, %dma_wait3A_2091] : memref<1000001x32xf32, #tpu.memory_space<hbm>> -> memref<16x32xf32, #tpu.memory_space<hbm>>
      %dma_wait3A_2093 = arith.constant 0 : i32
      %dma_wait3A_2094 = tpu.memref_slice %arg11[%mul3A_2087, %dma_wait3A_2093] : memref<256x32xf32, #tpu.memory_space<vmem>> -> memref<16x32xf32, #tpu.memory_space<vmem>>
      %dma_wait3A_2095 = arith.constant 0 : i32
      %dma_wait3A_2096 = arith.constant 0 : i32
      %dma_wait3A_2097 = tpu.memref_slice %arg3[%dma_wait3A_2095, %dma_wait3A_2096] : memref<1000001x32xf32, #tpu.memory_space<hbm>> -> memref<16x32xf32, #tpu.memory_space<hbm>>
      tpu.wait_dma2 semaphore(%arg13 : memref<!tpu.dma_semaphore, #tpu.memory_space<semaphore_mem>>) src(%dma_wait3A_2097 : memref<16x32xf32, #tpu.memory_space<hbm>>) dst(%dma_wait3A_2094 : memref<16x32xf32, #tpu.memory_space<vmem>>)
      %scan3A_2098 = arith.constant 0 : i32
      scf.yield %scan3A_2098 : i32
    }
    %scan3A_1622 = arith.constant 14 : i32
    %dma_wait3A_1623 = arith.constant 224 : i32
    %dma_wait3A_1624 = arith.constant 0 : i32
    %dma_wait3A_1625 = tpu.memref_slice %arg10[%dma_wait3A_1623, %dma_wait3A_1624] : memref<256x32xf32, #tpu.memory_space<vmem>> -> memref<16x32xf32, #tpu.memory_space<vmem>>
    %dma_wait3A_1626 = arith.constant 0 : i32
    %dma_wait3A_1627 = arith.constant 0 : i32
    %dma_wait3A_1628 = tpu.memref_slice %arg2[%dma_wait3A_1626, %dma_wait3A_1627] : memref<1000001x32xf32, #tpu.memory_space<hbm>> -> memref<16x32xf32, #tpu.memory_space<hbm>>
    %dma_wait3A_1629 = arith.constant 224 : i32
    %dma_wait3A_1630 = arith.constant 0 : i32
    %dma_wait3A_1631 = tpu.memref_slice %arg10[%dma_wait3A_1629, %dma_wait3A_1630] : memref<256x32xf32, #tpu.memory_space<vmem>> -> memref<16x32xf32, #tpu.memory_space<vmem>>
    %dma_wait3A_1632 = arith.constant 0 : i32
    %dma_wait3A_1633 = arith.constant 0 : i32
    %dma_wait3A_1634 = tpu.memref_slice %arg2[%dma_wait3A_1632, %dma_wait3A_1633] : memref<1000001x32xf32, #tpu.memory_space<hbm>> -> memref<16x32xf32, #tpu.memory_space<hbm>>
    tpu.wait_dma2 semaphore(%arg12 : memref<!tpu.dma_semaphore, #tpu.memory_space<semaphore_mem>>) src(%dma_wait3A_1634 : memref<16x32xf32, #tpu.memory_space<hbm>>) dst(%dma_wait3A_1631 : memref<16x32xf32, #tpu.memory_space<vmem>>)
    %dma_wait3A_1635 = arith.constant 224 : i32
    %dma_wait3A_1636 = arith.constant 0 : i32
    %dma_wait3A_1637 = tpu.memref_slice %arg11[%dma_wait3A_1635, %dma_wait3A_1636] : memref<256x32xf32, #tpu.memory_space<vmem>> -> memref<16x32xf32, #tpu.memory_space<vmem>>
    %dma_wait3A_1638 = arith.constant 0 : i32
    %dma_wait3A_1639 = arith.constant 0 : i32
    %dma_wait3A_1640 = tpu.memref_slice %arg3[%dma_wait3A_1638, %dma_wait3A_1639] : memref<1000001x32xf32, #tpu.memory_space<hbm>> -> memref<16x32xf32, #tpu.memory_space<hbm>>
    %dma_wait3A_1641 = arith.constant 224 : i32
    %dma_wait3A_1642 = arith.constant 0 : i32
    %dma_wait3A_1643 = tpu.memref_slice %arg11[%dma_wait3A_1641, %dma_wait3A_1642] : memref<256x32xf32, #tpu.memory_space<vmem>> -> memref<16x32xf32, #tpu.memory_space<vmem>>
    %dma_wait3A_1644 = arith.constant 0 : i32
    %dma_wait3A_1645 = arith.constant 0 : i32
    %dma_wait3A_1646 = tpu.memref_slice %arg3[%dma_wait3A_1644, %dma_wait3A_1645] : memref<1000001x32xf32, #tpu.memory_space<hbm>> -> memref<16x32xf32, #tpu.memory_space<hbm>>
    tpu.wait_dma2 semaphore(%arg13 : memref<!tpu.dma_semaphore, #tpu.memory_space<semaphore_mem>>) src(%dma_wait3A_1646 : memref<16x32xf32, #tpu.memory_space<hbm>>) dst(%dma_wait3A_1643 : memref<16x32xf32, #tpu.memory_space<vmem>>)
    %dma_wait3A_1647 = arith.constant 240 : i32
    %dma_wait3A_1648 = arith.constant 0 : i32
    %dma_wait3A_1649 = tpu.memref_slice %arg10[%dma_wait3A_1647, %dma_wait3A_1648] : memref<256x32xf32, #tpu.memory_space<vmem>> -> memref<16x32xf32, #tpu.memory_space<vmem>>
    %dma_wait3A_1650 = arith.constant 0 : i32
    %dma_wait3A_1651 = arith.constant 0 : i32
    %dma_wait3A_1652 = tpu.memref_slice %arg2[%dma_wait3A_1650, %dma_wait3A_1651] : memref<1000001x32xf32, #tpu.memory_space<hbm>> -> memref<16x32xf32, #tpu.memory_space<hbm>>
    %dma_wait3A_1653 = arith.constant 240 : i32
    %dma_wait3A_1654 = arith.constant 0 : i32
    %dma_wait3A_1655 = tpu.memref_slice %arg10[%dma_wait3A_1653, %dma_wait3A_1654] : memref<256x32xf32, #tpu.memory_space<vmem>> -> memref<16x32xf32, #tpu.memory_space<vmem>>
    %dma_wait3A_1656 = arith.constant 0 : i32
    %dma_wait3A_1657 = arith.constant 0 : i32
    %dma_wait3A_1658 = tpu.memref_slice %arg2[%dma_wait3A_1656, %dma_wait3A_1657] : memref<1000001x32xf32, #tpu.memory_space<hbm>> -> memref<16x32xf32, #tpu.memory_space<hbm>>
    tpu.wait_dma2 semaphore(%arg12 : memref<!tpu.dma_semaphore, #tpu.memory_space<semaphore_mem>>) src(%dma_wait3A_1658 : memref<16x32xf32, #tpu.memory_space<hbm>>) dst(%dma_wait3A_1655 : memref<16x32xf32, #tpu.memory_space<vmem>>)
    %dma_wait3A_1659 = arith.constant 240 : i32
    %dma_wait3A_1660 = arith.constant 0 : i32
    %dma_wait3A_1661 = tpu.memref_slice %arg11[%dma_wait3A_1659, %dma_wait3A_1660] : memref<256x32xf32, #tpu.memory_space<vmem>> -> memref<16x32xf32, #tpu.memory_space<vmem>>
    %dma_wait3A_1662 = arith.constant 0 : i32
    %dma_wait3A_1663 = arith.constant 0 : i32
    %dma_wait3A_1664 = tpu.memref_slice %arg3[%dma_wait3A_1662, %dma_wait3A_1663] : memref<1000001x32xf32, #tpu.memory_space<hbm>> -> memref<16x32xf32, #tpu.memory_space<hbm>>
    %dma_wait3A_1665 = arith.constant 240 : i32
    %dma_wait3A_1666 = arith.constant 0 : i32
    %dma_wait3A_1667 = tpu.memref_slice %arg11[%dma_wait3A_1665, %dma_wait3A_1666] : memref<256x32xf32, #tpu.memory_space<vmem>> -> memref<16x32xf32, #tpu.memory_space<vmem>>
    %dma_wait3A_1668 = arith.constant 0 : i32
    %dma_wait3A_1669 = arith.constant 0 : i32
    %dma_wait3A_1670 = tpu.memref_slice %arg3[%dma_wait3A_1668, %dma_wait3A_1669] : memref<1000001x32xf32, #tpu.memory_space<hbm>> -> memref<16x32xf32, #tpu.memory_space<hbm>>
    tpu.wait_dma2 semaphore(%arg13 : memref<!tpu.dma_semaphore, #tpu.memory_space<semaphore_mem>>) src(%dma_wait3A_1670 : memref<16x32xf32, #tpu.memory_space<hbm>>) dst(%dma_wait3A_1667 : memref<16x32xf32, #tpu.memory_space<vmem>>)
    %add3A_1671 = arith.constant 256 : i32
    %add3A_1672 = arith.addi %mul3A_2, %add3A_1671 : i32
    "tpu.region"() ({
      %run_scoped3A = tpu.sem_alloc : memref<!tpu.dma_semaphore, #tpu.memory_space<semaphore_mem>>
      %dma_start3A_1675 = arith.constant 0 : i32
      %dma_start3A_1676 = tpu.memref_slice %arg6[%add3A_1672, %dma_start3A_1675] : memref<16384x32xf32, #tpu.memory_space<hbm>> -> memref<256x32xf32, #tpu.memory_space<hbm>>
      %dma_start3A_1677 = arith.constant 0 : i32
      %dma_start3A_1678 = tpu.memref_slice %arg6[%add3A_1672, %dma_start3A_1677] : memref<16384x32xf32, #tpu.memory_space<hbm>> -> memref<256x32xf32, #tpu.memory_space<hbm>>
      tpu.enqueue_dma source(%arg10 : memref<256x32xf32, #tpu.memory_space<vmem>>) target(%dma_start3A_1678 : memref<256x32xf32, #tpu.memory_space<hbm>>) target_semaphore(%run_scoped3A : memref<!tpu.dma_semaphore, #tpu.memory_space<semaphore_mem>>)
      %dma_wait3A_1679 = arith.constant 0 : i32
      %dma_wait3A_1680 = tpu.memref_slice %arg6[%add3A_1672, %dma_wait3A_1679] : memref<16384x32xf32, #tpu.memory_space<hbm>> -> memref<256x32xf32, #tpu.memory_space<hbm>>
      %dma_wait3A_1681 = arith.constant 0 : i32
      %dma_wait3A_1682 = tpu.memref_slice %arg6[%add3A_1672, %dma_wait3A_1681] : memref<16384x32xf32, #tpu.memory_space<hbm>> -> memref<256x32xf32, #tpu.memory_space<hbm>>
      tpu.wait_dma2 semaphore(%run_scoped3A : memref<!tpu.dma_semaphore, #tpu.memory_space<semaphore_mem>>) src(%arg10 : memref<256x32xf32, #tpu.memory_space<vmem>>) dst(%dma_wait3A_1682 : memref<256x32xf32, #tpu.memory_space<hbm>>)
      tpu.yield
    }) : () -> ()
    %add3A_1673 = arith.constant 256 : i32
    %add3A_1674 = arith.addi %mul3A_2, %add3A_1673 : i32
    "tpu.region"() ({
      %run_scoped3A = tpu.sem_alloc : memref<!tpu.dma_semaphore, #tpu.memory_space<semaphore_mem>>
      %dma_start3A_1675 = arith.constant 0 : i32
      %dma_start3A_1676 = tpu.memref_slice %arg7[%add3A_1674, %dma_start3A_1675] : memref<16384x32xf32, #tpu.memory_space<hbm>> -> memref<256x32xf32, #tpu.memory_space<hbm>>
      %dma_start3A_1677 = arith.constant 0 : i32
      %dma_start3A_1678 = tpu.memref_slice %arg7[%add3A_1674, %dma_start3A_1677] : memref<16384x32xf32, #tpu.memory_space<hbm>> -> memref<256x32xf32, #tpu.memory_space<hbm>>
      tpu.enqueue_dma source(%arg11 : memref<256x32xf32, #tpu.memory_space<vmem>>) target(%dma_start3A_1678 : memref<256x32xf32, #tpu.memory_space<hbm>>) target_semaphore(%run_scoped3A : memref<!tpu.dma_semaphore, #tpu.memory_space<semaphore_mem>>)
      %dma_wait3A_1679 = arith.constant 0 : i32
      %dma_wait3A_1680 = tpu.memref_slice %arg7[%add3A_1674, %dma_wait3A_1679] : memref<16384x32xf32, #tpu.memory_space<hbm>> -> memref<256x32xf32, #tpu.memory_space<hbm>>
      %dma_wait3A_1681 = arith.constant 0 : i32
      %dma_wait3A_1682 = tpu.memref_slice %arg7[%add3A_1674, %dma_wait3A_1681] : memref<16384x32xf32, #tpu.memory_space<hbm>> -> memref<256x32xf32, #tpu.memory_space<hbm>>
      tpu.wait_dma2 semaphore(%run_scoped3A : memref<!tpu.dma_semaphore, #tpu.memory_space<semaphore_mem>>) src(%arg11 : memref<256x32xf32, #tpu.memory_space<vmem>>) dst(%dma_wait3A_1682 : memref<256x32xf32, #tpu.memory_space<hbm>>)
      tpu.yield
    }) : () -> ()
    return
  }
}

</mosaic_0001>

<sc_bundles>
// kernel: kernel.3.cloned.1.call-start
scs
__scs_entry_jumppad:
0x0: {  	(pc) =	sbr.rel $0x88, $3  }
0x1: {  	(tag) =	ssettag $0x0;
	lr =	simm.s32 $0x1  }
0x2: {  	[smem:$0x3F9D] =	sst lr;
	_ =	strace $0xD0000000  }
0x3: {  	_ = 	snop  }
0x4: {  	_ = 	snop  }
0x5: {  	_ = 	snop  }
0x6: {  	_ = 	snop  }
0x7: {  	_ = 	snop  }
__scs_overlays_trampoline_lowered:
0x8: {  	[smem:$0x3FAC] =	sst s0  }
0x9: {  	[smem:$0x3FAD] =	sst s1  }
0xa: {  	[smem:$0x3FAE] =	sst s2  }
0xb: {  	[smem:$0x3FAF] =	sst s3  }
0xc: {  	[smem:$0x3FB0] =	sst s4  }
0xd: {  	[smem:$0x3FB1] =	sst s5  }
0xe: {  	[smem:$0x3FB2] =	sst s6  }
0xf: {  	[smem:$0x3FB3] =	sst s7  }
0x10: {  	[smem:$0x3FB4] =	sst s8  }
0x11: {  	[smem:$0x3FB5] =	sst s9;
	s0 =	simm.s32 @!p0 $0x0  }
0x12: {  	s1 =	sld [smem:$0x3F9B];
	s0 =	simm.s32 @p0 $0x1  }
0x13: {  	[smem:$0x3FB6] =	sst s0;
	s0 =	simm.s32 @!p1 $0x0  }
0x14: {  	s2 =	sld [smem:$0x3F9A];
	s0 =	simm.s32 @p1 $0x1  }
0x15: {  	[smem:$0x3FB7] =	sst s0;
	s0 =	simm.s32 @!p2 $0x0  }
0x16: {  	s3 =	sld [smem:$0x3FDB];
	s0 =	simm.s32 @p2 $0x1  }
0x17: {  	s4 =	simm.s32 $0x1BF5;
	[smem:$0x3FB9] =	sst s0  }
0x18: {  	s0 =	sld [smem:$0x3F9C];
	_ =	swait.ge [sflag:s4], $0x0  }
0x19: {  	s7 =	sld [smem:$0x3F9D]  }
0x1a: {  	s8 =	sadd.s32 $0xFFFFE003, lr  }
0x1b: {  	s9 =	sadd.s32 $0xFFFFFEF7, lr;
	s5 =	simm.s32 $0xFFFFFFFF;
	p2 =	slt.u32 s8, $0xFFFFF086  }
0x1c: {  	p1 =	slt.u32 s9, $0xF7A;
	s5 =	simm.s32 @!p2 $0x0  }
0x1d: {  	s5 =	simm.s32 @p1 $0x1;
	p0 =	seq.s32 s7, s2  }
0x1e: {  	s7 =	smul.u32 @!p0 $0xF7A, s2;
	p2 =	seq.s32 @!p0 s5, $0x0  }
0x1f: {  	s9 =	smul.u32 $0xF7A, s1;
	s8 =	simm.s32 @!p0 $0x1BF5;
	p2 =	por !p2, p0  }
0x20: {  	[sflag:s8] =	ssyncset.s32 @!p0 $0xFFFFF086;
	s6 =	sadd.s32 @!p0 s3, s7;
	s7 =	simm.s32 @!p0 $0x108  }
0x21: {  	s3 =	sadd.s32 s3, s9;
	s6 =	sadd.s32 @!p0 $0x88, s6;
	s7 =	simm.s32 @p2 $0x1082  }
0x22: {  	[simem:s7], [sflag:s8] =	dma.local @!p0 [hbm:s6], $0xF7A  }
0x23: {  	s9 =	sor.u32 $0xD0000000, s2;
	s6 =	simm.s32 $0x108;
	_ =	swait.ge @!p0 [sflag:s8], $0x0  }
0x24: {  	s3 =	sadd.s32 $0x88, s3;
	s6 =	simm.s32 @!p1 $0x1082;
	[sflag:s4] =	ssyncset.s32 $0xFFFFF086  }
0x25: {  	[simem:s6], [sflag:s4] =	dma.local [hbm:s3], $0xF7A  }
0x26: {  	[smem:$0x3F9D] =	sst s1;
	(tag) =	ssettag s2;
	_ =	strace s9  }
0x27: {  	s1 =	sld [smem:$0x3FAD]  }
0x28: {  	s2 =	sld [smem:$0x3FAE]  }
0x29: {  	s4 =	sld [smem:$0x3FB0]  }
0x2a: {  	p0 =	seq.s32 s5, $0x0;
	s5 =	sld [smem:$0x3FB1]  }
0x2b: {  	s6 =	sld [smem:$0x3FB2]  }
0x2c: {  	s7 =	sld [smem:$0x3FB3]  }
0x2d: {  	s3 =	simm.s32 $0x108;
	s8 =	sld [smem:$0x3FB4]  }
0x2e: {  	s3 =	simm.s32 @!p0 $0x1082;
	s9 =	sld [smem:$0x3FB5]  }
0x2f: {  	lr =	sadd.s32 s0, s3;
	s0 =	sld [smem:$0x3FAC]  }
0x30: {  	s3 =	sld [smem:$0x3FAF]  }
0x31: {  	[smem:$0x3FB8] =	sst s10  }
0x32: {  	s10 =	sld [smem:$0x3FB6];
	_ =	sdelay $0x3  }
0x33: {  	p0 =	seq.s32 s10, $0x1;
	s10 =	sld [smem:$0x3FB8];
	_ =	sdelay $0x3  }
0x34: {  	[smem:$0x3FB8] =	sst s10  }
0x35: {  	s10 =	sld [smem:$0x3FB7];
	_ =	sdelay $0x3  }
0x36: {  	p1 =	seq.s32 s10, $0x1;
	s10 =	sld [smem:$0x3FB8];
	_ =	sdelay $0x3  }
0x37: {  	[smem:$0x3FB8] =	sst s10  }
0x38: {  	s10 =	sld [smem:$0x3FB9]  }
0x39: {  	_ = 	snop;
	(pc) =	sbr.ind lr, $3  }
0x3a: {  	_ = 	snop  }
0x3b: {  	_ = 	snop  }
0x3c: {  	p2 =	seq.s32 s10, $0x1;
	s10 =	sld [smem:$0x3FB8]  }
0x3d: {  	_ =	shalt  }
0x3e: {  	_ =	shalt  }
0x3f: {  	_ =	shalt  }
0x40: {  	_ =	shalt  }
0x41: {  	_ =	shalt  }
0x42: {  	_ =	shalt  }
0x43: {  	_ =	shalt  }
0x44: {  	_ =	shalt  }
0x45: {  	_ =	shalt  }
0x46: {  	_ =	shalt  }
0x47: {  	_ =	shalt  }
0x48: {  	_ =	shalt  }
0x49: {  	_ =	shalt  }
0x4a: {  	_ =	shalt  }
0x4b: {  	_ =	shalt  }
0x4c: {  	_ =	shalt  }
0x4d: {  	_ =	shalt  }
0x4e: {  	_ =	shalt  }
0x4f: {  	_ =	shalt  }
0x50: {  	_ =	shalt  }
0x51: {  	_ =	shalt  }
0x52: {  	_ =	shalt  }
0x53: {  	_ =	shalt  }
0x54: {  	_ =	shalt  }
0x55: {  	_ =	shalt  }
0x56: {  	_ =	shalt  }
0x57: {  	_ =	shalt  }
0x58: {  	_ =	shalt  }
0x59: {  	_ =	shalt  }
0x5a: {  	_ =	shalt  }
0x5b: {  	_ =	shalt  }
0x5c: {  	_ =	shalt  }
0x5d: {  	_ =	shalt  }
0x5e: {  	_ =	shalt  }
0x5f: {  	_ =	shalt  }
0x60: {  	_ =	shalt  }
0x61: {  	_ =	shalt  }
0x62: {  	_ =	shalt  }
0x63: {  	_ =	shalt  }
0x64: {  	_ =	shalt  }
0x65: {  	_ =	shalt  }
0x66: {  	_ =	shalt  }
0x67: {  	_ =	shalt  }
0x68: {  	_ =	shalt  }
0x69: {  	_ =	shalt  }
0x6a: {  	_ =	shalt  }
0x6b: {  	_ =	shalt  }
0x6c: {  	_ =	shalt  }
0x6d: {  	_ =	shalt  }
0x6e: {  	_ =	shalt  }
0x6f: {  	_ =	shalt  }
0x70: {  	_ =	shalt  }
0x71: {  	_ =	shalt  }
0x72: {  	_ =	shalt  }
0x73: {  	_ =	shalt  }
0x74: {  	_ =	shalt  }
0x75: {  	_ =	shalt  }
0x76: {  	_ =	shalt  }
0x77: {  	_ =	shalt  }
0x78: {  	_ =	shalt  }
0x79: {  	_ =	shalt  }
0x7a: {  	_ =	shalt  }
0x7b: {  	_ =	shalt  }
0x7c: {  	_ =	shalt  }
0x7d: {  	_ =	shalt  }
0x7e: {  	_ =	shalt  }
0x7f: {  	_ =	shalt  }
0x80: {  	_ =	shalt  }
0x81: {  	_ =	shalt  }
0x82: {  	_ =	shalt  }
0x83: {  	_ =	shalt  }
0x84: {  	_ =	shalt  }
0x85: {  	_ =	shalt  }
0x86: {  	_ =	shalt  }
0x87: {  	_ =	shalt  }
.Lfunc_end0:
.L_simem_size_0:
called_computation_lowered:
.L_overlay_start_0:
0x88: {  	s2 =	sld [smem:$0x3FD9]  }
0x89: {  	s3 =	sld [smem:$0x3FFE];
	_ =	sdelay $0x1  }
0x8a: {  	s1 =	srdreg.scid  }
0x8b: {  	s0 =	sand.u32 $0x1, s1  }
0x8c: {  	s17 =	sshll.u32 s0, $0xA;
	s2 =	sadd.s32 s3, s2  }
0x8d: {  	s2 =	sadd.s32 s2, s17  }
0x8e: {  	[smem:$0x3FC4] =	sst s2  }
0x8f: {  	_ = 	snop  }
0x90: {  	s2 =	sld [smem:$0x3FC7]  }
0x91: {  	s18 =	sld [smem:$0x3FC6];
	(tm) =	ssettm $0x1  }
0x92: {  	s4 =	sld [smem:$0x3FFB];
	_ =	sdelay $0x3  }
0x93: {  	_ =	strace s4  }
0x94: {  	s4 =	sld [smem:$0x3FFC];
	_ =	sdelay $0x3  }
0x95: {  	_ =	strace s4  }
0x96: {  	s4 =	sld [smem:$0x3FFD];
	_ =	sdelay $0x3  }
0x97: {  	_ =	strace s4  }
0x98: {  	_ =	strace $0x8FFFFFFF  }
0x99: {  	s19 =	sld [smem:$0x3FDB];
	_ =	sdelay $0x1  }
0x9a: {  	s5 =	simm.s32 $_scs_section_size  }
0x9b: {  	s6 =	simm.s32 $_size__tile_overlayer_lowered;
	s7 =	simm.s32 $_tile_overlayer_lowered  }
0x9c: {  	s22 =	simm.s32 $0x1BFF;
	s21 =	sshll.u32 s7, $0x1;
	s4 =	sadd.s32 s5, s19  }
0x9d: {  	s8 =	simm.s32 $0x0;
	s20 =	sshll.u32 s6, $0x1;
	s6 =	sadd.s32 s21, s4  }
0x9e: {  	[timem:s8], [sflag:s22] =	dma.local [hbm:s6], s20  }
0x9f: {  	_ =	swait.ge [sflag:s22], s20  }
0xa0: {  	s5 =	ssub.s32 $0x0, s20;
	[sflag:s22] =	ssyncset.done $0x0  }
0xa1: {  	[sflag:s22] =	ssyncadd.s32 s5;
	_ =	sdelay $0x1  }
0xa2: {  	s23 =	simm.s32 $0x1B8B  }
0xa3: {  	_ =	swait.ge [sflag:s23], $0x1  }
0xa4: {  	[sflag:s23] =	ssyncset.done $0x0  }
0xa5: {  	s25 =	simm.s32 $0x1B8E;
	s24 =	sld [smem:$0x3FFE];
	[sflag:s23] =	ssyncadd.s32 $0xFFFFFFFF  }
0xa6: {  	s26 =	simm.s32 $execute0_lowered;
	[smem:$0x3FD2] =	sst s25  }
0xa7: {  	s6 =	sshll.u32 s26, $0x1;
	_ =	strace $0x80000046;
	[dreg:$0x1] =	wrdreg $0xFFFFFFFF  }
0xa8: {  	s28 =	simm.s32 $_size_execute0_lowered;
	s4 =	sadd.s32 s4, s6;
	[dreg:$0x0] =	wrdreg $0x0  }
0xa9: {  	s6 =	sshll.u32 s28, $0x1;
	[dreg:$0x2] =	wrdreg s4  }
0xaa: {  	[dreg:$0x3] =	wrdreg s6  }
0xab: {  	[dreg:$0x4] =	wrdreg $0xC0  }
0xac: {  	_ =	task [dreg:s8], $0x5FFFF  }
0xad: {  	[dreg:$0x1] =	wrdreg $0xFFFFFFFF  }
0xae: {  	[dreg:$0x0] =	wrdreg $0x60  }
0xaf: {  	[dreg:$0x2] =	wrdreg s24  }
0xb0: {  	[dreg:$0x3] =	wrdreg s2  }
0xb1: {  	[dreg:$0x4] =	wrdreg s18  }
0xb2: {  	[dreg:$0x5] =	wrdreg $0x9  }
0xb3: {  	_ =	task.clear_ibuf [dreg:s8], $0x6FFFF;
	_ =	strace $0x90000046  }
0xb4: {  	s29 =	simm.s32 $0x9;
	_ =	strace $0x80000048  }
0xb5: {  	_ =	swait.ge [sflag:s29], $0x1  }
0xb6: {  	[sflag:s29] =	ssyncadd.s32 $0xFFFFFFFF  }
0xb7: {  	_ =	strace $0x90000048  }
0xb8: {  	_ =	sfence  }
0xb9: {  	s30 =	sld [smem:$0x0];
	_ =	sdelay $0x2  }
0xba: {  	s31 =	sshll.u32 s1, $0xD;
	s1 =	sshrl.u32 s1, $0x2  }
0xbb: {  	s3 =	sand.u32 $0x4000, s31;
	s1 =	sadd.s32 s1, s30  }
0xbc: {  	s0 =	sor.u32 s3, s0;
	s1 =	sshll.u32 s1, $0x11  }
0xbd: {  	s0 =	sor.u32 s1, s0  }
0xbe: {  	s0 =	sadd.s32 $0x8F2B, s0  }
0xbf: {  	[sflag:s0] =	ssyncadd.remote.s32 $0x1  }
0xc0: {  	_ =	sfence.sel $0xFFFF  }
0xc1: {  	[dreg:$0x0] =	wrdreg $0xFFFFFFFF;
	(pc) =	sbr.abs _section_cstart, $3  }
0xc2: {  	[dreg:$0x1] =	wrdreg $0xFFFFFFFF  }
0xc3: {  	_ =	task.clear_ibuf [dreg:s8], $0x2FFFF;
	_ =	strace $0x9FFFFFFF  }
0xc4: {  	(tm) =	ssettm $0x7FFFFFFF  }
0xc5: {  	_ =	shalt  }
tec
execute0_lowered:
.L_overlay_start_1:
0x0: {  	(tag) =	ssettag $0x1  }
0x1: {  	s0 =	rddreg [dreg:$0x0]  }
0x2: {  	s2 =	rddreg [dreg:$0x1]  }
0x3: {  	s5 =	rddreg [dreg:$0x2]  }
0x4: {  	s1 =	simm.s32 $0x0;
	s6 =	srdreg.scid;
	s8 =	stileid.u32  }
0x5: {  	s11 =	simm.s32 $0x1;
	s12 =	simm.s32 $0x2;
	s6 =	sand.u32 $0x1, s6  }
0x6: {  	s8 =	sshll.u32 s8, $0xA;
	s7 =	ssub.s32 $0x2, s6;
	s6 =	sshll.u32 s6, $0x9  }
0x7: {  	[smem:$0x7FF] =	sst s1;
	s3 =	sadd.s32 $0x800, s0;
	s6 =	sor.u32 s6, s8  }
0x8: {  	s4 =	sadd.s32 $0xF42E00, s0;
	s9 =	sadd.s32 $0x1E85400, s0;
	s8 =	sshrl.u32 s6, $0x3  }
0x9: {  	s0 =	sadd.s32 $0x1EC5400, s0;
	_ =	strace $0x80000047;
	s2 =	sadd.s32 s2, s8  }
0xa: {  	s26 =	sshll.u32 s6, $0x4;
	s25 =	sadd.s32 s5, s8;
	[dreg:$0x16] =	wrdreg s2  }
0xb: {  	s10 =	sshrl.u32 s7, $0x1;
	s28 =	sadd.s32 s9, s26;
	[dreg:$0x17] =	wrdreg s25  }
0xc: {  	s7 =	ssub.s32 s7, s10;
	s29 =	sadd.s32 s0, s26;
	[dreg:$0x18] =	wrdreg s28  }
0xd: {  	s31 =	smax.u32 s7, $0x1;
	[dreg:$0x19] =	wrdreg s29;
	s2 =	sor.u32 $0x1000, s26  }
0xe: {  	s6 =	simm.s32 $0x400;
	[dreg:$0x1c] =	wrdreg s31;
	s30 =	sadd.s32 s9, s2  }
0xf: {  	s7 =	simm.s32 $0x8400;
	s0 =	sadd.s32 s0, s2;
	[dreg:$0x1a] =	wrdreg s30  }
0x10: {  	s5 =	simm.s32 $0x0;
	s2 =	simm.s32 $0x3;
	[dreg:$0x1b] =	wrdreg s0  }
.LBB2_1:
0x11: {  	[dreg:$0x1d] =	wrdreg s5  }
0x12: {  	s0 =	rddreg [dreg:$0x16]  }
0x13: {  	[tilespmem:s1], [sflag:$0x3] =	stream.linear.gather [hbm4b:s0+s1], $0x200, $0x38;
	[tilespmem:$0x10400] =	vst v63  }
0x14: {  	_ =	swait.ge [sflag:s2], $0x200  }
0x15: {  	[sflag:s2] =	ssyncset.done $0x0  }
0x16: {  	s31 =	simm.s32 $0x200;
	s29 =	rddreg [dreg:$0x17];
	[sflag:s2] =	ssyncadd.s32 $0xFFFFFE00  }
0x17: {  	[tilespmem:s31], [sflag:$0x3] =	stream.linear.gather [hbm4b:s29+s1], $0x200, $0x38;
	[tilespmem:$0x10400] =	vst v63  }
0x18: {  	_ =	swait.ge [sflag:s2], $0x200  }
0x19: {  	[sflag:s2] =	ssyncset.done $0x0  }
0x1a: {  	[sflag:s2] =	ssyncadd.s32 $0xFFFFFE00  }
0x1b: {  	v0 =	vld [tilespmem:$0x0];
	_ =	sdelay $0x3  }
0x1c: {  	v2 =	vld [tilespmem:$0x200]  }
0x1d: {  	v1 =	vshll.u32 v0, $0x4  }
0x1e: {  	(v2sf) =	vpush v1, $0x0;
	_ =	sdelay $0x2  }
0x1f: {  	v55 =	vshll.u32 v2, $0x4  }
0x20: {  	(v2sf) =	vpush v55, $0x0;
	_ =	sdelay $0x3  }
0x21: {  	(v2sf) =	vpush v1, $0x1  }
0x22: {  	(v2sf) =	vpush v55, $0x1  }
0x23: {  	(v2sf) =	vpush v1, $0x2;
	_ =	sdelay $0x1  }
0x24: {  	(v2sf) =	vpush v55, $0x2;
	_ =	sdelay $0x1  }
0x25: {  	(v2sf) =	vpush v1, $0x3  }
0x26: {  	s5 =	spop (v2sf)  }
0x27: {  	s0 =	sand.u32 $0x1FFFFFF0, s5  }
0x28: {  	(v2sf) =	vpush v55, $0x3;
	s0 =	sadd.s32 s3, s0  }
0x29: {  	[tilespmem:s6], [sflag:$0x1] =	stream.linear.gather [hbm4b:s0+s1], $0x80, $0x38;
	[tilespmem:$0x10400] =	vst v63  }
0x2a: {  	s6 =	spop (v2sf)  }
0x2b: {  	s0 =	sand.u32 $0x1FFFFFF0, s6  }
0x2c: {  	s0 =	sadd.s32 s4, s0  }
0x2d: {  	[tilespmem:s7], [sflag:$0x2] =	stream.linear.gather [hbm4b:s0+s1], $0x80, $0x38;
	[tilespmem:$0x10400] =	vst v63  }
0x2e: {  	s7 =	spop (v2sf)  }
0x2f: {  	s9 =	spop (v2sf)  }
0x30: {  	s13 =	spop (v2sf);
	(v2sf) =	vpush v1, $0x4;
	_ =	sdelay $0x1  }
0x31: {  	s15 =	spop (v2sf);
	(v2sf) =	vpush v55, $0x4;
	_ =	sdelay $0x1  }
0x32: {  	s0 =	sand.u32 $0x1FFFFFF0, s7;
	s17 =	spop (v2sf);
	(v2sf) =	vpush v1, $0x5  }
0x33: {  	s8 =	simm.s32 $0x480;
	s0 =	sadd.s32 s3, s0  }
0x34: {  	[tilespmem:s8], [sflag:$0x1] =	stream.linear.gather [hbm4b:s0+s1], $0x80, $0x38;
	[tilespmem:$0x10400] =	vst v63  }
0x35: {  	s19 =	spop (v2sf);
	(v2sf) =	vpush v55, $0x5  }
0x36: {  	s0 =	sand.u32 $0x1FFFFFF0, s9  }
0x37: {  	s10 =	simm.s32 $0x8480;
	s0 =	sadd.s32 s4, s0  }
0x38: {  	[tilespmem:s10], [sflag:$0x2] =	stream.linear.gather [hbm4b:s0+s1], $0x80, $0x38;
	[tilespmem:$0x10400] =	vst v63  }
0x39: {  	s0 =	sand.u32 $0x1FFFFFF0, s13  }
0x3a: {  	s14 =	simm.s32 $0x500;
	s0 =	sadd.s32 s3, s0  }
0x3b: {  	[tilespmem:s14], [sflag:$0x1] =	stream.linear.gather [hbm4b:s0+s1], $0x80, $0x38;
	[tilespmem:$0x10400] =	vst v63  }
0x3c: {  	s0 =	sand.u32 $0x1FFFFFF0, s15  }
0x3d: {  	s16 =	simm.s32 $0x8500;
	s0 =	sadd.s32 s4, s0;
	s21 =	spop (v2sf);
	(v2sf) =	vpush v1, $0x6  }
0x3e: {  	[tilespmem:s16], [sflag:$0x2] =	stream.linear.gather [hbm4b:s0+s1], $0x80, $0x38;
	[tilespmem:$0x10400] =	vst v63  }
0x3f: {  	s23 =	spop (v2sf);
	(v2sf) =	vpush v55, $0x6  }
0x40: {  	s0 =	sand.u32 $0x1FFFFFF0, s17  }
0x41: {  	s18 =	simm.s32 $0x580;
	s0 =	sadd.s32 s3, s0;
	s25 =	spop (v2sf);
	(v2sf) =	vpush v1, $0x7  }
0x42: {  	[tilespmem:s18], [sflag:$0x1] =	stream.linear.gather [hbm4b:s0+s1], $0x80, $0x38;
	[tilespmem:$0x10400] =	vst v63  }
0x43: {  	s0 =	sand.u32 $0x1FFFFFF0, s19  }
0x44: {  	s20 =	simm.s32 $0x8580;
	s0 =	sadd.s32 s4, s0;
	s29 =	spop (v2sf);
	(v2sf) =	vpush v55, $0x7  }
0x45: {  	[tilespmem:s20], [sflag:$0x2] =	stream.linear.gather [hbm4b:s0+s1], $0x80, $0x38;
	[tilespmem:$0x10400] =	vst v63  }
0x46: {  	s0 =	sand.u32 $0x1FFFFFF0, s21  }
0x47: {  	s22 =	simm.s32 $0x600;
	s0 =	sadd.s32 s3, s0  }
0x48: {  	[tilespmem:s22], [sflag:$0x1] =	stream.linear.gather [hbm4b:s0+s1], $0x80, $0x38;
	[tilespmem:$0x10400] =	vst v63  }
0x49: {  	s0 =	sand.u32 $0x1FFFFFF0, s23  }
0x4a: {  	s24 =	simm.s32 $0x8600;
	s0 =	sadd.s32 s4, s0  }
0x4b: {  	[tilespmem:s24], [sflag:$0x2] =	stream.linear.gather [hbm4b:s0+s1], $0x80, $0x38;
	[tilespmem:$0x10400] =	vst v63  }
0x4c: {  	s5 =	spop (v2sf);
	(v2sf) =	vpush v1, $0x8  }
0x4d: {  	s0 =	sand.u32 $0x1FFFFFF0, s25  }
0x4e: {  	s26 =	simm.s32 $0x680;
	s0 =	sadd.s32 s3, s0;
	s7 =	spop (v2sf);
	(v2sf) =	vpush v55, $0x8  }
0x4f: {  	[tilespmem:s26], [sflag:$0x1] =	stream.linear.gather [hbm4b:s0+s1], $0x80, $0x38;
	[tilespmem:$0x10400] =	vst v63  }
0x50: {  	s0 =	sand.u32 $0x1FFFFFF0, s29;
	s9 =	spop (v2sf);
	(v2sf) =	vpush v1, $0x9  }
0x51: {  	s31 =	simm.s32 $0x8680;
	s0 =	sadd.s32 s4, s0  }
0x52: {  	[tilespmem:s31], [sflag:$0x2] =	stream.linear.gather [hbm4b:s0+s1], $0x80, $0x38;
	[tilespmem:$0x10400] =	vst v63  }
0x53: {  	s13 =	spop (v2sf);
	(v2sf) =	vpush v55, $0x9  }
0x54: {  	s0 =	sand.u32 $0x1FFFFFF0, s5  }
0x55: {  	s6 =	simm.s32 $0x700;
	s0 =	sadd.s32 s3, s0  }
0x56: {  	[tilespmem:s6], [sflag:$0x1] =	stream.linear.gather [hbm4b:s0+s1], $0x80, $0x38;
	[tilespmem:$0x10400] =	vst v63  }
0x57: {  	s0 =	sand.u32 $0x1FFFFFF0, s7  }
0x58: {  	s8 =	simm.s32 $0x8700;
	s0 =	sadd.s32 s4, s0  }
0x59: {  	[tilespmem:s8], [sflag:$0x2] =	stream.linear.gather [hbm4b:s0+s1], $0x80, $0x38;
	[tilespmem:$0x10400] =	vst v63  }
0x5a: {  	s0 =	sand.u32 $0x1FFFFFF0, s9  }
0x5b: {  	s10 =	simm.s32 $0x780;
	s0 =	sadd.s32 s3, s0;
	s15 =	spop (v2sf);
	(v2sf) =	vpush v1, $0xA  }
0x5c: {  	[tilespmem:s10], [sflag:$0x1] =	stream.linear.gather [hbm4b:s0+s1], $0x80, $0x38;
	[tilespmem:$0x10400] =	vst v63  }
0x5d: {  	s17 =	spop (v2sf);
	(v2sf) =	vpush v55, $0xA  }
0x5e: {  	s0 =	sand.u32 $0x1FFFFFF0, s13  }
0x5f: {  	s14 =	simm.s32 $0x8780;
	s0 =	sadd.s32 s4, s0;
	s19 =	spop (v2sf);
	(v2sf) =	vpush v1, $0xB  }
0x60: {  	[tilespmem:s14], [sflag:$0x2] =	stream.linear.gather [hbm4b:s0+s1], $0x80, $0x38;
	[tilespmem:$0x10400] =	vst v63  }
0x61: {  	s0 =	sand.u32 $0x1FFFFFF0, s15  }
0x62: {  	s16 =	simm.s32 $0x800;
	s0 =	sadd.s32 s3, s0;
	s21 =	spop (v2sf);
	(v2sf) =	vpush v55, $0xB  }
0x63: {  	[tilespmem:s16], [sflag:$0x1] =	stream.linear.gather [hbm4b:s0+s1], $0x80, $0x38;
	[tilespmem:$0x10400] =	vst v63  }
0x64: {  	s0 =	sand.u32 $0x1FFFFFF0, s17  }
0x65: {  	s18 =	simm.s32 $0x8800;
	s0 =	sadd.s32 s4, s0  }
0x66: {  	[tilespmem:s18], [sflag:$0x2] =	stream.linear.gather [hbm4b:s0+s1], $0x80, $0x38;
	[tilespmem:$0x10400] =	vst v63  }
0x67: {  	s0 =	sand.u32 $0x1FFFFFF0, s19  }
0x68: {  	s20 =	simm.s32 $0x880;
	s0 =	sadd.s32 s3, s0  }
0x69: {  	[tilespmem:s20], [sflag:$0x1] =	stream.linear.gather [hbm4b:s0+s1], $0x80, $0x38;
	[tilespmem:$0x10400] =	vst v63  }
0x6a: {  	s23 =	spop (v2sf);
	(v2sf) =	vpush v1, $0xC  }
0x6b: {  	s0 =	sand.u32 $0x1FFFFFF0, s21  }
0x6c: {  	s22 =	simm.s32 $0x8880;
	s0 =	sadd.s32 s4, s0;
	s25 =	spop (v2sf);
	(v2sf) =	vpush v55, $0xC  }
0x6d: {  	[tilespmem:s22], [sflag:$0x2] =	stream.linear.gather [hbm4b:s0+s1], $0x80, $0x38;
	[tilespmem:$0x10400] =	vst v63  }
0x6e: {  	s0 =	sand.u32 $0x1FFFFFF0, s23;
	s29 =	spop (v2sf);
	(v2sf) =	vpush v1, $0xD  }
0x6f: {  	s24 =	simm.s32 $0x900;
	s0 =	sadd.s32 s3, s0  }
0x70: {  	[tilespmem:s24], [sflag:$0x1] =	stream.linear.gather [hbm4b:s0+s1], $0x80, $0x38;
	[tilespmem:$0x10400] =	vst v63  }
0x71: {  	s5 =	spop (v2sf);
	(v2sf) =	vpush v55, $0xD  }
0x72: {  	s0 =	sand.u32 $0x1FFFFFF0, s25  }
0x73: {  	s26 =	simm.s32 $0x8900;
	s0 =	sadd.s32 s4, s0  }
0x74: {  	[tilespmem:s26], [sflag:$0x2] =	stream.linear.gather [hbm4b:s0+s1], $0x80, $0x38;
	[tilespmem:$0x10400] =	vst v63  }
0x75: {  	s0 =	sand.u32 $0x1FFFFFF0, s29  }
0x76: {  	s31 =	simm.s32 $0x980;
	s0 =	sadd.s32 s3, s0  }
0x77: {  	[tilespmem:s31], [sflag:$0x1] =	stream.linear.gather [hbm4b:s0+s1], $0x80, $0x38;
	[tilespmem:$0x10400] =	vst v63  }
0x78: {  	s0 =	sand.u32 $0x1FFFFFF0, s5  }
0x79: {  	s6 =	simm.s32 $0x8980;
	s0 =	sadd.s32 s4, s0;
	s7 =	spop (v2sf);
	(v2sf) =	vpush v1, $0xE  }
0x7a: {  	[tilespmem:s6], [sflag:$0x2] =	stream.linear.gather [hbm4b:s0+s1], $0x80, $0x38;
	[tilespmem:$0x10400] =	vst v63  }
0x7b: {  	s9 =	spop (v2sf);
	(v2sf) =	vpush v55, $0xE  }
0x7c: {  	s0 =	sand.u32 $0x1FFFFFF0, s7  }
0x7d: {  	s8 =	simm.s32 $0xA00;
	s0 =	sadd.s32 s3, s0;
	s13 =	spop (v2sf)  }
0x7e: {  	(v2sf) =	vpush v1, $0xF;
	[tilespmem:s8], [sflag:$0x1] =	stream.linear.gather [hbm4b:s0+s1], $0x80, $0x38;
	[tilespmem:$0x10400] =	vst v63  }
0x7f: {  	s0 =	sand.u32 $0x1FFFFFF0, s9  }
0x80: {  	s10 =	simm.s32 $0x8A00;
	s15 =	spop (v2sf);
	s0 =	sadd.s32 s4, s0  }
0x81: {  	(v2sf) =	vpush v55, $0xF;
	[tilespmem:s10], [sflag:$0x2] =	stream.linear.gather [hbm4b:s0+s1], $0x80, $0x38;
	[tilespmem:$0x10400] =	vst v63  }
0x82: {  	s0 =	sand.u32 $0x1FFFFFF0, s13  }
0x83: {  	s14 =	simm.s32 $0xA80;
	s0 =	sadd.s32 s3, s0  }
0x84: {  	[tilespmem:s14], [sflag:$0x1] =	stream.linear.gather [hbm4b:s0+s1], $0x80, $0x38;
	[tilespmem:$0x10400] =	vst v63  }
0x85: {  	s0 =	sand.u32 $0x1FFFFFF0, s15  }
0x86: {  	s16 =	simm.s32 $0x8A80;
	s0 =	sadd.s32 s4, s0  }
0x87: {  	[tilespmem:s16], [sflag:$0x2] =	stream.linear.gather [hbm4b:s0+s1], $0x80, $0x38;
	[tilespmem:$0x10400] =	vst v63  }
0x88: {  	s17 =	spop (v2sf)  }
0x89: {  	s0 =	sand.u32 $0x1FFFFFF0, s17  }
0x8a: {  	s18 =	simm.s32 $0xB00;
	s19 =	spop (v2sf);
	s0 =	sadd.s32 s3, s0  }
0x8b: {  	[tilespmem:s18], [sflag:$0x1] =	stream.linear.gather [hbm4b:s0+s1], $0x80, $0x38;
	[tilespmem:$0x10400] =	vst v63  }
0x8c: {  	s0 =	sand.u32 $0x1FFFFFF0, s19  }
0x8d: {  	s20 =	simm.s32 $0x8B00;
	s21 =	spop (v2sf);
	s0 =	sadd.s32 s4, s0  }
0x8e: {  	[tilespmem:s20], [sflag:$0x2] =	stream.linear.gather [hbm4b:s0+s1], $0x80, $0x38;
	[tilespmem:$0x10400] =	vst v63  }
0x8f: {  	s0 =	sand.u32 $0x1FFFFFF0, s21  }
0x90: {  	s22 =	simm.s32 $0xB80;
	s23 =	spop (v2sf);
	s0 =	sadd.s32 s3, s0  }
0x91: {  	[tilespmem:s22], [sflag:$0x1] =	stream.linear.gather [hbm4b:s0+s1], $0x80, $0x38;
	[tilespmem:$0x10400] =	vst v63  }
0x92: {  	s0 =	sand.u32 $0x1FFFFFF0, s23  }
0x93: {  	s24 =	simm.s32 $0x8B80;
	s0 =	sadd.s32 s4, s0  }
0x94: {  	[tilespmem:s24], [sflag:$0x2] =	stream.linear.gather [hbm4b:s0+s1], $0x80, $0x38;
	[tilespmem:$0x10400] =	vst v63  }
0x95: {  	v56 =	vld [tilespmem:$0x10];
	_ =	sdelay $0x1  }
0x96: {  	v57 =	vld [tilespmem:$0x210];
	_ =	sdelay $0x2  }
0x97: {  	v58 =	vshll.u32 v56, $0x4  }
0x98: {  	(v2sf) =	vpush v58, $0x0  }
0x99: {  	v59 =	vshll.u32 v57, $0x4  }
0x9a: {  	(v2sf) =	vpush v59, $0x0;
	_ =	sdelay $0x1  }
0x9b: {  	(v2sf) =	vpush v58, $0x1;
	_ =	sdelay $0x2  }
0x9c: {  	(v2sf) =	vpush v59, $0x1;
	_ =	sdelay $0x7  }
0x9d: {  	s25 =	spop (v2sf);
	(v2sf) =	vpush v58, $0x2;
	_ =	sdelay $0x1  }
0x9e: {  	s29 =	spop (v2sf);
	(v2sf) =	vpush v59, $0x2;
	_ =	sdelay $0x1  }
0x9f: {  	s5 =	spop (v2sf);
	(v2sf) =	vpush v58, $0x3;
	_ =	sdelay $0x2  }
0xa0: {  	s7 =	spop (v2sf);
	(v2sf) =	vpush v59, $0x3;
	_ =	sdelay $0x4  }
0xa1: {  	s0 =	sand.u32 $0x1FFFFFF0, s25  }
0xa2: {  	s26 =	simm.s32 $0xC00;
	s0 =	sadd.s32 s3, s0  }
0xa3: {  	[tilespmem:s26], [sflag:$0x1] =	stream.linear.gather [hbm4b:s0+s1], $0x80, $0x38;
	[tilespmem:$0x10400] =	vst v63  }
0xa4: {  	s9 =	spop (v2sf);
	(v2sf) =	vpush v58, $0x4  }
0xa5: {  	s0 =	sand.u32 $0x1FFFFFF0, s29  }
0xa6: {  	s31 =	simm.s32 $0x8C00;
	s0 =	sadd.s32 s4, s0;
	s13 =	spop (v2sf);
	(v2sf) =	vpush v59, $0x4  }
0xa7: {  	[tilespmem:s31], [sflag:$0x2] =	stream.linear.gather [hbm4b:s0+s1], $0x80, $0x38;
	[tilespmem:$0x10400] =	vst v63  }
0xa8: {  	s0 =	sand.u32 $0x1FFFFFF0, s5;
	s15 =	spop (v2sf);
	(v2sf) =	vpush v58, $0x5  }
0xa9: {  	s6 =	simm.s32 $0xC80;
	s0 =	sadd.s32 s3, s0  }
0xaa: {  	[tilespmem:s6], [sflag:$0x1] =	stream.linear.gather [hbm4b:s0+s1], $0x80, $0x38;
	[tilespmem:$0x10400] =	vst v63  }
0xab: {  	s17 =	spop (v2sf);
	(v2sf) =	vpush v59, $0x5  }
0xac: {  	s0 =	sand.u32 $0x1FFFFFF0, s7  }
0xad: {  	s8 =	simm.s32 $0x8C80;
	s0 =	sadd.s32 s4, s0  }
0xae: {  	[tilespmem:s8], [sflag:$0x2] =	stream.linear.gather [hbm4b:s0+s1], $0x80, $0x38;
	[tilespmem:$0x10400] =	vst v63  }
0xaf: {  	s0 =	sand.u32 $0x1FFFFFF0, s9  }
0xb0: {  	s10 =	simm.s32 $0xD00;
	s0 =	sadd.s32 s3, s0  }
0xb1: {  	[tilespmem:s10], [sflag:$0x1] =	stream.linear.gather [hbm4b:s0+s1], $0x80, $0x38;
	[tilespmem:$0x10400] =	vst v63  }
0xb2: {  	s0 =	sand.u32 $0x1FFFFFF0, s13  }
0xb3: {  	s14 =	simm.s32 $0x8D00;
	s0 =	sadd.s32 s4, s0;
	s19 =	spop (v2sf);
	(v2sf) =	vpush v58, $0x6  }
0xb4: {  	[tilespmem:s14], [sflag:$0x2] =	stream.linear.gather [hbm4b:s0+s1], $0x80, $0x38;
	[tilespmem:$0x10400] =	vst v63  }
0xb5: {  	s21 =	spop (v2sf);
	(v2sf) =	vpush v59, $0x6  }
0xb6: {  	s0 =	sand.u32 $0x1FFFFFF0, s15  }
0xb7: {  	s16 =	simm.s32 $0xD80;
	s0 =	sadd.s32 s3, s0;
	s23 =	spop (v2sf);
	(v2sf) =	vpush v58, $0x7  }
0xb8: {  	[tilespmem:s16], [sflag:$0x1] =	stream.linear.gather [hbm4b:s0+s1], $0x80, $0x38;
	[tilespmem:$0x10400] =	vst v63  }
0xb9: {  	s0 =	sand.u32 $0x1FFFFFF0, s17  }
0xba: {  	s18 =	simm.s32 $0x8D80;
	s0 =	sadd.s32 s4, s0;
	s25 =	spop (v2sf);
	(v2sf) =	vpush v59, $0x7  }
0xbb: {  	[tilespmem:s18], [sflag:$0x2] =	stream.linear.gather [hbm4b:s0+s1], $0x80, $0x38;
	[tilespmem:$0x10400] =	vst v63  }
0xbc: {  	s0 =	sand.u32 $0x1FFFFFF0, s19  }
0xbd: {  	s20 =	simm.s32 $0xE00;
	s0 =	sadd.s32 s3, s0  }
0xbe: {  	[tilespmem:s20], [sflag:$0x1] =	stream.linear.gather [hbm4b:s0+s1], $0x80, $0x38;
	[tilespmem:$0x10400] =	vst v63  }
0xbf: {  	s0 =	sand.u32 $0x1FFFFFF0, s21  }
0xc0: {  	s22 =	simm.s32 $0x8E00;
	s0 =	sadd.s32 s4, s0  }
0xc1: {  	[tilespmem:s22], [sflag:$0x2] =	stream.linear.gather [hbm4b:s0+s1], $0x80, $0x38;
	[tilespmem:$0x10400] =	vst v63  }
0xc2: {  	s29 =	spop (v2sf);
	(v2sf) =	vpush v58, $0x8  }
0xc3: {  	s0 =	sand.u32 $0x1FFFFFF0, s23  }
0xc4: {  	s24 =	simm.s32 $0xE80;
	s0 =	sadd.s32 s3, s0;
	s5 =	spop (v2sf);
	(v2sf) =	vpush v59, $0x8  }
0xc5: {  	[tilespmem:s24], [sflag:$0x1] =	stream.linear.gather [hbm4b:s0+s1], $0x80, $0x38;
	[tilespmem:$0x10400] =	vst v63  }
0xc6: {  	s0 =	sand.u32 $0x1FFFFFF0, s25;
	s7 =	spop (v2sf);
	(v2sf) =	vpush v58, $0x9  }
0xc7: {  	s26 =	simm.s32 $0x8E80;
	s0 =	sadd.s32 s4, s0  }
0xc8: {  	[tilespmem:s26], [sflag:$0x2] =	stream.linear.gather [hbm4b:s0+s1], $0x80, $0x38;
	[tilespmem:$0x10400] =	vst v63  }
0xc9: {  	s9 =	spop (v2sf);
	(v2sf) =	vpush v59, $0x9  }
0xca: {  	s0 =	sand.u32 $0x1FFFFFF0, s29  }
0xcb: {  	s31 =	simm.s32 $0xF00;
	s0 =	sadd.s32 s3, s0  }
0xcc: {  	[tilespmem:s31], [sflag:$0x1] =	stream.linear.gather [hbm4b:s0+s1], $0x80, $0x38;
	[tilespmem:$0x10400] =	vst v63  }
0xcd: {  	s0 =	sand.u32 $0x1FFFFFF0, s5  }
0xce: {  	s6 =	simm.s32 $0x8F00;
	s0 =	sadd.s32 s4, s0  }
0xcf: {  	[tilespmem:s6], [sflag:$0x2] =	stream.linear.gather [hbm4b:s0+s1], $0x80, $0x38;
	[tilespmem:$0x10400] =	vst v63  }
0xd0: {  	s0 =	sand.u32 $0x1FFFFFF0, s7  }
0xd1: {  	s8 =	simm.s32 $0xF80;
	s0 =	sadd.s32 s3, s0;
	s13 =	spop (v2sf);
	(v2sf) =	vpush v58, $0xA  }
0xd2: {  	[tilespmem:s8], [sflag:$0x1] =	stream.linear.gather [hbm4b:s0+s1], $0x80, $0x38;
	[tilespmem:$0x10400] =	vst v63  }
0xd3: {  	s15 =	spop (v2sf);
	(v2sf) =	vpush v59, $0xA  }
0xd4: {  	s0 =	sand.u32 $0x1FFFFFF0, s9  }
0xd5: {  	s10 =	simm.s32 $0x8F80;
	s0 =	sadd.s32 s4, s0;
	s17 =	spop (v2sf);
	(v2sf) =	vpush v58, $0xB  }
0xd6: {  	[tilespmem:s10], [sflag:$0x2] =	stream.linear.gather [hbm4b:s0+s1], $0x80, $0x38;
	[tilespmem:$0x10400] =	vst v63  }
0xd7: {  	s0 =	sand.u32 $0x1FFFFFF0, s13  }
0xd8: {  	s14 =	simm.s32 $0x1000;
	s0 =	sadd.s32 s3, s0;
	s19 =	spop (v2sf);
	(v2sf) =	vpush v59, $0xB  }
0xd9: {  	[tilespmem:s14], [sflag:$0x1] =	stream.linear.gather [hbm4b:s0+s1], $0x80, $0x38;
	[tilespmem:$0x10400] =	vst v63  }
0xda: {  	s0 =	sand.u32 $0x1FFFFFF0, s15  }
0xdb: {  	s16 =	simm.s32 $0x9000;
	s0 =	sadd.s32 s4, s0  }
0xdc: {  	[tilespmem:s16], [sflag:$0x2] =	stream.linear.gather [hbm4b:s0+s1], $0x80, $0x38;
	[tilespmem:$0x10400] =	vst v63  }
0xdd: {  	s0 =	sand.u32 $0x1FFFFFF0, s17  }
0xde: {  	s18 =	simm.s32 $0x1080;
	s0 =	sadd.s32 s3, s0  }
0xdf: {  	[tilespmem:s18], [sflag:$0x1] =	stream.linear.gather [hbm4b:s0+s1], $0x80, $0x38;
	[tilespmem:$0x10400] =	vst v63  }
0xe0: {  	s21 =	spop (v2sf);
	(v2sf) =	vpush v58, $0xC  }
0xe1: {  	s0 =	sand.u32 $0x1FFFFFF0, s19  }
0xe2: {  	s20 =	simm.s32 $0x9080;
	s0 =	sadd.s32 s4, s0;
	s23 =	spop (v2sf);
	(v2sf) =	vpush v59, $0xC  }
0xe3: {  	[tilespmem:s20], [sflag:$0x2] =	stream.linear.gather [hbm4b:s0+s1], $0x80, $0x38;
	[tilespmem:$0x10400] =	vst v63  }
0xe4: {  	s0 =	sand.u32 $0x1FFFFFF0, s21;
	s25 =	spop (v2sf);
	(v2sf) =	vpush v58, $0xD  }
0xe5: {  	s22 =	simm.s32 $0x1100;
	s0 =	sadd.s32 s3, s0  }
0xe6: {  	[tilespmem:s22], [sflag:$0x1] =	stream.linear.gather [hbm4b:s0+s1], $0x80, $0x38;
	[tilespmem:$0x10400] =	vst v63  }
0xe7: {  	s29 =	spop (v2sf);
	(v2sf) =	vpush v59, $0xD  }
0xe8: {  	s0 =	sand.u32 $0x1FFFFFF0, s23  }
0xe9: {  	s24 =	simm.s32 $0x9100;
	s0 =	sadd.s32 s4, s0  }
0xea: {  	[tilespmem:s24], [sflag:$0x2] =	stream.linear.gather [hbm4b:s0+s1], $0x80, $0x38;
	[tilespmem:$0x10400] =	vst v63  }
0xeb: {  	s0 =	sand.u32 $0x1FFFFFF0, s25  }
0xec: {  	s26 =	simm.s32 $0x1180;
	s0 =	sadd.s32 s3, s0  }
0xed: {  	[tilespmem:s26], [sflag:$0x1] =	stream.linear.gather [hbm4b:s0+s1], $0x80, $0x38;
	[tilespmem:$0x10400] =	vst v63  }
0xee: {  	s0 =	sand.u32 $0x1FFFFFF0, s29  }
0xef: {  	s31 =	simm.s32 $0x9180;
	s0 =	sadd.s32 s4, s0;
	s2 =	spop (v2sf);
	(v2sf) =	vpush v58, $0xE  }
0xf0: {  	[tilespmem:s31], [sflag:$0x2] =	stream.linear.gather [hbm4b:s0+s1], $0x80, $0x38;
	[tilespmem:$0x10400] =	vst v63  }
0xf1: {  	s6 =	spop (v2sf);
	(v2sf) =	vpush v59, $0xE  }
0xf2: {  	s0 =	sand.u32 $0x1FFFFFF0, s2  }
0xf3: {  	s5 =	simm.s32 $0x1200;
	s0 =	sadd.s32 s3, s0;
	s8 =	spop (v2sf)  }
0xf4: {  	(v2sf) =	vpush v58, $0xF;
	[tilespmem:s5], [sflag:$0x1] =	stream.linear.gather [hbm4b:s0+s1], $0x80, $0x38;
	[tilespmem:$0x10400] =	vst v63  }
0xf5: {  	s0 =	sand.u32 $0x1FFFFFF0, s6  }
0xf6: {  	s7 =	simm.s32 $0x9200;
	s10 =	spop (v2sf);
	s0 =	sadd.s32 s4, s0  }
0xf7: {  	(v2sf) =	vpush v59, $0xF;
	[tilespmem:s7], [sflag:$0x2] =	stream.linear.gather [hbm4b:s0+s1], $0x80, $0x38;
	[tilespmem:$0x10400] =	vst v63  }
0xf8: {  	s0 =	sand.u32 $0x1FFFFFF0, s8  }
0xf9: {  	s9 =	simm.s32 $0x1280;
	s0 =	sadd.s32 s3, s0  }
0xfa: {  	[tilespmem:s9], [sflag:$0x1] =	stream.linear.gather [hbm4b:s0+s1], $0x80, $0x38;
	[tilespmem:$0x10400] =	vst v63  }
0xfb: {  	s0 =	sand.u32 $0x1FFFFFF0, s10  }
0xfc: {  	s13 =	simm.s32 $0x9280;
	s0 =	sadd.s32 s4, s0  }
0xfd: {  	[tilespmem:s13], [sflag:$0x2] =	stream.linear.gather [hbm4b:s0+s1], $0x80, $0x38;
	[tilespmem:$0x10400] =	vst v63  }
0xfe: {  	s14 =	spop (v2sf)  }
0xff: {  	s0 =	sand.u32 $0x1FFFFFF0, s14  }
0x100: {  	s15 =	simm.s32 $0x1300;
	s16 =	spop (v2sf);
	s0 =	sadd.s32 s3, s0  }
0x101: {  	[tilespmem:s15], [sflag:$0x1] =	stream.linear.gather [hbm4b:s0+s1], $0x80, $0x38;
	[tilespmem:$0x10400] =	vst v63  }
0x102: {  	s0 =	sand.u32 $0x1FFFFFF0, s16  }
0x103: {  	s17 =	simm.s32 $0x9300;
	s18 =	spop (v2sf);
	s0 =	sadd.s32 s4, s0  }
0x104: {  	[tilespmem:s17], [sflag:$0x2] =	stream.linear.gather [hbm4b:s0+s1], $0x80, $0x38;
	[tilespmem:$0x10400] =	vst v63  }
0x105: {  	s0 =	sand.u32 $0x1FFFFFF0, s18  }
0x106: {  	s19 =	simm.s32 $0x1380;
	s20 =	spop (v2sf);
	s0 =	sadd.s32 s3, s0  }
0x107: {  	[tilespmem:s19], [sflag:$0x1] =	stream.linear.gather [hbm4b:s0+s1], $0x80, $0x38;
	[tilespmem:$0x10400] =	vst v63  }
0x108: {  	s0 =	sand.u32 $0x1FFFFFF0, s20  }
0x109: {  	s21 =	simm.s32 $0x9380;
	s22 =	simm.s32 $0x20;
	s0 =	sadd.s32 s4, s0  }
0x10a: {  	[tilespmem:s21], [sflag:$0x2] =	stream.linear.gather [hbm4b:s0+s1], $0x80, $0x38;
	[tilespmem:$0x10400] =	vst v63  }
0x10b: {  	s23 =	simm.s32 $0x220;
	v60 =	vld [tilespmem:s22+$0x0]  }
0x10c: {  	v61 =	vld [tilespmem:s23+$0x0];
	_ =	sdelay $0x3  }
0x10d: {  	v62 =	vshll.u32 v60, $0x4  }
0x10e: {  	v63 =	vshll.u32 v61, $0x4;
	(v2sf) =	vpush v62, $0x0  }
0x10f: {  	(v2sf) =	vpush v63, $0x0  }
0x110: {  	(v2sf) =	vpush v62, $0x1;
	_ =	sdelay $0x1  }
0x111: {  	(v2sf) =	vpush v63, $0x1  }
0x112: {  	(v2sf) =	vpush v62, $0x2;
	_ =	sdelay $0x1  }
0x113: {  	(v2sf) =	vpush v63, $0x2;
	_ =	sdelay $0x1  }
0x114: {  	(v2sf) =	vpush v62, $0x3;
	_ =	sdelay $0x1  }
0x115: {  	s30 =	simm.s32 $0x9A80;
	(v2sf) =	vpush v63, $0x3  }
0x116: {  	s28 =	simm.s32 $0x9B00;
	s24 =	simm.s32 $0x9400;
	s26 =	simm.s32 $0x1400  }
0x117: {  	s2 =	simm.s32 $0x9A00;
	s6 =	simm.s32 $0x1680;
	s8 =	simm.s32 $0x2000  }
0x118: {  	s7 =	simm.s32 $0x1600;
	s15 =	simm.s32 $0x9480;
	s17 =	simm.s32 $0x0  }
0x119: {  	s18 =	simm.s32 $0x1500;
	s0 =	simm.s32 $0x1880;
	s25 =	spop (v2sf)  }
0x11a: {  	s21 =	simm.s32 $0x9500;
	s5 =	sand.u32 $0x1FFFFFF0, s25;
	s9 =	spop (v2sf)  }
0x11b: {  	(v2sf) =	vpush v62, $0x4;
	s5 =	sadd.s32 s3, s5;
	s29 =	sand.u32 $0x1FFFFFF0, s9;
	s31 =	spop (v2sf)  }
0x11c: {  	[tilespmem:s26], [sflag:$0x1] =	stream.linear.gather [hbm4b:s5+s1], $0x80, $0x38;
	[tilespmem:$0x10400] =	vst v63  }
0x11d: {  	s5 =	sadd.s32 s4, s29;
	s9 =	sand.u32 $0x1FFFFFF0, s31;
	s10 =	spop (v2sf)  }
0x11e: {  	(v2sf) =	vpush v63, $0x4;
	s26 =	simm.s32 $0x9580;
	s13 =	sadd.s32 s3, s9;
	s16 =	spop (v2sf)  }
0x11f: {  	(v2sf) =	vpush v62, $0x5;
	[tilespmem:s24], [sflag:$0x2] =	stream.linear.gather [hbm4b:s5+s1], $0x80, $0x38;
	[tilespmem:$0x10400] =	vst v63  }
0x120: {  	s14 =	sand.u32 $0x1FFFFFF0, s10;
	s5 =	simm.s32 $0x1480;
	s19 =	spop (v2sf)  }
0x121: {  	(v2sf) =	vpush v63, $0x5;
	[tilespmem:s5], [sflag:$0x1] =	stream.linear.gather [hbm4b:s13+s1], $0x80, $0x38;
	[tilespmem:$0x10400] =	vst v63  }
0x122: {  	(v2sf) =	vpush v62, $0x6;
	s9 =	sadd.s32 s4, s14;
	s20 =	spop (v2sf);
	s5 =	sand.u32 $0x1FFFFFF0, s16  }
0x123: {  	[tilespmem:s15], [sflag:$0x2] =	stream.linear.gather [hbm4b:s9+s1], $0x80, $0x38;
	[tilespmem:$0x10400] =	vst v63  }
0x124: {  	(v2sf) =	vpush v63, $0x6;
	s25 =	spop (v2sf);
	s5 =	sadd.s32 s3, s5;
	s9 =	sand.u32 $0x1FFFFFF0, s19  }
0x125: {  	(v2sf) =	vpush v62, $0x7;
	[tilespmem:s18], [sflag:$0x1] =	stream.linear.gather [hbm4b:s5+s1], $0x80, $0x38;
	[tilespmem:$0x10400] =	vst v63  }
0x126: {  	s24 =	simm.s32 $0x1580;
	s23 =	sand.u32 $0x1FFFFFF0, s20;
	s22 =	sadd.s32 s4, s9  }
0x127: {  	(v2sf) =	vpush v63, $0x7;
	[tilespmem:s21], [sflag:$0x2] =	stream.linear.gather [hbm4b:s22+s1], $0x80, $0x38;
	[tilespmem:$0x10400] =	vst v63  }
0x128: {  	s13 =	simm.s32 $0x9600;
	s9 =	sadd.s32 s3, s23;
	s23 =	simm.s32 $0x9700  }
0x129: {  	[tilespmem:s24], [sflag:$0x1] =	stream.linear.gather [hbm4b:s9+s1], $0x80, $0x38;
	[tilespmem:$0x10400] =	vst v63  }
0x12a: {  	s5 =	sand.u32 $0x1FFFFFF0, s25;
	s18 =	simm.s32 $0x9680;
	s29 =	spop (v2sf)  }
0x12b: {  	s5 =	sadd.s32 s4, s5;
	s21 =	simm.s32 $0x1700;
	s9 =	sand.u32 $0x1FFFFFF0, s29  }
0x12c: {  	[tilespmem:s26], [sflag:$0x2] =	stream.linear.gather [hbm4b:s5+s1], $0x80, $0x38;
	[tilespmem:$0x10400] =	vst v63  }
0x12d: {  	(v2sf) =	vpush v62, $0x8;
	s31 =	spop (v2sf);
	s5 =	simm.s32 $0x9900;
	s9 =	sadd.s32 s3, s9  }
0x12e: {  	s10 =	sand.u32 $0x1FFFFFF0, s31;
	s14 =	spop (v2sf);
	s26 =	simm.s32 $0x1780  }
0x12f: {  	(v2sf) =	vpush v63, $0x8;
	[tilespmem:s7], [sflag:$0x1] =	stream.linear.gather [hbm4b:s9+s1], $0x80, $0x38;
	[tilespmem:$0x10400] =	vst v63  }
0x130: {  	s15 =	spop (v2sf);
	s9 =	sadd.s32 s4, s10;
	s7 =	sand.u32 $0x1FFFFFF0, s14  }
0x131: {  	(v2sf) =	vpush v62, $0x9;
	s16 =	spop (v2sf);
	s10 =	simm.s32 $0x9780;
	s14 =	simm.s32 $0x1800  }
0x132: {  	[tilespmem:s13], [sflag:$0x2] =	stream.linear.gather [hbm4b:s9+s1], $0x80, $0x38;
	[tilespmem:$0x10400] =	vst v63  }
0x133: {  	(v2sf) =	vpush v63, $0x9;
	s7 =	sadd.s32 s3, s7;
	s22 =	spop (v2sf);
	s9 =	sand.u32 $0x1FFFFFF0, s15  }
0x134: {  	s20 =	sand.u32 $0x1FFFFFF0, s16;
	s19 =	sadd.s32 s4, s9;
	s24 =	spop (v2sf)  }
0x135: {  	(v2sf) =	vpush v62, $0xA;
	[tilespmem:s6], [sflag:$0x1] =	stream.linear.gather [hbm4b:s7+s1], $0x80, $0x38;
	[tilespmem:$0x10400] =	vst v63  }
0x136: {  	s9 =	sadd.s32 s3, s20;
	s7 =	sand.u32 $0x1FFFFFF0, s22;
	s25 =	spop (v2sf)  }
0x137: {  	(v2sf) =	vpush v63, $0xA;
	[tilespmem:s18], [sflag:$0x2] =	stream.linear.gather [hbm4b:s19+s1], $0x80, $0x38;
	[tilespmem:$0x10400] =	vst v63  }
0x138: {  	s6 =	simm.s32 $0x9980;
	s22 =	simm.s32 $0x9880;
	s7 =	sadd.s32 s4, s7  }
0x139: {  	[tilespmem:s21], [sflag:$0x1] =	stream.linear.gather [hbm4b:s9+s1], $0x80, $0x38;
	[tilespmem:$0x10400] =	vst v63  }
0x13a: {  	s31 =	sand.u32 $0x1FFFFFF0, s25;
	s25 =	simm.s32 $0x1900;
	s9 =	sand.u32 $0x1FFFFFF0, s24  }
0x13b: {  	(v2sf) =	vpush v62, $0xB;
	[tilespmem:s23], [sflag:$0x2] =	stream.linear.gather [hbm4b:s7+s1], $0x80, $0x38;
	[tilespmem:$0x10400] =	vst v63  }
0x13c: {  	s18 =	simm.s32 $0x9800;
	s29 =	sadd.s32 s3, s9;
	s13 =	spop (v2sf)  }
0x13d: {  	(v2sf) =	vpush v63, $0xB;
	[tilespmem:s26], [sflag:$0x1] =	stream.linear.gather [hbm4b:s29+s1], $0x80, $0x38;
	[tilespmem:$0x10400] =	vst v63  }
0x13e: {  	s9 =	sadd.s32 s4, s31;
	(v2sf) =	vpush v62, $0xC;
	s7 =	sand.u32 $0x1FFFFFF0, s13;
	s15 =	spop (v2sf)  }
0x13f: {  	[tilespmem:s10], [sflag:$0x2] =	stream.linear.gather [hbm4b:s9+s1], $0x80, $0x38;
	[tilespmem:$0x10400] =	vst v63  }
0x140: {  	s7 =	sadd.s32 s3, s7;
	(v2sf) =	vpush v63, $0xC;
	s9 =	sand.u32 $0x1FFFFFF0, s15;
	s16 =	spop (v2sf)  }
0x141: {  	(v2sf) =	vpush v62, $0xD;
	[tilespmem:s14], [sflag:$0x1] =	stream.linear.gather [hbm4b:s7+s1], $0x80, $0x38;
	[tilespmem:$0x10400] =	vst v63  }
0x142: {  	s19 =	sadd.s32 s4, s9;
	s20 =	sand.u32 $0x1FFFFFF0, s16;
	s21 =	spop (v2sf)  }
0x143: {  	[tilespmem:s18], [sflag:$0x2] =	stream.linear.gather [hbm4b:s19+s1], $0x80, $0x38;
	[tilespmem:$0x10400] =	vst v63  }
0x144: {  	s9 =	sadd.s32 s3, s20;
	s7 =	sand.u32 $0x1FFFFFF0, s21;
	s23 =	spop (v2sf)  }
0x145: {  	(v2sf) =	vpush v63, $0xD;
	[tilespmem:s0], [sflag:$0x1] =	stream.linear.gather [hbm4b:s9+s1], $0x80, $0x38;
	[tilespmem:$0x10400] =	vst v63  }
0x146: {  	s7 =	sadd.s32 s4, s7;
	s24 =	spop (v2sf);
	s9 =	sand.u32 $0x1FFFFFF0, s23  }
0x147: {  	(v2sf) =	vpush v62, $0xE;
	[tilespmem:s22], [sflag:$0x2] =	stream.linear.gather [hbm4b:s7+s1], $0x80, $0x38;
	[tilespmem:$0x10400] =	vst v63  }
0x148: {  	s31 =	simm.s32 $0x1A00;
	s29 =	sand.u32 $0x1FFFFFF0, s24;
	s26 =	sadd.s32 s3, s9  }
0x149: {  	[tilespmem:s25], [sflag:$0x1] =	stream.linear.gather [hbm4b:s26+s1], $0x80, $0x38;
	[tilespmem:$0x10400] =	vst v63  }
0x14a: {  	s14 =	simm.s32 $0x1980;
	s13 =	spop (v2sf);
	s9 =	sadd.s32 s4, s29  }
0x14b: {  	[tilespmem:s5], [sflag:$0x2] =	stream.linear.gather [hbm4b:s9+s1], $0x80, $0x38;
	[tilespmem:$0x10400] =	vst v63  }
0x14c: {  	s24 =	simm.s32 $0x1A80;
	s7 =	sand.u32 $0x1FFFFFF0, s13;
	s15 =	spop (v2sf)  }
0x14d: {  	s7 =	sadd.s32 s3, s7;
	s9 =	sand.u32 $0x1FFFFFF0, s15;
	s16 =	spop (v2sf)  }
0x14e: {  	[tilespmem:s14], [sflag:$0x1] =	stream.linear.gather [hbm4b:s7+s1], $0x80, $0x38;
	[tilespmem:$0x10400] =	vst v63  }
0x14f: {  	s18 =	sadd.s32 s4, s9;
	s19 =	sand.u32 $0x1FFFFFF0, s16;
	s20 =	spop (v2sf)  }
0x150: {  	s9 =	simm.s32 $0x230;
	s22 =	sand.u32 $0x1FFFFFF0, s20;
	s23 =	spop (v2sf)  }
0x151: {  	[tilespmem:s6], [sflag:$0x2] =	stream.linear.gather [hbm4b:s18+s1], $0x80, $0x38;
	[tilespmem:$0x10400] =	vst v63  }
0x152: {  	s21 =	sadd.s32 s3, s19;
	s25 =	sadd.s32 s4, s22;
	s26 =	sand.u32 $0x1FFFFFF0, s23  }
0x153: {  	[tilespmem:s31], [sflag:$0x1] =	stream.linear.gather [hbm4b:s21+s1], $0x80, $0x38;
	[tilespmem:$0x10400] =	vst v63  }
0x154: {  	s18 =	simm.s32 $0x30;
	s29 =	sadd.s32 s3, s26;
	s31 =	spop (v2sf)  }
0x155: {  	(v2sf) =	vpush v63, $0xE;
	[tilespmem:s2], [sflag:$0x2] =	stream.linear.gather [hbm4b:s25+s1], $0x80, $0x38;
	[tilespmem:$0x10400] =	vst v63  }
0x156: {  	(v2sf) =	vpush v62, $0xF;
	s21 =	simm.s32 $0x1B00;
	s0 =	sand.u32 $0x1FFFFFF0, s31;
	s2 =	spop (v2sf)  }
0x157: {  	(v2sf) =	vpush v63, $0xF;
	[tilespmem:s24], [sflag:$0x1] =	stream.linear.gather [hbm4b:s29+s1], $0x80, $0x38;
	[tilespmem:$0x10400] =	vst v63  }
.LBB2_2:
0x158: {  	_ =	sdelay $0x7  }
0x159: {  	s0 =	sadd.s32 s4, s0;
	s2 =	sand.u32 $0x1FFFFFF0, s2  }
0x15a: {  	[tilespmem:s30], [sflag:$0x2] =	stream.linear.gather [hbm4b:s0+s1], $0x80, $0x38;
	[tilespmem:$0x10400] =	vst v63  }
0x15b: {  	s2 =	sadd.s32 s3, s2  }
0x15c: {  	[tilespmem:s21], [sflag:$0x1] =	stream.linear.gather [hbm4b:s2+s1], $0x80, $0x38;
	[tilespmem:$0x10400] =	vst v63  }
0x15d: {  	s5 =	spop (v2sf)  }
0x15e: {  	s6 =	sand.u32 $0x1FFFFFF0, s5;
	s7 =	spop (v2sf)  }
0x15f: {  	s10 =	sadd.s32 s4, s6;
	s13 =	sand.u32 $0x1FFFFFF0, s7;
	s14 =	spop (v2sf)  }
0x160: {  	[tilespmem:s28], [sflag:$0x2] =	stream.linear.gather [hbm4b:s10+s1], $0x80, $0x38;
	[tilespmem:$0x10400] =	vst v63  }
0x161: {  	s15 =	sadd.s32 $0x1B80, s17;
	s2 =	sadd.s32 s3, s13;
	s5 =	sand.u32 $0x1FFFFFF0, s14  }
0x162: {  	[tilespmem:s15], [sflag:$0x1] =	stream.linear.gather [hbm4b:s2+s1], $0x80, $0x38;
	[tilespmem:$0x10400] =	vst v63  }
0x163: {  	s16 =	sadd.s32 $0x9B80, s17;
	s17 =	sadd.s32 s4, s5  }
0x164: {  	[tilespmem:s16], [sflag:$0x2] =	stream.linear.gather [hbm4b:s17+s1], $0x80, $0x38;
	[tilespmem:$0x10400] =	vst v63  }
0x165: {  	_ =	swait.ge [sflag:s11], $0x800  }
0x166: {  	[sflag:s11] =	ssyncset.done $0x0  }
0x167: {  	[sflag:s11] =	ssyncadd.s32 $0xFFFFF800  }
0x168: {  	_ =	swait.ge [sflag:s12], $0x800  }
0x169: {  	[sflag:s12] =	ssyncset.done $0x0  }
0x16a: {  	[sflag:s12] =	ssyncadd.s32 $0xFFFFF800  }
0x16b: {  	v0 =	vld [tilespmem:s18+$0x0]  }
0x16c: {  	v2 =	vld [tilespmem:s9+$0x0];
	_ =	sdelay $0x3  }
0x16d: {  	v1 =	vshll.u32 v0, $0x4  }
0x16e: {  	s19 =	smov.u32 s8;
	v63 =	vshll.u32 v2, $0x4;
	(v2sf) =	vpush v1, $0x0  }
0x16f: {  	p0 =	sne.s32 s8, $0x1A000;
	s17 =	sshra.s32 s19, $0x2;
	(v2sf) =	vpush v63, $0x0  }
0x170: {  	s8 =	sadd.s32 $0x2000, s8;
	s19 =	sadd.s32 $0x9400, s17;
	s5 =	sadd.s32 $0x1680, s17;
	(v2sf) =	vpush v1, $0x1  }
0x171: {  	s0 =	sadd.s32 $0x1880, s17;
	s22 =	sadd.s32 $0x1400, s17;
	s16 =	sadd.s32 $0x1600, s17  }
0x172: {  	s20 =	sadd.s32 $0x9900, s17;
	s7 =	sadd.s32 $0x1580, s17;
	s13 =	sadd.s32 $0x9580, s17;
	(v2sf) =	vpush v63, $0x1  }
0x173: {  	s21 =	sadd.s32 $0x9A00, s17;
	s10 =	sadd.s32 $0x1500, s17;
	s23 =	sadd.s32 $0x1A80, s17  }
0x174: {  	s15 =	sadd.s32 $0x9680, s17;
	s14 =	sadd.s32 $0x1700, s17;
	[dreg:$0xc] =	wrdreg s0;
	(v2sf) =	vpush v1, $0x2  }
0x175: {  	s24 =	sadd.s32 $0x9980, s17;
	s30 =	sadd.s32 $0x9A80, s17;
	[dreg:$0x8] =	wrdreg s20  }
0x176: {  	s2 =	sadd.s32 $0x9700, s17;
	s6 =	sadd.s32 $0x9880, s17;
	[dreg:$0x6] =	wrdreg s21;
	(v2sf) =	vpush v63, $0x2  }
0x177: {  	s25 =	sadd.s32 $0x1900, s17;
	s26 =	sadd.s32 $0x9800, s17;
	[dreg:$0x4] =	wrdreg s23  }
0x178: {  	s31 =	sadd.s32 $0x1800, s17;
	s28 =	sadd.s32 $0x9B00, s17;
	[dreg:$0xa] =	wrdreg s24;
	(v2sf) =	vpush v1, $0x3  }
0x179: {  	s29 =	sadd.s32 $0x1A00, s17;
	s11 =	sadd.s32 $0x9780, s17;
	[dreg:$0x12] =	wrdreg s6  }
0x17a: {  	s20 =	sadd.s32 $0x9480, s17;
	s0 =	sadd.s32 $0x9500, s17;
	[dreg:$0x10] =	wrdreg s25;
	(v2sf) =	vpush v63, $0x3  }
0x17b: {  	s6 =	sadd.s32 $0x1780, s17;
	[dreg:$0x14] =	wrdreg s26;
	s23 =	sadd.s32 $0x1480, s17  }
0x17c: {  	[dreg:$0xe] =	wrdreg s29;
	s21 =	sadd.s32 $0x1B00, s17;
	s12 =	sadd.s32 $0x9600, s17;
	(v2sf) =	vpush v1, $0x4  }
0x17d: {  	s18 =	sadd.s32 $0x10, s18;
	s9 =	sadd.s32 $0x10, s9;
	s29 =	spop (v2sf)  }
0x17e: {  	s24 =	sand.u32 $0x1FFFFFF0, s29;
	s29 =	sadd.s32 $0x1980, s17;
	s25 =	spop (v2sf);
	(v2sf) =	vpush v63, $0x4  }
0x17f: {  	s24 =	sadd.s32 s3, s24;
	s25 =	sand.u32 $0x1FFFFFF0, s25;
	s26 =	spop (v2sf)  }
0x180: {  	(v2sf) =	vpush v1, $0x5;
	[tilespmem:s22], [sflag:$0x1] =	stream.linear.gather [hbm4b:s24+s1], $0x80, $0x38;
	[tilespmem:$0x10400] =	vst v63  }
0x181: {  	s24 =	sadd.s32 s4, s25;
	s25 =	sand.u32 $0x1FFFFFF0, s26;
	s26 =	spop (v2sf);
	(v2sf) =	vpush v63, $0x5  }
0x182: {  	[tilespmem:s19], [sflag:$0x2] =	stream.linear.gather [hbm4b:s24+s1], $0x80, $0x38;
	[tilespmem:$0x10400] =	vst v63  }
0x183: {  	s24 =	sadd.s32 s3, s25;
	s25 =	sand.u32 $0x1FFFFFF0, s26;
	s26 =	spop (v2sf);
	(v2sf) =	vpush v1, $0x6  }
0x184: {  	[tilespmem:s23], [sflag:$0x1] =	stream.linear.gather [hbm4b:s24+s1], $0x80, $0x38;
	[tilespmem:$0x10400] =	vst v63  }
0x185: {  	s23 =	sadd.s32 s4, s25;
	s25 =	sand.u32 $0x1FFFFFF0, s26;
	s26 =	spop (v2sf);
	(v2sf) =	vpush v63, $0x6  }
0x186: {  	[tilespmem:s20], [sflag:$0x2] =	stream.linear.gather [hbm4b:s23+s1], $0x80, $0x38;
	[tilespmem:$0x10400] =	vst v63  }
0x187: {  	s22 =	sand.u32 $0x1FFFFFF0, s26;
	s20 =	sadd.s32 s3, s25;
	s23 =	spop (v2sf);
	(v2sf) =	vpush v1, $0x7  }
0x188: {  	[tilespmem:s10], [sflag:$0x1] =	stream.linear.gather [hbm4b:s20+s1], $0x80, $0x38;
	[tilespmem:$0x10400] =	vst v63  }
0x189: {  	s24 =	sadd.s32 s4, s22;
	s25 =	sand.u32 $0x1FFFFFF0, s23;
	s26 =	spop (v2sf);
	(v2sf) =	vpush v63, $0x7  }
0x18a: {  	[tilespmem:s0], [sflag:$0x2] =	stream.linear.gather [hbm4b:s24+s1], $0x80, $0x38;
	[tilespmem:$0x10400] =	vst v63  }
0x18b: {  	s19 =	sadd.s32 s3, s25;
	s22 =	sand.u32 $0x1FFFFFF0, s26;
	s23 =	spop (v2sf);
	(v2sf) =	vpush v1, $0x8  }
0x18c: {  	[tilespmem:s7], [sflag:$0x1] =	stream.linear.gather [hbm4b:s19+s1], $0x80, $0x38;
	[tilespmem:$0x10400] =	vst v63  }
0x18d: {  	s25 =	sand.u32 $0x1FFFFFF0, s23;
	s24 =	sadd.s32 s4, s22;
	s26 =	spop (v2sf)  }
0x18e: {  	[tilespmem:s13], [sflag:$0x2] =	stream.linear.gather [hbm4b:s24+s1], $0x80, $0x38;
	[tilespmem:$0x10400] =	vst v63  }
0x18f: {  	s7 =	sadd.s32 s3, s25;
	(v2sf) =	vpush v63, $0x8;
	s13 =	sand.u32 $0x1FFFFFF0, s26;
	s19 =	spop (v2sf)  }
0x190: {  	(v2sf) =	vpush v1, $0x9;
	s20 =	sadd.s32 s4, s13;
	s22 =	sand.u32 $0x1FFFFFF0, s19;
	s23 =	spop (v2sf)  }
0x191: {  	[tilespmem:s16], [sflag:$0x1] =	stream.linear.gather [hbm4b:s7+s1], $0x80, $0x38;
	[tilespmem:$0x10400] =	vst v63  }
0x192: {  	s24 =	sadd.s32 s3, s22;
	s25 =	sand.u32 $0x1FFFFFF0, s23;
	s26 =	spop (v2sf)  }
0x193: {  	(v2sf) =	vpush v63, $0x9;
	[tilespmem:s12], [sflag:$0x2] =	stream.linear.gather [hbm4b:s20+s1], $0x80, $0x38;
	[tilespmem:$0x10400] =	vst v63  }
0x194: {  	s13 =	sadd.s32 s4, s25;
	s12 =	simm.s32 $0x2;
	s19 =	spop (v2sf)  }
0x195: {  	(v2sf) =	vpush v1, $0xA;
	[tilespmem:s5], [sflag:$0x1] =	stream.linear.gather [hbm4b:s24+s1], $0x80, $0x38;
	[tilespmem:$0x10400] =	vst v63  }
0x196: {  	s16 =	sand.u32 $0x1FFFFFF0, s26;
	s22 =	sand.u32 $0x1FFFFFF0, s19;
	s23 =	spop (v2sf)  }
0x197: {  	(v2sf) =	vpush v63, $0xA;
	[tilespmem:s15], [sflag:$0x2] =	stream.linear.gather [hbm4b:s13+s1], $0x80, $0x38;
	[tilespmem:$0x10400] =	vst v63  }
0x198: {  	s20 =	sadd.s32 s3, s16;
	s24 =	sadd.s32 s4, s22;
	s26 =	spop (v2sf)  }
0x199: {  	[tilespmem:s14], [sflag:$0x1] =	stream.linear.gather [hbm4b:s20+s1], $0x80, $0x38;
	[tilespmem:$0x10400] =	vst v63  }
0x19a: {  	s25 =	sand.u32 $0x1FFFFFF0, s23;
	s13 =	sand.u32 $0x1FFFFFF0, s26;
	s14 =	spop (v2sf)  }
0x19b: {  	(v2sf) =	vpush v1, $0xB;
	[tilespmem:s2], [sflag:$0x2] =	stream.linear.gather [hbm4b:s24+s1], $0x80, $0x38;
	[tilespmem:$0x10400] =	vst v63  }
0x19c: {  	s10 =	sadd.s32 s3, s25;
	s15 =	sadd.s32 s4, s13;
	s16 =	sand.u32 $0x1FFFFFF0, s14  }
0x19d: {  	(v2sf) =	vpush v63, $0xB;
	[tilespmem:s6], [sflag:$0x1] =	stream.linear.gather [hbm4b:s10+s1], $0x80, $0x38;
	[tilespmem:$0x10400] =	vst v63  }
0x19e: {  	s20 =	sadd.s32 s3, s16;
	s16 =	rddreg [dreg:$0x12];
	s19 =	spop (v2sf)  }
0x19f: {  	(v2sf) =	vpush v1, $0xC;
	s10 =	rddreg [dreg:$0xc];
	s22 =	sand.u32 $0x1FFFFFF0, s19;
	s23 =	spop (v2sf)  }
0x1a0: {  	[tilespmem:s11], [sflag:$0x2] =	stream.linear.gather [hbm4b:s15+s1], $0x80, $0x38;
	[tilespmem:$0x10400] =	vst v63  }
0x1a1: {  	s11 =	simm.s32 $0x1;
	s24 =	sadd.s32 s4, s22;
	s25 =	sand.u32 $0x1FFFFFF0, s23  }
0x1a2: {  	s26 =	spop (v2sf);
	s23 =	rddreg [dreg:$0x10];
	s2 =	sadd.s32 s3, s25  }
0x1a3: {  	(v2sf) =	vpush v63, $0xC;
	[tilespmem:s31], [sflag:$0x1] =	stream.linear.gather [hbm4b:s20+s1], $0x80, $0x38;
	[tilespmem:$0x10400] =	vst v63  }
0x1a4: {  	s5 =	sand.u32 $0x1FFFFFF0, s26;
	s31 =	rddreg [dreg:$0x14];
	s7 =	spop (v2sf)  }
0x1a5: {  	(v2sf) =	vpush v1, $0xD;
	[tilespmem:s31], [sflag:$0x2] =	stream.linear.gather [hbm4b:s24+s1], $0x80, $0x38;
	[tilespmem:$0x10400] =	vst v63  }
0x1a6: {  	(v2sf) =	vpush v63, $0xD;
	s13 =	sadd.s32 s4, s5;
	s14 =	sand.u32 $0x1FFFFFF0, s7;
	s15 =	spop (v2sf)  }
0x1a7: {  	[tilespmem:s10], [sflag:$0x1] =	stream.linear.gather [hbm4b:s2+s1], $0x80, $0x38;
	[tilespmem:$0x10400] =	vst v63  }
0x1a8: {  	(v2sf) =	vpush v1, $0xE;
	s19 =	sadd.s32 s3, s14;
	s31 =	rddreg [dreg:$0x8];
	s20 =	sand.u32 $0x1FFFFFF0, s15  }
0x1a9: {  	[tilespmem:s16], [sflag:$0x2] =	stream.linear.gather [hbm4b:s13+s1], $0x80, $0x38;
	[tilespmem:$0x10400] =	vst v63  }
0x1aa: {  	s15 =	rddreg [dreg:$0xa];
	s22 =	spop (v2sf);
	s24 =	sadd.s32 s4, s20  }
0x1ab: {  	[tilespmem:s23], [sflag:$0x1] =	stream.linear.gather [hbm4b:s19+s1], $0x80, $0x38;
	[tilespmem:$0x10400] =	vst v63  }
0x1ac: {  	s25 =	sand.u32 $0x1FFFFFF0, s22;
	s26 =	spop (v2sf);
	s22 =	rddreg [dreg:$0xe]  }
0x1ad: {  	[tilespmem:s31], [sflag:$0x2] =	stream.linear.gather [hbm4b:s24+s1], $0x80, $0x38;
	[tilespmem:$0x10400] =	vst v63  }
0x1ae: {  	s2 =	sadd.s32 s3, s25;
	s6 =	sand.u32 $0x1FFFFFF0, s26;
	s7 =	spop (v2sf)  }
0x1af: {  	[tilespmem:s29], [sflag:$0x1] =	stream.linear.gather [hbm4b:s2+s1], $0x80, $0x38;
	[tilespmem:$0x10400] =	vst v63  }
0x1b0: {  	s26 =	rddreg [dreg:$0x6];
	s10 =	sadd.s32 s4, s6;
	s13 =	sand.u32 $0x1FFFFFF0, s7  }
0x1b1: {  	[tilespmem:s15], [sflag:$0x2] =	stream.linear.gather [hbm4b:s10+s1], $0x80, $0x38;
	[tilespmem:$0x10400] =	vst v63  }
0x1b2: {  	s16 =	sadd.s32 s3, s13;
	s31 =	rddreg [dreg:$0x4];
	s14 =	spop (v2sf)  }
0x1b3: {  	[tilespmem:s22], [sflag:$0x1] =	stream.linear.gather [hbm4b:s16+s1], $0x80, $0x38;
	[tilespmem:$0x10400] =	vst v63  }
.Ltmp0:
0x1b4: {  	s19 =	sand.u32 $0x1FFFFFF0, s14;
	s20 =	spop (v2sf);
	(pc) =	sbr.rel @p0 .LBB2_2-.Ltmp0, $4  }
0x1b5: {  	s23 =	sadd.s32 s4, s19;
	s24 =	sand.u32 $0x1FFFFFF0, s20;
	s25 =	spop (v2sf)  }
0x1b6: {  	(v2sf) =	vpush v63, $0xE;
	[tilespmem:s26], [sflag:$0x2] =	stream.linear.gather [hbm4b:s23+s1], $0x80, $0x38;
	[tilespmem:$0x10400] =	vst v63  }
0x1b7: {  	(v2sf) =	vpush v1, $0xF;
	s29 =	sadd.s32 s3, s24;
	s0 =	sand.u32 $0x1FFFFFF0, s25;
	s2 =	spop (v2sf)  }
0x1b8: {  	(v2sf) =	vpush v63, $0xF;
	[tilespmem:s31], [sflag:$0x1] =	stream.linear.gather [hbm4b:s29+s1], $0x80, $0x38;
	[tilespmem:$0x10400] =	vst v63  }
0x1b9: {  	_ =	sdelay $0x7  }
0x1ba: {  	s0 =	sadd.s32 s4, s0;
	s2 =	sand.u32 $0x1FFFFFF0, s2  }
0x1bb: {  	[tilespmem:s30], [sflag:$0x2] =	stream.linear.gather [hbm4b:s0+s1], $0x80, $0x38;
	[tilespmem:$0x10400] =	vst v63  }
0x1bc: {  	s15 =	sadd.s32 s3, s2  }
0x1bd: {  	[tilespmem:s21], [sflag:$0x1] =	stream.linear.gather [hbm4b:s15+s1], $0x80, $0x38;
	[tilespmem:$0x10400] =	vst v63  }
0x1be: {  	s5 =	spop (v2sf)  }
0x1bf: {  	s16 =	sand.u32 $0x1FFFFFF0, s5;
	s18 =	spop (v2sf)  }
0x1c0: {  	s19 =	sadd.s32 s4, s16;
	s20 =	sand.u32 $0x1FFFFFF0, s18;
	s21 =	spop (v2sf)  }
0x1c1: {  	[tilespmem:s28], [sflag:$0x2] =	stream.linear.gather [hbm4b:s19+s1], $0x80, $0x38;
	[tilespmem:$0x10400] =	vst v63  }
0x1c2: {  	s22 =	sadd.s32 $0x1B80, s17;
	s2 =	sadd.s32 s3, s20;
	s5 =	sand.u32 $0x1FFFFFF0, s21  }
0x1c3: {  	[tilespmem:s22], [sflag:$0x1] =	stream.linear.gather [hbm4b:s2+s1], $0x80, $0x38;
	[tilespmem:$0x10400] =	vst v63  }
0x1c4: {  	s23 =	sadd.s32 $0x9B80, s17;
	s24 =	sadd.s32 s4, s5  }
0x1c5: {  	[tilespmem:s23], [sflag:$0x2] =	stream.linear.gather [hbm4b:s24+s1], $0x80, $0x38;
	[tilespmem:$0x10400] =	vst v63  }
0x1c6: {  	_ =	swait.ge [sflag:s11], $0x800  }
0x1c7: {  	[sflag:s11] =	ssyncset.done $0x0  }
0x1c8: {  	[sflag:s11] =	ssyncadd.s32 $0xFFFFF800  }
0x1c9: {  	_ =	swait.ge [sflag:s12], $0x800  }
0x1ca: {  	[sflag:s12] =	ssyncset.done $0x0  }
0x1cb: {  	[sflag:s12] =	ssyncadd.s32 $0xFFFFF800  }
0x1cc: {  	_ =	swait.ge [sflag:s11], $0x800  }
0x1cd: {  	[sflag:s11] =	ssyncset.done $0x0  }
0x1ce: {  	[sflag:s11] =	ssyncadd.s32 $0xFFFFF800  }
0x1cf: {  	_ =	swait.ge [sflag:s12], $0x800  }
0x1d0: {  	[sflag:s12] =	ssyncset.done $0x0  }
0x1d1: {  	[sflag:s12] =	ssyncadd.s32 $0xFFFFF800  }
0x1d2: {  	_ =	swait.ge [sflag:s11], $0x800  }
0x1d3: {  	[sflag:s11] =	ssyncset.done $0x0  }
0x1d4: {  	[sflag:s11] =	ssyncadd.s32 $0xFFFFF800  }
0x1d5: {  	_ =	swait.ge [sflag:s12], $0x800  }
0x1d6: {  	s8 =	simm.s32 $0x0;
	s26 =	simm.s32 $0x400;
	[sflag:s12] =	ssyncset.done $0x0  }
0x1d7: {  	s29 =	simm.s32 $0x3;
	s25 =	rddreg [dreg:$0x18];
	[sflag:s12] =	ssyncadd.s32 $0xFFFFF800  }
0x1d8: {  	[hbm4b:s25+s8] =	stream.linear.scatter [tilespmem:s26], [sflag:$0x3], $0x8000, $0x38;
	[tilespmem:$0x10400] =	vst v63  }
0x1d9: {  	_ =	swait.ge [sflag:s29], $0x8000  }
0x1da: {  	[sflag:s29] =	ssyncset.done $0x0  }
0x1db: {  	s6 =	simm.s32 $0x8400;
	s31 =	rddreg [dreg:$0x19];
	[sflag:s29] =	ssyncadd.s32 $0xFFFF8000  }
0x1dc: {  	[hbm4b:s31+s8] =	stream.linear.scatter [tilespmem:s6], [sflag:$0x3], $0x8000, $0x38;
	[tilespmem:$0x10400] =	vst v63  }
0x1dd: {  	_ =	swait.ge [sflag:s29], $0x8000  }
0x1de: {  	[sflag:s29] =	ssyncset.done $0x0  }
0x1df: {  	[sflag:s29] =	ssyncadd.s32 $0xFFFF8000  }
0x1e0: {  	v0 =	vld [tilespmem:$0x100];
	_ =	sdelay $0x1  }
0x1e1: {  	v2 =	vld [tilespmem:$0x300];
	_ =	sdelay $0x2  }
0x1e2: {  	v1 =	vshll.u32 v0, $0x4  }
0x1e3: {  	(v2sf) =	vpush v1, $0x0  }
0x1e4: {  	v55 =	vshll.u32 v2, $0x4  }
0x1e5: {  	(v2sf) =	vpush v55, $0x0;
	_ =	sdelay $0x4  }
0x1e6: {  	(v2sf) =	vpush v1, $0x1;
	_ =	sdelay $0x1  }
0x1e7: {  	(v2sf) =	vpush v55, $0x1  }
0x1e8: {  	(v2sf) =	vpush v1, $0x2;
	_ =	sdelay $0x4  }
0x1e9: {  	s2 =	spop (v2sf);
	(v2sf) =	vpush v55, $0x2  }
0x1ea: {  	s0 =	sand.u32 $0x1FFFFFF0, s2  }
0x1eb: {  	s5 =	spop (v2sf);
	(v2sf) =	vpush v1, $0x3;
	s0 =	sadd.s32 s3, s0  }
0x1ec: {  	[tilespmem:s26], [sflag:$0x1] =	stream.linear.gather [hbm4b:s0+s8], $0x80, $0x38;
	[tilespmem:$0x10400] =	vst v63  }
0x1ed: {  	s0 =	sand.u32 $0x1FFFFFF0, s5  }
0x1ee: {  	s0 =	sadd.s32 s4, s0  }
0x1ef: {  	[tilespmem:s6], [sflag:$0x2] =	stream.linear.gather [hbm4b:s0+s8], $0x80, $0x38;
	[tilespmem:$0x10400] =	vst v63  }
0x1f0: {  	s6 =	spop (v2sf);
	(v2sf) =	vpush v55, $0x3;
	_ =	sdelay $0x1  }
0x1f1: {  	s9 =	spop (v2sf)  }
0x1f2: {  	s13 =	spop (v2sf);
	(v2sf) =	vpush v1, $0x4;
	_ =	sdelay $0x4  }
0x1f3: {  	s15 =	spop (v2sf);
	(v2sf) =	vpush v55, $0x4  }
0x1f4: {  	s0 =	sand.u32 $0x1FFFFFF0, s6  }
0x1f5: {  	s7 =	simm.s32 $0x480;
	s0 =	sadd.s32 s3, s0;
	s17 =	spop (v2sf);
	(v2sf) =	vpush v1, $0x5  }
0x1f6: {  	[tilespmem:s7], [sflag:$0x1] =	stream.linear.gather [hbm4b:s0+s8], $0x80, $0x38;
	[tilespmem:$0x10400] =	vst v63  }
0x1f7: {  	s0 =	sand.u32 $0x1FFFFFF0, s9  }
0x1f8: {  	s10 =	simm.s32 $0x8480;
	s0 =	sadd.s32 s4, s0  }
0x1f9: {  	[tilespmem:s10], [sflag:$0x2] =	stream.linear.gather [hbm4b:s0+s8], $0x80, $0x38;
	[tilespmem:$0x10400] =	vst v63  }
0x1fa: {  	s0 =	sand.u32 $0x1FFFFFF0, s13;
	s19 =	spop (v2sf);
	(v2sf) =	vpush v55, $0x5  }
0x1fb: {  	s14 =	simm.s32 $0x500;
	s0 =	sadd.s32 s3, s0  }
0x1fc: {  	[tilespmem:s14], [sflag:$0x1] =	stream.linear.gather [hbm4b:s0+s8], $0x80, $0x38;
	[tilespmem:$0x10400] =	vst v63  }
0x1fd: {  	s21 =	spop (v2sf);
	(v2sf) =	vpush v1, $0x6  }
0x1fe: {  	s0 =	sand.u32 $0x1FFFFFF0, s15  }
0x1ff: {  	s16 =	simm.s32 $0x8500;
	s0 =	sadd.s32 s4, s0  }
0x200: {  	[tilespmem:s16], [sflag:$0x2] =	stream.linear.gather [hbm4b:s0+s8], $0x80, $0x38;
	[tilespmem:$0x10400] =	vst v63  }
0x201: {  	s0 =	sand.u32 $0x1FFFFFF0, s17  }
0x202: {  	s18 =	simm.s32 $0x580;
	s0 =	sadd.s32 s3, s0;
	s23 =	spop (v2sf);
	(v2sf) =	vpush v55, $0x6  }
0x203: {  	[tilespmem:s18], [sflag:$0x1] =	stream.linear.gather [hbm4b:s0+s8], $0x80, $0x38;
	[tilespmem:$0x10400] =	vst v63  }
0x204: {  	s25 =	spop (v2sf);
	(v2sf) =	vpush v1, $0x7  }
0x205: {  	s0 =	sand.u32 $0x1FFFFFF0, s19  }
0x206: {  	s20 =	simm.s32 $0x8580;
	s0 =	sadd.s32 s4, s0  }
0x207: {  	[tilespmem:s20], [sflag:$0x2] =	stream.linear.gather [hbm4b:s0+s8], $0x80, $0x38;
	[tilespmem:$0x10400] =	vst v63  }
0x208: {  	s0 =	sand.u32 $0x1FFFFFF0, s21  }
0x209: {  	s22 =	simm.s32 $0x600;
	s0 =	sadd.s32 s3, s0;
	s29 =	spop (v2sf);
	(v2sf) =	vpush v55, $0x7  }
0x20a: {  	[tilespmem:s22], [sflag:$0x1] =	stream.linear.gather [hbm4b:s0+s8], $0x80, $0x38;
	[tilespmem:$0x10400] =	vst v63  }
0x20b: {  	s0 =	sand.u32 $0x1FFFFFF0, s23  }
0x20c: {  	s24 =	simm.s32 $0x8600;
	s0 =	sadd.s32 s4, s0;
	s2 =	spop (v2sf);
	(v2sf) =	vpush v1, $0x8  }
0x20d: {  	[tilespmem:s24], [sflag:$0x2] =	stream.linear.gather [hbm4b:s0+s8], $0x80, $0x38;
	[tilespmem:$0x10400] =	vst v63  }
0x20e: {  	s0 =	sand.u32 $0x1FFFFFF0, s25  }
0x20f: {  	s26 =	simm.s32 $0x680;
	s0 =	sadd.s32 s3, s0  }
0x210: {  	[tilespmem:s26], [sflag:$0x1] =	stream.linear.gather [hbm4b:s0+s8], $0x80, $0x38;
	[tilespmem:$0x10400] =	vst v63  }
0x211: {  	s6 =	spop (v2sf);
	(v2sf) =	vpush v55, $0x8  }
0x212: {  	s0 =	sand.u32 $0x1FFFFFF0, s29  }
0x213: {  	s31 =	simm.s32 $0x8680;
	s0 =	sadd.s32 s4, s0;
	s9 =	spop (v2sf);
	(v2sf) =	vpush v1, $0x9  }
0x214: {  	[tilespmem:s31], [sflag:$0x2] =	stream.linear.gather [hbm4b:s0+s8], $0x80, $0x38;
	[tilespmem:$0x10400] =	vst v63  }
0x215: {  	s0 =	sand.u32 $0x1FFFFFF0, s2  }
0x216: {  	s5 =	simm.s32 $0x700;
	s0 =	sadd.s32 s3, s0  }
0x217: {  	[tilespmem:s5], [sflag:$0x1] =	stream.linear.gather [hbm4b:s0+s8], $0x80, $0x38;
	[tilespmem:$0x10400] =	vst v63  }
0x218: {  	s0 =	sand.u32 $0x1FFFFFF0, s6;
	s13 =	spop (v2sf);
	(v2sf) =	vpush v55, $0x9  }
0x219: {  	s7 =	simm.s32 $0x8700;
	s0 =	sadd.s32 s4, s0  }
0x21a: {  	[tilespmem:s7], [sflag:$0x2] =	stream.linear.gather [hbm4b:s0+s8], $0x80, $0x38;
	[tilespmem:$0x10400] =	vst v63  }
0x21b: {  	s15 =	spop (v2sf);
	(v2sf) =	vpush v1, $0xA  }
0x21c: {  	s0 =	sand.u32 $0x1FFFFFF0, s9  }
0x21d: {  	s10 =	simm.s32 $0x780;
	s0 =	sadd.s32 s3, s0  }
0x21e: {  	[tilespmem:s10], [sflag:$0x1] =	stream.linear.gather [hbm4b:s0+s8], $0x80, $0x38;
	[tilespmem:$0x10400] =	vst v63  }
0x21f: {  	s0 =	sand.u32 $0x1FFFFFF0, s13  }
0x220: {  	s14 =	simm.s32 $0x8780;
	s0 =	sadd.s32 s4, s0;
	s17 =	spop (v2sf);
	(v2sf) =	vpush v55, $0xA  }
0x221: {  	[tilespmem:s14], [sflag:$0x2] =	stream.linear.gather [hbm4b:s0+s8], $0x80, $0x38;
	[tilespmem:$0x10400] =	vst v63  }
0x222: {  	s19 =	spop (v2sf);
	(v2sf) =	vpush v1, $0xB  }
0x223: {  	s0 =	sand.u32 $0x1FFFFFF0, s15  }
0x224: {  	s16 =	simm.s32 $0x800;
	s0 =	sadd.s32 s3, s0  }
0x225: {  	[tilespmem:s16], [sflag:$0x1] =	stream.linear.gather [hbm4b:s0+s8], $0x80, $0x38;
	[tilespmem:$0x10400] =	vst v63  }
0x226: {  	s0 =	sand.u32 $0x1FFFFFF0, s17  }
0x227: {  	s18 =	simm.s32 $0x8800;
	s0 =	sadd.s32 s4, s0;
	s21 =	spop (v2sf);
	(v2sf) =	vpush v55, $0xB  }
0x228: {  	[tilespmem:s18], [sflag:$0x2] =	stream.linear.gather [hbm4b:s0+s8], $0x80, $0x38;
	[tilespmem:$0x10400] =	vst v63  }
0x229: {  	s0 =	sand.u32 $0x1FFFFFF0, s19  }
0x22a: {  	s20 =	simm.s32 $0x880;
	s0 =	sadd.s32 s3, s0;
	s23 =	spop (v2sf);
	(v2sf) =	vpush v1, $0xC  }
0x22b: {  	[tilespmem:s20], [sflag:$0x1] =	stream.linear.gather [hbm4b:s0+s8], $0x80, $0x38;
	[tilespmem:$0x10400] =	vst v63  }
0x22c: {  	s0 =	sand.u32 $0x1FFFFFF0, s21  }
0x22d: {  	s22 =	simm.s32 $0x8880;
	s0 =	sadd.s32 s4, s0  }
0x22e: {  	[tilespmem:s22], [sflag:$0x2] =	stream.linear.gather [hbm4b:s0+s8], $0x80, $0x38;
	[tilespmem:$0x10400] =	vst v63  }
0x22f: {  	s25 =	spop (v2sf);
	(v2sf) =	vpush v55, $0xC  }
0x230: {  	s0 =	sand.u32 $0x1FFFFFF0, s23  }
0x231: {  	s24 =	simm.s32 $0x900;
	s0 =	sadd.s32 s3, s0;
	s29 =	spop (v2sf);
	(v2sf) =	vpush v1, $0xD  }
0x232: {  	[tilespmem:s24], [sflag:$0x1] =	stream.linear.gather [hbm4b:s0+s8], $0x80, $0x38;
	[tilespmem:$0x10400] =	vst v63  }
0x233: {  	s0 =	sand.u32 $0x1FFFFFF0, s25  }
0x234: {  	s26 =	simm.s32 $0x8900;
	s0 =	sadd.s32 s4, s0  }
0x235: {  	[tilespmem:s26], [sflag:$0x2] =	stream.linear.gather [hbm4b:s0+s8], $0x80, $0x38;
	[tilespmem:$0x10400] =	vst v63  }
0x236: {  	s0 =	sand.u32 $0x1FFFFFF0, s29;
	s2 =	spop (v2sf);
	(v2sf) =	vpush v55, $0xD  }
0x237: {  	s31 =	simm.s32 $0x980;
	s0 =	sadd.s32 s3, s0  }
0x238: {  	[tilespmem:s31], [sflag:$0x1] =	stream.linear.gather [hbm4b:s0+s8], $0x80, $0x38;
	[tilespmem:$0x10400] =	vst v63  }
0x239: {  	s6 =	spop (v2sf);
	(v2sf) =	vpush v1, $0xE  }
0x23a: {  	s0 =	sand.u32 $0x1FFFFFF0, s2  }
0x23b: {  	s5 =	simm.s32 $0x8980;
	s0 =	sadd.s32 s4, s0  }
0x23c: {  	[tilespmem:s5], [sflag:$0x2] =	stream.linear.gather [hbm4b:s0+s8], $0x80, $0x38;
	[tilespmem:$0x10400] =	vst v63  }
0x23d: {  	s0 =	sand.u32 $0x1FFFFFF0, s6  }
0x23e: {  	s7 =	simm.s32 $0xA00;
	s0 =	sadd.s32 s3, s0;
	s9 =	spop (v2sf);
	(v2sf) =	vpush v55, $0xE  }
0x23f: {  	[tilespmem:s7], [sflag:$0x1] =	stream.linear.gather [hbm4b:s0+s8], $0x80, $0x38;
	[tilespmem:$0x10400] =	vst v63  }
0x240: {  	s13 =	spop (v2sf);
	(v2sf) =	vpush v1, $0xF  }
0x241: {  	s0 =	sand.u32 $0x1FFFFFF0, s9  }
0x242: {  	s10 =	simm.s32 $0x8A00;
	s0 =	sadd.s32 s4, s0  }
0x243: {  	[tilespmem:s10], [sflag:$0x2] =	stream.linear.gather [hbm4b:s0+s8], $0x80, $0x38;
	[tilespmem:$0x10400] =	vst v63  }
0x244: {  	s0 =	sand.u32 $0x1FFFFFF0, s13  }
0x245: {  	s14 =	simm.s32 $0xA80;
	s0 =	sadd.s32 s3, s0;
	s15 =	spop (v2sf);
	(v2sf) =	vpush v55, $0xF  }
0x246: {  	[tilespmem:s14], [sflag:$0x1] =	stream.linear.gather [hbm4b:s0+s8], $0x80, $0x38;
	[tilespmem:$0x10400] =	vst v63  }
0x247: {  	s0 =	sand.u32 $0x1FFFFFF0, s15  }
0x248: {  	s16 =	simm.s32 $0x8A80;
	s0 =	sadd.s32 s4, s0;
	s17 =	spop (v2sf)  }
0x249: {  	[tilespmem:s16], [sflag:$0x2] =	stream.linear.gather [hbm4b:s0+s8], $0x80, $0x38;
	[tilespmem:$0x10400] =	vst v63  }
0x24a: {  	s0 =	sand.u32 $0x1FFFFFF0, s17  }
0x24b: {  	s18 =	simm.s32 $0xB00;
	s0 =	sadd.s32 s3, s0  }
0x24c: {  	[tilespmem:s18], [sflag:$0x1] =	stream.linear.gather [hbm4b:s0+s8], $0x80, $0x38;
	[tilespmem:$0x10400] =	vst v63  }
0x24d: {  	s19 =	spop (v2sf)  }
0x24e: {  	s0 =	sand.u32 $0x1FFFFFF0, s19  }
0x24f: {  	s20 =	simm.s32 $0x8B00;
	s21 =	spop (v2sf);
	s0 =	sadd.s32 s4, s0  }
0x250: {  	[tilespmem:s20], [sflag:$0x2] =	stream.linear.gather [hbm4b:s0+s8], $0x80, $0x38;
	[tilespmem:$0x10400] =	vst v63  }
0x251: {  	s0 =	sand.u32 $0x1FFFFFF0, s21  }
0x252: {  	s22 =	simm.s32 $0xB80;
	s0 =	sadd.s32 s3, s0  }
0x253: {  	[tilespmem:s22], [sflag:$0x1] =	stream.linear.gather [hbm4b:s0+s8], $0x80, $0x38;
	[tilespmem:$0x10400] =	vst v63  }
0x254: {  	s23 =	spop (v2sf)  }
0x255: {  	s0 =	sand.u32 $0x1FFFFFF0, s23  }
0x256: {  	s24 =	simm.s32 $0x8B80;
	s0 =	sadd.s32 s4, s0  }
0x257: {  	[tilespmem:s24], [sflag:$0x2] =	stream.linear.gather [hbm4b:s0+s8], $0x80, $0x38;
	[tilespmem:$0x10400] =	vst v63  }
0x258: {  	v56 =	vld [tilespmem:$0x110];
	_ =	sdelay $0x1  }
0x259: {  	v57 =	vld [tilespmem:$0x310];
	_ =	sdelay $0x2  }
0x25a: {  	v58 =	vshll.u32 v56, $0x4  }
0x25b: {  	(v2sf) =	vpush v58, $0x0  }
0x25c: {  	v59 =	vshll.u32 v57, $0x4  }
0x25d: {  	(v2sf) =	vpush v59, $0x0;
	_ =	sdelay $0x1  }
0x25e: {  	(v2sf) =	vpush v58, $0x1;
	_ =	sdelay $0x2  }
0x25f: {  	(v2sf) =	vpush v59, $0x1;
	_ =	sdelay $0x7  }
0x260: {  	s25 =	spop (v2sf);
	(v2sf) =	vpush v58, $0x2;
	_ =	sdelay $0x1  }
0x261: {  	s29 =	spop (v2sf);
	(v2sf) =	vpush v59, $0x2;
	_ =	sdelay $0x1  }
0x262: {  	s2 =	spop (v2sf);
	(v2sf) =	vpush v58, $0x3;
	_ =	sdelay $0x2  }
0x263: {  	s6 =	spop (v2sf);
	(v2sf) =	vpush v59, $0x3;
	_ =	sdelay $0x4  }
0x264: {  	s0 =	sand.u32 $0x1FFFFFF0, s25  }
0x265: {  	s26 =	simm.s32 $0xC00;
	s0 =	sadd.s32 s3, s0  }
0x266: {  	[tilespmem:s26], [sflag:$0x1] =	stream.linear.gather [hbm4b:s0+s8], $0x80, $0x38;
	[tilespmem:$0x10400] =	vst v63  }
0x267: {  	s9 =	spop (v2sf);
	(v2sf) =	vpush v58, $0x4  }
0x268: {  	s0 =	sand.u32 $0x1FFFFFF0, s29  }
0x269: {  	s31 =	simm.s32 $0x8C00;
	s0 =	sadd.s32 s4, s0;
	s13 =	spop (v2sf);
	(v2sf) =	vpush v59, $0x4  }
0x26a: {  	[tilespmem:s31], [sflag:$0x2] =	stream.linear.gather [hbm4b:s0+s8], $0x80, $0x38;
	[tilespmem:$0x10400] =	vst v63  }
0x26b: {  	s0 =	sand.u32 $0x1FFFFFF0, s2;
	s15 =	spop (v2sf);
	(v2sf) =	vpush v58, $0x5  }
0x26c: {  	s5 =	simm.s32 $0xC80;
	s0 =	sadd.s32 s3, s0  }
0x26d: {  	[tilespmem:s5], [sflag:$0x1] =	stream.linear.gather [hbm4b:s0+s8], $0x80, $0x38;
	[tilespmem:$0x10400] =	vst v63  }
0x26e: {  	s17 =	spop (v2sf);
	(v2sf) =	vpush v59, $0x5  }
0x26f: {  	s0 =	sand.u32 $0x1FFFFFF0, s6  }
0x270: {  	s7 =	simm.s32 $0x8C80;
	s0 =	sadd.s32 s4, s0  }
0x271: {  	[tilespmem:s7], [sflag:$0x2] =	stream.linear.gather [hbm4b:s0+s8], $0x80, $0x38;
	[tilespmem:$0x10400] =	vst v63  }
0x272: {  	s0 =	sand.u32 $0x1FFFFFF0, s9  }
0x273: {  	s10 =	simm.s32 $0xD00;
	s0 =	sadd.s32 s3, s0  }
0x274: {  	[tilespmem:s10], [sflag:$0x1] =	stream.linear.gather [hbm4b:s0+s8], $0x80, $0x38;
	[tilespmem:$0x10400] =	vst v63  }
0x275: {  	s0 =	sand.u32 $0x1FFFFFF0, s13  }
0x276: {  	s14 =	simm.s32 $0x8D00;
	s0 =	sadd.s32 s4, s0;
	s19 =	spop (v2sf);
	(v2sf) =	vpush v58, $0x6  }
0x277: {  	[tilespmem:s14], [sflag:$0x2] =	stream.linear.gather [hbm4b:s0+s8], $0x80, $0x38;
	[tilespmem:$0x10400] =	vst v63  }
0x278: {  	s21 =	spop (v2sf);
	(v2sf) =	vpush v59, $0x6  }
0x279: {  	s0 =	sand.u32 $0x1FFFFFF0, s15  }
0x27a: {  	s16 =	simm.s32 $0xD80;
	s0 =	sadd.s32 s3, s0;
	s23 =	spop (v2sf);
	(v2sf) =	vpush v58, $0x7  }
0x27b: {  	[tilespmem:s16], [sflag:$0x1] =	stream.linear.gather [hbm4b:s0+s8], $0x80, $0x38;
	[tilespmem:$0x10400] =	vst v63  }
0x27c: {  	s0 =	sand.u32 $0x1FFFFFF0, s17  }
0x27d: {  	s18 =	simm.s32 $0x8D80;
	s0 =	sadd.s32 s4, s0;
	s25 =	spop (v2sf);
	(v2sf) =	vpush v59, $0x7  }
0x27e: {  	[tilespmem:s18], [sflag:$0x2] =	stream.linear.gather [hbm4b:s0+s8], $0x80, $0x38;
	[tilespmem:$0x10400] =	vst v63  }
0x27f: {  	s0 =	sand.u32 $0x1FFFFFF0, s19  }
0x280: {  	s20 =	simm.s32 $0xE00;
	s0 =	sadd.s32 s3, s0  }
0x281: {  	[tilespmem:s20], [sflag:$0x1] =	stream.linear.gather [hbm4b:s0+s8], $0x80, $0x38;
	[tilespmem:$0x10400] =	vst v63  }
0x282: {  	s0 =	sand.u32 $0x1FFFFFF0, s21  }
0x283: {  	s22 =	simm.s32 $0x8E00;
	s0 =	sadd.s32 s4, s0  }
0x284: {  	[tilespmem:s22], [sflag:$0x2] =	stream.linear.gather [hbm4b:s0+s8], $0x80, $0x38;
	[tilespmem:$0x10400] =	vst v63  }
0x285: {  	s29 =	spop (v2sf);
	(v2sf) =	vpush v58, $0x8  }
0x286: {  	s0 =	sand.u32 $0x1FFFFFF0, s23  }
0x287: {  	s24 =	simm.s32 $0xE80;
	s0 =	sadd.s32 s3, s0;
	s2 =	spop (v2sf);
	(v2sf) =	vpush v59, $0x8  }
0x288: {  	[tilespmem:s24], [sflag:$0x1] =	stream.linear.gather [hbm4b:s0+s8], $0x80, $0x38;
	[tilespmem:$0x10400] =	vst v63  }
0x289: {  	s0 =	sand.u32 $0x1FFFFFF0, s25;
	s6 =	spop (v2sf);
	(v2sf) =	vpush v58, $0x9  }
0x28a: {  	s26 =	simm.s32 $0x8E80;
	s0 =	sadd.s32 s4, s0  }
0x28b: {  	[tilespmem:s26], [sflag:$0x2] =	stream.linear.gather [hbm4b:s0+s8], $0x80, $0x38;
	[tilespmem:$0x10400] =	vst v63  }
0x28c: {  	s9 =	spop (v2sf);
	(v2sf) =	vpush v59, $0x9  }
0x28d: {  	s0 =	sand.u32 $0x1FFFFFF0, s29  }
0x28e: {  	s31 =	simm.s32 $0xF00;
	s0 =	sadd.s32 s3, s0  }
0x28f: {  	[tilespmem:s31], [sflag:$0x1] =	stream.linear.gather [hbm4b:s0+s8], $0x80, $0x38;
	[tilespmem:$0x10400] =	vst v63  }
0x290: {  	s0 =	sand.u32 $0x1FFFFFF0, s2  }
0x291: {  	s5 =	simm.s32 $0x8F00;
	s0 =	sadd.s32 s4, s0  }
0x292: {  	[tilespmem:s5], [sflag:$0x2] =	stream.linear.gather [hbm4b:s0+s8], $0x80, $0x38;
	[tilespmem:$0x10400] =	vst v63  }
0x293: {  	s0 =	sand.u32 $0x1FFFFFF0, s6  }
0x294: {  	s7 =	simm.s32 $0xF80;
	s0 =	sadd.s32 s3, s0;
	s13 =	spop (v2sf);
	(v2sf) =	vpush v58, $0xA  }
0x295: {  	[tilespmem:s7], [sflag:$0x1] =	stream.linear.gather [hbm4b:s0+s8], $0x80, $0x38;
	[tilespmem:$0x10400] =	vst v63  }
0x296: {  	s15 =	spop (v2sf);
	(v2sf) =	vpush v59, $0xA  }
0x297: {  	s0 =	sand.u32 $0x1FFFFFF0, s9  }
0x298: {  	s10 =	simm.s32 $0x8F80;
	s0 =	sadd.s32 s4, s0;
	s17 =	spop (v2sf);
	(v2sf) =	vpush v58, $0xB  }
0x299: {  	[tilespmem:s10], [sflag:$0x2] =	stream.linear.gather [hbm4b:s0+s8], $0x80, $0x38;
	[tilespmem:$0x10400] =	vst v63  }
0x29a: {  	s0 =	sand.u32 $0x1FFFFFF0, s13  }
0x29b: {  	s14 =	simm.s32 $0x1000;
	s0 =	sadd.s32 s3, s0;
	s19 =	spop (v2sf);
	(v2sf) =	vpush v59, $0xB  }
0x29c: {  	[tilespmem:s14], [sflag:$0x1] =	stream.linear.gather [hbm4b:s0+s8], $0x80, $0x38;
	[tilespmem:$0x10400] =	vst v63  }
0x29d: {  	s0 =	sand.u32 $0x1FFFFFF0, s15  }
0x29e: {  	s16 =	simm.s32 $0x9000;
	s0 =	sadd.s32 s4, s0  }
0x29f: {  	[tilespmem:s16], [sflag:$0x2] =	stream.linear.gather [hbm4b:s0+s8], $0x80, $0x38;
	[tilespmem:$0x10400] =	vst v63  }
0x2a0: {  	s0 =	sand.u32 $0x1FFFFFF0, s17  }
0x2a1: {  	s18 =	simm.s32 $0x1080;
	s0 =	sadd.s32 s3, s0  }
0x2a2: {  	[tilespmem:s18], [sflag:$0x1] =	stream.linear.gather [hbm4b:s0+s8], $0x80, $0x38;
	[tilespmem:$0x10400] =	vst v63  }
0x2a3: {  	s21 =	spop (v2sf);
	(v2sf) =	vpush v58, $0xC  }
0x2a4: {  	s0 =	sand.u32 $0x1FFFFFF0, s19  }
0x2a5: {  	s20 =	simm.s32 $0x9080;
	s0 =	sadd.s32 s4, s0;
	s23 =	spop (v2sf);
	(v2sf) =	vpush v59, $0xC  }
0x2a6: {  	[tilespmem:s20], [sflag:$0x2] =	stream.linear.gather [hbm4b:s0+s8], $0x80, $0x38;
	[tilespmem:$0x10400] =	vst v63  }
0x2a7: {  	s0 =	sand.u32 $0x1FFFFFF0, s21;
	s25 =	spop (v2sf);
	(v2sf) =	vpush v58, $0xD  }
0x2a8: {  	s22 =	simm.s32 $0x1100;
	s0 =	sadd.s32 s3, s0  }
0x2a9: {  	[tilespmem:s22], [sflag:$0x1] =	stream.linear.gather [hbm4b:s0+s8], $0x80, $0x38;
	[tilespmem:$0x10400] =	vst v63  }
0x2aa: {  	s29 =	spop (v2sf);
	(v2sf) =	vpush v59, $0xD  }
0x2ab: {  	s0 =	sand.u32 $0x1FFFFFF0, s23  }
0x2ac: {  	s24 =	simm.s32 $0x9100;
	s0 =	sadd.s32 s4, s0  }
0x2ad: {  	[tilespmem:s24], [sflag:$0x2] =	stream.linear.gather [hbm4b:s0+s8], $0x80, $0x38;
	[tilespmem:$0x10400] =	vst v63  }
0x2ae: {  	s0 =	sand.u32 $0x1FFFFFF0, s25  }
0x2af: {  	s26 =	simm.s32 $0x1180;
	s0 =	sadd.s32 s3, s0  }
0x2b0: {  	[tilespmem:s26], [sflag:$0x1] =	stream.linear.gather [hbm4b:s0+s8], $0x80, $0x38;
	[tilespmem:$0x10400] =	vst v63  }
0x2b1: {  	s0 =	sand.u32 $0x1FFFFFF0, s29  }
0x2b2: {  	s31 =	simm.s32 $0x9180;
	s0 =	sadd.s32 s4, s0;
	s2 =	spop (v2sf);
	(v2sf) =	vpush v58, $0xE  }
0x2b3: {  	[tilespmem:s31], [sflag:$0x2] =	stream.linear.gather [hbm4b:s0+s8], $0x80, $0x38;
	[tilespmem:$0x10400] =	vst v63  }
0x2b4: {  	s6 =	spop (v2sf);
	(v2sf) =	vpush v59, $0xE  }
0x2b5: {  	s0 =	sand.u32 $0x1FFFFFF0, s2  }
0x2b6: {  	s5 =	simm.s32 $0x1200;
	s0 =	sadd.s32 s3, s0;
	s9 =	spop (v2sf)  }
0x2b7: {  	(v2sf) =	vpush v58, $0xF;
	[tilespmem:s5], [sflag:$0x1] =	stream.linear.gather [hbm4b:s0+s8], $0x80, $0x38;
	[tilespmem:$0x10400] =	vst v63  }
0x2b8: {  	s0 =	sand.u32 $0x1FFFFFF0, s6  }
0x2b9: {  	s7 =	simm.s32 $0x9200;
	s13 =	spop (v2sf);
	s0 =	sadd.s32 s4, s0  }
0x2ba: {  	(v2sf) =	vpush v59, $0xF;
	[tilespmem:s7], [sflag:$0x2] =	stream.linear.gather [hbm4b:s0+s8], $0x80, $0x38;
	[tilespmem:$0x10400] =	vst v63  }
0x2bb: {  	s0 =	sand.u32 $0x1FFFFFF0, s9  }
0x2bc: {  	s10 =	simm.s32 $0x1280;
	s0 =	sadd.s32 s3, s0  }
0x2bd: {  	[tilespmem:s10], [sflag:$0x1] =	stream.linear.gather [hbm4b:s0+s8], $0x80, $0x38;
	[tilespmem:$0x10400] =	vst v63  }
0x2be: {  	s0 =	sand.u32 $0x1FFFFFF0, s13  }
0x2bf: {  	s14 =	simm.s32 $0x9280;
	s0 =	sadd.s32 s4, s0  }
0x2c0: {  	[tilespmem:s14], [sflag:$0x2] =	stream.linear.gather [hbm4b:s0+s8], $0x80, $0x38;
	[tilespmem:$0x10400] =	vst v63  }
0x2c1: {  	s15 =	spop (v2sf)  }
0x2c2: {  	s0 =	sand.u32 $0x1FFFFFF0, s15  }
0x2c3: {  	s16 =	simm.s32 $0x1300;
	s17 =	spop (v2sf);
	s0 =	sadd.s32 s3, s0  }
0x2c4: {  	[tilespmem:s16], [sflag:$0x1] =	stream.linear.gather [hbm4b:s0+s8], $0x80, $0x38;
	[tilespmem:$0x10400] =	vst v63  }
0x2c5: {  	s0 =	sand.u32 $0x1FFFFFF0, s17  }
0x2c6: {  	s18 =	simm.s32 $0x9300;
	s19 =	spop (v2sf);
	s0 =	sadd.s32 s4, s0  }
0x2c7: {  	[tilespmem:s18], [sflag:$0x2] =	stream.linear.gather [hbm4b:s0+s8], $0x80, $0x38;
	[tilespmem:$0x10400] =	vst v63  }
0x2c8: {  	s0 =	sand.u32 $0x1FFFFFF0, s19  }
0x2c9: {  	s20 =	simm.s32 $0x1380;
	s21 =	spop (v2sf);
	s0 =	sadd.s32 s3, s0  }
0x2ca: {  	[tilespmem:s20], [sflag:$0x1] =	stream.linear.gather [hbm4b:s0+s8], $0x80, $0x38;
	[tilespmem:$0x10400] =	vst v63  }
0x2cb: {  	s0 =	sand.u32 $0x1FFFFFF0, s21  }
0x2cc: {  	s22 =	simm.s32 $0x9380;
	s23 =	simm.s32 $0x120;
	s0 =	sadd.s32 s4, s0  }
0x2cd: {  	[tilespmem:s22], [sflag:$0x2] =	stream.linear.gather [hbm4b:s0+s8], $0x80, $0x38;
	[tilespmem:$0x10400] =	vst v63  }
0x2ce: {  	s24 =	simm.s32 $0x320;
	v60 =	vld [tilespmem:s23+$0x0]  }
0x2cf: {  	v61 =	vld [tilespmem:s24+$0x0];
	_ =	sdelay $0x3  }
0x2d0: {  	v62 =	vshll.u32 v60, $0x4  }
0x2d1: {  	v63 =	vshll.u32 v61, $0x4;
	(v2sf) =	vpush v62, $0x0  }
0x2d2: {  	(v2sf) =	vpush v63, $0x0  }
0x2d3: {  	(v2sf) =	vpush v62, $0x1;
	_ =	sdelay $0x1  }
0x2d4: {  	(v2sf) =	vpush v63, $0x1  }
0x2d5: {  	(v2sf) =	vpush v62, $0x2;
	_ =	sdelay $0x1  }
0x2d6: {  	(v2sf) =	vpush v63, $0x2;
	_ =	sdelay $0x1  }
0x2d7: {  	(v2sf) =	vpush v62, $0x3;
	_ =	sdelay $0x1  }
0x2d8: {  	s30 =	simm.s32 $0x9B00;
	(v2sf) =	vpush v63, $0x3  }
0x2d9: {  	s28 =	simm.s32 $0x9A80;
	s25 =	simm.s32 $0x9400;
	s2 =	simm.s32 $0x9A00  }
0x2da: {  	s6 =	simm.s32 $0x1680;
	s7 =	simm.s32 $0x1400;
	s15 =	simm.s32 $0x9480  }
0x2db: {  	s17 =	simm.s32 $0x0;
	s18 =	simm.s32 $0x1500;
	s21 =	simm.s32 $0x9500  }
0x2dc: {  	s8 =	simm.s32 $0x2000;
	s0 =	simm.s32 $0x1880;
	s26 =	spop (v2sf)  }
0x2dd: {  	s24 =	simm.s32 $0x1580;
	s5 =	sand.u32 $0x1FFFFFF0, s26;
	s9 =	spop (v2sf)  }
0x2de: {  	(v2sf) =	vpush v62, $0x4;
	s26 =	simm.s32 $0x9580;
	s5 =	sadd.s32 s3, s5;
	s31 =	spop (v2sf)  }
0x2df: {  	[tilespmem:s7], [sflag:$0x1] =	stream.linear.gather [hbm4b:s5+s1], $0x80, $0x38;
	[tilespmem:$0x10400] =	vst v63  }
0x2e0: {  	s29 =	sand.u32 $0x1FFFFFF0, s9;
	s9 =	sand.u32 $0x1FFFFFF0, s31;
	s10 =	spop (v2sf)  }
0x2e1: {  	(v2sf) =	vpush v63, $0x4;
	s5 =	sadd.s32 s4, s29;
	s13 =	sadd.s32 s3, s9;
	s16 =	spop (v2sf)  }
0x2e2: {  	(v2sf) =	vpush v62, $0x5;
	[tilespmem:s25], [sflag:$0x2] =	stream.linear.gather [hbm4b:s5+s1], $0x80, $0x38;
	[tilespmem:$0x10400] =	vst v63  }
0x2e3: {  	s14 =	sand.u32 $0x1FFFFFF0, s10;
	s5 =	simm.s32 $0x1480;
	s19 =	spop (v2sf)  }
0x2e4: {  	(v2sf) =	vpush v63, $0x5;
	[tilespmem:s5], [sflag:$0x1] =	stream.linear.gather [hbm4b:s13+s1], $0x80, $0x38;
	[tilespmem:$0x10400] =	vst v63  }
0x2e5: {  	(v2sf) =	vpush v62, $0x6;
	s9 =	sadd.s32 s4, s14;
	s20 =	spop (v2sf);
	s5 =	sand.u32 $0x1FFFFFF0, s16  }
0x2e6: {  	[tilespmem:s15], [sflag:$0x2] =	stream.linear.gather [hbm4b:s9+s1], $0x80, $0x38;
	[tilespmem:$0x10400] =	vst v63  }
0x2e7: {  	(v2sf) =	vpush v63, $0x6;
	s25 =	spop (v2sf);
	s5 =	sadd.s32 s3, s5;
	s9 =	sand.u32 $0x1FFFFFF0, s19  }
0x2e8: {  	(v2sf) =	vpush v62, $0x7;
	[tilespmem:s18], [sflag:$0x1] =	stream.linear.gather [hbm4b:s5+s1], $0x80, $0x38;
	[tilespmem:$0x10400] =	vst v63  }
0x2e9: {  	s7 =	simm.s32 $0x1600;
	s23 =	sand.u32 $0x1FFFFFF0, s20;
	s22 =	sadd.s32 s4, s9  }
0x2ea: {  	(v2sf) =	vpush v63, $0x7;
	[tilespmem:s21], [sflag:$0x2] =	stream.linear.gather [hbm4b:s22+s1], $0x80, $0x38;
	[tilespmem:$0x10400] =	vst v63  }
0x2eb: {  	s13 =	simm.s32 $0x9600;
	s9 =	sadd.s32 s3, s23;
	s23 =	simm.s32 $0x9700  }
0x2ec: {  	[tilespmem:s24], [sflag:$0x1] =	stream.linear.gather [hbm4b:s9+s1], $0x80, $0x38;
	[tilespmem:$0x10400] =	vst v63  }
0x2ed: {  	s5 =	sand.u32 $0x1FFFFFF0, s25;
	s18 =	simm.s32 $0x9680;
	s29 =	spop (v2sf)  }
0x2ee: {  	s5 =	sadd.s32 s4, s5;
	s21 =	simm.s32 $0x1700;
	s9 =	sand.u32 $0x1FFFFFF0, s29  }
0x2ef: {  	[tilespmem:s26], [sflag:$0x2] =	stream.linear.gather [hbm4b:s5+s1], $0x80, $0x38;
	[tilespmem:$0x10400] =	vst v63  }
0x2f0: {  	(v2sf) =	vpush v62, $0x8;
	s31 =	spop (v2sf);
	s5 =	simm.s32 $0x9900;
	s9 =	sadd.s32 s3, s9  }
0x2f1: {  	s10 =	sand.u32 $0x1FFFFFF0, s31;
	s14 =	spop (v2sf);
	s26 =	simm.s32 $0x1780  }
0x2f2: {  	(v2sf) =	vpush v63, $0x8;
	[tilespmem:s7], [sflag:$0x1] =	stream.linear.gather [hbm4b:s9+s1], $0x80, $0x38;
	[tilespmem:$0x10400] =	vst v63  }
0x2f3: {  	s15 =	spop (v2sf);
	s9 =	sadd.s32 s4, s10;
	s7 =	sand.u32 $0x1FFFFFF0, s14  }
0x2f4: {  	(v2sf) =	vpush v62, $0x9;
	s16 =	spop (v2sf);
	s10 =	simm.s32 $0x9780;
	s14 =	simm.s32 $0x1800  }
0x2f5: {  	[tilespmem:s13], [sflag:$0x2] =	stream.linear.gather [hbm4b:s9+s1], $0x80, $0x38;
	[tilespmem:$0x10400] =	vst v63  }
0x2f6: {  	(v2sf) =	vpush v63, $0x9;
	s7 =	sadd.s32 s3, s7;
	s22 =	spop (v2sf);
	s9 =	sand.u32 $0x1FFFFFF0, s15  }
0x2f7: {  	s20 =	sand.u32 $0x1FFFFFF0, s16;
	s19 =	sadd.s32 s4, s9;
	s24 =	spop (v2sf)  }
0x2f8: {  	(v2sf) =	vpush v62, $0xA;
	[tilespmem:s6], [sflag:$0x1] =	stream.linear.gather [hbm4b:s7+s1], $0x80, $0x38;
	[tilespmem:$0x10400] =	vst v63  }
0x2f9: {  	s9 =	sadd.s32 s3, s20;
	s7 =	sand.u32 $0x1FFFFFF0, s22;
	s25 =	spop (v2sf)  }
0x2fa: {  	(v2sf) =	vpush v63, $0xA;
	[tilespmem:s18], [sflag:$0x2] =	stream.linear.gather [hbm4b:s19+s1], $0x80, $0x38;
	[tilespmem:$0x10400] =	vst v63  }
0x2fb: {  	s6 =	simm.s32 $0x9980;
	s22 =	simm.s32 $0x9880;
	s7 =	sadd.s32 s4, s7  }
0x2fc: {  	[tilespmem:s21], [sflag:$0x1] =	stream.linear.gather [hbm4b:s9+s1], $0x80, $0x38;
	[tilespmem:$0x10400] =	vst v63  }
0x2fd: {  	s31 =	sand.u32 $0x1FFFFFF0, s25;
	s25 =	simm.s32 $0x1900;
	s9 =	sand.u32 $0x1FFFFFF0, s24  }
0x2fe: {  	(v2sf) =	vpush v62, $0xB;
	[tilespmem:s23], [sflag:$0x2] =	stream.linear.gather [hbm4b:s7+s1], $0x80, $0x38;
	[tilespmem:$0x10400] =	vst v63  }
0x2ff: {  	s18 =	simm.s32 $0x9800;
	s29 =	sadd.s32 s3, s9;
	s13 =	spop (v2sf)  }
0x300: {  	(v2sf) =	vpush v63, $0xB;
	[tilespmem:s26], [sflag:$0x1] =	stream.linear.gather [hbm4b:s29+s1], $0x80, $0x38;
	[tilespmem:$0x10400] =	vst v63  }
0x301: {  	s9 =	sadd.s32 s4, s31;
	(v2sf) =	vpush v62, $0xC;
	s7 =	sand.u32 $0x1FFFFFF0, s13;
	s15 =	spop (v2sf)  }
0x302: {  	[tilespmem:s10], [sflag:$0x2] =	stream.linear.gather [hbm4b:s9+s1], $0x80, $0x38;
	[tilespmem:$0x10400] =	vst v63  }
0x303: {  	s7 =	sadd.s32 s3, s7;
	(v2sf) =	vpush v63, $0xC;
	s9 =	sand.u32 $0x1FFFFFF0, s15;
	s16 =	spop (v2sf)  }
0x304: {  	(v2sf) =	vpush v62, $0xD;
	[tilespmem:s14], [sflag:$0x1] =	stream.linear.gather [hbm4b:s7+s1], $0x80, $0x38;
	[tilespmem:$0x10400] =	vst v63  }
0x305: {  	s19 =	sadd.s32 s4, s9;
	s20 =	sand.u32 $0x1FFFFFF0, s16;
	s21 =	spop (v2sf)  }
0x306: {  	[tilespmem:s18], [sflag:$0x2] =	stream.linear.gather [hbm4b:s19+s1], $0x80, $0x38;
	[tilespmem:$0x10400] =	vst v63  }
0x307: {  	s9 =	sadd.s32 s3, s20;
	s7 =	sand.u32 $0x1FFFFFF0, s21;
	s23 =	spop (v2sf)  }
0x308: {  	(v2sf) =	vpush v63, $0xD;
	[tilespmem:s0], [sflag:$0x1] =	stream.linear.gather [hbm4b:s9+s1], $0x80, $0x38;
	[tilespmem:$0x10400] =	vst v63  }
0x309: {  	s7 =	sadd.s32 s4, s7;
	s24 =	spop (v2sf);
	s9 =	sand.u32 $0x1FFFFFF0, s23  }
0x30a: {  	(v2sf) =	vpush v62, $0xE;
	[tilespmem:s22], [sflag:$0x2] =	stream.linear.gather [hbm4b:s7+s1], $0x80, $0x38;
	[tilespmem:$0x10400] =	vst v63  }
0x30b: {  	s31 =	simm.s32 $0x1A00;
	s29 =	sand.u32 $0x1FFFFFF0, s24;
	s26 =	sadd.s32 s3, s9  }
0x30c: {  	[tilespmem:s25], [sflag:$0x1] =	stream.linear.gather [hbm4b:s26+s1], $0x80, $0x38;
	[tilespmem:$0x10400] =	vst v63  }
0x30d: {  	s14 =	simm.s32 $0x1980;
	s13 =	spop (v2sf);
	s9 =	sadd.s32 s4, s29  }
0x30e: {  	[tilespmem:s5], [sflag:$0x2] =	stream.linear.gather [hbm4b:s9+s1], $0x80, $0x38;
	[tilespmem:$0x10400] =	vst v63  }
0x30f: {  	s24 =	simm.s32 $0x1A80;
	s7 =	sand.u32 $0x1FFFFFF0, s13;
	s15 =	spop (v2sf)  }
0x310: {  	s7 =	sadd.s32 s3, s7;
	s9 =	sand.u32 $0x1FFFFFF0, s15;
	s16 =	spop (v2sf)  }
0x311: {  	[tilespmem:s14], [sflag:$0x1] =	stream.linear.gather [hbm4b:s7+s1], $0x80, $0x38;
	[tilespmem:$0x10400] =	vst v63  }
0x312: {  	s18 =	sadd.s32 s4, s9;
	s19 =	sand.u32 $0x1FFFFFF0, s16;
	s20 =	spop (v2sf)  }
0x313: {  	s9 =	simm.s32 $0x330;
	s22 =	sand.u32 $0x1FFFFFF0, s20;
	s23 =	spop (v2sf)  }
0x314: {  	[tilespmem:s6], [sflag:$0x2] =	stream.linear.gather [hbm4b:s18+s1], $0x80, $0x38;
	[tilespmem:$0x10400] =	vst v63  }
0x315: {  	s21 =	sadd.s32 s3, s19;
	s25 =	sadd.s32 s4, s22;
	s26 =	sand.u32 $0x1FFFFFF0, s23  }
0x316: {  	[tilespmem:s31], [sflag:$0x1] =	stream.linear.gather [hbm4b:s21+s1], $0x80, $0x38;
	[tilespmem:$0x10400] =	vst v63  }
0x317: {  	s18 =	simm.s32 $0x130;
	s29 =	sadd.s32 s3, s26;
	s31 =	spop (v2sf)  }
0x318: {  	(v2sf) =	vpush v63, $0xE;
	[tilespmem:s2], [sflag:$0x2] =	stream.linear.gather [hbm4b:s25+s1], $0x80, $0x38;
	[tilespmem:$0x10400] =	vst v63  }
0x319: {  	(v2sf) =	vpush v62, $0xF;
	s21 =	simm.s32 $0x1B00;
	s0 =	sand.u32 $0x1FFFFFF0, s31;
	s2 =	spop (v2sf)  }
0x31a: {  	(v2sf) =	vpush v63, $0xF;
	[tilespmem:s24], [sflag:$0x1] =	stream.linear.gather [hbm4b:s29+s1], $0x80, $0x38;
	[tilespmem:$0x10400] =	vst v63  }
.LBB2_4:
0x31b: {  	_ =	sdelay $0x7  }
0x31c: {  	s0 =	sadd.s32 s4, s0;
	s2 =	sand.u32 $0x1FFFFFF0, s2  }
0x31d: {  	[tilespmem:s28], [sflag:$0x2] =	stream.linear.gather [hbm4b:s0+s1], $0x80, $0x38;
	[tilespmem:$0x10400] =	vst v63  }
0x31e: {  	s26 =	sadd.s32 s3, s2  }
0x31f: {  	[tilespmem:s21], [sflag:$0x1] =	stream.linear.gather [hbm4b:s26+s1], $0x80, $0x38;
	[tilespmem:$0x10400] =	vst v63  }
0x320: {  	s5 =	spop (v2sf)  }
0x321: {  	s29 =	sand.u32 $0x1FFFFFF0, s5;
	s31 =	spop (v2sf)  }
0x322: {  	s2 =	sadd.s32 s4, s29;
	s5 =	sand.u32 $0x1FFFFFF0, s31;
	s6 =	spop (v2sf)  }
0x323: {  	[tilespmem:s30], [sflag:$0x2] =	stream.linear.gather [hbm4b:s2+s1], $0x80, $0x38;
	[tilespmem:$0x10400] =	vst v63  }
0x324: {  	s7 =	sadd.s32 $0x1B80, s17;
	s2 =	sadd.s32 s3, s5;
	s5 =	sand.u32 $0x1FFFFFF0, s6  }
0x325: {  	[tilespmem:s7], [sflag:$0x1] =	stream.linear.gather [hbm4b:s2+s1], $0x80, $0x38;
	[tilespmem:$0x10400] =	vst v63  }
0x326: {  	s10 =	sadd.s32 $0x9B80, s17;
	s13 =	sadd.s32 s4, s5  }
0x327: {  	[tilespmem:s10], [sflag:$0x2] =	stream.linear.gather [hbm4b:s13+s1], $0x80, $0x38;
	[tilespmem:$0x10400] =	vst v63  }
0x328: {  	_ =	swait.ge [sflag:s11], $0x800  }
0x329: {  	[sflag:s11] =	ssyncset.done $0x0  }
0x32a: {  	[sflag:s11] =	ssyncadd.s32 $0xFFFFF800  }
0x32b: {  	_ =	swait.ge [sflag:s12], $0x800  }
0x32c: {  	[sflag:s12] =	ssyncset.done $0x0  }
0x32d: {  	[sflag:s12] =	ssyncadd.s32 $0xFFFFF800  }
0x32e: {  	v0 =	vld [tilespmem:s18+$0x0]  }
0x32f: {  	v2 =	vld [tilespmem:s9+$0x0];
	_ =	sdelay $0x3  }
0x330: {  	v1 =	vshll.u32 v0, $0x4  }
0x331: {  	s14 =	smov.u32 s8;
	v63 =	vshll.u32 v2, $0x4;
	(v2sf) =	vpush v1, $0x0  }
0x332: {  	p0 =	sne.s32 s8, $0x1A000;
	s17 =	sshra.s32 s14, $0x2;
	(v2sf) =	vpush v63, $0x0  }
0x333: {  	s8 =	sadd.s32 $0x2000, s8;
	s19 =	sadd.s32 $0x9400, s17;
	s0 =	sadd.s32 $0x1880, s17;
	(v2sf) =	vpush v1, $0x1  }
0x334: {  	s22 =	sadd.s32 $0x1400, s17;
	s16 =	sadd.s32 $0x1600, s17;
	s15 =	sadd.s32 $0x9900, s17  }
0x335: {  	s20 =	sadd.s32 $0x9A00, s17;
	s14 =	sadd.s32 $0x1700, s17;
	s23 =	sadd.s32 $0x9980, s17;
	(v2sf) =	vpush v63, $0x1  }
0x336: {  	s28 =	sadd.s32 $0x9A80, s17;
	s24 =	sadd.s32 $0x9880, s17;
	s25 =	sadd.s32 $0x1900, s17  }
0x337: {  	s21 =	sadd.s32 $0x1A80, s17;
	s26 =	sadd.s32 $0x9800, s17;
	[dreg:$0xd] =	wrdreg s0;
	(v2sf) =	vpush v1, $0x2  }
0x338: {  	s31 =	sadd.s32 $0x1800, s17;
	s29 =	sadd.s32 $0x1A00, s17;
	[dreg:$0x9] =	wrdreg s15  }
0x339: {  	s6 =	sadd.s32 $0x1780, s17;
	s30 =	sadd.s32 $0x9B00, s17;
	[dreg:$0x7] =	wrdreg s20;
	(v2sf) =	vpush v63, $0x2  }
0x33a: {  	s5 =	sadd.s32 $0x9780, s17;
	s7 =	sadd.s32 $0x1580, s17;
	[dreg:$0x5] =	wrdreg s21  }
0x33b: {  	s2 =	sadd.s32 $0x9700, s17;
	s13 =	sadd.s32 $0x9580, s17;
	[dreg:$0xb] =	wrdreg s23;
	(v2sf) =	vpush v1, $0x3  }
0x33c: {  	s10 =	sadd.s32 $0x1500, s17;
	s11 =	sadd.s32 $0x1680, s17;
	[dreg:$0x13] =	wrdreg s24  }
0x33d: {  	s20 =	sadd.s32 $0x9480, s17;
	s0 =	sadd.s32 $0x9500, s17;
	[dreg:$0x11] =	wrdreg s25;
	(v2sf) =	vpush v63, $0x3  }
0x33e: {  	s15 =	sadd.s32 $0x9680, s17;
	[dreg:$0x15] =	wrdreg s26;
	s23 =	sadd.s32 $0x1480, s17  }
0x33f: {  	[dreg:$0xf] =	wrdreg s29;
	s21 =	sadd.s32 $0x1B00, s17;
	s12 =	sadd.s32 $0x9600, s17;
	(v2sf) =	vpush v1, $0x4  }
0x340: {  	s18 =	sadd.s32 $0x10, s18;
	s9 =	sadd.s32 $0x10, s9;
	s29 =	spop (v2sf)  }
0x341: {  	s24 =	sand.u32 $0x1FFFFFF0, s29;
	s29 =	sadd.s32 $0x1980, s17;
	s25 =	spop (v2sf);
	(v2sf) =	vpush v63, $0x4  }
0x342: {  	s24 =	sadd.s32 s3, s24;
	s25 =	sand.u32 $0x1FFFFFF0, s25;
	s26 =	spop (v2sf)  }
0x343: {  	(v2sf) =	vpush v1, $0x5;
	[tilespmem:s22], [sflag:$0x1] =	stream.linear.gather [hbm4b:s24+s1], $0x80, $0x38;
	[tilespmem:$0x10400] =	vst v63  }
0x344: {  	s24 =	sadd.s32 s4, s25;
	s25 =	sand.u32 $0x1FFFFFF0, s26;
	s26 =	spop (v2sf);
	(v2sf) =	vpush v63, $0x5  }
0x345: {  	[tilespmem:s19], [sflag:$0x2] =	stream.linear.gather [hbm4b:s24+s1], $0x80, $0x38;
	[tilespmem:$0x10400] =	vst v63  }
0x346: {  	s24 =	sadd.s32 s3, s25;
	s25 =	sand.u32 $0x1FFFFFF0, s26;
	s26 =	spop (v2sf);
	(v2sf) =	vpush v1, $0x6  }
0x347: {  	[tilespmem:s23], [sflag:$0x1] =	stream.linear.gather [hbm4b:s24+s1], $0x80, $0x38;
	[tilespmem:$0x10400] =	vst v63  }
0x348: {  	s23 =	sadd.s32 s4, s25;
	s25 =	sand.u32 $0x1FFFFFF0, s26;
	s26 =	spop (v2sf)  }
0x349: {  	[tilespmem:s20], [sflag:$0x2] =	stream.linear.gather [hbm4b:s23+s1], $0x80, $0x38;
	[tilespmem:$0x10400] =	vst v63  }
0x34a: {  	(v2sf) =	vpush v63, $0x6;
	s22 =	sand.u32 $0x1FFFFFF0, s26;
	s20 =	sadd.s32 s3, s25;
	s23 =	spop (v2sf)  }
0x34b: {  	[tilespmem:s10], [sflag:$0x1] =	stream.linear.gather [hbm4b:s20+s1], $0x80, $0x38;
	[tilespmem:$0x10400] =	vst v63  }
0x34c: {  	(v2sf) =	vpush v1, $0x7;
	s24 =	sadd.s32 s4, s22;
	s25 =	sand.u32 $0x1FFFFFF0, s23;
	s26 =	spop (v2sf)  }
0x34d: {  	[tilespmem:s0], [sflag:$0x2] =	stream.linear.gather [hbm4b:s24+s1], $0x80, $0x38;
	[tilespmem:$0x10400] =	vst v63  }
0x34e: {  	(v2sf) =	vpush v63, $0x7;
	s19 =	sadd.s32 s3, s25;
	s22 =	sand.u32 $0x1FFFFFF0, s26;
	s23 =	spop (v2sf)  }
0x34f: {  	[tilespmem:s7], [sflag:$0x1] =	stream.linear.gather [hbm4b:s19+s1], $0x80, $0x38;
	[tilespmem:$0x10400] =	vst v63  }
0x350: {  	(v2sf) =	vpush v1, $0x8;
	s10 =	rddreg [dreg:$0xd];
	s24 =	sadd.s32 s4, s22;
	s26 =	spop (v2sf)  }
0x351: {  	[tilespmem:s13], [sflag:$0x2] =	stream.linear.gather [hbm4b:s24+s1], $0x80, $0x38;
	[tilespmem:$0x10400] =	vst v63  }
0x352: {  	s25 =	sand.u32 $0x1FFFFFF0, s23;
	(v2sf) =	vpush v63, $0x8;
	s13 =	sand.u32 $0x1FFFFFF0, s26;
	s19 =	spop (v2sf)  }
0x353: {  	s7 =	sadd.s32 s3, s25;
	(v2sf) =	vpush v1, $0x9;
	s20 =	sadd.s32 s4, s13;
	s23 =	spop (v2sf)  }
0x354: {  	[tilespmem:s16], [sflag:$0x1] =	stream.linear.gather [hbm4b:s7+s1], $0x80, $0x38;
	[tilespmem:$0x10400] =	vst v63  }
0x355: {  	s22 =	sand.u32 $0x1FFFFFF0, s19;
	s25 =	sand.u32 $0x1FFFFFF0, s23;
	s26 =	spop (v2sf)  }
0x356: {  	(v2sf) =	vpush v63, $0x9;
	[tilespmem:s12], [sflag:$0x2] =	stream.linear.gather [hbm4b:s20+s1], $0x80, $0x38;
	[tilespmem:$0x10400] =	vst v63  }
0x357: {  	s24 =	sadd.s32 s3, s22;
	s13 =	sadd.s32 s4, s25;
	s16 =	sand.u32 $0x1FFFFFF0, s26  }
0x358: {  	(v2sf) =	vpush v1, $0xA;
	[tilespmem:s11], [sflag:$0x1] =	stream.linear.gather [hbm4b:s24+s1], $0x80, $0x38;
	[tilespmem:$0x10400] =	vst v63  }
0x359: {  	s12 =	simm.s32 $0x2;
	s19 =	spop (v2sf);
	s20 =	sadd.s32 s3, s16  }
0x35a: {  	(v2sf) =	vpush v63, $0xA;
	[tilespmem:s15], [sflag:$0x2] =	stream.linear.gather [hbm4b:s13+s1], $0x80, $0x38;
	[tilespmem:$0x10400] =	vst v63  }
0x35b: {  	s11 =	simm.s32 $0x1;
	s22 =	sand.u32 $0x1FFFFFF0, s19;
	s23 =	spop (v2sf)  }
0x35c: {  	[tilespmem:s14], [sflag:$0x1] =	stream.linear.gather [hbm4b:s20+s1], $0x80, $0x38;
	[tilespmem:$0x10400] =	vst v63  }
0x35d: {  	s24 =	sadd.s32 s4, s22;
	s25 =	sand.u32 $0x1FFFFFF0, s23;
	s26 =	spop (v2sf)  }
0x35e: {  	(v2sf) =	vpush v1, $0xB;
	[tilespmem:s2], [sflag:$0x2] =	stream.linear.gather [hbm4b:s24+s1], $0x80, $0x38;
	[tilespmem:$0x10400] =	vst v63  }
0x35f: {  	s7 =	sadd.s32 s3, s25;
	s13 =	sand.u32 $0x1FFFFFF0, s26;
	s14 =	spop (v2sf)  }
0x360: {  	(v2sf) =	vpush v63, $0xB;
	[tilespmem:s6], [sflag:$0x1] =	stream.linear.gather [hbm4b:s7+s1], $0x80, $0x38;
	[tilespmem:$0x10400] =	vst v63  }
0x361: {  	s15 =	sadd.s32 s4, s13;
	s16 =	sand.u32 $0x1FFFFFF0, s14;
	s19 =	spop (v2sf)  }
0x362: {  	(v2sf) =	vpush v1, $0xC;
	s20 =	sadd.s32 s3, s16;
	s22 =	sand.u32 $0x1FFFFFF0, s19;
	s23 =	spop (v2sf)  }
0x363: {  	[tilespmem:s5], [sflag:$0x2] =	stream.linear.gather [hbm4b:s15+s1], $0x80, $0x38;
	[tilespmem:$0x10400] =	vst v63  }
0x364: {  	s16 =	rddreg [dreg:$0x13];
	s24 =	sadd.s32 s4, s22;
	s25 =	sand.u32 $0x1FFFFFF0, s23  }
0x365: {  	s26 =	spop (v2sf);
	s23 =	rddreg [dreg:$0x11];
	s2 =	sadd.s32 s3, s25  }
0x366: {  	(v2sf) =	vpush v63, $0xC;
	[tilespmem:s31], [sflag:$0x1] =	stream.linear.gather [hbm4b:s20+s1], $0x80, $0x38;
	[tilespmem:$0x10400] =	vst v63  }
0x367: {  	s5 =	sand.u32 $0x1FFFFFF0, s26;
	s31 =	rddreg [dreg:$0x15];
	s7 =	spop (v2sf)  }
0x368: {  	(v2sf) =	vpush v1, $0xD;
	[tilespmem:s31], [sflag:$0x2] =	stream.linear.gather [hbm4b:s24+s1], $0x80, $0x38;
	[tilespmem:$0x10400] =	vst v63  }
0x369: {  	(v2sf) =	vpush v63, $0xD;
	s13 =	sadd.s32 s4, s5;
	s14 =	sand.u32 $0x1FFFFFF0, s7;
	s15 =	spop (v2sf)  }
0x36a: {  	[tilespmem:s10], [sflag:$0x1] =	stream.linear.gather [hbm4b:s2+s1], $0x80, $0x38;
	[tilespmem:$0x10400] =	vst v63  }
0x36b: {  	(v2sf) =	vpush v1, $0xE;
	s19 =	sadd.s32 s3, s14;
	s31 =	rddreg [dreg:$0x9];
	s20 =	sand.u32 $0x1FFFFFF0, s15  }
0x36c: {  	[tilespmem:s16], [sflag:$0x2] =	stream.linear.gather [hbm4b:s13+s1], $0x80, $0x38;
	[tilespmem:$0x10400] =	vst v63  }
0x36d: {  	s15 =	rddreg [dreg:$0xb];
	s22 =	spop (v2sf);
	s24 =	sadd.s32 s4, s20  }
0x36e: {  	[tilespmem:s23], [sflag:$0x1] =	stream.linear.gather [hbm4b:s19+s1], $0x80, $0x38;
	[tilespmem:$0x10400] =	vst v63  }
0x36f: {  	s25 =	sand.u32 $0x1FFFFFF0, s22;
	s26 =	spop (v2sf);
	s22 =	rddreg [dreg:$0xf]  }
0x370: {  	[tilespmem:s31], [sflag:$0x2] =	stream.linear.gather [hbm4b:s24+s1], $0x80, $0x38;
	[tilespmem:$0x10400] =	vst v63  }
0x371: {  	s2 =	sadd.s32 s3, s25;
	s6 =	sand.u32 $0x1FFFFFF0, s26;
	s7 =	spop (v2sf)  }
0x372: {  	[tilespmem:s29], [sflag:$0x1] =	stream.linear.gather [hbm4b:s2+s1], $0x80, $0x38;
	[tilespmem:$0x10400] =	vst v63  }
0x373: {  	s26 =	rddreg [dreg:$0x7];
	s10 =	sadd.s32 s4, s6;
	s13 =	sand.u32 $0x1FFFFFF0, s7  }
0x374: {  	[tilespmem:s15], [sflag:$0x2] =	stream.linear.gather [hbm4b:s10+s1], $0x80, $0x38;
	[tilespmem:$0x10400] =	vst v63  }
0x375: {  	s16 =	sadd.s32 s3, s13;
	s31 =	rddreg [dreg:$0x5];
	s14 =	spop (v2sf)  }
0x376: {  	[tilespmem:s22], [sflag:$0x1] =	stream.linear.gather [hbm4b:s16+s1], $0x80, $0x38;
	[tilespmem:$0x10400] =	vst v63  }
.Ltmp1:
0x377: {  	s19 =	sand.u32 $0x1FFFFFF0, s14;
	s20 =	spop (v2sf);
	(pc) =	sbr.rel @p0 .LBB2_4-.Ltmp1, $4  }
0x378: {  	s23 =	sadd.s32 s4, s19;
	s24 =	sand.u32 $0x1FFFFFF0, s20;
	s25 =	spop (v2sf)  }
0x379: {  	(v2sf) =	vpush v63, $0xE;
	[tilespmem:s26], [sflag:$0x2] =	stream.linear.gather [hbm4b:s23+s1], $0x80, $0x38;
	[tilespmem:$0x10400] =	vst v63  }
0x37a: {  	(v2sf) =	vpush v1, $0xF;
	s29 =	sadd.s32 s3, s24;
	s0 =	sand.u32 $0x1FFFFFF0, s25;
	s2 =	spop (v2sf)  }
0x37b: {  	(v2sf) =	vpush v63, $0xF;
	[tilespmem:s31], [sflag:$0x1] =	stream.linear.gather [hbm4b:s29+s1], $0x80, $0x38;
	[tilespmem:$0x10400] =	vst v63  }
0x37c: {  	_ =	sdelay $0x7  }
0x37d: {  	s0 =	sadd.s32 s4, s0;
	s2 =	sand.u32 $0x1FFFFFF0, s2  }
0x37e: {  	[tilespmem:s28], [sflag:$0x2] =	stream.linear.gather [hbm4b:s0+s1], $0x80, $0x38;
	[tilespmem:$0x10400] =	vst v63  }
0x37f: {  	s18 =	sadd.s32 s3, s2  }
0x380: {  	[tilespmem:s21], [sflag:$0x1] =	stream.linear.gather [hbm4b:s18+s1], $0x80, $0x38;
	[tilespmem:$0x10400] =	vst v63  }
0x381: {  	s5 =	spop (v2sf)  }
0x382: {  	s19 =	sand.u32 $0x1FFFFFF0, s5;
	s20 =	spop (v2sf)  }
0x383: {  	s21 =	sadd.s32 s4, s19;
	s22 =	sand.u32 $0x1FFFFFF0, s20;
	s23 =	spop (v2sf)  }
0x384: {  	[tilespmem:s30], [sflag:$0x2] =	stream.linear.gather [hbm4b:s21+s1], $0x80, $0x38;
	[tilespmem:$0x10400] =	vst v63  }
0x385: {  	s24 =	sadd.s32 $0x1B80, s17;
	s2 =	sadd.s32 s3, s22;
	s5 =	sand.u32 $0x1FFFFFF0, s23  }
0x386: {  	[tilespmem:s24], [sflag:$0x1] =	stream.linear.gather [hbm4b:s2+s1], $0x80, $0x38;
	[tilespmem:$0x10400] =	vst v63  }
0x387: {  	s25 =	sadd.s32 $0x9B80, s17;
	s26 =	sadd.s32 s4, s5  }
0x388: {  	[tilespmem:s25], [sflag:$0x2] =	stream.linear.gather [hbm4b:s26+s1], $0x80, $0x38;
	[tilespmem:$0x10400] =	vst v63  }
0x389: {  	_ =	swait.ge [sflag:s11], $0x800  }
0x38a: {  	[sflag:s11] =	ssyncset.done $0x0  }
0x38b: {  	[sflag:s11] =	ssyncadd.s32 $0xFFFFF800  }
0x38c: {  	_ =	swait.ge [sflag:s12], $0x800  }
0x38d: {  	[sflag:s12] =	ssyncset.done $0x0  }
0x38e: {  	[sflag:s12] =	ssyncadd.s32 $0xFFFFF800  }
0x38f: {  	_ =	swait.ge [sflag:s11], $0x800  }
0x390: {  	[sflag:s11] =	ssyncset.done $0x0  }
0x391: {  	[sflag:s11] =	ssyncadd.s32 $0xFFFFF800  }
0x392: {  	_ =	swait.ge [sflag:s12], $0x800  }
0x393: {  	[sflag:s12] =	ssyncset.done $0x0  }
0x394: {  	[sflag:s12] =	ssyncadd.s32 $0xFFFFF800  }
0x395: {  	_ =	swait.ge [sflag:s11], $0x800  }
0x396: {  	[sflag:s11] =	ssyncset.done $0x0  }
0x397: {  	[sflag:s11] =	ssyncadd.s32 $0xFFFFF800  }
0x398: {  	_ =	swait.ge [sflag:s12], $0x800  }
0x399: {  	s6 =	simm.s32 $0x400;
	[sflag:s12] =	ssyncset.done $0x0  }
0x39a: {  	s2 =	simm.s32 $0x3;
	s28 =	rddreg [dreg:$0x1a];
	[sflag:s12] =	ssyncadd.s32 $0xFFFFF800  }
0x39b: {  	[hbm4b:s28+s1] =	stream.linear.scatter [tilespmem:s6], [sflag:$0x3], $0x8000, $0x38;
	[tilespmem:$0x10400] =	vst v63  }
0x39c: {  	_ =	swait.ge [sflag:s2], $0x8000  }
0x39d: {  	[sflag:s2] =	ssyncset.done $0x0  }
0x39e: {  	s7 =	simm.s32 $0x8400;
	s29 =	rddreg [dreg:$0x1b];
	[sflag:s2] =	ssyncadd.s32 $0xFFFF8000  }
0x39f: {  	[hbm4b:s29+s1] =	stream.linear.scatter [tilespmem:s7], [sflag:$0x3], $0x8000, $0x38;
	[tilespmem:$0x10400] =	vst v63  }
0x3a0: {  	_ =	swait.ge [sflag:s2], $0x8000  }
0x3a1: {  	s30 =	rddreg [dreg:$0x1d]  }
0x3a2: {  	s31 =	rddreg [dreg:$0x1c];
	s5 =	sadd.s32 $0x1, s30  }
0x3a3: {  	p0 =	sne.s32 s5, s31  }
.Ltmp2:
0x3a4: {  	_ = 	snop;
	(pc) =	sbr.rel @p0 .LBB2_1-.Ltmp2, $3  }
0x3a5: {  	_ =	sdelay $0x1  }
0x3a6: {  	[sflag:s2] =	ssyncset.done $0x0  }
0x3a7: {  	[sflag:s2] =	ssyncadd.s32 $0xFFFF8000  }
0x3a8: {  	_ =	sfence.sel $0x180000  }
0x3a9: {  	[bflag:$0x0] =	sbarrier.arrive $0xFFFF  }
0x3aa: {  	_ =	strace $0x90000047  }
0x3ab: {  	s0 =	stileid.u32;
	[bflag:$0x2] =	sbarrier.arrive $0xFFFF  }
0x3ac: {  	p0 =	sne.s32 s0, $0x0;
	s0 =	rddreg [dreg:$0x3]  }
0x3ad: {  	s0 =	sadd.s32 @!p0 $0x100000, s0  }
0x3ae: {  	[sflag:s0] =	ssyncadd.tile.s32 @!p0 $0x1;
	_ =	shalt  }
.Lfunc_end2:
_tile_overlayer_lowered:
.L_overlay_start_2:
0x3af: {  	(tag) =	ssettag $0x2  }
0x3b0: {  	s0 =	rddreg [dreg:$0x0];
	s2 =	stileid.u32  }
0x3b1: {  	s1 =	rddreg [dreg:$0x1];
	p0 =	sne.s32 s2, $0x0  }
0x3b2: {  	s3 =	rddreg [dreg:$0x2];
	[bflag:$0x3] =	sbarrier.arrive $0xFFFF;
	s2 =	simm.s32 @!p0 $0x1C03  }
0x3b3: {  	[timem:s3], [sflag:s2] =	dma.local @!p0 [hbm:s0], s1  }
0x3b4: {  	s0 =	simm.s32 @!p0 $0x3  }
0x3b5: {  	_ =	swait.ge @!p0 [sflag:s0], s1  }
0x3b6: {  	s1 =	ssub.s32 @!p0 $0x0, s1;
	[sflag:s0] =	ssyncset.done @!p0 $0x0  }
0x3b7: {  	[sflag:s0] =	ssyncadd.s32 @!p0 s1  }
0x3b8: {  	[bflag:$0x3] =	sbarrier.arrive $0xFFFF  }
0x3b9: {  	_ =	shalt  }

</sc_bundles>
